<compile_context>
chip_gen: v7x
topology: tpu7x:2x2x1
jax: 0.10.2.dev20260603
libtpu: 0.0.44.dev20260713+nightly
codegen_flags: <defaults>
</compile_context>

<pallas_src>
import jax
import jax.numpy as jnp
from jax import lax
from jax.experimental import pallas as pl
from jax.experimental.pallas import tpu as pltpu
from jax.experimental.pallas import tpu_sc as plsc

N = 50000
E = 800000
F_IN = 128
H = 64
G = 64
NUM_FAM = 100
CPF = 3

NC = 2
NS = 16
RB = 2048
NRB = 25
PR = RB // 4
N_PAD = NRB * RB
N_ACC = 53248
NBA = N_ACC // RB
ROWS_PER_TILE = N_ACC // NS
ZROWS = 64
E_PAD = 819200
EROWS_MAIN = E_PAD // NS // 128
BLK = 4
NBLK_MAIN = EROWS_MAIN // BLK
EROWS_DEG = E_PAD // NC // NS // 128
NBLK_DEG = EROWS_DEG // BLK



def _deg_body(dst_hbm, out_hbm, dbufA, dbufB, ones_v, zbuf, dacc,
              sem0, sem1, sem2, sem3):
    sems = (sem0, sem1, sem2, sem3)
    c = lax.axis_index("c")
    s = lax.axis_index("s")

    def fill(i, _):
        zbuf[i, 0:16] = jnp.zeros((16,), jnp.float32)
        zbuf[i, 16:32] = jnp.zeros((16,), jnp.float32)
        ones_v[i, 0:16] = jnp.full((16,), 1.0, jnp.float32)
        ones_v[i, 16:32] = jnp.full((16,), 1.0, jnp.float32)
        return 0

    lax.fori_loop(0, 128, fill, 0)

    def zero(t, _):
        pltpu.sync_copy(zbuf, dacc.at[pl.ds(s * ROWS_PER_TILE + t * 128, 128)])
        return 0

    lax.fori_loop(0, ROWS_PER_TILE // 128, zero, 0)
    plsc.subcore_barrier()

    row0 = (c * NS + s) * EROWS_DEG

    def stage(b, db):
        pltpu.sync_copy(dst_hbm.at[pl.ds(row0 + b * BLK, BLK)], db)

    def fire(j, db):
        pltpu.async_copy(ones_v, dacc.at[db.at[j]], sems[j], add=True)

    def wait(j, db):
        pltpu.make_async_copy(ones_v, dacc.at[db.at[j]], sems[j]).wait()

    stage(0, dbufA)

    def body(t, _):
        bA = 2 * t
        last = t == NBLK_DEG // 2 - 1
        stage(bA + 1, dbufB)
        for j in range(BLK):
            fire(j, dbufA)
        for j in range(BLK):
            wait(j, dbufA)

        @pl.when(jnp.logical_not(last))
        def _():
            stage(bA + 2, dbufA)

        for j in range(BLK):
            fire(j, dbufB)
        for j in range(BLK):
            wait(j, dbufB)
        return 0

    lax.fori_loop(0, NBLK_DEG // 2, body, 0)
    plsc.subcore_barrier()
    pltpu.sync_copy(dacc.at[pl.ds(s * ROWS_PER_TILE, ROWS_PER_TILE)],
                    out_hbm.at[pl.ds((c * NS + s) * ROWS_PER_TILE,
                                     ROWS_PER_TILE)])


def _scat_body(src_hbm, dst_hbm, tab_hbm, out_hbm, sbufA, dbufA, sbufB,
               dbufB, msgs, zbuf, acc, sem0, sem1, sem2, sem3,
               ssem0, ssem1, ssem2, ssem3):
    sems = (sem0, sem1, sem2, sem3)
    ssems = (ssem0, ssem1, ssem2, ssem3)
    c = lax.axis_index("c")
    s = lax.axis_index("s")
    srow0 = (c * NS + s) * EROWS_MAIN
    drow0 = s * EROWS_MAIN

    def stage(b, sb, db):
        pltpu.sync_copy(src_hbm.at[pl.ds(srow0 + b * BLK, BLK)], sb)
        pltpu.sync_copy(dst_hbm.at[pl.ds(drow0 + b * BLK, BLK)], db)

    def fire(j, sb):
        pltpu.async_copy(tab_hbm.at[sb.at[j]],
                         msgs.at[pl.ds(j * 128, 128)], sems[j])

    def wait(j, sb):
        pltpu.make_async_copy(tab_hbm.at[sb.at[j]],
                              msgs.at[pl.ds(j * 128, 128)], sems[j]).wait()

    def scat_fire(j, db):
        pltpu.async_copy(msgs.at[pl.ds(j * 128, 128)], acc.at[db.at[j]],
                         ssems[j], add=True)

    def scat_wait(j, db):
        pltpu.make_async_copy(msgs.at[pl.ds(j * 128, 128)],
                              acc.at[db.at[j]], ssems[j]).wait()

    stage(0, sbufA, dbufA)
    for j in range(BLK):
        fire(j, sbufA)

    def fill(i, _):
        zbuf[i, 0:16] = jnp.zeros((16,), jnp.float32)
        zbuf[i, 16:32] = jnp.zeros((16,), jnp.float32)
        return 0

    lax.fori_loop(0, ZROWS, fill, 0)

    def zero(t, _):
        pltpu.sync_copy(zbuf,
                        acc.at[pl.ds(s * ROWS_PER_TILE + t * ZROWS, ZROWS)])
        return 0

    lax.fori_loop(0, ROWS_PER_TILE // ZROWS, zero, 0)
    plsc.subcore_barrier()

    def outer(t, _):
        bA = 2 * t
        last = t == NBLK_MAIN // 2 - 1
        stage(bA + 1, sbufB, dbufB)
        for j in range(BLK):
            wait(j, sbufA)
            scat_fire(j, dbufA)
        for j in range(BLK):
            scat_wait(j, dbufA)
            fire(j, sbufB)

        @pl.when(jnp.logical_not(last))
        def _():
            stage(bA + 2, sbufA, dbufA)

        for j in range(BLK):
            wait(j, sbufB)
            scat_fire(j, dbufB)
        for j in range(BLK):
            scat_wait(j, dbufB)

            @pl.when(jnp.logical_not(last))
            def _(j=j):
                fire(j, sbufA)
        return 0

    lax.fori_loop(0, NBLK_MAIN // 2, outer, 0)
    plsc.subcore_barrier()
    pltpu.sync_copy(acc.at[pl.ds(s * ROWS_PER_TILE, ROWS_PER_TILE)],
                    out_hbm.at[pl.ds((c * NS + s) * ROWS_PER_TILE,
                                     ROWS_PER_TILE)])


_SC_CACHE = []


def _sc_calls():
    if _SC_CACHE:
        return _SC_CACHE[0]
    mesh = plsc.VectorSubcoreMesh(core_axis_name="c", subcore_axis_name="s",
                                  num_cores=NC, num_subcores=NS)
    params = pltpu.CompilerParams(use_tc_tiling_on_sc=False)
    deg = pl.kernel(
        _deg_body,
        out_type=jax.ShapeDtypeStruct((NC * N_ACC, 32), jnp.float32),
        mesh=mesh,
        compiler_params=params,
        scratch_types=[
            pltpu.VMEM((BLK, 128), jnp.int32),
            pltpu.VMEM((BLK, 128), jnp.int32),
            pltpu.VMEM((128, 32), jnp.float32),
            pltpu.VMEM((128, 32), jnp.float32),
            pltpu.VMEM_SHARED((N_ACC, 32), jnp.float32),
            pltpu.SemaphoreType.DMA,
            pltpu.SemaphoreType.DMA,
            pltpu.SemaphoreType.DMA,
            pltpu.SemaphoreType.DMA,
        ],
    )
    scat = pl.kernel(
        _scat_body,
        out_type=jax.ShapeDtypeStruct((NC * N_ACC, 32), jnp.float32),
        mesh=mesh,
        compiler_params=params,
        scratch_types=[
            pltpu.VMEM((BLK, 128), jnp.int32),
            pltpu.VMEM((BLK, 128), jnp.int32),
            pltpu.VMEM((BLK, 128), jnp.int32),
            pltpu.VMEM((BLK, 128), jnp.int32),
            pltpu.VMEM((BLK * 128, 32), jnp.float32),
            pltpu.VMEM((ZROWS, 32), jnp.float32),
            pltpu.VMEM_SHARED((N_ACC, 32), jnp.float32),
            pltpu.SemaphoreType.DMA,
            pltpu.SemaphoreType.DMA,
            pltpu.SemaphoreType.DMA,
            pltpu.SemaphoreType.DMA,
            pltpu.SemaphoreType.DMA,
            pltpu.SemaphoreType.DMA,
            pltpu.SemaphoreType.DMA,
            pltpu.SemaphoreType.DMA,
        ],
    )
    _SC_CACHE.append((deg, scat))
    return _SC_CACHE[0]


def _deg_call(dst_r):
    return _sc_calls()[0](dst_r)


def _scat_call(src2, dst_r, tab):
    return _sc_calls()[1](src2, dst_r, tab)



def _dinv_j(dlo_ref, dhi_ref, j):
    d = (dlo_ref[:, 32 * j:32 * j + 1] + dhi_ref[:, 32 * j:32 * j + 1] + 1.0)
    return lax.rsqrt(d)


def _d1_body(x_ref, w_ref, dlo_ref, dhi_ref, out_ref):
    for j in range(4):
        xj = x_ref[pl.ds(j * PR, PR), :]
        h = jnp.dot(xj, w_ref[0], preferred_element_type=jnp.float32)
        out_ref[:, 32 * j:32 * (j + 1)] = h * _dinv_j(dlo_ref, dhi_ref, j)


_d1_call = pl.pallas_call(
    _d1_body,
    grid=(2, NRB),
    in_specs=[
        pl.BlockSpec((RB, F_IN), lambda h, i: (i, 0)),
        pl.BlockSpec((1, F_IN, 32), lambda h, i: (h, 0, 0)),
        pl.BlockSpec((PR, 128), lambda h, i: (i, 0)),
        pl.BlockSpec((PR, 128), lambda h, i: (NBA + i, 0)),
    ],
    out_specs=pl.BlockSpec((PR, 128), lambda h, i: (h * NRB + i, 0)),
    out_shape=jax.ShapeDtypeStruct((2 * N_PAD // 4, 128), jnp.float32),
)


def _zpart_j(alo, ahi, hlo, hhi, dinv, b_ref, j):
    lo = (alo[:, 32 * j:32 * (j + 1)] + hlo[:, 32 * j:32 * (j + 1)])
    hi = (ahi[:, 32 * j:32 * (j + 1)] + hhi[:, 32 * j:32 * (j + 1)])
    return jnp.concatenate([lo, hi], axis=1) * dinv + b_ref[...]


def _stat_mask(k, j):
    p = lax.broadcasted_iota(jnp.int32, (PR, 1), 0)
    nid = (k * PR + p) * 4 + j
    return nid < N


def _phase1(k, acc_lo, acc_hi, hp_lo, hp_hi, dlo, dhi, b_ref, zbuf, sacc):
    alo, ahi = acc_lo[...], acc_hi[...]
    hlo, hhi = hp_lo[...], hp_hi[...]
    tot = None
    for j in range(4):
        dinv = _dinv_j(dlo, dhi, j)
        z = _zpart_j(alo, ahi, hlo, hhi, dinv, b_ref, j)
        zbuf[pl.ds(k * PR, PR), 64 * j:64 * (j + 1)] = z
        zm = jnp.where(_stat_mask(k, j), z, 0.0)
        part = jnp.concatenate([jnp.sum(zm, axis=0, keepdims=True),
                                jnp.sum(zm * zm, axis=0, keepdims=True)],
                               axis=0)
        tot = part if tot is None else tot + part

    @pl.when(k == 0)
    def _():
        sacc[...] = tot

    @pl.when(k > 0)
    def _():
        sacc[...] = sacc[...] + tot


def _bn_coefs(sacc, g_ref, be_ref):
    m = sacc[0:1, :] * (1.0 / N)
    var = sacc[1:2, :] * (1.0 / N) - m * m
    sc = g_ref[...] * lax.rsqrt(var + 1e-5)
    sh = be_ref[...] - m * sc
    return sc, sh


def _m_body(acc_lo, acc_hi, hp_lo, hp_hi, dlo, dhi, b_ref, g_ref, be_ref,
            w_ref, out_ref, zbuf, sacc):
    k = pl.program_id(0)

    @pl.when(k < NRB)
    def _():
        _phase1(k, acc_lo, acc_hi, hp_lo, hp_hi, dlo, dhi, b_ref, zbuf, sacc)

    @pl.when(k >= NRB)
    def _():
        i2 = lax.rem(k - NRB, NRB)
        sc, sh = _bn_coefs(sacc[...], g_ref, be_ref)
        for j in range(4):
            zj = zbuf[pl.ds(i2 * PR, PR), 64 * j:64 * (j + 1)]
            act = jnp.maximum(zj * sc + sh, 0.0)
            h = jnp.dot(act, w_ref[0], preferred_element_type=jnp.float32)
            out_ref[:, 32 * j:32 * (j + 1)] = h * _dinv_j(dlo, dhi, j)


def _zk(k):
    return jnp.where(k < NRB, k, lax.rem(k - NRB, NRB))


_m_call = pl.pallas_call(
    _m_body,
    grid=(3 * NRB,),
    in_specs=[
        pl.BlockSpec((PR, 128), lambda k: (jnp.where(k < NRB, k, 0), 0)),
        pl.BlockSpec((PR, 128),
                     lambda k: (NBA + jnp.where(k < NRB, k, 0), 0)),
        pl.BlockSpec((PR, 128), lambda k: (jnp.where(k < NRB, k, 0), 0)),
        pl.BlockSpec((PR, 128),
                     lambda k: (NRB + jnp.where(k < NRB, k, 0), 0)),
        pl.BlockSpec((PR, 128), lambda k: (_zk(k), 0)),
        pl.BlockSpec((PR, 128), lambda k: (NBA + _zk(k), 0)),
        pl.BlockSpec((1, H), lambda k: (0, 0)),
        pl.BlockSpec((1, H), lambda k: (0, 0)),
        pl.BlockSpec((1, H), lambda k: (0, 0)),
        pl.BlockSpec((1, H, 32),
                     lambda k: (jnp.where(k < NRB, 0, (k - NRB) // NRB),
                                0, 0)),
    ],
    out_specs=pl.BlockSpec(
        (PR, 128),
        lambda k: (jnp.where(k < NRB, 0, (k - NRB) // NRB) * NRB
                   + jnp.where(k < NRB, 0, lax.rem(k - NRB, NRB)), 0)),
    out_shape=jax.ShapeDtypeStruct((2 * N_PAD // 4, 128), jnp.float32),
    scratch_shapes=[pltpu.VMEM((N_PAD // 4, 256), jnp.float32),
                    pltpu.VMEM((2, H), jnp.float32)],
)


def _p_body(acc_lo, acc_hi, hp_lo, hp_hi, dlo, dhi, b_ref, g_ref, be_ref,
            bat_ref, gc_ref, mal_ref, t_ref, out_ref, zbuf, sacc, psum, pcnt):
    k = pl.program_id(0)

    @pl.when(k < NRB)
    def _():
        _phase1(k, acc_lo, acc_hi, hp_lo, hp_hi, dlo, dhi, b_ref, zbuf, sacc)

    @pl.when(k >= NRB)
    def _():
        i2 = k - NRB
        sc, sh = _bn_coefs(sacc[...], g_ref, be_ref)
        ps = None
        pc = None
        gids = lax.broadcasted_iota(jnp.int32, (PR, G), 1)
        for j in range(4):
            zj = zbuf[pl.ds(i2 * PR, PR), 64 * j:64 * (j + 1)]
            nz = zj * sc + sh
            bat = bat_ref[pl.ds(j * PR, PR), :]
            oneh = (bat == gids).astype(jnp.float32)
            psj = lax.dot_general(oneh, nz, (((0,), (0,)), ((), ())),
                                  preferred_element_type=jnp.float32)
            pcj = lax.dot_general(oneh, jnp.ones((PR, 8), jnp.float32),
                                  (((0,), (0,)), ((), ())),
                                  preferred_element_type=jnp.float32)
            ps = psj if ps is None else ps + psj
            pc = pcj if pc is None else pc + pcj

        @pl.when(i2 == 0)
        def _():
            psum[...] = ps
            pcnt[...] = pc

        @pl.when(i2 > 0)
        def _():
            psum[...] = psum[...] + ps
            pcnt[...] = pcnt[...] + pc

    @pl.when(k == 2 * NRB - 1)
    def _():
        emb = psum[...] / jnp.maximum(pcnt[...][:, 0:1], 1.0)
        e2 = jnp.sum(emb * emb, axis=1, keepdims=True)
        gcT = gc_ref[...]
        gd = (e2 + jnp.sum(gcT * gcT, axis=0, keepdims=True)
              - 2.0 * jnp.dot(emb, gcT, preferred_element_type=jnp.float32))
        ming = jnp.min(gd, axis=1, keepdims=True)
        mm = None
        for kk in range(CPF):
            mk = mal_ref[kk]
            mdk = (e2 + jnp.sum(mk * mk, axis=0, keepdims=True)
                   - 2.0 * jnp.dot(emb, mk,
                                   preferred_element_type=jnp.float32))
            mm = mdk if mm is None else jnp.minimum(mm, mdk)
        tv = t_ref[0, 0]
        out_ref[...] = jnp.concatenate([-ming, -mm], axis=1) / tv


_p_call = pl.pallas_call(
    _p_body,
    grid=(2 * NRB,),
    in_specs=[
        pl.BlockSpec((PR, 128), lambda k: (jnp.where(k < NRB, k, 0), 0)),
        pl.BlockSpec((PR, 128),
                     lambda k: (NBA + jnp.where(k < NRB, k, 0), 0)),
        pl.BlockSpec((PR, 128), lambda k: (jnp.where(k < NRB, k, 0), 0)),
        pl.BlockSpec((PR, 128),
                     lambda k: (NRB + jnp.where(k < NRB, k, 0), 0)),
        pl.BlockSpec((PR, 128), lambda k: (jnp.where(k < NRB, k, 0), 0)),
        pl.BlockSpec((PR, 128),
                     lambda k: (NBA + jnp.where(k < NRB, k, 0), 0)),
        pl.BlockSpec((1, H), lambda k: (0, 0)),
        pl.BlockSpec((1, H), lambda k: (0, 0)),
        pl.BlockSpec((1, H), lambda k: (0, 0)),
        pl.BlockSpec((RB, 1), lambda k: (jnp.where(k < NRB, 0, k - NRB), 0)),
        pl.BlockSpec((H, 8), lambda k: (0, 0)),
        pl.BlockSpec((CPF, H, NUM_FAM), lambda k: (0, 0, 0)),
        pl.BlockSpec((1, 1), lambda k: (0, 0)),
    ],
    out_specs=pl.BlockSpec((G, 1 + NUM_FAM), lambda k: (0, 0)),
    out_shape=jax.ShapeDtypeStruct((G, 1 + NUM_FAM), jnp.float32),
    scratch_shapes=[pltpu.VMEM((N_PAD // 4, 256), jnp.float32),
                    pltpu.VMEM((2, H), jnp.float32),
                    pltpu.VMEM((G, H), jnp.float32),
                    pltpu.VMEM((G, 8), jnp.float32)],
)



def kernel(x, edge_index, batch, W1, b1, W2, b2, W3, b3, g1, be1, g2, be2,
           g3, be3, mal_c, good_c, temp):
    f32 = jnp.float32
    src = edge_index[0]
    dst = edge_index[1]
    pad = jnp.arange(E_PAD - E, dtype=jnp.int32)
    src_p = jnp.concatenate([src, pad % N])
    dst_p = jnp.concatenate([dst, N + pad % (N_ACC - N)])
    src2 = jnp.concatenate([src_p, src_p + N_PAD]).reshape(
        2 * E_PAD // 128, 128)
    dst_r = dst_p.reshape(E_PAD // 128, 128)

    x_pad = jnp.concatenate([x, jnp.zeros((N_PAD - N, F_IN), f32)])
    x_perm = x_pad.reshape(NRB, PR, 4, F_IN).transpose(0, 2, 1, 3)
    x_perm = x_perm.reshape(N_PAD, F_IN)
    bat_pad = jnp.concatenate(
        [batch, jnp.full((N_PAD - N,), G, jnp.int32)])
    bat_perm = bat_pad.reshape(NRB, PR, 4).transpose(0, 2, 1)
    bat_perm = bat_perm.reshape(N_PAD, 1)

    w1s = W1.reshape(F_IN, 2, 32).transpose(1, 0, 2)
    w2s = W2.reshape(H, 2, 32).transpose(1, 0, 2)
    w3s = W3.reshape(H, 2, 32).transpose(1, 0, 2)

    degp = _deg_call(dst_r).reshape(NC * N_ACC // 4, 128)

    hp1 = _d1_call(x_perm, w1s, degp, degp)
    acc1 = _scat_call(src2, dst_r, hp1.reshape(2 * N_PAD, 32))
    acc1 = acc1.reshape(NC * N_ACC // 4, 128)
    hp2 = _m_call(acc1, acc1, hp1, hp1, degp, degp, b1.reshape(1, H),
                  g1.reshape(1, H), be1.reshape(1, H), w2s)
    acc2 = _scat_call(src2, dst_r, hp2.reshape(2 * N_PAD, 32))
    acc2 = acc2.reshape(NC * N_ACC // 4, 128)
    hp3 = _m_call(acc2, acc2, hp2, hp2, degp, degp, b2.reshape(1, H),
                  g2.reshape(1, H), be2.reshape(1, H), w3s)
    acc3 = _scat_call(src2, dst_r, hp3.reshape(2 * N_PAD, 32))
    acc3 = acc3.reshape(NC * N_ACC // 4, 128)

    good_pad = jnp.concatenate([good_c, jnp.full((3, H), 1e4, f32)], axis=0)
    mal3 = mal_c.reshape(NUM_FAM, CPF, H).transpose(1, 2, 0)
    logits = _p_call(acc3, acc3, hp3, hp3, degp, degp, b3.reshape(1, H),
                     g3.reshape(1, H), be3.reshape(1, H), bat_perm,
                     good_pad.T, mal3, temp.reshape(1, 1))
    return logits

# --- scband reference (transcript-rebuilt; emitter-appended) ---
"""Pipeline reference for scband-phased-gnn-48610439856172 (READ-ONLY COPY).

The authoritative reference and input builder live on the scoring server;
editing this copy changes nothing except your own understanding.
"""

import jax, jax.numpy as jnp
import numpy as np

N = 50000
E = 800000
F_IN = 128
H = 64
NUM_FAMILIES = 100
CPF = 3
GOOD_C = 5
G = 64


def setup_inputs(seed: int = 0) -> dict:
    key = jax.random.key(seed)
    ks = jax.random.split(key, 20)
    x = jax.random.normal(ks[0], (N, F_IN), dtype=jnp.float32)
    edge_index = jax.random.randint(ks[1], (2, E), 0, N, dtype=jnp.int32)
    batch = jnp.sort(jax.random.randint(ks[2], (N,), 0, G, dtype=jnp.int32))
    W1 = jax.random.normal(ks[3], (F_IN, H), dtype=jnp.float32) / np.sqrt(F_IN)
    b1 = jnp.zeros((H,), dtype=jnp.float32)
    W2 = jax.random.normal(ks[4], (H, H), dtype=jnp.float32) / np.sqrt(H)
    b2 = jnp.zeros((H,), dtype=jnp.float32)
    W3 = jax.random.normal(ks[5], (H, H), dtype=jnp.float32) / np.sqrt(H)
    b3 = jnp.zeros((H,), dtype=jnp.float32)
    g1 = jnp.ones((H,), dtype=jnp.float32); be1 = jnp.zeros((H,), dtype=jnp.float32)
    g2 = jnp.ones((H,), dtype=jnp.float32); be2 = jnp.zeros((H,), dtype=jnp.float32)
    g3 = jnp.ones((H,), dtype=jnp.float32); be3 = jnp.zeros((H,), dtype=jnp.float32)
    mal_c = jax.random.normal(ks[6], (NUM_FAMILIES * CPF, H), dtype=jnp.float32) / np.sqrt(H)
    good_c = jax.random.normal(ks[7], (GOOD_C, H), dtype=jnp.float32) / np.sqrt(H)
    temp = jnp.ones((1,), dtype=jnp.float32)
    return {"x": x, "edge_index": edge_index, "batch": batch,
            "W1": W1, "b1": b1, "W2": W2, "b2": b2, "W3": W3, "b3": b3,
            "g1": g1, "be1": be1, "g2": g2, "be2": be2, "g3": g3, "be3": be3,
            "mal_c": mal_c, "good_c": good_c, "temp": temp}


def _gcn_conv(x, edge_index, W, b, n):
    # PyG GCNConv: linear transform, add self-loops, symmetric normalization, scatter-add
    h = x @ W
    loop = jnp.arange(n, dtype=edge_index.dtype)
    src = jnp.concatenate([edge_index[0], loop])
    dst = jnp.concatenate([edge_index[1], loop])
    deg = jax.ops.segment_sum(jnp.ones_like(dst, dtype=h.dtype), dst, num_segments=n)
    dinv = jax.lax.rsqrt(jnp.maximum(deg, 1.0))
    norm = dinv[src] * dinv[dst]
    msg = h[src] * norm[:, None]
    out = jax.ops.segment_sum(msg, dst, num_segments=n) + b
    return out


def _bn(x, gamma, beta):
    # BatchNorm1d with batch statistics (training-mode stats, deterministic)
    m = jnp.mean(x, axis=0)
    v = jnp.var(x, axis=0)
    return gamma * (x - m) * jax.lax.rsqrt(v + 1e-5) + beta


def _global_mean_pool(x, batch, g):
    sums = jax.ops.segment_sum(x, batch, num_segments=g)
    cnt = jax.ops.segment_sum(jnp.ones((x.shape[0],), dtype=x.dtype), batch, num_segments=g)
    return sums / jnp.maximum(cnt, 1.0)[:, None]


def reference(x, edge_index, batch, W1, b1, W2, b2, W3, b3, g1, be1, g2, be2, g3, be3, mal_c, good_c, temp):
    n = x.shape[0]
    h = jax.nn.relu(_bn(_gcn_conv(x, edge_index, W1, b1, n), g1, be1))
    h = jax.nn.relu(_bn(_gcn_conv(h, edge_index, W2, b2, n), g2, be2))
    h = _bn(_gcn_conv(h, edge_index, W3, b3, n), g3, be3)
    emb = _global_mean_pool(h, batch, G)
    # CentroidClassifier, phase='family'
    gd = jnp.sum((emb[:, None, :] - good_c[None, :, :]) ** 2, axis=2)  # [G, GOOD_C]
    md = jnp.sum((emb[:, None, :] - mal_c[None, :, :]) ** 2, axis=2)   # [G, NF*CPF]
    md = md.reshape(emb.shape[0], NUM_FAMILIES, CPF)
    min_g = jnp.min(gd, axis=1)
    min_m = jnp.min(md, axis=2)
    goodware_logits = -min_g / temp
    malware_logits = -min_m / temp
    logits = jnp.concatenate([goodware_logits[:, None], malware_logits], axis=1)
    return logits

if __name__ == "__main__":
    import jax
    _d = setup_inputs()
    print(jax.jit(kernel)(*tuple(_d.values())))

</pallas_src>

<mosaic_0001>
#map = affine_map<(d0, d1) -> (0, 0)>
module attributes {stable_mosaic.version = 14 : i64} {
  func.func @_deg_body(%arg0: i32, %arg1: i32, %arg2: memref<6400x128xi32, #tpu.memory_space<hbm>>, %arg3: memref<106496x32xf32, #tpu.memory_space<hbm>>, %arg4: memref<4x128xi32, #tpu.memory_space<vmem>>, %arg5: memref<4x128xi32, #tpu.memory_space<vmem>>, %arg6: memref<128x32xf32, #tpu.memory_space<vmem>>, %arg7: memref<128x32xf32, #tpu.memory_space<vmem>>, %arg8: memref<53248x32xf32, #tpu.memory_space<vmem_shared>>, %arg9: memref<!tpu.dma_semaphore, #tpu.memory_space<semaphore_mem>>, %arg10: memref<!tpu.dma_semaphore, #tpu.memory_space<semaphore_mem>>, %arg11: memref<!tpu.dma_semaphore, #tpu.memory_space<semaphore_mem>>, %arg12: memref<!tpu.dma_semaphore, #tpu.memory_space<semaphore_mem>>) attributes {dimension_semantics = [#tpu.dimension_semantics<core_parallel>, #tpu.dimension_semantics<subcore_parallel>], iteration_bounds = array<i64: 2, 16>, scalar_prefetch = 0 : i64, scratch_operands = 9 : i64, tpu.core_type = #tpu.core_type<sc_vector_subcore>, window_params = [{transform_indices = #map}, {transform_indices = #map}]} {
    %scan3A = arith.constant 0 : i32
    %scan3A_0 = arith.constant 0 : i32
    %scan3A_1 = arith.constant 128 : i32
    %scan3A_2 = arith.addi %scan3A_0, %scan3A_1 : i32
    %scan3A_3 = arith.constant 1 : i32
    %scan3A_4 = scf.for %scan3A_33 = %scan3A_0 to %scan3A_2 step %scan3A_3 iter_args(%scan3A_34 = %scan3A) -> (i32)  : i32 {
      %broadcast_in_dim3A = arith.constant 0.000000e+00 : f32
      %broadcast_in_dim3A_35 = vector.broadcast %broadcast_in_dim3A : f32 to vector<16xf32>
      %swap3A = arith.index_cast %scan3A_33 : i32 to index
      %swap3A_36 = arith.constant 0 : index
      %swap3A_37 = tpu.vector_load %arg7[%swap3A, %swap3A_36] {strides = array<i32>} : memref<128x32xf32, #tpu.memory_space<vmem>>, vector<1x16xf32>,
      %swap3A_38 = vector.shape_cast %swap3A_37 : vector<1x16xf32> to vector<16xf32>
      %swap3A_39 = vector.shape_cast %broadcast_in_dim3A_35 : vector<16xf32> to vector<1x16xf32>
      tpu.vector_store %arg7[%swap3A, %swap3A_36], %swap3A_39 {strides = array<i32>} : memref<128x32xf32, #tpu.memory_space<vmem>>, vector<1x16xf32>,
      %broadcast_in_dim3A_40 = arith.constant 0.000000e+00 : f32
      %broadcast_in_dim3A_41 = vector.broadcast %broadcast_in_dim3A_40 : f32 to vector<16xf32>
      %swap3A_42 = arith.index_cast %scan3A_33 : i32 to index
      %swap3A_43 = arith.constant 16 : index
      %swap3A_44 = tpu.vector_load %arg7[%swap3A_42, %swap3A_43] {strides = array<i32>} : memref<128x32xf32, #tpu.memory_space<vmem>>, vector<1x16xf32>,
      %swap3A_45 = vector.shape_cast %swap3A_44 : vector<1x16xf32> to vector<16xf32>
      %swap3A_46 = vector.shape_cast %broadcast_in_dim3A_41 : vector<16xf32> to vector<1x16xf32>
      tpu.vector_store %arg7[%swap3A_42, %swap3A_43], %swap3A_46 {strides = array<i32>} : memref<128x32xf32, #tpu.memory_space<vmem>>, vector<1x16xf32>,
      %broadcast_in_dim3A_47 = arith.constant 1.000000e+00 : f32
      %broadcast_in_dim3A_48 = vector.broadcast %broadcast_in_dim3A_47 : f32 to vector<16xf32>
      %swap3A_49 = arith.index_cast %scan3A_33 : i32 to index
      %swap3A_50 = arith.constant 0 : index
      %swap3A_51 = tpu.vector_load %arg6[%swap3A_49, %swap3A_50] {strides = array<i32>} : memref<128x32xf32, #tpu.memory_space<vmem>>, vector<1x16xf32>,
      %swap3A_52 = vector.shape_cast %swap3A_51 : vector<1x16xf32> to vector<16xf32>
      %swap3A_53 = vector.shape_cast %broadcast_in_dim3A_48 : vector<16xf32> to vector<1x16xf32>
      tpu.vector_store %arg6[%swap3A_49, %swap3A_50], %swap3A_53 {strides = array<i32>} : memref<128x32xf32, #tpu.memory_space<vmem>>, vector<1x16xf32>,
      %broadcast_in_dim3A_54 = arith.constant 1.000000e+00 : f32
      %broadcast_in_dim3A_55 = vector.broadcast %broadcast_in_dim3A_54 : f32 to vector<16xf32>
      %swap3A_56 = arith.index_cast %scan3A_33 : i32 to index
      %swap3A_57 = arith.constant 16 : index
      %swap3A_58 = tpu.vector_load %arg6[%swap3A_56, %swap3A_57] {strides = array<i32>} : memref<128x32xf32, #tpu.memory_space<vmem>>, vector<1x16xf32>,
      %swap3A_59 = vector.shape_cast %swap3A_58 : vector<1x16xf32> to vector<16xf32>
      %swap3A_60 = vector.shape_cast %broadcast_in_dim3A_55 : vector<16xf32> to vector<1x16xf32>
      tpu.vector_store %arg6[%swap3A_56, %swap3A_57], %swap3A_60 {strides = array<i32>} : memref<128x32xf32, #tpu.memory_space<vmem>>, vector<1x16xf32>,
      %scan3A_61 = arith.constant 0 : i32
      scf.yield %scan3A_61 : i32
    }
    %scan3A_5 = arith.constant 128 : i32
    %scan3A_6 = arith.constant 0 : i32
    %scan3A_7 = arith.constant 0 : i32
    %scan3A_8 = arith.constant 26 : i32
    %scan3A_9 = arith.addi %scan3A_7, %scan3A_8 : i32
    %scan3A_10 = arith.constant 1 : i32
    %scan3A_11 = scf.for %scan3A_33 = %scan3A_7 to %scan3A_9 step %scan3A_10 iter_args(%scan3A_34 = %scan3A_6) -> (i32)  : i32 {
      %mul3A_35 = arith.constant 3328 : i32
      %mul3A_36 = arith.muli %arg1, %mul3A_35 : i32
      %mul3A_37 = arith.constant 128 : i32
      %mul3A_38 = arith.muli %scan3A_33, %mul3A_37 : i32
      %add3A_39 = arith.addi %mul3A_36, %mul3A_38 : i32
      "tpu.region"() ({
        %run_scoped3A = tpu.sem_alloc : memref<!tpu.dma_semaphore, #tpu.memory_space<semaphore_mem>>
        %dma_start3A = arith.constant 0 : i32
        %dma_start3A_41 = tpu.memref_slice %arg8[%add3A_39, %dma_start3A] : memref<53248x32xf32, #tpu.memory_space<vmem_shared>> -> memref<128x32xf32, #tpu.memory_space<vmem_shared>>
        %dma_start3A_42 = arith.constant 0 : i32
        %dma_start3A_43 = tpu.memref_slice %arg8[%add3A_39, %dma_start3A_42] : memref<53248x32xf32, #tpu.memory_space<vmem_shared>> -> memref<128x32xf32, #tpu.memory_space<vmem_shared>>
        tpu.enqueue_dma source(%arg7 : memref<128x32xf32, #tpu.memory_space<vmem>>) target(%dma_start3A_43 : memref<128x32xf32, #tpu.memory_space<vmem_shared>>) target_semaphore(%run_scoped3A : memref<!tpu.dma_semaphore, #tpu.memory_space<semaphore_mem>>)
        %dma_wait3A = arith.constant 0 : i32
        %dma_wait3A_44 = tpu.memref_slice %arg8[%add3A_39, %dma_wait3A] : memref<53248x32xf32, #tpu.memory_space<vmem_shared>> -> memref<128x32xf32, #tpu.memory_space<vmem_shared>>
        %dma_wait3A_45 = arith.constant 0 : i32
        %dma_wait3A_46 = tpu.memref_slice %arg8[%add3A_39, %dma_wait3A_45] : memref<53248x32xf32, #tpu.memory_space<vmem_shared>> -> memref<128x32xf32, #tpu.memory_space<vmem_shared>>
        tpu.wait_dma2 semaphore(%run_scoped3A : memref<!tpu.dma_semaphore, #tpu.memory_space<semaphore_mem>>) src(%arg7 : memref<128x32xf32, #tpu.memory_space<vmem>>) dst(%dma_wait3A_46 : memref<128x32xf32, #tpu.memory_space<vmem_shared>>)
        tpu.yield
      }) : () -> ()
      %scan3A_40 = arith.constant 0 : i32
      scf.yield %scan3A_40 : i32
    }
    %scan3A_12 = arith.constant 26 : i32
    %barrier3A = arith.constant 0 : index
    tpu.barrier barrier_id(%barrier3A)
    %mul3A = arith.constant 16 : i32
    %mul3A_13 = arith.muli %arg0, %mul3A : i32
    %add3A = arith.addi %mul3A_13, %arg1 : i32
    %mul3A_14 = arith.constant 200 : i32
    %mul3A_15 = arith.muli %add3A, %mul3A_14 : i32
    %add3A_16 = arith.constant 0 : i32
    %add3A_17 = arith.addi %mul3A_15, %add3A_16 : i32
    "tpu.region"() ({
      %run_scoped3A = tpu.sem_alloc : memref<!tpu.dma_semaphore, #tpu.memory_space<semaphore_mem>>
      %dma_start3A = arith.constant 0 : i32
      %dma_start3A_33 = tpu.memref_slice %arg2[%add3A_17, %dma_start3A] : memref<6400x128xi32, #tpu.memory_space<hbm>> -> memref<4x128xi32, #tpu.memory_space<hbm>>
      %dma_start3A_34 = arith.constant 0 : i32
      %dma_start3A_35 = tpu.memref_slice %arg2[%add3A_17, %dma_start3A_34] : memref<6400x128xi32, #tpu.memory_space<hbm>> -> memref<4x128xi32, #tpu.memory_space<hbm>>
      tpu.enqueue_dma source(%dma_start3A_35 : memref<4x128xi32, #tpu.memory_space<hbm>>) target(%arg4 : memref<4x128xi32, #tpu.memory_space<vmem>>) target_semaphore(%run_scoped3A : memref<!tpu.dma_semaphore, #tpu.memory_space<semaphore_mem>>)
      %dma_wait3A = arith.constant 0 : i32
      %dma_wait3A_36 = tpu.memref_slice %arg2[%add3A_17, %dma_wait3A] : memref<6400x128xi32, #tpu.memory_space<hbm>> -> memref<4x128xi32, #tpu.memory_space<hbm>>
      %dma_wait3A_37 = arith.constant 0 : i32
      %dma_wait3A_38 = tpu.memref_slice %arg2[%add3A_17, %dma_wait3A_37] : memref<6400x128xi32, #tpu.memory_space<hbm>> -> memref<4x128xi32, #tpu.memory_space<hbm>>
      tpu.wait_dma2 semaphore(%run_scoped3A : memref<!tpu.dma_semaphore, #tpu.memory_space<semaphore_mem>>) src(%dma_wait3A_38 : memref<4x128xi32, #tpu.memory_space<hbm>>) dst(%arg4 : memref<4x128xi32, #tpu.memory_space<vmem>>)
      tpu.yield
    }) : () -> ()
    %scan3A_18 = arith.constant 0 : i32
    %scan3A_19 = arith.constant 0 : i32
    %scan3A_20 = arith.constant 25 : i32
    %scan3A_21 = arith.addi %scan3A_19, %scan3A_20 : i32
    %scan3A_22 = arith.constant 1 : i32
    %scan3A_23 = scf.for %scan3A_33 = %scan3A_19 to %scan3A_21 step %scan3A_22 iter_args(%scan3A_34 = %scan3A_18) -> (i32)  : i32 {
      %mul3A_35 = arith.constant 2 : i32
      %mul3A_36 = arith.muli %mul3A_35, %scan3A_33 : i32
      %eq3A = arith.constant 24 : i32
      %eq3A_37 = arith.cmpi eq, %scan3A_33, %eq3A : i32
      %add3A_38 = arith.constant 1 : i32
      %add3A_39 = arith.addi %mul3A_36, %add3A_38 : i32
      %mul3A_40 = arith.constant 4 : i32
      %mul3A_41 = arith.muli %add3A_39, %mul3A_40 : i32
      %add3A_42 = arith.addi %mul3A_15, %mul3A_41 : i32
      "tpu.region"() ({
        %run_scoped3A = tpu.sem_alloc : memref<!tpu.dma_semaphore, #tpu.memory_space<semaphore_mem>>
        %dma_start3A_156 = arith.constant 0 : i32
        %dma_start3A_157 = tpu.memref_slice %arg2[%add3A_42, %dma_start3A_156] : memref<6400x128xi32, #tpu.memory_space<hbm>> -> memref<4x128xi32, #tpu.memory_space<hbm>>
        %dma_start3A_158 = arith.constant 0 : i32
        %dma_start3A_159 = tpu.memref_slice %arg2[%add3A_42, %dma_start3A_158] : memref<6400x128xi32, #tpu.memory_space<hbm>> -> memref<4x128xi32, #tpu.memory_space<hbm>>
        tpu.enqueue_dma source(%dma_start3A_159 : memref<4x128xi32, #tpu.memory_space<hbm>>) target(%arg5 : memref<4x128xi32, #tpu.memory_space<vmem>>) target_semaphore(%run_scoped3A : memref<!tpu.dma_semaphore, #tpu.memory_space<semaphore_mem>>)
        %dma_wait3A_160 = arith.constant 0 : i32
        %dma_wait3A_161 = tpu.memref_slice %arg2[%add3A_42, %dma_wait3A_160] : memref<6400x128xi32, #tpu.memory_space<hbm>> -> memref<4x128xi32, #tpu.memory_space<hbm>>
        %dma_wait3A_162 = arith.constant 0 : i32
        %dma_wait3A_163 = tpu.memref_slice %arg2[%add3A_42, %dma_wait3A_162] : memref<6400x128xi32, #tpu.memory_space<hbm>> -> memref<4x128xi32, #tpu.memory_space<hbm>>
        tpu.wait_dma2 semaphore(%run_scoped3A : memref<!tpu.dma_semaphore, #tpu.memory_space<semaphore_mem>>) src(%dma_wait3A_163 : memref<4x128xi32, #tpu.memory_space<hbm>>) dst(%arg5 : memref<4x128xi32, #tpu.memory_space<vmem>>)
        tpu.yield
      }) : () -> ()
      %dma_start3A = arith.constant 0 : i32
      %dma_start3A_43 = arith.constant 0 : i32
      %dma_start3A_44 = tpu.memref_slice %arg4[%dma_start3A, %dma_start3A_43] : memref<4x128xi32, #tpu.memory_space<vmem>> -> memref<1x128xi32, #tpu.memory_space<vmem>>
      %dma_start3A_45 = tpu.memref_squeeze %dma_start3A_44 : memref<1x128xi32, #tpu.memory_space<vmem>> -> memref<128xi32, #tpu.memory_space<vmem>>
      %dma_start3A_46 = arith.constant 0 : i32
      %dma_start3A_47 = arith.constant 0 : i32
      %dma_start3A_48 = tpu.memref_slice %arg8[%dma_start3A_46, %dma_start3A_47] : memref<53248x32xf32, #tpu.memory_space<vmem_shared>> -> memref<53248x32xf32, #tpu.memory_space<vmem_shared>>
      tpu.enqueue_indirect_dma source(%arg6 : memref<128x32xf32, #tpu.memory_space<vmem>>) target(%dma_start3A_48 : memref<53248x32xf32, #tpu.memory_space<vmem_shared>>) offsets(%dma_start3A_45 : memref<128xi32, #tpu.memory_space<vmem>>) semaphore(%arg9 : memref<!tpu.dma_semaphore, #tpu.memory_space<semaphore_mem>>) {add = true}
      %dma_start3A_49 = arith.constant 1 : i32
      %dma_start3A_50 = arith.constant 0 : i32
      %dma_start3A_51 = tpu.memref_slice %arg4[%dma_start3A_49, %dma_start3A_50] : memref<4x128xi32, #tpu.memory_space<vmem>> -> memref<1x128xi32, #tpu.memory_space<vmem>>
      %dma_start3A_52 = tpu.memref_squeeze %dma_start3A_51 : memref<1x128xi32, #tpu.memory_space<vmem>> -> memref<128xi32, #tpu.memory_space<vmem>>
      %dma_start3A_53 = arith.constant 0 : i32
      %dma_start3A_54 = arith.constant 0 : i32
      %dma_start3A_55 = tpu.memref_slice %arg8[%dma_start3A_53, %dma_start3A_54] : memref<53248x32xf32, #tpu.memory_space<vmem_shared>> -> memref<53248x32xf32, #tpu.memory_space<vmem_shared>>
      tpu.enqueue_indirect_dma source(%arg6 : memref<128x32xf32, #tpu.memory_space<vmem>>) target(%dma_start3A_55 : memref<53248x32xf32, #tpu.memory_space<vmem_shared>>) offsets(%dma_start3A_52 : memref<128xi32, #tpu.memory_space<vmem>>) semaphore(%arg10 : memref<!tpu.dma_semaphore, #tpu.memory_space<semaphore_mem>>) {add = true}
      %dma_start3A_56 = arith.constant 2 : i32
      %dma_start3A_57 = arith.constant 0 : i32
      %dma_start3A_58 = tpu.memref_slice %arg4[%dma_start3A_56, %dma_start3A_57] : memref<4x128xi32, #tpu.memory_space<vmem>> -> memref<1x128xi32, #tpu.memory_space<vmem>>
      %dma_start3A_59 = tpu.memref_squeeze %dma_start3A_58 : memref<1x128xi32, #tpu.memory_space<vmem>> -> memref<128xi32, #tpu.memory_space<vmem>>
      %dma_start3A_60 = arith.constant 0 : i32
      %dma_start3A_61 = arith.constant 0 : i32
      %dma_start3A_62 = tpu.memref_slice %arg8[%dma_start3A_60, %dma_start3A_61] : memref<53248x32xf32, #tpu.memory_space<vmem_shared>> -> memref<53248x32xf32, #tpu.memory_space<vmem_shared>>
      tpu.enqueue_indirect_dma source(%arg6 : memref<128x32xf32, #tpu.memory_space<vmem>>) target(%dma_start3A_62 : memref<53248x32xf32, #tpu.memory_space<vmem_shared>>) offsets(%dma_start3A_59 : memref<128xi32, #tpu.memory_space<vmem>>) semaphore(%arg11 : memref<!tpu.dma_semaphore, #tpu.memory_space<semaphore_mem>>) {add = true}
      %dma_start3A_63 = arith.constant 3 : i32
      %dma_start3A_64 = arith.constant 0 : i32
      %dma_start3A_65 = tpu.memref_slice %arg4[%dma_start3A_63, %dma_start3A_64] : memref<4x128xi32, #tpu.memory_space<vmem>> -> memref<1x128xi32, #tpu.memory_space<vmem>>
      %dma_start3A_66 = tpu.memref_squeeze %dma_start3A_65 : memref<1x128xi32, #tpu.memory_space<vmem>> -> memref<128xi32, #tpu.memory_space<vmem>>
      %dma_start3A_67 = arith.constant 0 : i32
      %dma_start3A_68 = arith.constant 0 : i32
      %dma_start3A_69 = tpu.memref_slice %arg8[%dma_start3A_67, %dma_start3A_68] : memref<53248x32xf32, #tpu.memory_space<vmem_shared>> -> memref<53248x32xf32, #tpu.memory_space<vmem_shared>>
      tpu.enqueue_indirect_dma source(%arg6 : memref<128x32xf32, #tpu.memory_space<vmem>>) target(%dma_start3A_69 : memref<53248x32xf32, #tpu.memory_space<vmem_shared>>) offsets(%dma_start3A_66 : memref<128xi32, #tpu.memory_space<vmem>>) semaphore(%arg12 : memref<!tpu.dma_semaphore, #tpu.memory_space<semaphore_mem>>) {add = true}
      %dma_wait3A = arith.constant 0 : i32
      %dma_wait3A_70 = arith.constant 0 : i32
      %dma_wait3A_71 = tpu.memref_slice %arg4[%dma_wait3A, %dma_wait3A_70] : memref<4x128xi32, #tpu.memory_space<vmem>> -> memref<1x128xi32, #tpu.memory_space<vmem>>
      %dma_wait3A_72 = tpu.memref_squeeze %dma_wait3A_71 : memref<1x128xi32, #tpu.memory_space<vmem>> -> memref<128xi32, #tpu.memory_space<vmem>>
      %dma_wait3A_73 = arith.constant 0 : i32
      %dma_wait3A_74 = arith.constant 0 : i32
      %dma_wait3A_75 = tpu.memref_slice %arg8[%dma_wait3A_73, %dma_wait3A_74] : memref<53248x32xf32, #tpu.memory_space<vmem_shared>> -> memref<53248x32xf32, #tpu.memory_space<vmem_shared>>
      tpu.wait_indirect_dma semaphore(%arg9 : memref<!tpu.dma_semaphore, #tpu.memory_space<semaphore_mem>>) src(%arg6 : memref<128x32xf32, #tpu.memory_space<vmem>>) dst(%dma_wait3A_75 : memref<53248x32xf32, #tpu.memory_space<vmem_shared>>)
      %dma_wait3A_76 = arith.constant 1 : i32
      %dma_wait3A_77 = arith.constant 0 : i32
      %dma_wait3A_78 = tpu.memref_slice %arg4[%dma_wait3A_76, %dma_wait3A_77] : memref<4x128xi32, #tpu.memory_space<vmem>> -> memref<1x128xi32, #tpu.memory_space<vmem>>
      %dma_wait3A_79 = tpu.memref_squeeze %dma_wait3A_78 : memref<1x128xi32, #tpu.memory_space<vmem>> -> memref<128xi32, #tpu.memory_space<vmem>>
      %dma_wait3A_80 = arith.constant 0 : i32
      %dma_wait3A_81 = arith.constant 0 : i32
      %dma_wait3A_82 = tpu.memref_slice %arg8[%dma_wait3A_80, %dma_wait3A_81] : memref<53248x32xf32, #tpu.memory_space<vmem_shared>> -> memref<53248x32xf32, #tpu.memory_space<vmem_shared>>
      tpu.wait_indirect_dma semaphore(%arg10 : memref<!tpu.dma_semaphore, #tpu.memory_space<semaphore_mem>>) src(%arg6 : memref<128x32xf32, #tpu.memory_space<vmem>>) dst(%dma_wait3A_82 : memref<53248x32xf32, #tpu.memory_space<vmem_shared>>)
      %dma_wait3A_83 = arith.constant 2 : i32
      %dma_wait3A_84 = arith.constant 0 : i32
      %dma_wait3A_85 = tpu.memref_slice %arg4[%dma_wait3A_83, %dma_wait3A_84] : memref<4x128xi32, #tpu.memory_space<vmem>> -> memref<1x128xi32, #tpu.memory_space<vmem>>
      %dma_wait3A_86 = tpu.memref_squeeze %dma_wait3A_85 : memref<1x128xi32, #tpu.memory_space<vmem>> -> memref<128xi32, #tpu.memory_space<vmem>>
      %dma_wait3A_87 = arith.constant 0 : i32
      %dma_wait3A_88 = arith.constant 0 : i32
      %dma_wait3A_89 = tpu.memref_slice %arg8[%dma_wait3A_87, %dma_wait3A_88] : memref<53248x32xf32, #tpu.memory_space<vmem_shared>> -> memref<53248x32xf32, #tpu.memory_space<vmem_shared>>
      tpu.wait_indirect_dma semaphore(%arg11 : memref<!tpu.dma_semaphore, #tpu.memory_space<semaphore_mem>>) src(%arg6 : memref<128x32xf32, #tpu.memory_space<vmem>>) dst(%dma_wait3A_89 : memref<53248x32xf32, #tpu.memory_space<vmem_shared>>)
      %dma_wait3A_90 = arith.constant 3 : i32
      %dma_wait3A_91 = arith.constant 0 : i32
      %dma_wait3A_92 = tpu.memref_slice %arg4[%dma_wait3A_90, %dma_wait3A_91] : memref<4x128xi32, #tpu.memory_space<vmem>> -> memref<1x128xi32, #tpu.memory_space<vmem>>
      %dma_wait3A_93 = tpu.memref_squeeze %dma_wait3A_92 : memref<1x128xi32, #tpu.memory_space<vmem>> -> memref<128xi32, #tpu.memory_space<vmem>>
      %dma_wait3A_94 = arith.constant 0 : i32
      %dma_wait3A_95 = arith.constant 0 : i32
      %dma_wait3A_96 = tpu.memref_slice %arg8[%dma_wait3A_94, %dma_wait3A_95] : memref<53248x32xf32, #tpu.memory_space<vmem_shared>> -> memref<53248x32xf32, #tpu.memory_space<vmem_shared>>
      tpu.wait_indirect_dma semaphore(%arg12 : memref<!tpu.dma_semaphore, #tpu.memory_space<semaphore_mem>>) src(%arg6 : memref<128x32xf32, #tpu.memory_space<vmem>>) dst(%dma_wait3A_96 : memref<53248x32xf32, #tpu.memory_space<vmem_shared>>)
      %not3A = arith.constant true
      %not3A_97 = arith.xori %eq3A_37, %not3A : i1
      %convert_element_type3A = arith.extui %not3A_97 : i1 to i32
      %cond3A = arith.constant 0 : i32
      %cond3A_98 = arith.cmpi ne, %convert_element_type3A, %cond3A : i32
      scf.if %cond3A_98 {
        %add3A_156 = arith.constant 2 : i32
        %add3A_157 = arith.addi %mul3A_36, %add3A_156 : i32
        %mul3A_158 = arith.constant 4 : i32
        %mul3A_159 = arith.muli %add3A_157, %mul3A_158 : i32
        %add3A_160 = arith.addi %mul3A_15, %mul3A_159 : i32
        "tpu.region"() ({
          %run_scoped3A = tpu.sem_alloc : memref<!tpu.dma_semaphore, #tpu.memory_space<semaphore_mem>>
          %dma_start3A_161 = arith.constant 0 : i32
          %dma_start3A_162 = tpu.memref_slice %arg2[%add3A_160, %dma_start3A_161] : memref<6400x128xi32, #tpu.memory_space<hbm>> -> memref<4x128xi32, #tpu.memory_space<hbm>>
          %dma_start3A_163 = arith.constant 0 : i32
          %dma_start3A_164 = tpu.memref_slice %arg2[%add3A_160, %dma_start3A_163] : memref<6400x128xi32, #tpu.memory_space<hbm>> -> memref<4x128xi32, #tpu.memory_space<hbm>>
          tpu.enqueue_dma source(%dma_start3A_164 : memref<4x128xi32, #tpu.memory_space<hbm>>) target(%arg4 : memref<4x128xi32, #tpu.memory_space<vmem>>) target_semaphore(%run_scoped3A : memref<!tpu.dma_semaphore, #tpu.memory_space<semaphore_mem>>)
          %dma_wait3A_165 = arith.constant 0 : i32
          %dma_wait3A_166 = tpu.memref_slice %arg2[%add3A_160, %dma_wait3A_165] : memref<6400x128xi32, #tpu.memory_space<hbm>> -> memref<4x128xi32, #tpu.memory_space<hbm>>
          %dma_wait3A_167 = arith.constant 0 : i32
          %dma_wait3A_168 = tpu.memref_slice %arg2[%add3A_160, %dma_wait3A_167] : memref<6400x128xi32, #tpu.memory_space<hbm>> -> memref<4x128xi32, #tpu.memory_space<hbm>>
          tpu.wait_dma2 semaphore(%run_scoped3A : memref<!tpu.dma_semaphore, #tpu.memory_space<semaphore_mem>>) src(%dma_wait3A_168 : memref<4x128xi32, #tpu.memory_space<hbm>>) dst(%arg4 : memref<4x128xi32, #tpu.memory_space<vmem>>)
          tpu.yield
        }) : () -> ()
      } else {
      }
      %dma_start3A_99 = arith.constant 0 : i32
      %dma_start3A_100 = arith.constant 0 : i32
      %dma_start3A_101 = tpu.memref_slice %arg5[%dma_start3A_99, %dma_start3A_100] : memref<4x128xi32, #tpu.memory_space<vmem>> -> memref<1x128xi32, #tpu.memory_space<vmem>>
      %dma_start3A_102 = tpu.memref_squeeze %dma_start3A_101 : memref<1x128xi32, #tpu.memory_space<vmem>> -> memref<128xi32, #tpu.memory_space<vmem>>
      %dma_start3A_103 = arith.constant 0 : i32
      %dma_start3A_104 = arith.constant 0 : i32
      %dma_start3A_105 = tpu.memref_slice %arg8[%dma_start3A_103, %dma_start3A_104] : memref<53248x32xf32, #tpu.memory_space<vmem_shared>> -> memref<53248x32xf32, #tpu.memory_space<vmem_shared>>
      tpu.enqueue_indirect_dma source(%arg6 : memref<128x32xf32, #tpu.memory_space<vmem>>) target(%dma_start3A_105 : memref<53248x32xf32, #tpu.memory_space<vmem_shared>>) offsets(%dma_start3A_102 : memref<128xi32, #tpu.memory_space<vmem>>) semaphore(%arg9 : memref<!tpu.dma_semaphore, #tpu.memory_space<semaphore_mem>>) {add = true}
      %dma_start3A_106 = arith.constant 1 : i32
      %dma_start3A_107 = arith.constant 0 : i32
      %dma_start3A_108 = tpu.memref_slice %arg5[%dma_start3A_106, %dma_start3A_107] : memref<4x128xi32, #tpu.memory_space<vmem>> -> memref<1x128xi32, #tpu.memory_space<vmem>>
      %dma_start3A_109 = tpu.memref_squeeze %dma_start3A_108 : memref<1x128xi32, #tpu.memory_space<vmem>> -> memref<128xi32, #tpu.memory_space<vmem>>
      %dma_start3A_110 = arith.constant 0 : i32
      %dma_start3A_111 = arith.constant 0 : i32
      %dma_start3A_112 = tpu.memref_slice %arg8[%dma_start3A_110, %dma_start3A_111] : memref<53248x32xf32, #tpu.memory_space<vmem_shared>> -> memref<53248x32xf32, #tpu.memory_space<vmem_shared>>
      tpu.enqueue_indirect_dma source(%arg6 : memref<128x32xf32, #tpu.memory_space<vmem>>) target(%dma_start3A_112 : memref<53248x32xf32, #tpu.memory_space<vmem_shared>>) offsets(%dma_start3A_109 : memref<128xi32, #tpu.memory_space<vmem>>) semaphore(%arg10 : memref<!tpu.dma_semaphore, #tpu.memory_space<semaphore_mem>>) {add = true}
      %dma_start3A_113 = arith.constant 2 : i32
      %dma_start3A_114 = arith.constant 0 : i32
      %dma_start3A_115 = tpu.memref_slice %arg5[%dma_start3A_113, %dma_start3A_114] : memref<4x128xi32, #tpu.memory_space<vmem>> -> memref<1x128xi32, #tpu.memory_space<vmem>>
      %dma_start3A_116 = tpu.memref_squeeze %dma_start3A_115 : memref<1x128xi32, #tpu.memory_space<vmem>> -> memref<128xi32, #tpu.memory_space<vmem>>
      %dma_start3A_117 = arith.constant 0 : i32
      %dma_start3A_118 = arith.constant 0 : i32
      %dma_start3A_119 = tpu.memref_slice %arg8[%dma_start3A_117, %dma_start3A_118] : memref<53248x32xf32, #tpu.memory_space<vmem_shared>> -> memref<53248x32xf32, #tpu.memory_space<vmem_shared>>
      tpu.enqueue_indirect_dma source(%arg6 : memref<128x32xf32, #tpu.memory_space<vmem>>) target(%dma_start3A_119 : memref<53248x32xf32, #tpu.memory_space<vmem_shared>>) offsets(%dma_start3A_116 : memref<128xi32, #tpu.memory_space<vmem>>) semaphore(%arg11 : memref<!tpu.dma_semaphore, #tpu.memory_space<semaphore_mem>>) {add = true}
      %dma_start3A_120 = arith.constant 3 : i32
      %dma_start3A_121 = arith.constant 0 : i32
      %dma_start3A_122 = tpu.memref_slice %arg5[%dma_start3A_120, %dma_start3A_121] : memref<4x128xi32, #tpu.memory_space<vmem>> -> memref<1x128xi32, #tpu.memory_space<vmem>>
      %dma_start3A_123 = tpu.memref_squeeze %dma_start3A_122 : memref<1x128xi32, #tpu.memory_space<vmem>> -> memref<128xi32, #tpu.memory_space<vmem>>
      %dma_start3A_124 = arith.constant 0 : i32
      %dma_start3A_125 = arith.constant 0 : i32
      %dma_start3A_126 = tpu.memref_slice %arg8[%dma_start3A_124, %dma_start3A_125] : memref<53248x32xf32, #tpu.memory_space<vmem_shared>> -> memref<53248x32xf32, #tpu.memory_space<vmem_shared>>
      tpu.enqueue_indirect_dma source(%arg6 : memref<128x32xf32, #tpu.memory_space<vmem>>) target(%dma_start3A_126 : memref<53248x32xf32, #tpu.memory_space<vmem_shared>>) offsets(%dma_start3A_123 : memref<128xi32, #tpu.memory_space<vmem>>) semaphore(%arg12 : memref<!tpu.dma_semaphore, #tpu.memory_space<semaphore_mem>>) {add = true}
      %dma_wait3A_127 = arith.constant 0 : i32
      %dma_wait3A_128 = arith.constant 0 : i32
      %dma_wait3A_129 = tpu.memref_slice %arg5[%dma_wait3A_127, %dma_wait3A_128] : memref<4x128xi32, #tpu.memory_space<vmem>> -> memref<1x128xi32, #tpu.memory_space<vmem>>
      %dma_wait3A_130 = tpu.memref_squeeze %dma_wait3A_129 : memref<1x128xi32, #tpu.memory_space<vmem>> -> memref<128xi32, #tpu.memory_space<vmem>>
      %dma_wait3A_131 = arith.constant 0 : i32
      %dma_wait3A_132 = arith.constant 0 : i32
      %dma_wait3A_133 = tpu.memref_slice %arg8[%dma_wait3A_131, %dma_wait3A_132] : memref<53248x32xf32, #tpu.memory_space<vmem_shared>> -> memref<53248x32xf32, #tpu.memory_space<vmem_shared>>
      tpu.wait_indirect_dma semaphore(%arg9 : memref<!tpu.dma_semaphore, #tpu.memory_space<semaphore_mem>>) src(%arg6 : memref<128x32xf32, #tpu.memory_space<vmem>>) dst(%dma_wait3A_133 : memref<53248x32xf32, #tpu.memory_space<vmem_shared>>)
      %dma_wait3A_134 = arith.constant 1 : i32
      %dma_wait3A_135 = arith.constant 0 : i32
      %dma_wait3A_136 = tpu.memref_slice %arg5[%dma_wait3A_134, %dma_wait3A_135] : memref<4x128xi32, #tpu.memory_space<vmem>> -> memref<1x128xi32, #tpu.memory_space<vmem>>
      %dma_wait3A_137 = tpu.memref_squeeze %dma_wait3A_136 : memref<1x128xi32, #tpu.memory_space<vmem>> -> memref<128xi32, #tpu.memory_space<vmem>>
      %dma_wait3A_138 = arith.constant 0 : i32
      %dma_wait3A_139 = arith.constant 0 : i32
      %dma_wait3A_140 = tpu.memref_slice %arg8[%dma_wait3A_138, %dma_wait3A_139] : memref<53248x32xf32, #tpu.memory_space<vmem_shared>> -> memref<53248x32xf32, #tpu.memory_space<vmem_shared>>
      tpu.wait_indirect_dma semaphore(%arg10 : memref<!tpu.dma_semaphore, #tpu.memory_space<semaphore_mem>>) src(%arg6 : memref<128x32xf32, #tpu.memory_space<vmem>>) dst(%dma_wait3A_140 : memref<53248x32xf32, #tpu.memory_space<vmem_shared>>)
      %dma_wait3A_141 = arith.constant 2 : i32
      %dma_wait3A_142 = arith.constant 0 : i32
      %dma_wait3A_143 = tpu.memref_slice %arg5[%dma_wait3A_141, %dma_wait3A_142] : memref<4x128xi32, #tpu.memory_space<vmem>> -> memref<1x128xi32, #tpu.memory_space<vmem>>
      %dma_wait3A_144 = tpu.memref_squeeze %dma_wait3A_143 : memref<1x128xi32, #tpu.memory_space<vmem>> -> memref<128xi32, #tpu.memory_space<vmem>>
      %dma_wait3A_145 = arith.constant 0 : i32
      %dma_wait3A_146 = arith.constant 0 : i32
      %dma_wait3A_147 = tpu.memref_slice %arg8[%dma_wait3A_145, %dma_wait3A_146] : memref<53248x32xf32, #tpu.memory_space<vmem_shared>> -> memref<53248x32xf32, #tpu.memory_space<vmem_shared>>
      tpu.wait_indirect_dma semaphore(%arg11 : memref<!tpu.dma_semaphore, #tpu.memory_space<semaphore_mem>>) src(%arg6 : memref<128x32xf32, #tpu.memory_space<vmem>>) dst(%dma_wait3A_147 : memref<53248x32xf32, #tpu.memory_space<vmem_shared>>)
      %dma_wait3A_148 = arith.constant 3 : i32
      %dma_wait3A_149 = arith.constant 0 : i32
      %dma_wait3A_150 = tpu.memref_slice %arg5[%dma_wait3A_148, %dma_wait3A_149] : memref<4x128xi32, #tpu.memory_space<vmem>> -> memref<1x128xi32, #tpu.memory_space<vmem>>
      %dma_wait3A_151 = tpu.memref_squeeze %dma_wait3A_150 : memref<1x128xi32, #tpu.memory_space<vmem>> -> memref<128xi32, #tpu.memory_space<vmem>>
      %dma_wait3A_152 = arith.constant 0 : i32
      %dma_wait3A_153 = arith.constant 0 : i32
      %dma_wait3A_154 = tpu.memref_slice %arg8[%dma_wait3A_152, %dma_wait3A_153] : memref<53248x32xf32, #tpu.memory_space<vmem_shared>> -> memref<53248x32xf32, #tpu.memory_space<vmem_shared>>
      tpu.wait_indirect_dma semaphore(%arg12 : memref<!tpu.dma_semaphore, #tpu.memory_space<semaphore_mem>>) src(%arg6 : memref<128x32xf32, #tpu.memory_space<vmem>>) dst(%dma_wait3A_154 : memref<53248x32xf32, #tpu.memory_space<vmem_shared>>)
      %scan3A_155 = arith.constant 0 : i32
      scf.yield %scan3A_155 : i32
    }
    %scan3A_24 = arith.constant 25 : i32
    %barrier3A_25 = arith.constant 0 : index
    tpu.barrier barrier_id(%barrier3A_25)
    %mul3A_26 = arith.constant 3328 : i32
    %mul3A_27 = arith.muli %arg1, %mul3A_26 : i32
    %mul3A_28 = arith.constant 16 : i32
    %mul3A_29 = arith.muli %arg0, %mul3A_28 : i32
    %add3A_30 = arith.addi %mul3A_29, %arg1 : i32
    %mul3A_31 = arith.constant 3328 : i32
    %mul3A_32 = arith.muli %add3A_30, %mul3A_31 : i32
    "tpu.region"() ({
      %run_scoped3A = tpu.sem_alloc : memref<!tpu.dma_semaphore, #tpu.memory_space<semaphore_mem>>
      %dma_start3A = arith.constant 0 : i32
      %dma_start3A_33 = tpu.memref_slice %arg3[%mul3A_32, %dma_start3A] : memref<106496x32xf32, #tpu.memory_space<hbm>> -> memref<3328x32xf32, #tpu.memory_space<hbm>>
      %dma_start3A_34 = arith.constant 0 : i32
      %dma_start3A_35 = tpu.memref_slice %arg8[%mul3A_27, %dma_start3A_34] : memref<53248x32xf32, #tpu.memory_space<vmem_shared>> -> memref<3328x32xf32, #tpu.memory_space<vmem_shared>>
      tpu.enqueue_dma source(%dma_start3A_35 : memref<3328x32xf32, #tpu.memory_space<vmem_shared>>) target(%dma_start3A_33 : memref<3328x32xf32, #tpu.memory_space<hbm>>) target_semaphore(%run_scoped3A : memref<!tpu.dma_semaphore, #tpu.memory_space<semaphore_mem>>)
      %dma_wait3A = arith.constant 0 : i32
      %dma_wait3A_36 = tpu.memref_slice %arg3[%mul3A_32, %dma_wait3A] : memref<106496x32xf32, #tpu.memory_space<hbm>> -> memref<3328x32xf32, #tpu.memory_space<hbm>>
      %dma_wait3A_37 = arith.constant 0 : i32
      %dma_wait3A_38 = tpu.memref_slice %arg8[%mul3A_27, %dma_wait3A_37] : memref<53248x32xf32, #tpu.memory_space<vmem_shared>> -> memref<3328x32xf32, #tpu.memory_space<vmem_shared>>
      tpu.wait_dma2 semaphore(%run_scoped3A : memref<!tpu.dma_semaphore, #tpu.memory_space<semaphore_mem>>) src(%dma_wait3A_38 : memref<3328x32xf32, #tpu.memory_space<vmem_shared>>) dst(%dma_wait3A_36 : memref<3328x32xf32, #tpu.memory_space<hbm>>)
      tpu.yield
    }) : () -> ()
    return
  }
}

#map = affine_map<(d0, d1) -> (0, 0)>
module attributes {stable_mosaic.version = 14 : i64} {
  func.func @_scat_body(%arg0: i32, %arg1: i32, %arg2: memref<12800x128xi32, #tpu.memory_space<hbm>>, %arg3: memref<6400x128xi32, #tpu.memory_space<hbm>>, %arg4: memref<102400x32xf32, #tpu.memory_space<hbm>>, %arg5: memref<106496x32xf32, #tpu.memory_space<hbm>>, %arg6: memref<4x128xi32, #tpu.memory_space<vmem>>, %arg7: memref<4x128xi32, #tpu.memory_space<vmem>>, %arg8: memref<4x128xi32, #tpu.memory_space<vmem>>, %arg9: memref<4x128xi32, #tpu.memory_space<vmem>>, %arg10: memref<512x32xf32, #tpu.memory_space<vmem>>, %arg11: memref<64x32xf32, #tpu.memory_space<vmem>>, %arg12: memref<53248x32xf32, #tpu.memory_space<vmem_shared>>, %arg13: memref<!tpu.dma_semaphore, #tpu.memory_space<semaphore_mem>>, %arg14: memref<!tpu.dma_semaphore, #tpu.memory_space<semaphore_mem>>, %arg15: memref<!tpu.dma_semaphore, #tpu.memory_space<semaphore_mem>>, %arg16: memref<!tpu.dma_semaphore, #tpu.memory_space<semaphore_mem>>, %arg17: memref<!tpu.dma_semaphore, #tpu.memory_space<semaphore_mem>>, %arg18: memref<!tpu.dma_semaphore, #tpu.memory_space<semaphore_mem>>, %arg19: memref<!tpu.dma_semaphore, #tpu.memory_space<semaphore_mem>>, %arg20: memref<!tpu.dma_semaphore, #tpu.memory_space<semaphore_mem>>) attributes {dimension_semantics = [#tpu.dimension_semantics<core_parallel>, #tpu.dimension_semantics<subcore_parallel>], iteration_bounds = array<i64: 2, 16>, scalar_prefetch = 0 : i64, scratch_operands = 15 : i64, tpu.core_type = #tpu.core_type<sc_vector_subcore>, window_params = [{transform_indices = #map}, {transform_indices = #map}, {transform_indices = #map}, {transform_indices = #map}]} {
    %mul3A = arith.constant 16 : i32
    %mul3A_0 = arith.muli %arg0, %mul3A : i32
    %add3A = arith.addi %mul3A_0, %arg1 : i32
    %mul3A_1 = arith.constant 400 : i32
    %mul3A_2 = arith.muli %add3A, %mul3A_1 : i32
    %mul3A_3 = arith.constant 400 : i32
    %mul3A_4 = arith.muli %arg1, %mul3A_3 : i32
    %add3A_5 = arith.constant 0 : i32
    %add3A_6 = arith.addi %mul3A_2, %add3A_5 : i32
    "tpu.region"() ({
      %run_scoped3A = tpu.sem_alloc : memref<!tpu.dma_semaphore, #tpu.memory_space<semaphore_mem>>
      %dma_start3A_76 = arith.constant 0 : i32
      %dma_start3A_77 = tpu.memref_slice %arg2[%add3A_6, %dma_start3A_76] : memref<12800x128xi32, #tpu.memory_space<hbm>> -> memref<4x128xi32, #tpu.memory_space<hbm>>
      %dma_start3A_78 = arith.constant 0 : i32
      %dma_start3A_79 = tpu.memref_slice %arg2[%add3A_6, %dma_start3A_78] : memref<12800x128xi32, #tpu.memory_space<hbm>> -> memref<4x128xi32, #tpu.memory_space<hbm>>
      tpu.enqueue_dma source(%dma_start3A_79 : memref<4x128xi32, #tpu.memory_space<hbm>>) target(%arg6 : memref<4x128xi32, #tpu.memory_space<vmem>>) target_semaphore(%run_scoped3A : memref<!tpu.dma_semaphore, #tpu.memory_space<semaphore_mem>>)
      %dma_wait3A = arith.constant 0 : i32
      %dma_wait3A_80 = tpu.memref_slice %arg2[%add3A_6, %dma_wait3A] : memref<12800x128xi32, #tpu.memory_space<hbm>> -> memref<4x128xi32, #tpu.memory_space<hbm>>
      %dma_wait3A_81 = arith.constant 0 : i32
      %dma_wait3A_82 = tpu.memref_slice %arg2[%add3A_6, %dma_wait3A_81] : memref<12800x128xi32, #tpu.memory_space<hbm>> -> memref<4x128xi32, #tpu.memory_space<hbm>>
      tpu.wait_dma2 semaphore(%run_scoped3A : memref<!tpu.dma_semaphore, #tpu.memory_space<semaphore_mem>>) src(%dma_wait3A_82 : memref<4x128xi32, #tpu.memory_space<hbm>>) dst(%arg6 : memref<4x128xi32, #tpu.memory_space<vmem>>)
      tpu.yield
    }) : () -> ()
    %add3A_7 = arith.constant 0 : i32
    %add3A_8 = arith.addi %mul3A_4, %add3A_7 : i32
    "tpu.region"() ({
      %run_scoped3A = tpu.sem_alloc : memref<!tpu.dma_semaphore, #tpu.memory_space<semaphore_mem>>
      %dma_start3A_76 = arith.constant 0 : i32
      %dma_start3A_77 = tpu.memref_slice %arg3[%add3A_8, %dma_start3A_76] : memref<6400x128xi32, #tpu.memory_space<hbm>> -> memref<4x128xi32, #tpu.memory_space<hbm>>
      %dma_start3A_78 = arith.constant 0 : i32
      %dma_start3A_79 = tpu.memref_slice %arg3[%add3A_8, %dma_start3A_78] : memref<6400x128xi32, #tpu.memory_space<hbm>> -> memref<4x128xi32, #tpu.memory_space<hbm>>
      tpu.enqueue_dma source(%dma_start3A_79 : memref<4x128xi32, #tpu.memory_space<hbm>>) target(%arg7 : memref<4x128xi32, #tpu.memory_space<vmem>>) target_semaphore(%run_scoped3A : memref<!tpu.dma_semaphore, #tpu.memory_space<semaphore_mem>>)
      %dma_wait3A = arith.constant 0 : i32
      %dma_wait3A_80 = tpu.memref_slice %arg3[%add3A_8, %dma_wait3A] : memref<6400x128xi32, #tpu.memory_space<hbm>> -> memref<4x128xi32, #tpu.memory_space<hbm>>
      %dma_wait3A_81 = arith.constant 0 : i32
      %dma_wait3A_82 = tpu.memref_slice %arg3[%add3A_8, %dma_wait3A_81] : memref<6400x128xi32, #tpu.memory_space<hbm>> -> memref<4x128xi32, #tpu.memory_space<hbm>>
      tpu.wait_dma2 semaphore(%run_scoped3A : memref<!tpu.dma_semaphore, #tpu.memory_space<semaphore_mem>>) src(%dma_wait3A_82 : memref<4x128xi32, #tpu.memory_space<hbm>>) dst(%arg7 : memref<4x128xi32, #tpu.memory_space<vmem>>)
      tpu.yield
    }) : () -> ()
    %dma_start3A = arith.constant 0 : i32
    %dma_start3A_9 = arith.constant 0 : i32
    %dma_start3A_10 = arith.constant 0 : i32
    %dma_start3A_11 = tpu.memref_slice %arg10[%dma_start3A_9, %dma_start3A_10] : memref<512x32xf32, #tpu.memory_space<vmem>> -> memref<128x32xf32, #tpu.memory_space<vmem>>
    %dma_start3A_12 = arith.constant 0 : i32
    %dma_start3A_13 = tpu.memref_slice %arg6[%dma_start3A, %dma_start3A_12] : memref<4x128xi32, #tpu.memory_space<vmem>> -> memref<1x128xi32, #tpu.memory_space<vmem>>
    %dma_start3A_14 = tpu.memref_squeeze %dma_start3A_13 : memref<1x128xi32, #tpu.memory_space<vmem>> -> memref<128xi32, #tpu.memory_space<vmem>>
    %dma_start3A_15 = arith.constant 0 : i32
    %dma_start3A_16 = arith.constant 0 : i32
    %dma_start3A_17 = tpu.memref_slice %arg4[%dma_start3A_15, %dma_start3A_16] : memref<102400x32xf32, #tpu.memory_space<hbm>> -> memref<102400x32xf32, #tpu.memory_space<hbm>>
    tpu.enqueue_indirect_dma source(%dma_start3A_17 : memref<102400x32xf32, #tpu.memory_space<hbm>>) target(%dma_start3A_11 : memref<128x32xf32, #tpu.memory_space<vmem>>) offsets(%dma_start3A_14 : memref<128xi32, #tpu.memory_space<vmem>>) semaphore(%arg13 : memref<!tpu.dma_semaphore, #tpu.memory_space<semaphore_mem>>)
    %dma_start3A_18 = arith.constant 1 : i32
    %dma_start3A_19 = arith.constant 128 : i32
    %dma_start3A_20 = arith.constant 0 : i32
    %dma_start3A_21 = tpu.memref_slice %arg10[%dma_start3A_19, %dma_start3A_20] : memref<512x32xf32, #tpu.memory_space<vmem>> -> memref<128x32xf32, #tpu.memory_space<vmem>>
    %dma_start3A_22 = arith.constant 0 : i32
    %dma_start3A_23 = tpu.memref_slice %arg6[%dma_start3A_18, %dma_start3A_22] : memref<4x128xi32, #tpu.memory_space<vmem>> -> memref<1x128xi32, #tpu.memory_space<vmem>>
    %dma_start3A_24 = tpu.memref_squeeze %dma_start3A_23 : memref<1x128xi32, #tpu.memory_space<vmem>> -> memref<128xi32, #tpu.memory_space<vmem>>
    %dma_start3A_25 = arith.constant 0 : i32
    %dma_start3A_26 = arith.constant 0 : i32
    %dma_start3A_27 = tpu.memref_slice %arg4[%dma_start3A_25, %dma_start3A_26] : memref<102400x32xf32, #tpu.memory_space<hbm>> -> memref<102400x32xf32, #tpu.memory_space<hbm>>
    tpu.enqueue_indirect_dma source(%dma_start3A_27 : memref<102400x32xf32, #tpu.memory_space<hbm>>) target(%dma_start3A_21 : memref<128x32xf32, #tpu.memory_space<vmem>>) offsets(%dma_start3A_24 : memref<128xi32, #tpu.memory_space<vmem>>) semaphore(%arg14 : memref<!tpu.dma_semaphore, #tpu.memory_space<semaphore_mem>>)
    %dma_start3A_28 = arith.constant 2 : i32
    %dma_start3A_29 = arith.constant 256 : i32
    %dma_start3A_30 = arith.constant 0 : i32
    %dma_start3A_31 = tpu.memref_slice %arg10[%dma_start3A_29, %dma_start3A_30] : memref<512x32xf32, #tpu.memory_space<vmem>> -> memref<128x32xf32, #tpu.memory_space<vmem>>
    %dma_start3A_32 = arith.constant 0 : i32
    %dma_start3A_33 = tpu.memref_slice %arg6[%dma_start3A_28, %dma_start3A_32] : memref<4x128xi32, #tpu.memory_space<vmem>> -> memref<1x128xi32, #tpu.memory_space<vmem>>
    %dma_start3A_34 = tpu.memref_squeeze %dma_start3A_33 : memref<1x128xi32, #tpu.memory_space<vmem>> -> memref<128xi32, #tpu.memory_space<vmem>>
    %dma_start3A_35 = arith.constant 0 : i32
    %dma_start3A_36 = arith.constant 0 : i32
    %dma_start3A_37 = tpu.memref_slice %arg4[%dma_start3A_35, %dma_start3A_36] : memref<102400x32xf32, #tpu.memory_space<hbm>> -> memref<102400x32xf32, #tpu.memory_space<hbm>>
    tpu.enqueue_indirect_dma source(%dma_start3A_37 : memref<102400x32xf32, #tpu.memory_space<hbm>>) target(%dma_start3A_31 : memref<128x32xf32, #tpu.memory_space<vmem>>) offsets(%dma_start3A_34 : memref<128xi32, #tpu.memory_space<vmem>>) semaphore(%arg15 : memref<!tpu.dma_semaphore, #tpu.memory_space<semaphore_mem>>)
    %dma_start3A_38 = arith.constant 3 : i32
    %dma_start3A_39 = arith.constant 384 : i32
    %dma_start3A_40 = arith.constant 0 : i32
    %dma_start3A_41 = tpu.memref_slice %arg10[%dma_start3A_39, %dma_start3A_40] : memref<512x32xf32, #tpu.memory_space<vmem>> -> memref<128x32xf32, #tpu.memory_space<vmem>>
    %dma_start3A_42 = arith.constant 0 : i32
    %dma_start3A_43 = tpu.memref_slice %arg6[%dma_start3A_38, %dma_start3A_42] : memref<4x128xi32, #tpu.memory_space<vmem>> -> memref<1x128xi32, #tpu.memory_space<vmem>>
    %dma_start3A_44 = tpu.memref_squeeze %dma_start3A_43 : memref<1x128xi32, #tpu.memory_space<vmem>> -> memref<128xi32, #tpu.memory_space<vmem>>
    %dma_start3A_45 = arith.constant 0 : i32
    %dma_start3A_46 = arith.constant 0 : i32
    %dma_start3A_47 = tpu.memref_slice %arg4[%dma_start3A_45, %dma_start3A_46] : memref<102400x32xf32, #tpu.memory_space<hbm>> -> memref<102400x32xf32, #tpu.memory_space<hbm>>
    tpu.enqueue_indirect_dma source(%dma_start3A_47 : memref<102400x32xf32, #tpu.memory_space<hbm>>) target(%dma_start3A_41 : memref<128x32xf32, #tpu.memory_space<vmem>>) offsets(%dma_start3A_44 : memref<128xi32, #tpu.memory_space<vmem>>) semaphore(%arg16 : memref<!tpu.dma_semaphore, #tpu.memory_space<semaphore_mem>>)
    %scan3A = arith.constant 0 : i32
    %scan3A_48 = arith.constant 0 : i32
    %scan3A_49 = arith.constant 64 : i32
    %scan3A_50 = arith.addi %scan3A_48, %scan3A_49 : i32
    %scan3A_51 = arith.constant 1 : i32
    %scan3A_52 = scf.for %scan3A_76 = %scan3A_48 to %scan3A_50 step %scan3A_51 iter_args(%scan3A_77 = %scan3A) -> (i32)  : i32 {
      %broadcast_in_dim3A = arith.constant 0.000000e+00 : f32
      %broadcast_in_dim3A_78 = vector.broadcast %broadcast_in_dim3A : f32 to vector<16xf32>
      %swap3A = arith.index_cast %scan3A_76 : i32 to index
      %swap3A_79 = arith.constant 0 : index
      %swap3A_80 = tpu.vector_load %arg11[%swap3A, %swap3A_79] {strides = array<i32>} : memref<64x32xf32, #tpu.memory_space<vmem>>, vector<1x16xf32>,
      %swap3A_81 = vector.shape_cast %swap3A_80 : vector<1x16xf32> to vector<16xf32>
      %swap3A_82 = vector.shape_cast %broadcast_in_dim3A_78 : vector<16xf32> to vector<1x16xf32>
      tpu.vector_store %arg11[%swap3A, %swap3A_79], %swap3A_82 {strides = array<i32>} : memref<64x32xf32, #tpu.memory_space<vmem>>, vector<1x16xf32>,
      %broadcast_in_dim3A_83 = arith.constant 0.000000e+00 : f32
      %broadcast_in_dim3A_84 = vector.broadcast %broadcast_in_dim3A_83 : f32 to vector<16xf32>
      %swap3A_85 = arith.index_cast %scan3A_76 : i32 to index
      %swap3A_86 = arith.constant 16 : index
      %swap3A_87 = tpu.vector_load %arg11[%swap3A_85, %swap3A_86] {strides = array<i32>} : memref<64x32xf32, #tpu.memory_space<vmem>>, vector<1x16xf32>,
      %swap3A_88 = vector.shape_cast %swap3A_87 : vector<1x16xf32> to vector<16xf32>
      %swap3A_89 = vector.shape_cast %broadcast_in_dim3A_84 : vector<16xf32> to vector<1x16xf32>
      tpu.vector_store %arg11[%swap3A_85, %swap3A_86], %swap3A_89 {strides = array<i32>} : memref<64x32xf32, #tpu.memory_space<vmem>>, vector<1x16xf32>,
      %scan3A_90 = arith.constant 0 : i32
      scf.yield %scan3A_90 : i32
    }
    %scan3A_53 = arith.constant 64 : i32
    %scan3A_54 = arith.constant 0 : i32
    %scan3A_55 = arith.constant 0 : i32
    %scan3A_56 = arith.constant 52 : i32
    %scan3A_57 = arith.addi %scan3A_55, %scan3A_56 : i32
    %scan3A_58 = arith.constant 1 : i32
    %scan3A_59 = scf.for %scan3A_76 = %scan3A_55 to %scan3A_57 step %scan3A_58 iter_args(%scan3A_77 = %scan3A_54) -> (i32)  : i32 {
      %mul3A_78 = arith.constant 3328 : i32
      %mul3A_79 = arith.muli %arg1, %mul3A_78 : i32
      %mul3A_80 = arith.constant 64 : i32
      %mul3A_81 = arith.muli %scan3A_76, %mul3A_80 : i32
      %add3A_82 = arith.addi %mul3A_79, %mul3A_81 : i32
      "tpu.region"() ({
        %run_scoped3A = tpu.sem_alloc : memref<!tpu.dma_semaphore, #tpu.memory_space<semaphore_mem>>
        %dma_start3A_84 = arith.constant 0 : i32
        %dma_start3A_85 = tpu.memref_slice %arg12[%add3A_82, %dma_start3A_84] : memref<53248x32xf32, #tpu.memory_space<vmem_shared>> -> memref<64x32xf32, #tpu.memory_space<vmem_shared>>
        %dma_start3A_86 = arith.constant 0 : i32
        %dma_start3A_87 = tpu.memref_slice %arg12[%add3A_82, %dma_start3A_86] : memref<53248x32xf32, #tpu.memory_space<vmem_shared>> -> memref<64x32xf32, #tpu.memory_space<vmem_shared>>
        tpu.enqueue_dma source(%arg11 : memref<64x32xf32, #tpu.memory_space<vmem>>) target(%dma_start3A_87 : memref<64x32xf32, #tpu.memory_space<vmem_shared>>) target_semaphore(%run_scoped3A : memref<!tpu.dma_semaphore, #tpu.memory_space<semaphore_mem>>)
        %dma_wait3A = arith.constant 0 : i32
        %dma_wait3A_88 = tpu.memref_slice %arg12[%add3A_82, %dma_wait3A] : memref<53248x32xf32, #tpu.memory_space<vmem_shared>> -> memref<64x32xf32, #tpu.memory_space<vmem_shared>>
        %dma_wait3A_89 = arith.constant 0 : i32
        %dma_wait3A_90 = tpu.memref_slice %arg12[%add3A_82, %dma_wait3A_89] : memref<53248x32xf32, #tpu.memory_space<vmem_shared>> -> memref<64x32xf32, #tpu.memory_space<vmem_shared>>
        tpu.wait_dma2 semaphore(%run_scoped3A : memref<!tpu.dma_semaphore, #tpu.memory_space<semaphore_mem>>) src(%arg11 : memref<64x32xf32, #tpu.memory_space<vmem>>) dst(%dma_wait3A_90 : memref<64x32xf32, #tpu.memory_space<vmem_shared>>)
        tpu.yield
      }) : () -> ()
      %scan3A_83 = arith.constant 0 : i32
      scf.yield %scan3A_83 : i32
    }
    %scan3A_60 = arith.constant 52 : i32
    %barrier3A = arith.constant 0 : index
    tpu.barrier barrier_id(%barrier3A)
    %scan3A_61 = arith.constant 0 : i32
    %scan3A_62 = arith.constant 0 : i32
    %scan3A_63 = arith.constant 50 : i32
    %scan3A_64 = arith.addi %scan3A_62, %scan3A_63 : i32
    %scan3A_65 = arith.constant 1 : i32
    %scan3A_66 = scf.for %scan3A_76 = %scan3A_62 to %scan3A_64 step %scan3A_65 iter_args(%scan3A_77 = %scan3A_61) -> (i32)  : i32 {
      %mul3A_78 = arith.constant 2 : i32
      %mul3A_79 = arith.muli %mul3A_78, %scan3A_76 : i32
      %eq3A = arith.constant 49 : i32
      %eq3A_80 = arith.cmpi eq, %scan3A_76, %eq3A : i32
      %add3A_81 = arith.constant 1 : i32
      %add3A_82 = arith.addi %mul3A_79, %add3A_81 : i32
      %mul3A_83 = arith.constant 4 : i32
      %mul3A_84 = arith.muli %add3A_82, %mul3A_83 : i32
      %add3A_85 = arith.addi %mul3A_2, %mul3A_84 : i32
      "tpu.region"() ({
        %run_scoped3A = tpu.sem_alloc : memref<!tpu.dma_semaphore, #tpu.memory_space<semaphore_mem>>
        %dma_start3A_391 = arith.constant 0 : i32
        %dma_start3A_392 = tpu.memref_slice %arg2[%add3A_85, %dma_start3A_391] : memref<12800x128xi32, #tpu.memory_space<hbm>> -> memref<4x128xi32, #tpu.memory_space<hbm>>
        %dma_start3A_393 = arith.constant 0 : i32
        %dma_start3A_394 = tpu.memref_slice %arg2[%add3A_85, %dma_start3A_393] : memref<12800x128xi32, #tpu.memory_space<hbm>> -> memref<4x128xi32, #tpu.memory_space<hbm>>
        tpu.enqueue_dma source(%dma_start3A_394 : memref<4x128xi32, #tpu.memory_space<hbm>>) target(%arg8 : memref<4x128xi32, #tpu.memory_space<vmem>>) target_semaphore(%run_scoped3A : memref<!tpu.dma_semaphore, #tpu.memory_space<semaphore_mem>>)
        %dma_wait3A_395 = arith.constant 0 : i32
        %dma_wait3A_396 = tpu.memref_slice %arg2[%add3A_85, %dma_wait3A_395] : memref<12800x128xi32, #tpu.memory_space<hbm>> -> memref<4x128xi32, #tpu.memory_space<hbm>>
        %dma_wait3A_397 = arith.constant 0 : i32
        %dma_wait3A_398 = tpu.memref_slice %arg2[%add3A_85, %dma_wait3A_397] : memref<12800x128xi32, #tpu.memory_space<hbm>> -> memref<4x128xi32, #tpu.memory_space<hbm>>
        tpu.wait_dma2 semaphore(%run_scoped3A : memref<!tpu.dma_semaphore, #tpu.memory_space<semaphore_mem>>) src(%dma_wait3A_398 : memref<4x128xi32, #tpu.memory_space<hbm>>) dst(%arg8 : memref<4x128xi32, #tpu.memory_space<vmem>>)
        tpu.yield
      }) : () -> ()
      %mul3A_86 = arith.constant 4 : i32
      %mul3A_87 = arith.muli %add3A_82, %mul3A_86 : i32
      %add3A_88 = arith.addi %mul3A_4, %mul3A_87 : i32
      "tpu.region"() ({
        %run_scoped3A = tpu.sem_alloc : memref<!tpu.dma_semaphore, #tpu.memory_space<semaphore_mem>>
        %dma_start3A_391 = arith.constant 0 : i32
        %dma_start3A_392 = tpu.memref_slice %arg3[%add3A_88, %dma_start3A_391] : memref<6400x128xi32, #tpu.memory_space<hbm>> -> memref<4x128xi32, #tpu.memory_space<hbm>>
        %dma_start3A_393 = arith.constant 0 : i32
        %dma_start3A_394 = tpu.memref_slice %arg3[%add3A_88, %dma_start3A_393] : memref<6400x128xi32, #tpu.memory_space<hbm>> -> memref<4x128xi32, #tpu.memory_space<hbm>>
        tpu.enqueue_dma source(%dma_start3A_394 : memref<4x128xi32, #tpu.memory_space<hbm>>) target(%arg9 : memref<4x128xi32, #tpu.memory_space<vmem>>) target_semaphore(%run_scoped3A : memref<!tpu.dma_semaphore, #tpu.memory_space<semaphore_mem>>)
        %dma_wait3A_395 = arith.constant 0 : i32
        %dma_wait3A_396 = tpu.memref_slice %arg3[%add3A_88, %dma_wait3A_395] : memref<6400x128xi32, #tpu.memory_space<hbm>> -> memref<4x128xi32, #tpu.memory_space<hbm>>
        %dma_wait3A_397 = arith.constant 0 : i32
        %dma_wait3A_398 = tpu.memref_slice %arg3[%add3A_88, %dma_wait3A_397] : memref<6400x128xi32, #tpu.memory_space<hbm>> -> memref<4x128xi32, #tpu.memory_space<hbm>>
        tpu.wait_dma2 semaphore(%run_scoped3A : memref<!tpu.dma_semaphore, #tpu.memory_space<semaphore_mem>>) src(%dma_wait3A_398 : memref<4x128xi32, #tpu.memory_space<hbm>>) dst(%arg9 : memref<4x128xi32, #tpu.memory_space<vmem>>)
        tpu.yield
      }) : () -> ()
      %dma_wait3A = arith.constant 0 : i32
      %dma_wait3A_89 = arith.constant 0 : i32
      %dma_wait3A_90 = arith.constant 0 : i32
      %dma_wait3A_91 = tpu.memref_slice %arg10[%dma_wait3A_89, %dma_wait3A_90] : memref<512x32xf32, #tpu.memory_space<vmem>> -> memref<128x32xf32, #tpu.memory_space<vmem>>
      %dma_wait3A_92 = arith.constant 0 : i32
      %dma_wait3A_93 = tpu.memref_slice %arg6[%dma_wait3A, %dma_wait3A_92] : memref<4x128xi32, #tpu.memory_space<vmem>> -> memref<1x128xi32, #tpu.memory_space<vmem>>
      %dma_wait3A_94 = tpu.memref_squeeze %dma_wait3A_93 : memref<1x128xi32, #tpu.memory_space<vmem>> -> memref<128xi32, #tpu.memory_space<vmem>>
      %dma_wait3A_95 = arith.constant 0 : i32
      %dma_wait3A_96 = arith.constant 0 : i32
      %dma_wait3A_97 = tpu.memref_slice %arg4[%dma_wait3A_95, %dma_wait3A_96] : memref<102400x32xf32, #tpu.memory_space<hbm>> -> memref<102400x32xf32, #tpu.memory_space<hbm>>
      tpu.wait_indirect_dma semaphore(%arg13 : memref<!tpu.dma_semaphore, #tpu.memory_space<semaphore_mem>>) src(%dma_wait3A_97 : memref<102400x32xf32, #tpu.memory_space<hbm>>) dst(%dma_wait3A_91 : memref<128x32xf32, #tpu.memory_space<vmem>>)
      %dma_start3A_98 = arith.constant 0 : i32
      %dma_start3A_99 = arith.constant 0 : i32
      %dma_start3A_100 = arith.constant 0 : i32
      %dma_start3A_101 = tpu.memref_slice %arg10[%dma_start3A_99, %dma_start3A_100] : memref<512x32xf32, #tpu.memory_space<vmem>> -> memref<128x32xf32, #tpu.memory_space<vmem>>
      %dma_start3A_102 = arith.constant 0 : i32
      %dma_start3A_103 = tpu.memref_slice %arg7[%dma_start3A_98, %dma_start3A_102] : memref<4x128xi32, #tpu.memory_space<vmem>> -> memref<1x128xi32, #tpu.memory_space<vmem>>
      %dma_start3A_104 = tpu.memref_squeeze %dma_start3A_103 : memref<1x128xi32, #tpu.memory_space<vmem>> -> memref<128xi32, #tpu.memory_space<vmem>>
      %dma_start3A_105 = arith.constant 0 : i32
      %dma_start3A_106 = arith.constant 0 : i32
      %dma_start3A_107 = tpu.memref_slice %arg12[%dma_start3A_105, %dma_start3A_106] : memref<53248x32xf32, #tpu.memory_space<vmem_shared>> -> memref<53248x32xf32, #tpu.memory_space<vmem_shared>>
      tpu.enqueue_indirect_dma source(%dma_start3A_101 : memref<128x32xf32, #tpu.memory_space<vmem>>) target(%dma_start3A_107 : memref<53248x32xf32, #tpu.memory_space<vmem_shared>>) offsets(%dma_start3A_104 : memref<128xi32, #tpu.memory_space<vmem>>) semaphore(%arg17 : memref<!tpu.dma_semaphore, #tpu.memory_space<semaphore_mem>>) {add = true}
      %dma_wait3A_108 = arith.constant 1 : i32
      %dma_wait3A_109 = arith.constant 128 : i32
      %dma_wait3A_110 = arith.constant 0 : i32
      %dma_wait3A_111 = tpu.memref_slice %arg10[%dma_wait3A_109, %dma_wait3A_110] : memref<512x32xf32, #tpu.memory_space<vmem>> -> memref<128x32xf32, #tpu.memory_space<vmem>>
      %dma_wait3A_112 = arith.constant 0 : i32
      %dma_wait3A_113 = tpu.memref_slice %arg6[%dma_wait3A_108, %dma_wait3A_112] : memref<4x128xi32, #tpu.memory_space<vmem>> -> memref<1x128xi32, #tpu.memory_space<vmem>>
      %dma_wait3A_114 = tpu.memref_squeeze %dma_wait3A_113 : memref<1x128xi32, #tpu.memory_space<vmem>> -> memref<128xi32, #tpu.memory_space<vmem>>
      %dma_wait3A_115 = arith.constant 0 : i32
      %dma_wait3A_116 = arith.constant 0 : i32
      %dma_wait3A_117 = tpu.memref_slice %arg4[%dma_wait3A_115, %dma_wait3A_116] : memref<102400x32xf32, #tpu.memory_space<hbm>> -> memref<102400x32xf32, #tpu.memory_space<hbm>>
      tpu.wait_indirect_dma semaphore(%arg14 : memref<!tpu.dma_semaphore, #tpu.memory_space<semaphore_mem>>) src(%dma_wait3A_117 : memref<102400x32xf32, #tpu.memory_space<hbm>>) dst(%dma_wait3A_111 : memref<128x32xf32, #tpu.memory_space<vmem>>)
      %dma_start3A_118 = arith.constant 1 : i32
      %dma_start3A_119 = arith.constant 128 : i32
      %dma_start3A_120 = arith.constant 0 : i32
      %dma_start3A_121 = tpu.memref_slice %arg10[%dma_start3A_119, %dma_start3A_120] : memref<512x32xf32, #tpu.memory_space<vmem>> -> memref<128x32xf32, #tpu.memory_space<vmem>>
      %dma_start3A_122 = arith.constant 0 : i32
      %dma_start3A_123 = tpu.memref_slice %arg7[%dma_start3A_118, %dma_start3A_122] : memref<4x128xi32, #tpu.memory_space<vmem>> -> memref<1x128xi32, #tpu.memory_space<vmem>>
      %dma_start3A_124 = tpu.memref_squeeze %dma_start3A_123 : memref<1x128xi32, #tpu.memory_space<vmem>> -> memref<128xi32, #tpu.memory_space<vmem>>
      %dma_start3A_125 = arith.constant 0 : i32
      %dma_start3A_126 = arith.constant 0 : i32
      %dma_start3A_127 = tpu.memref_slice %arg12[%dma_start3A_125, %dma_start3A_126] : memref<53248x32xf32, #tpu.memory_space<vmem_shared>> -> memref<53248x32xf32, #tpu.memory_space<vmem_shared>>
      tpu.enqueue_indirect_dma source(%dma_start3A_121 : memref<128x32xf32, #tpu.memory_space<vmem>>) target(%dma_start3A_127 : memref<53248x32xf32, #tpu.memory_space<vmem_shared>>) offsets(%dma_start3A_124 : memref<128xi32, #tpu.memory_space<vmem>>) semaphore(%arg18 : memref<!tpu.dma_semaphore, #tpu.memory_space<semaphore_mem>>) {add = true}
      %dma_wait3A_128 = arith.constant 2 : i32
      %dma_wait3A_129 = arith.constant 256 : i32
      %dma_wait3A_130 = arith.constant 0 : i32
      %dma_wait3A_131 = tpu.memref_slice %arg10[%dma_wait3A_129, %dma_wait3A_130] : memref<512x32xf32, #tpu.memory_space<vmem>> -> memref<128x32xf32, #tpu.memory_space<vmem>>
      %dma_wait3A_132 = arith.constant 0 : i32
      %dma_wait3A_133 = tpu.memref_slice %arg6[%dma_wait3A_128, %dma_wait3A_132] : memref<4x128xi32, #tpu.memory_space<vmem>> -> memref<1x128xi32, #tpu.memory_space<vmem>>
      %dma_wait3A_134 = tpu.memref_squeeze %dma_wait3A_133 : memref<1x128xi32, #tpu.memory_space<vmem>> -> memref<128xi32, #tpu.memory_space<vmem>>
      %dma_wait3A_135 = arith.constant 0 : i32
      %dma_wait3A_136 = arith.constant 0 : i32
      %dma_wait3A_137 = tpu.memref_slice %arg4[%dma_wait3A_135, %dma_wait3A_136] : memref<102400x32xf32, #tpu.memory_space<hbm>> -> memref<102400x32xf32, #tpu.memory_space<hbm>>
      tpu.wait_indirect_dma semaphore(%arg15 : memref<!tpu.dma_semaphore, #tpu.memory_space<semaphore_mem>>) src(%dma_wait3A_137 : memref<102400x32xf32, #tpu.memory_space<hbm>>) dst(%dma_wait3A_131 : memref<128x32xf32, #tpu.memory_space<vmem>>)
      %dma_start3A_138 = arith.constant 2 : i32
      %dma_start3A_139 = arith.constant 256 : i32
      %dma_start3A_140 = arith.constant 0 : i32
      %dma_start3A_141 = tpu.memref_slice %arg10[%dma_start3A_139, %dma_start3A_140] : memref<512x32xf32, #tpu.memory_space<vmem>> -> memref<128x32xf32, #tpu.memory_space<vmem>>
      %dma_start3A_142 = arith.constant 0 : i32
      %dma_start3A_143 = tpu.memref_slice %arg7[%dma_start3A_138, %dma_start3A_142] : memref<4x128xi32, #tpu.memory_space<vmem>> -> memref<1x128xi32, #tpu.memory_space<vmem>>
      %dma_start3A_144 = tpu.memref_squeeze %dma_start3A_143 : memref<1x128xi32, #tpu.memory_space<vmem>> -> memref<128xi32, #tpu.memory_space<vmem>>
      %dma_start3A_145 = arith.constant 0 : i32
      %dma_start3A_146 = arith.constant 0 : i32
      %dma_start3A_147 = tpu.memref_slice %arg12[%dma_start3A_145, %dma_start3A_146] : memref<53248x32xf32, #tpu.memory_space<vmem_shared>> -> memref<53248x32xf32, #tpu.memory_space<vmem_shared>>
      tpu.enqueue_indirect_dma source(%dma_start3A_141 : memref<128x32xf32, #tpu.memory_space<vmem>>) target(%dma_start3A_147 : memref<53248x32xf32, #tpu.memory_space<vmem_shared>>) offsets(%dma_start3A_144 : memref<128xi32, #tpu.memory_space<vmem>>) semaphore(%arg19 : memref<!tpu.dma_semaphore, #tpu.memory_space<semaphore_mem>>) {add = true}
      %dma_wait3A_148 = arith.constant 3 : i32
      %dma_wait3A_149 = arith.constant 384 : i32
      %dma_wait3A_150 = arith.constant 0 : i32
      %dma_wait3A_151 = tpu.memref_slice %arg10[%dma_wait3A_149, %dma_wait3A_150] : memref<512x32xf32, #tpu.memory_space<vmem>> -> memref<128x32xf32, #tpu.memory_space<vmem>>
      %dma_wait3A_152 = arith.constant 0 : i32
      %dma_wait3A_153 = tpu.memref_slice %arg6[%dma_wait3A_148, %dma_wait3A_152] : memref<4x128xi32, #tpu.memory_space<vmem>> -> memref<1x128xi32, #tpu.memory_space<vmem>>
      %dma_wait3A_154 = tpu.memref_squeeze %dma_wait3A_153 : memref<1x128xi32, #tpu.memory_space<vmem>> -> memref<128xi32, #tpu.memory_space<vmem>>
      %dma_wait3A_155 = arith.constant 0 : i32
      %dma_wait3A_156 = arith.constant 0 : i32
      %dma_wait3A_157 = tpu.memref_slice %arg4[%dma_wait3A_155, %dma_wait3A_156] : memref<102400x32xf32, #tpu.memory_space<hbm>> -> memref<102400x32xf32, #tpu.memory_space<hbm>>
      tpu.wait_indirect_dma semaphore(%arg16 : memref<!tpu.dma_semaphore, #tpu.memory_space<semaphore_mem>>) src(%dma_wait3A_157 : memref<102400x32xf32, #tpu.memory_space<hbm>>) dst(%dma_wait3A_151 : memref<128x32xf32, #tpu.memory_space<vmem>>)
      %dma_start3A_158 = arith.constant 3 : i32
      %dma_start3A_159 = arith.constant 384 : i32
      %dma_start3A_160 = arith.constant 0 : i32
      %dma_start3A_161 = tpu.memref_slice %arg10[%dma_start3A_159, %dma_start3A_160] : memref<512x32xf32, #tpu.memory_space<vmem>> -> memref<128x32xf32, #tpu.memory_space<vmem>>
      %dma_start3A_162 = arith.constant 0 : i32
      %dma_start3A_163 = tpu.memref_slice %arg7[%dma_start3A_158, %dma_start3A_162] : memref<4x128xi32, #tpu.memory_space<vmem>> -> memref<1x128xi32, #tpu.memory_space<vmem>>
      %dma_start3A_164 = tpu.memref_squeeze %dma_start3A_163 : memref<1x128xi32, #tpu.memory_space<vmem>> -> memref<128xi32, #tpu.memory_space<vmem>>
      %dma_start3A_165 = arith.constant 0 : i32
      %dma_start3A_166 = arith.constant 0 : i32
      %dma_start3A_167 = tpu.memref_slice %arg12[%dma_start3A_165, %dma_start3A_166] : memref<53248x32xf32, #tpu.memory_space<vmem_shared>> -> memref<53248x32xf32, #tpu.memory_space<vmem_shared>>
      tpu.enqueue_indirect_dma source(%dma_start3A_161 : memref<128x32xf32, #tpu.memory_space<vmem>>) target(%dma_start3A_167 : memref<53248x32xf32, #tpu.memory_space<vmem_shared>>) offsets(%dma_start3A_164 : memref<128xi32, #tpu.memory_space<vmem>>) semaphore(%arg20 : memref<!tpu.dma_semaphore, #tpu.memory_space<semaphore_mem>>) {add = true}
      %dma_wait3A_168 = arith.constant 0 : i32
      %dma_wait3A_169 = arith.constant 0 : i32
      %dma_wait3A_170 = arith.constant 0 : i32
      %dma_wait3A_171 = tpu.memref_slice %arg10[%dma_wait3A_169, %dma_wait3A_170] : memref<512x32xf32, #tpu.memory_space<vmem>> -> memref<128x32xf32, #tpu.memory_space<vmem>>
      %dma_wait3A_172 = arith.constant 0 : i32
      %dma_wait3A_173 = tpu.memref_slice %arg7[%dma_wait3A_168, %dma_wait3A_172] : memref<4x128xi32, #tpu.memory_space<vmem>> -> memref<1x128xi32, #tpu.memory_space<vmem>>
      %dma_wait3A_174 = tpu.memref_squeeze %dma_wait3A_173 : memref<1x128xi32, #tpu.memory_space<vmem>> -> memref<128xi32, #tpu.memory_space<vmem>>
      %dma_wait3A_175 = arith.constant 0 : i32
      %dma_wait3A_176 = arith.constant 0 : i32
      %dma_wait3A_177 = tpu.memref_slice %arg12[%dma_wait3A_175, %dma_wait3A_176] : memref<53248x32xf32, #tpu.memory_space<vmem_shared>> -> memref<53248x32xf32, #tpu.memory_space<vmem_shared>>
      tpu.wait_indirect_dma semaphore(%arg17 : memref<!tpu.dma_semaphore, #tpu.memory_space<semaphore_mem>>) src(%dma_wait3A_171 : memref<128x32xf32, #tpu.memory_space<vmem>>) dst(%dma_wait3A_177 : memref<53248x32xf32, #tpu.memory_space<vmem_shared>>)
      %dma_start3A_178 = arith.constant 0 : i32
      %dma_start3A_179 = arith.constant 0 : i32
      %dma_start3A_180 = arith.constant 0 : i32
      %dma_start3A_181 = tpu.memref_slice %arg10[%dma_start3A_179, %dma_start3A_180] : memref<512x32xf32, #tpu.memory_space<vmem>> -> memref<128x32xf32, #tpu.memory_space<vmem>>
      %dma_start3A_182 = arith.constant 0 : i32
      %dma_start3A_183 = tpu.memref_slice %arg8[%dma_start3A_178, %dma_start3A_182] : memref<4x128xi32, #tpu.memory_space<vmem>> -> memref<1x128xi32, #tpu.memory_space<vmem>>
      %dma_start3A_184 = tpu.memref_squeeze %dma_start3A_183 : memref<1x128xi32, #tpu.memory_space<vmem>> -> memref<128xi32, #tpu.memory_space<vmem>>
      %dma_start3A_185 = arith.constant 0 : i32
      %dma_start3A_186 = arith.constant 0 : i32
      %dma_start3A_187 = tpu.memref_slice %arg4[%dma_start3A_185, %dma_start3A_186] : memref<102400x32xf32, #tpu.memory_space<hbm>> -> memref<102400x32xf32, #tpu.memory_space<hbm>>
      tpu.enqueue_indirect_dma source(%dma_start3A_187 : memref<102400x32xf32, #tpu.memory_space<hbm>>) target(%dma_start3A_181 : memref<128x32xf32, #tpu.memory_space<vmem>>) offsets(%dma_start3A_184 : memref<128xi32, #tpu.memory_space<vmem>>) semaphore(%arg13 : memref<!tpu.dma_semaphore, #tpu.memory_space<semaphore_mem>>)
      %dma_wait3A_188 = arith.constant 1 : i32
      %dma_wait3A_189 = arith.constant 128 : i32
      %dma_wait3A_190 = arith.constant 0 : i32
      %dma_wait3A_191 = tpu.memref_slice %arg10[%dma_wait3A_189, %dma_wait3A_190] : memref<512x32xf32, #tpu.memory_space<vmem>> -> memref<128x32xf32, #tpu.memory_space<vmem>>
      %dma_wait3A_192 = arith.constant 0 : i32
      %dma_wait3A_193 = tpu.memref_slice %arg7[%dma_wait3A_188, %dma_wait3A_192] : memref<4x128xi32, #tpu.memory_space<vmem>> -> memref<1x128xi32, #tpu.memory_space<vmem>>
      %dma_wait3A_194 = tpu.memref_squeeze %dma_wait3A_193 : memref<1x128xi32, #tpu.memory_space<vmem>> -> memref<128xi32, #tpu.memory_space<vmem>>
      %dma_wait3A_195 = arith.constant 0 : i32
      %dma_wait3A_196 = arith.constant 0 : i32
      %dma_wait3A_197 = tpu.memref_slice %arg12[%dma_wait3A_195, %dma_wait3A_196] : memref<53248x32xf32, #tpu.memory_space<vmem_shared>> -> memref<53248x32xf32, #tpu.memory_space<vmem_shared>>
      tpu.wait_indirect_dma semaphore(%arg18 : memref<!tpu.dma_semaphore, #tpu.memory_space<semaphore_mem>>) src(%dma_wait3A_191 : memref<128x32xf32, #tpu.memory_space<vmem>>) dst(%dma_wait3A_197 : memref<53248x32xf32, #tpu.memory_space<vmem_shared>>)
      %dma_start3A_198 = arith.constant 1 : i32
      %dma_start3A_199 = arith.constant 128 : i32
      %dma_start3A_200 = arith.constant 0 : i32
      %dma_start3A_201 = tpu.memref_slice %arg10[%dma_start3A_199, %dma_start3A_200] : memref<512x32xf32, #tpu.memory_space<vmem>> -> memref<128x32xf32, #tpu.memory_space<vmem>>
      %dma_start3A_202 = arith.constant 0 : i32
      %dma_start3A_203 = tpu.memref_slice %arg8[%dma_start3A_198, %dma_start3A_202] : memref<4x128xi32, #tpu.memory_space<vmem>> -> memref<1x128xi32, #tpu.memory_space<vmem>>
      %dma_start3A_204 = tpu.memref_squeeze %dma_start3A_203 : memref<1x128xi32, #tpu.memory_space<vmem>> -> memref<128xi32, #tpu.memory_space<vmem>>
      %dma_start3A_205 = arith.constant 0 : i32
      %dma_start3A_206 = arith.constant 0 : i32
      %dma_start3A_207 = tpu.memref_slice %arg4[%dma_start3A_205, %dma_start3A_206] : memref<102400x32xf32, #tpu.memory_space<hbm>> -> memref<102400x32xf32, #tpu.memory_space<hbm>>
      tpu.enqueue_indirect_dma source(%dma_start3A_207 : memref<102400x32xf32, #tpu.memory_space<hbm>>) target(%dma_start3A_201 : memref<128x32xf32, #tpu.memory_space<vmem>>) offsets(%dma_start3A_204 : memref<128xi32, #tpu.memory_space<vmem>>) semaphore(%arg14 : memref<!tpu.dma_semaphore, #tpu.memory_space<semaphore_mem>>)
      %dma_wait3A_208 = arith.constant 2 : i32
      %dma_wait3A_209 = arith.constant 256 : i32
      %dma_wait3A_210 = arith.constant 0 : i32
      %dma_wait3A_211 = tpu.memref_slice %arg10[%dma_wait3A_209, %dma_wait3A_210] : memref<512x32xf32, #tpu.memory_space<vmem>> -> memref<128x32xf32, #tpu.memory_space<vmem>>
      %dma_wait3A_212 = arith.constant 0 : i32
      %dma_wait3A_213 = tpu.memref_slice %arg7[%dma_wait3A_208, %dma_wait3A_212] : memref<4x128xi32, #tpu.memory_space<vmem>> -> memref<1x128xi32, #tpu.memory_space<vmem>>
      %dma_wait3A_214 = tpu.memref_squeeze %dma_wait3A_213 : memref<1x128xi32, #tpu.memory_space<vmem>> -> memref<128xi32, #tpu.memory_space<vmem>>
      %dma_wait3A_215 = arith.constant 0 : i32
      %dma_wait3A_216 = arith.constant 0 : i32
      %dma_wait3A_217 = tpu.memref_slice %arg12[%dma_wait3A_215, %dma_wait3A_216] : memref<53248x32xf32, #tpu.memory_space<vmem_shared>> -> memref<53248x32xf32, #tpu.memory_space<vmem_shared>>
      tpu.wait_indirect_dma semaphore(%arg19 : memref<!tpu.dma_semaphore, #tpu.memory_space<semaphore_mem>>) src(%dma_wait3A_211 : memref<128x32xf32, #tpu.memory_space<vmem>>) dst(%dma_wait3A_217 : memref<53248x32xf32, #tpu.memory_space<vmem_shared>>)
      %dma_start3A_218 = arith.constant 2 : i32
      %dma_start3A_219 = arith.constant 256 : i32
      %dma_start3A_220 = arith.constant 0 : i32
      %dma_start3A_221 = tpu.memref_slice %arg10[%dma_start3A_219, %dma_start3A_220] : memref<512x32xf32, #tpu.memory_space<vmem>> -> memref<128x32xf32, #tpu.memory_space<vmem>>
      %dma_start3A_222 = arith.constant 0 : i32
      %dma_start3A_223 = tpu.memref_slice %arg8[%dma_start3A_218, %dma_start3A_222] : memref<4x128xi32, #tpu.memory_space<vmem>> -> memref<1x128xi32, #tpu.memory_space<vmem>>
      %dma_start3A_224 = tpu.memref_squeeze %dma_start3A_223 : memref<1x128xi32, #tpu.memory_space<vmem>> -> memref<128xi32, #tpu.memory_space<vmem>>
      %dma_start3A_225 = arith.constant 0 : i32
      %dma_start3A_226 = arith.constant 0 : i32
      %dma_start3A_227 = tpu.memref_slice %arg4[%dma_start3A_225, %dma_start3A_226] : memref<102400x32xf32, #tpu.memory_space<hbm>> -> memref<102400x32xf32, #tpu.memory_space<hbm>>
      tpu.enqueue_indirect_dma source(%dma_start3A_227 : memref<102400x32xf32, #tpu.memory_space<hbm>>) target(%dma_start3A_221 : memref<128x32xf32, #tpu.memory_space<vmem>>) offsets(%dma_start3A_224 : memref<128xi32, #tpu.memory_space<vmem>>) semaphore(%arg15 : memref<!tpu.dma_semaphore, #tpu.memory_space<semaphore_mem>>)
      %dma_wait3A_228 = arith.constant 3 : i32
      %dma_wait3A_229 = arith.constant 384 : i32
      %dma_wait3A_230 = arith.constant 0 : i32
      %dma_wait3A_231 = tpu.memref_slice %arg10[%dma_wait3A_229, %dma_wait3A_230] : memref<512x32xf32, #tpu.memory_space<vmem>> -> memref<128x32xf32, #tpu.memory_space<vmem>>
      %dma_wait3A_232 = arith.constant 0 : i32
      %dma_wait3A_233 = tpu.memref_slice %arg7[%dma_wait3A_228, %dma_wait3A_232] : memref<4x128xi32, #tpu.memory_space<vmem>> -> memref<1x128xi32, #tpu.memory_space<vmem>>
      %dma_wait3A_234 = tpu.memref_squeeze %dma_wait3A_233 : memref<1x128xi32, #tpu.memory_space<vmem>> -> memref<128xi32, #tpu.memory_space<vmem>>
      %dma_wait3A_235 = arith.constant 0 : i32
      %dma_wait3A_236 = arith.constant 0 : i32
      %dma_wait3A_237 = tpu.memref_slice %arg12[%dma_wait3A_235, %dma_wait3A_236] : memref<53248x32xf32, #tpu.memory_space<vmem_shared>> -> memref<53248x32xf32, #tpu.memory_space<vmem_shared>>
      tpu.wait_indirect_dma semaphore(%arg20 : memref<!tpu.dma_semaphore, #tpu.memory_space<semaphore_mem>>) src(%dma_wait3A_231 : memref<128x32xf32, #tpu.memory_space<vmem>>) dst(%dma_wait3A_237 : memref<53248x32xf32, #tpu.memory_space<vmem_shared>>)
      %dma_start3A_238 = arith.constant 3 : i32
      %dma_start3A_239 = arith.constant 384 : i32
      %dma_start3A_240 = arith.constant 0 : i32
      %dma_start3A_241 = tpu.memref_slice %arg10[%dma_start3A_239, %dma_start3A_240] : memref<512x32xf32, #tpu.memory_space<vmem>> -> memref<128x32xf32, #tpu.memory_space<vmem>>
      %dma_start3A_242 = arith.constant 0 : i32
      %dma_start3A_243 = tpu.memref_slice %arg8[%dma_start3A_238, %dma_start3A_242] : memref<4x128xi32, #tpu.memory_space<vmem>> -> memref<1x128xi32, #tpu.memory_space<vmem>>
      %dma_start3A_244 = tpu.memref_squeeze %dma_start3A_243 : memref<1x128xi32, #tpu.memory_space<vmem>> -> memref<128xi32, #tpu.memory_space<vmem>>
      %dma_start3A_245 = arith.constant 0 : i32
      %dma_start3A_246 = arith.constant 0 : i32
      %dma_start3A_247 = tpu.memref_slice %arg4[%dma_start3A_245, %dma_start3A_246] : memref<102400x32xf32, #tpu.memory_space<hbm>> -> memref<102400x32xf32, #tpu.memory_space<hbm>>
      tpu.enqueue_indirect_dma source(%dma_start3A_247 : memref<102400x32xf32, #tpu.memory_space<hbm>>) target(%dma_start3A_241 : memref<128x32xf32, #tpu.memory_space<vmem>>) offsets(%dma_start3A_244 : memref<128xi32, #tpu.memory_space<vmem>>) semaphore(%arg16 : memref<!tpu.dma_semaphore, #tpu.memory_space<semaphore_mem>>)
      %not3A = arith.constant true
      %not3A_248 = arith.xori %eq3A_80, %not3A : i1
      %convert_element_type3A = arith.extui %not3A_248 : i1 to i32
      %cond3A = arith.constant 0 : i32
      %cond3A_249 = arith.cmpi ne, %convert_element_type3A, %cond3A : i32
      scf.if %cond3A_249 {
        %add3A_391 = arith.constant 2 : i32
        %add3A_392 = arith.addi %mul3A_79, %add3A_391 : i32
        %mul3A_393 = arith.constant 4 : i32
        %mul3A_394 = arith.muli %add3A_392, %mul3A_393 : i32
        %add3A_395 = arith.addi %mul3A_2, %mul3A_394 : i32
        "tpu.region"() ({
          %run_scoped3A = tpu.sem_alloc : memref<!tpu.dma_semaphore, #tpu.memory_space<semaphore_mem>>
          %dma_start3A_399 = arith.constant 0 : i32
          %dma_start3A_400 = tpu.memref_slice %arg2[%add3A_395, %dma_start3A_399] : memref<12800x128xi32, #tpu.memory_space<hbm>> -> memref<4x128xi32, #tpu.memory_space<hbm>>
          %dma_start3A_401 = arith.constant 0 : i32
          %dma_start3A_402 = tpu.memref_slice %arg2[%add3A_395, %dma_start3A_401] : memref<12800x128xi32, #tpu.memory_space<hbm>> -> memref<4x128xi32, #tpu.memory_space<hbm>>
          tpu.enqueue_dma source(%dma_start3A_402 : memref<4x128xi32, #tpu.memory_space<hbm>>) target(%arg6 : memref<4x128xi32, #tpu.memory_space<vmem>>) target_semaphore(%run_scoped3A : memref<!tpu.dma_semaphore, #tpu.memory_space<semaphore_mem>>)
          %dma_wait3A_403 = arith.constant 0 : i32
          %dma_wait3A_404 = tpu.memref_slice %arg2[%add3A_395, %dma_wait3A_403] : memref<12800x128xi32, #tpu.memory_space<hbm>> -> memref<4x128xi32, #tpu.memory_space<hbm>>
          %dma_wait3A_405 = arith.constant 0 : i32
          %dma_wait3A_406 = tpu.memref_slice %arg2[%add3A_395, %dma_wait3A_405] : memref<12800x128xi32, #tpu.memory_space<hbm>> -> memref<4x128xi32, #tpu.memory_space<hbm>>
          tpu.wait_dma2 semaphore(%run_scoped3A : memref<!tpu.dma_semaphore, #tpu.memory_space<semaphore_mem>>) src(%dma_wait3A_406 : memref<4x128xi32, #tpu.memory_space<hbm>>) dst(%arg6 : memref<4x128xi32, #tpu.memory_space<vmem>>)
          tpu.yield
        }) : () -> ()
        %mul3A_396 = arith.constant 4 : i32
        %mul3A_397 = arith.muli %add3A_392, %mul3A_396 : i32
        %add3A_398 = arith.addi %mul3A_4, %mul3A_397 : i32
        "tpu.region"() ({
          %run_scoped3A = tpu.sem_alloc : memref<!tpu.dma_semaphore, #tpu.memory_space<semaphore_mem>>
          %dma_start3A_399 = arith.constant 0 : i32
          %dma_start3A_400 = tpu.memref_slice %arg3[%add3A_398, %dma_start3A_399] : memref<6400x128xi32, #tpu.memory_space<hbm>> -> memref<4x128xi32, #tpu.memory_space<hbm>>
          %dma_start3A_401 = arith.constant 0 : i32
          %dma_start3A_402 = tpu.memref_slice %arg3[%add3A_398, %dma_start3A_401] : memref<6400x128xi32, #tpu.memory_space<hbm>> -> memref<4x128xi32, #tpu.memory_space<hbm>>
          tpu.enqueue_dma source(%dma_start3A_402 : memref<4x128xi32, #tpu.memory_space<hbm>>) target(%arg7 : memref<4x128xi32, #tpu.memory_space<vmem>>) target_semaphore(%run_scoped3A : memref<!tpu.dma_semaphore, #tpu.memory_space<semaphore_mem>>)
          %dma_wait3A_403 = arith.constant 0 : i32
          %dma_wait3A_404 = tpu.memref_slice %arg3[%add3A_398, %dma_wait3A_403] : memref<6400x128xi32, #tpu.memory_space<hbm>> -> memref<4x128xi32, #tpu.memory_space<hbm>>
          %dma_wait3A_405 = arith.constant 0 : i32
          %dma_wait3A_406 = tpu.memref_slice %arg3[%add3A_398, %dma_wait3A_405] : memref<6400x128xi32, #tpu.memory_space<hbm>> -> memref<4x128xi32, #tpu.memory_space<hbm>>
          tpu.wait_dma2 semaphore(%run_scoped3A : memref<!tpu.dma_semaphore, #tpu.memory_space<semaphore_mem>>) src(%dma_wait3A_406 : memref<4x128xi32, #tpu.memory_space<hbm>>) dst(%arg7 : memref<4x128xi32, #tpu.memory_space<vmem>>)
          tpu.yield
        }) : () -> ()
      } else {
      }
      %dma_wait3A_250 = arith.constant 0 : i32
      %dma_wait3A_251 = arith.constant 0 : i32
      %dma_wait3A_252 = arith.constant 0 : i32
      %dma_wait3A_253 = tpu.memref_slice %arg10[%dma_wait3A_251, %dma_wait3A_252] : memref<512x32xf32, #tpu.memory_space<vmem>> -> memref<128x32xf32, #tpu.memory_space<vmem>>
      %dma_wait3A_254 = arith.constant 0 : i32
      %dma_wait3A_255 = tpu.memref_slice %arg8[%dma_wait3A_250, %dma_wait3A_254] : memref<4x128xi32, #tpu.memory_space<vmem>> -> memref<1x128xi32, #tpu.memory_space<vmem>>
      %dma_wait3A_256 = tpu.memref_squeeze %dma_wait3A_255 : memref<1x128xi32, #tpu.memory_space<vmem>> -> memref<128xi32, #tpu.memory_space<vmem>>
      %dma_wait3A_257 = arith.constant 0 : i32
      %dma_wait3A_258 = arith.constant 0 : i32
      %dma_wait3A_259 = tpu.memref_slice %arg4[%dma_wait3A_257, %dma_wait3A_258] : memref<102400x32xf32, #tpu.memory_space<hbm>> -> memref<102400x32xf32, #tpu.memory_space<hbm>>
      tpu.wait_indirect_dma semaphore(%arg13 : memref<!tpu.dma_semaphore, #tpu.memory_space<semaphore_mem>>) src(%dma_wait3A_259 : memref<102400x32xf32, #tpu.memory_space<hbm>>) dst(%dma_wait3A_253 : memref<128x32xf32, #tpu.memory_space<vmem>>)
      %dma_start3A_260 = arith.constant 0 : i32
      %dma_start3A_261 = arith.constant 0 : i32
      %dma_start3A_262 = arith.constant 0 : i32
      %dma_start3A_263 = tpu.memref_slice %arg10[%dma_start3A_261, %dma_start3A_262] : memref<512x32xf32, #tpu.memory_space<vmem>> -> memref<128x32xf32, #tpu.memory_space<vmem>>
      %dma_start3A_264 = arith.constant 0 : i32
      %dma_start3A_265 = tpu.memref_slice %arg9[%dma_start3A_260, %dma_start3A_264] : memref<4x128xi32, #tpu.memory_space<vmem>> -> memref<1x128xi32, #tpu.memory_space<vmem>>
      %dma_start3A_266 = tpu.memref_squeeze %dma_start3A_265 : memref<1x128xi32, #tpu.memory_space<vmem>> -> memref<128xi32, #tpu.memory_space<vmem>>
      %dma_start3A_267 = arith.constant 0 : i32
      %dma_start3A_268 = arith.constant 0 : i32
      %dma_start3A_269 = tpu.memref_slice %arg12[%dma_start3A_267, %dma_start3A_268] : memref<53248x32xf32, #tpu.memory_space<vmem_shared>> -> memref<53248x32xf32, #tpu.memory_space<vmem_shared>>
      tpu.enqueue_indirect_dma source(%dma_start3A_263 : memref<128x32xf32, #tpu.memory_space<vmem>>) target(%dma_start3A_269 : memref<53248x32xf32, #tpu.memory_space<vmem_shared>>) offsets(%dma_start3A_266 : memref<128xi32, #tpu.memory_space<vmem>>) semaphore(%arg17 : memref<!tpu.dma_semaphore, #tpu.memory_space<semaphore_mem>>) {add = true}
      %dma_wait3A_270 = arith.constant 1 : i32
      %dma_wait3A_271 = arith.constant 128 : i32
      %dma_wait3A_272 = arith.constant 0 : i32
      %dma_wait3A_273 = tpu.memref_slice %arg10[%dma_wait3A_271, %dma_wait3A_272] : memref<512x32xf32, #tpu.memory_space<vmem>> -> memref<128x32xf32, #tpu.memory_space<vmem>>
      %dma_wait3A_274 = arith.constant 0 : i32
      %dma_wait3A_275 = tpu.memref_slice %arg8[%dma_wait3A_270, %dma_wait3A_274] : memref<4x128xi32, #tpu.memory_space<vmem>> -> memref<1x128xi32, #tpu.memory_space<vmem>>
      %dma_wait3A_276 = tpu.memref_squeeze %dma_wait3A_275 : memref<1x128xi32, #tpu.memory_space<vmem>> -> memref<128xi32, #tpu.memory_space<vmem>>
      %dma_wait3A_277 = arith.constant 0 : i32
      %dma_wait3A_278 = arith.constant 0 : i32
      %dma_wait3A_279 = tpu.memref_slice %arg4[%dma_wait3A_277, %dma_wait3A_278] : memref<102400x32xf32, #tpu.memory_space<hbm>> -> memref<102400x32xf32, #tpu.memory_space<hbm>>
      tpu.wait_indirect_dma semaphore(%arg14 : memref<!tpu.dma_semaphore, #tpu.memory_space<semaphore_mem>>) src(%dma_wait3A_279 : memref<102400x32xf32, #tpu.memory_space<hbm>>) dst(%dma_wait3A_273 : memref<128x32xf32, #tpu.memory_space<vmem>>)
      %dma_start3A_280 = arith.constant 1 : i32
      %dma_start3A_281 = arith.constant 128 : i32
      %dma_start3A_282 = arith.constant 0 : i32
      %dma_start3A_283 = tpu.memref_slice %arg10[%dma_start3A_281, %dma_start3A_282] : memref<512x32xf32, #tpu.memory_space<vmem>> -> memref<128x32xf32, #tpu.memory_space<vmem>>
      %dma_start3A_284 = arith.constant 0 : i32
      %dma_start3A_285 = tpu.memref_slice %arg9[%dma_start3A_280, %dma_start3A_284] : memref<4x128xi32, #tpu.memory_space<vmem>> -> memref<1x128xi32, #tpu.memory_space<vmem>>
      %dma_start3A_286 = tpu.memref_squeeze %dma_start3A_285 : memref<1x128xi32, #tpu.memory_space<vmem>> -> memref<128xi32, #tpu.memory_space<vmem>>
      %dma_start3A_287 = arith.constant 0 : i32
      %dma_start3A_288 = arith.constant 0 : i32
      %dma_start3A_289 = tpu.memref_slice %arg12[%dma_start3A_287, %dma_start3A_288] : memref<53248x32xf32, #tpu.memory_space<vmem_shared>> -> memref<53248x32xf32, #tpu.memory_space<vmem_shared>>
      tpu.enqueue_indirect_dma source(%dma_start3A_283 : memref<128x32xf32, #tpu.memory_space<vmem>>) target(%dma_start3A_289 : memref<53248x32xf32, #tpu.memory_space<vmem_shared>>) offsets(%dma_start3A_286 : memref<128xi32, #tpu.memory_space<vmem>>) semaphore(%arg18 : memref<!tpu.dma_semaphore, #tpu.memory_space<semaphore_mem>>) {add = true}
      %dma_wait3A_290 = arith.constant 2 : i32
      %dma_wait3A_291 = arith.constant 256 : i32
      %dma_wait3A_292 = arith.constant 0 : i32
      %dma_wait3A_293 = tpu.memref_slice %arg10[%dma_wait3A_291, %dma_wait3A_292] : memref<512x32xf32, #tpu.memory_space<vmem>> -> memref<128x32xf32, #tpu.memory_space<vmem>>
      %dma_wait3A_294 = arith.constant 0 : i32
      %dma_wait3A_295 = tpu.memref_slice %arg8[%dma_wait3A_290, %dma_wait3A_294] : memref<4x128xi32, #tpu.memory_space<vmem>> -> memref<1x128xi32, #tpu.memory_space<vmem>>
      %dma_wait3A_296 = tpu.memref_squeeze %dma_wait3A_295 : memref<1x128xi32, #tpu.memory_space<vmem>> -> memref<128xi32, #tpu.memory_space<vmem>>
      %dma_wait3A_297 = arith.constant 0 : i32
      %dma_wait3A_298 = arith.constant 0 : i32
      %dma_wait3A_299 = tpu.memref_slice %arg4[%dma_wait3A_297, %dma_wait3A_298] : memref<102400x32xf32, #tpu.memory_space<hbm>> -> memref<102400x32xf32, #tpu.memory_space<hbm>>
      tpu.wait_indirect_dma semaphore(%arg15 : memref<!tpu.dma_semaphore, #tpu.memory_space<semaphore_mem>>) src(%dma_wait3A_299 : memref<102400x32xf32, #tpu.memory_space<hbm>>) dst(%dma_wait3A_293 : memref<128x32xf32, #tpu.memory_space<vmem>>)
      %dma_start3A_300 = arith.constant 2 : i32
      %dma_start3A_301 = arith.constant 256 : i32
      %dma_start3A_302 = arith.constant 0 : i32
      %dma_start3A_303 = tpu.memref_slice %arg10[%dma_start3A_301, %dma_start3A_302] : memref<512x32xf32, #tpu.memory_space<vmem>> -> memref<128x32xf32, #tpu.memory_space<vmem>>
      %dma_start3A_304 = arith.constant 0 : i32
      %dma_start3A_305 = tpu.memref_slice %arg9[%dma_start3A_300, %dma_start3A_304] : memref<4x128xi32, #tpu.memory_space<vmem>> -> memref<1x128xi32, #tpu.memory_space<vmem>>
      %dma_start3A_306 = tpu.memref_squeeze %dma_start3A_305 : memref<1x128xi32, #tpu.memory_space<vmem>> -> memref<128xi32, #tpu.memory_space<vmem>>
      %dma_start3A_307 = arith.constant 0 : i32
      %dma_start3A_308 = arith.constant 0 : i32
      %dma_start3A_309 = tpu.memref_slice %arg12[%dma_start3A_307, %dma_start3A_308] : memref<53248x32xf32, #tpu.memory_space<vmem_shared>> -> memref<53248x32xf32, #tpu.memory_space<vmem_shared>>
      tpu.enqueue_indirect_dma source(%dma_start3A_303 : memref<128x32xf32, #tpu.memory_space<vmem>>) target(%dma_start3A_309 : memref<53248x32xf32, #tpu.memory_space<vmem_shared>>) offsets(%dma_start3A_306 : memref<128xi32, #tpu.memory_space<vmem>>) semaphore(%arg19 : memref<!tpu.dma_semaphore, #tpu.memory_space<semaphore_mem>>) {add = true}
      %dma_wait3A_310 = arith.constant 3 : i32
      %dma_wait3A_311 = arith.constant 384 : i32
      %dma_wait3A_312 = arith.constant 0 : i32
      %dma_wait3A_313 = tpu.memref_slice %arg10[%dma_wait3A_311, %dma_wait3A_312] : memref<512x32xf32, #tpu.memory_space<vmem>> -> memref<128x32xf32, #tpu.memory_space<vmem>>
      %dma_wait3A_314 = arith.constant 0 : i32
      %dma_wait3A_315 = tpu.memref_slice %arg8[%dma_wait3A_310, %dma_wait3A_314] : memref<4x128xi32, #tpu.memory_space<vmem>> -> memref<1x128xi32, #tpu.memory_space<vmem>>
      %dma_wait3A_316 = tpu.memref_squeeze %dma_wait3A_315 : memref<1x128xi32, #tpu.memory_space<vmem>> -> memref<128xi32, #tpu.memory_space<vmem>>
      %dma_wait3A_317 = arith.constant 0 : i32
      %dma_wait3A_318 = arith.constant 0 : i32
      %dma_wait3A_319 = tpu.memref_slice %arg4[%dma_wait3A_317, %dma_wait3A_318] : memref<102400x32xf32, #tpu.memory_space<hbm>> -> memref<102400x32xf32, #tpu.memory_space<hbm>>
      tpu.wait_indirect_dma semaphore(%arg16 : memref<!tpu.dma_semaphore, #tpu.memory_space<semaphore_mem>>) src(%dma_wait3A_319 : memref<102400x32xf32, #tpu.memory_space<hbm>>) dst(%dma_wait3A_313 : memref<128x32xf32, #tpu.memory_space<vmem>>)
      %dma_start3A_320 = arith.constant 3 : i32
      %dma_start3A_321 = arith.constant 384 : i32
      %dma_start3A_322 = arith.constant 0 : i32
      %dma_start3A_323 = tpu.memref_slice %arg10[%dma_start3A_321, %dma_start3A_322] : memref<512x32xf32, #tpu.memory_space<vmem>> -> memref<128x32xf32, #tpu.memory_space<vmem>>
      %dma_start3A_324 = arith.constant 0 : i32
      %dma_start3A_325 = tpu.memref_slice %arg9[%dma_start3A_320, %dma_start3A_324] : memref<4x128xi32, #tpu.memory_space<vmem>> -> memref<1x128xi32, #tpu.memory_space<vmem>>
      %dma_start3A_326 = tpu.memref_squeeze %dma_start3A_325 : memref<1x128xi32, #tpu.memory_space<vmem>> -> memref<128xi32, #tpu.memory_space<vmem>>
      %dma_start3A_327 = arith.constant 0 : i32
      %dma_start3A_328 = arith.constant 0 : i32
      %dma_start3A_329 = tpu.memref_slice %arg12[%dma_start3A_327, %dma_start3A_328] : memref<53248x32xf32, #tpu.memory_space<vmem_shared>> -> memref<53248x32xf32, #tpu.memory_space<vmem_shared>>
      tpu.enqueue_indirect_dma source(%dma_start3A_323 : memref<128x32xf32, #tpu.memory_space<vmem>>) target(%dma_start3A_329 : memref<53248x32xf32, #tpu.memory_space<vmem_shared>>) offsets(%dma_start3A_326 : memref<128xi32, #tpu.memory_space<vmem>>) semaphore(%arg20 : memref<!tpu.dma_semaphore, #tpu.memory_space<semaphore_mem>>) {add = true}
      %dma_wait3A_330 = arith.constant 0 : i32
      %dma_wait3A_331 = arith.constant 0 : i32
      %dma_wait3A_332 = arith.constant 0 : i32
      %dma_wait3A_333 = tpu.memref_slice %arg10[%dma_wait3A_331, %dma_wait3A_332] : memref<512x32xf32, #tpu.memory_space<vmem>> -> memref<128x32xf32, #tpu.memory_space<vmem>>
      %dma_wait3A_334 = arith.constant 0 : i32
      %dma_wait3A_335 = tpu.memref_slice %arg9[%dma_wait3A_330, %dma_wait3A_334] : memref<4x128xi32, #tpu.memory_space<vmem>> -> memref<1x128xi32, #tpu.memory_space<vmem>>
      %dma_wait3A_336 = tpu.memref_squeeze %dma_wait3A_335 : memref<1x128xi32, #tpu.memory_space<vmem>> -> memref<128xi32, #tpu.memory_space<vmem>>
      %dma_wait3A_337 = arith.constant 0 : i32
      %dma_wait3A_338 = arith.constant 0 : i32
      %dma_wait3A_339 = tpu.memref_slice %arg12[%dma_wait3A_337, %dma_wait3A_338] : memref<53248x32xf32, #tpu.memory_space<vmem_shared>> -> memref<53248x32xf32, #tpu.memory_space<vmem_shared>>
      tpu.wait_indirect_dma semaphore(%arg17 : memref<!tpu.dma_semaphore, #tpu.memory_space<semaphore_mem>>) src(%dma_wait3A_333 : memref<128x32xf32, #tpu.memory_space<vmem>>) dst(%dma_wait3A_339 : memref<53248x32xf32, #tpu.memory_space<vmem_shared>>)
      %not3A_340 = arith.constant true
      %not3A_341 = arith.xori %eq3A_80, %not3A_340 : i1
      %convert_element_type3A_342 = arith.extui %not3A_341 : i1 to i32
      %cond3A_343 = arith.constant 0 : i32
      %cond3A_344 = arith.cmpi ne, %convert_element_type3A_342, %cond3A_343 : i32
      scf.if %cond3A_344 {
        %dma_start3A_391 = arith.constant 0 : i32
        %dma_start3A_392 = arith.constant 0 : i32
        %dma_start3A_393 = arith.constant 0 : i32
        %dma_start3A_394 = tpu.memref_slice %arg10[%dma_start3A_392, %dma_start3A_393] : memref<512x32xf32, #tpu.memory_space<vmem>> -> memref<128x32xf32, #tpu.memory_space<vmem>>
        %dma_start3A_395 = arith.constant 0 : i32
        %dma_start3A_396 = tpu.memref_slice %arg6[%dma_start3A_391, %dma_start3A_395] : memref<4x128xi32, #tpu.memory_space<vmem>> -> memref<1x128xi32, #tpu.memory_space<vmem>>
        %dma_start3A_397 = tpu.memref_squeeze %dma_start3A_396 : memref<1x128xi32, #tpu.memory_space<vmem>> -> memref<128xi32, #tpu.memory_space<vmem>>
        %dma_start3A_398 = arith.constant 0 : i32
        %dma_start3A_399 = arith.constant 0 : i32
        %dma_start3A_400 = tpu.memref_slice %arg4[%dma_start3A_398, %dma_start3A_399] : memref<102400x32xf32, #tpu.memory_space<hbm>> -> memref<102400x32xf32, #tpu.memory_space<hbm>>
        tpu.enqueue_indirect_dma source(%dma_start3A_400 : memref<102400x32xf32, #tpu.memory_space<hbm>>) target(%dma_start3A_394 : memref<128x32xf32, #tpu.memory_space<vmem>>) offsets(%dma_start3A_397 : memref<128xi32, #tpu.memory_space<vmem>>) semaphore(%arg13 : memref<!tpu.dma_semaphore, #tpu.memory_space<semaphore_mem>>)
      } else {
      }
      %dma_wait3A_345 = arith.constant 1 : i32
      %dma_wait3A_346 = arith.constant 128 : i32
      %dma_wait3A_347 = arith.constant 0 : i32
      %dma_wait3A_348 = tpu.memref_slice %arg10[%dma_wait3A_346, %dma_wait3A_347] : memref<512x32xf32, #tpu.memory_space<vmem>> -> memref<128x32xf32, #tpu.memory_space<vmem>>
      %dma_wait3A_349 = arith.constant 0 : i32
      %dma_wait3A_350 = tpu.memref_slice %arg9[%dma_wait3A_345, %dma_wait3A_349] : memref<4x128xi32, #tpu.memory_space<vmem>> -> memref<1x128xi32, #tpu.memory_space<vmem>>
      %dma_wait3A_351 = tpu.memref_squeeze %dma_wait3A_350 : memref<1x128xi32, #tpu.memory_space<vmem>> -> memref<128xi32, #tpu.memory_space<vmem>>
      %dma_wait3A_352 = arith.constant 0 : i32
      %dma_wait3A_353 = arith.constant 0 : i32
      %dma_wait3A_354 = tpu.memref_slice %arg12[%dma_wait3A_352, %dma_wait3A_353] : memref<53248x32xf32, #tpu.memory_space<vmem_shared>> -> memref<53248x32xf32, #tpu.memory_space<vmem_shared>>
      tpu.wait_indirect_dma semaphore(%arg18 : memref<!tpu.dma_semaphore, #tpu.memory_space<semaphore_mem>>) src(%dma_wait3A_348 : memref<128x32xf32, #tpu.memory_space<vmem>>) dst(%dma_wait3A_354 : memref<53248x32xf32, #tpu.memory_space<vmem_shared>>)
      %not3A_355 = arith.constant true
      %not3A_356 = arith.xori %eq3A_80, %not3A_355 : i1
      %convert_element_type3A_357 = arith.extui %not3A_356 : i1 to i32
      %cond3A_358 = arith.constant 0 : i32
      %cond3A_359 = arith.cmpi ne, %convert_element_type3A_357, %cond3A_358 : i32
      scf.if %cond3A_359 {
        %dma_start3A_391 = arith.constant 1 : i32
        %dma_start3A_392 = arith.constant 128 : i32
        %dma_start3A_393 = arith.constant 0 : i32
        %dma_start3A_394 = tpu.memref_slice %arg10[%dma_start3A_392, %dma_start3A_393] : memref<512x32xf32, #tpu.memory_space<vmem>> -> memref<128x32xf32, #tpu.memory_space<vmem>>
        %dma_start3A_395 = arith.constant 0 : i32
        %dma_start3A_396 = tpu.memref_slice %arg6[%dma_start3A_391, %dma_start3A_395] : memref<4x128xi32, #tpu.memory_space<vmem>> -> memref<1x128xi32, #tpu.memory_space<vmem>>
        %dma_start3A_397 = tpu.memref_squeeze %dma_start3A_396 : memref<1x128xi32, #tpu.memory_space<vmem>> -> memref<128xi32, #tpu.memory_space<vmem>>
        %dma_start3A_398 = arith.constant 0 : i32
        %dma_start3A_399 = arith.constant 0 : i32
        %dma_start3A_400 = tpu.memref_slice %arg4[%dma_start3A_398, %dma_start3A_399] : memref<102400x32xf32, #tpu.memory_space<hbm>> -> memref<102400x32xf32, #tpu.memory_space<hbm>>
        tpu.enqueue_indirect_dma source(%dma_start3A_400 : memref<102400x32xf32, #tpu.memory_space<hbm>>) target(%dma_start3A_394 : memref<128x32xf32, #tpu.memory_space<vmem>>) offsets(%dma_start3A_397 : memref<128xi32, #tpu.memory_space<vmem>>) semaphore(%arg14 : memref<!tpu.dma_semaphore, #tpu.memory_space<semaphore_mem>>)
      } else {
      }
      %dma_wait3A_360 = arith.constant 2 : i32
      %dma_wait3A_361 = arith.constant 256 : i32
      %dma_wait3A_362 = arith.constant 0 : i32
      %dma_wait3A_363 = tpu.memref_slice %arg10[%dma_wait3A_361, %dma_wait3A_362] : memref<512x32xf32, #tpu.memory_space<vmem>> -> memref<128x32xf32, #tpu.memory_space<vmem>>
      %dma_wait3A_364 = arith.constant 0 : i32
      %dma_wait3A_365 = tpu.memref_slice %arg9[%dma_wait3A_360, %dma_wait3A_364] : memref<4x128xi32, #tpu.memory_space<vmem>> -> memref<1x128xi32, #tpu.memory_space<vmem>>
      %dma_wait3A_366 = tpu.memref_squeeze %dma_wait3A_365 : memref<1x128xi32, #tpu.memory_space<vmem>> -> memref<128xi32, #tpu.memory_space<vmem>>
      %dma_wait3A_367 = arith.constant 0 : i32
      %dma_wait3A_368 = arith.constant 0 : i32
      %dma_wait3A_369 = tpu.memref_slice %arg12[%dma_wait3A_367, %dma_wait3A_368] : memref<53248x32xf32, #tpu.memory_space<vmem_shared>> -> memref<53248x32xf32, #tpu.memory_space<vmem_shared>>
      tpu.wait_indirect_dma semaphore(%arg19 : memref<!tpu.dma_semaphore, #tpu.memory_space<semaphore_mem>>) src(%dma_wait3A_363 : memref<128x32xf32, #tpu.memory_space<vmem>>) dst(%dma_wait3A_369 : memref<53248x32xf32, #tpu.memory_space<vmem_shared>>)
      %not3A_370 = arith.constant true
      %not3A_371 = arith.xori %eq3A_80, %not3A_370 : i1
      %convert_element_type3A_372 = arith.extui %not3A_371 : i1 to i32
      %cond3A_373 = arith.constant 0 : i32
      %cond3A_374 = arith.cmpi ne, %convert_element_type3A_372, %cond3A_373 : i32
      scf.if %cond3A_374 {
        %dma_start3A_391 = arith.constant 2 : i32
        %dma_start3A_392 = arith.constant 256 : i32
        %dma_start3A_393 = arith.constant 0 : i32
        %dma_start3A_394 = tpu.memref_slice %arg10[%dma_start3A_392, %dma_start3A_393] : memref<512x32xf32, #tpu.memory_space<vmem>> -> memref<128x32xf32, #tpu.memory_space<vmem>>
        %dma_start3A_395 = arith.constant 0 : i32
        %dma_start3A_396 = tpu.memref_slice %arg6[%dma_start3A_391, %dma_start3A_395] : memref<4x128xi32, #tpu.memory_space<vmem>> -> memref<1x128xi32, #tpu.memory_space<vmem>>
        %dma_start3A_397 = tpu.memref_squeeze %dma_start3A_396 : memref<1x128xi32, #tpu.memory_space<vmem>> -> memref<128xi32, #tpu.memory_space<vmem>>
        %dma_start3A_398 = arith.constant 0 : i32
        %dma_start3A_399 = arith.constant 0 : i32
        %dma_start3A_400 = tpu.memref_slice %arg4[%dma_start3A_398, %dma_start3A_399] : memref<102400x32xf32, #tpu.memory_space<hbm>> -> memref<102400x32xf32, #tpu.memory_space<hbm>>
        tpu.enqueue_indirect_dma source(%dma_start3A_400 : memref<102400x32xf32, #tpu.memory_space<hbm>>) target(%dma_start3A_394 : memref<128x32xf32, #tpu.memory_space<vmem>>) offsets(%dma_start3A_397 : memref<128xi32, #tpu.memory_space<vmem>>) semaphore(%arg15 : memref<!tpu.dma_semaphore, #tpu.memory_space<semaphore_mem>>)
      } else {
      }
      %dma_wait3A_375 = arith.constant 3 : i32
      %dma_wait3A_376 = arith.constant 384 : i32
      %dma_wait3A_377 = arith.constant 0 : i32
      %dma_wait3A_378 = tpu.memref_slice %arg10[%dma_wait3A_376, %dma_wait3A_377] : memref<512x32xf32, #tpu.memory_space<vmem>> -> memref<128x32xf32, #tpu.memory_space<vmem>>
      %dma_wait3A_379 = arith.constant 0 : i32
      %dma_wait3A_380 = tpu.memref_slice %arg9[%dma_wait3A_375, %dma_wait3A_379] : memref<4x128xi32, #tpu.memory_space<vmem>> -> memref<1x128xi32, #tpu.memory_space<vmem>>
      %dma_wait3A_381 = tpu.memref_squeeze %dma_wait3A_380 : memref<1x128xi32, #tpu.memory_space<vmem>> -> memref<128xi32, #tpu.memory_space<vmem>>
      %dma_wait3A_382 = arith.constant 0 : i32
      %dma_wait3A_383 = arith.constant 0 : i32
      %dma_wait3A_384 = tpu.memref_slice %arg12[%dma_wait3A_382, %dma_wait3A_383] : memref<53248x32xf32, #tpu.memory_space<vmem_shared>> -> memref<53248x32xf32, #tpu.memory_space<vmem_shared>>
      tpu.wait_indirect_dma semaphore(%arg20 : memref<!tpu.dma_semaphore, #tpu.memory_space<semaphore_mem>>) src(%dma_wait3A_378 : memref<128x32xf32, #tpu.memory_space<vmem>>) dst(%dma_wait3A_384 : memref<53248x32xf32, #tpu.memory_space<vmem_shared>>)
      %not3A_385 = arith.constant true
      %not3A_386 = arith.xori %eq3A_80, %not3A_385 : i1
      %convert_element_type3A_387 = arith.extui %not3A_386 : i1 to i32
      %cond3A_388 = arith.constant 0 : i32
      %cond3A_389 = arith.cmpi ne, %convert_element_type3A_387, %cond3A_388 : i32
      scf.if %cond3A_389 {
        %dma_start3A_391 = arith.constant 3 : i32
        %dma_start3A_392 = arith.constant 384 : i32
        %dma_start3A_393 = arith.constant 0 : i32
        %dma_start3A_394 = tpu.memref_slice %arg10[%dma_start3A_392, %dma_start3A_393] : memref<512x32xf32, #tpu.memory_space<vmem>> -> memref<128x32xf32, #tpu.memory_space<vmem>>
        %dma_start3A_395 = arith.constant 0 : i32
        %dma_start3A_396 = tpu.memref_slice %arg6[%dma_start3A_391, %dma_start3A_395] : memref<4x128xi32, #tpu.memory_space<vmem>> -> memref<1x128xi32, #tpu.memory_space<vmem>>
        %dma_start3A_397 = tpu.memref_squeeze %dma_start3A_396 : memref<1x128xi32, #tpu.memory_space<vmem>> -> memref<128xi32, #tpu.memory_space<vmem>>
        %dma_start3A_398 = arith.constant 0 : i32
        %dma_start3A_399 = arith.constant 0 : i32
        %dma_start3A_400 = tpu.memref_slice %arg4[%dma_start3A_398, %dma_start3A_399] : memref<102400x32xf32, #tpu.memory_space<hbm>> -> memref<102400x32xf32, #tpu.memory_space<hbm>>
        tpu.enqueue_indirect_dma source(%dma_start3A_400 : memref<102400x32xf32, #tpu.memory_space<hbm>>) target(%dma_start3A_394 : memref<128x32xf32, #tpu.memory_space<vmem>>) offsets(%dma_start3A_397 : memref<128xi32, #tpu.memory_space<vmem>>) semaphore(%arg16 : memref<!tpu.dma_semaphore, #tpu.memory_space<semaphore_mem>>)
      } else {
      }
      %scan3A_390 = arith.constant 0 : i32
      scf.yield %scan3A_390 : i32
    }
    %scan3A_67 = arith.constant 50 : i32
    %barrier3A_68 = arith.constant 0 : index
    tpu.barrier barrier_id(%barrier3A_68)
    %mul3A_69 = arith.constant 3328 : i32
    %mul3A_70 = arith.muli %arg1, %mul3A_69 : i32
    %mul3A_71 = arith.constant 16 : i32
    %mul3A_72 = arith.muli %arg0, %mul3A_71 : i32
    %add3A_73 = arith.addi %mul3A_72, %arg1 : i32
    %mul3A_74 = arith.constant 3328 : i32
    %mul3A_75 = arith.muli %add3A_73, %mul3A_74 : i32
    "tpu.region"() ({
      %run_scoped3A = tpu.sem_alloc : memref<!tpu.dma_semaphore, #tpu.memory_space<semaphore_mem>>
      %dma_start3A_76 = arith.constant 0 : i32
      %dma_start3A_77 = tpu.memref_slice %arg5[%mul3A_75, %dma_start3A_76] : memref<106496x32xf32, #tpu.memory_space<hbm>> -> memref<3328x32xf32, #tpu.memory_space<hbm>>
      %dma_start3A_78 = arith.constant 0 : i32
      %dma_start3A_79 = tpu.memref_slice %arg12[%mul3A_70, %dma_start3A_78] : memref<53248x32xf32, #tpu.memory_space<vmem_shared>> -> memref<3328x32xf32, #tpu.memory_space<vmem_shared>>
      tpu.enqueue_dma source(%dma_start3A_79 : memref<3328x32xf32, #tpu.memory_space<vmem_shared>>) target(%dma_start3A_77 : memref<3328x32xf32, #tpu.memory_space<hbm>>) target_semaphore(%run_scoped3A : memref<!tpu.dma_semaphore, #tpu.memory_space<semaphore_mem>>)
      %dma_wait3A = arith.constant 0 : i32
      %dma_wait3A_80 = tpu.memref_slice %arg5[%mul3A_75, %dma_wait3A] : memref<106496x32xf32, #tpu.memory_space<hbm>> -> memref<3328x32xf32, #tpu.memory_space<hbm>>
      %dma_wait3A_81 = arith.constant 0 : i32
      %dma_wait3A_82 = tpu.memref_slice %arg12[%mul3A_70, %dma_wait3A_81] : memref<53248x32xf32, #tpu.memory_space<vmem_shared>> -> memref<3328x32xf32, #tpu.memory_space<vmem_shared>>
      tpu.wait_dma2 semaphore(%run_scoped3A : memref<!tpu.dma_semaphore, #tpu.memory_space<semaphore_mem>>) src(%dma_wait3A_82 : memref<3328x32xf32, #tpu.memory_space<vmem_shared>>) dst(%dma_wait3A_80 : memref<3328x32xf32, #tpu.memory_space<hbm>>)
      tpu.yield
    }) : () -> ()
    return
  }
}

#map = affine_map<(d0, d1) -> (0, 0)>
module attributes {stable_mosaic.version = 14 : i64} {
  func.func @_scat_body(%arg0: i32, %arg1: i32, %arg2: memref<12800x128xi32, #tpu.memory_space<hbm>>, %arg3: memref<6400x128xi32, #tpu.memory_space<hbm>>, %arg4: memref<102400x32xf32, #tpu.memory_space<hbm>>, %arg5: memref<106496x32xf32, #tpu.memory_space<hbm>>, %arg6: memref<4x128xi32, #tpu.memory_space<vmem>>, %arg7: memref<4x128xi32, #tpu.memory_space<vmem>>, %arg8: memref<4x128xi32, #tpu.memory_space<vmem>>, %arg9: memref<4x128xi32, #tpu.memory_space<vmem>>, %arg10: memref<512x32xf32, #tpu.memory_space<vmem>>, %arg11: memref<64x32xf32, #tpu.memory_space<vmem>>, %arg12: memref<53248x32xf32, #tpu.memory_space<vmem_shared>>, %arg13: memref<!tpu.dma_semaphore, #tpu.memory_space<semaphore_mem>>, %arg14: memref<!tpu.dma_semaphore, #tpu.memory_space<semaphore_mem>>, %arg15: memref<!tpu.dma_semaphore, #tpu.memory_space<semaphore_mem>>, %arg16: memref<!tpu.dma_semaphore, #tpu.memory_space<semaphore_mem>>, %arg17: memref<!tpu.dma_semaphore, #tpu.memory_space<semaphore_mem>>, %arg18: memref<!tpu.dma_semaphore, #tpu.memory_space<semaphore_mem>>, %arg19: memref<!tpu.dma_semaphore, #tpu.memory_space<semaphore_mem>>, %arg20: memref<!tpu.dma_semaphore, #tpu.memory_space<semaphore_mem>>) attributes {dimension_semantics = [#tpu.dimension_semantics<core_parallel>, #tpu.dimension_semantics<subcore_parallel>], iteration_bounds = array<i64: 2, 16>, scalar_prefetch = 0 : i64, scratch_operands = 15 : i64, tpu.core_type = #tpu.core_type<sc_vector_subcore>, window_params = [{transform_indices = #map}, {transform_indices = #map}, {transform_indices = #map}, {transform_indices = #map}]} {
    %mul3A = arith.constant 16 : i32
    %mul3A_0 = arith.muli %arg0, %mul3A : i32
    %add3A = arith.addi %mul3A_0, %arg1 : i32
    %mul3A_1 = arith.constant 400 : i32
    %mul3A_2 = arith.muli %add3A, %mul3A_1 : i32
    %mul3A_3 = arith.constant 400 : i32
    %mul3A_4 = arith.muli %arg1, %mul3A_3 : i32
    %add3A_5 = arith.constant 0 : i32
    %add3A_6 = arith.addi %mul3A_2, %add3A_5 : i32
    "tpu.region"() ({
      %run_scoped3A = tpu.sem_alloc : memref<!tpu.dma_semaphore, #tpu.memory_space<semaphore_mem>>
      %dma_start3A_76 = arith.constant 0 : i32
      %dma_start3A_77 = tpu.memref_slice %arg2[%add3A_6, %dma_start3A_76] : memref<12800x128xi32, #tpu.memory_space<hbm>> -> memref<4x128xi32, #tpu.memory_space<hbm>>
      %dma_start3A_78 = arith.constant 0 : i32
      %dma_start3A_79 = tpu.memref_slice %arg2[%add3A_6, %dma_start3A_78] : memref<12800x128xi32, #tpu.memory_space<hbm>> -> memref<4x128xi32, #tpu.memory_space<hbm>>
      tpu.enqueue_dma source(%dma_start3A_79 : memref<4x128xi32, #tpu.memory_space<hbm>>) target(%arg6 : memref<4x128xi32, #tpu.memory_space<vmem>>) target_semaphore(%run_scoped3A : memref<!tpu.dma_semaphore, #tpu.memory_space<semaphore_mem>>)
      %dma_wait3A = arith.constant 0 : i32
      %dma_wait3A_80 = tpu.memref_slice %arg2[%add3A_6, %dma_wait3A] : memref<12800x128xi32, #tpu.memory_space<hbm>> -> memref<4x128xi32, #tpu.memory_space<hbm>>
      %dma_wait3A_81 = arith.constant 0 : i32
      %dma_wait3A_82 = tpu.memref_slice %arg2[%add3A_6, %dma_wait3A_81] : memref<12800x128xi32, #tpu.memory_space<hbm>> -> memref<4x128xi32, #tpu.memory_space<hbm>>
      tpu.wait_dma2 semaphore(%run_scoped3A : memref<!tpu.dma_semaphore, #tpu.memory_space<semaphore_mem>>) src(%dma_wait3A_82 : memref<4x128xi32, #tpu.memory_space<hbm>>) dst(%arg6 : memref<4x128xi32, #tpu.memory_space<vmem>>)
      tpu.yield
    }) : () -> ()
    %add3A_7 = arith.constant 0 : i32
    %add3A_8 = arith.addi %mul3A_4, %add3A_7 : i32
    "tpu.region"() ({
      %run_scoped3A = tpu.sem_alloc : memref<!tpu.dma_semaphore, #tpu.memory_space<semaphore_mem>>
      %dma_start3A_76 = arith.constant 0 : i32
      %dma_start3A_77 = tpu.memref_slice %arg3[%add3A_8, %dma_start3A_76] : memref<6400x128xi32, #tpu.memory_space<hbm>> -> memref<4x128xi32, #tpu.memory_space<hbm>>
      %dma_start3A_78 = arith.constant 0 : i32
      %dma_start3A_79 = tpu.memref_slice %arg3[%add3A_8, %dma_start3A_78] : memref<6400x128xi32, #tpu.memory_space<hbm>> -> memref<4x128xi32, #tpu.memory_space<hbm>>
      tpu.enqueue_dma source(%dma_start3A_79 : memref<4x128xi32, #tpu.memory_space<hbm>>) target(%arg7 : memref<4x128xi32, #tpu.memory_space<vmem>>) target_semaphore(%run_scoped3A : memref<!tpu.dma_semaphore, #tpu.memory_space<semaphore_mem>>)
      %dma_wait3A = arith.constant 0 : i32
      %dma_wait3A_80 = tpu.memref_slice %arg3[%add3A_8, %dma_wait3A] : memref<6400x128xi32, #tpu.memory_space<hbm>> -> memref<4x128xi32, #tpu.memory_space<hbm>>
      %dma_wait3A_81 = arith.constant 0 : i32
      %dma_wait3A_82 = tpu.memref_slice %arg3[%add3A_8, %dma_wait3A_81] : memref<6400x128xi32, #tpu.memory_space<hbm>> -> memref<4x128xi32, #tpu.memory_space<hbm>>
      tpu.wait_dma2 semaphore(%run_scoped3A : memref<!tpu.dma_semaphore, #tpu.memory_space<semaphore_mem>>) src(%dma_wait3A_82 : memref<4x128xi32, #tpu.memory_space<hbm>>) dst(%arg7 : memref<4x128xi32, #tpu.memory_space<vmem>>)
      tpu.yield
    }) : () -> ()
    %dma_start3A = arith.constant 0 : i32
    %dma_start3A_9 = arith.constant 0 : i32
    %dma_start3A_10 = arith.constant 0 : i32
    %dma_start3A_11 = tpu.memref_slice %arg10[%dma_start3A_9, %dma_start3A_10] : memref<512x32xf32, #tpu.memory_space<vmem>> -> memref<128x32xf32, #tpu.memory_space<vmem>>
    %dma_start3A_12 = arith.constant 0 : i32
    %dma_start3A_13 = tpu.memref_slice %arg6[%dma_start3A, %dma_start3A_12] : memref<4x128xi32, #tpu.memory_space<vmem>> -> memref<1x128xi32, #tpu.memory_space<vmem>>
    %dma_start3A_14 = tpu.memref_squeeze %dma_start3A_13 : memref<1x128xi32, #tpu.memory_space<vmem>> -> memref<128xi32, #tpu.memory_space<vmem>>
    %dma_start3A_15 = arith.constant 0 : i32
    %dma_start3A_16 = arith.constant 0 : i32
    %dma_start3A_17 = tpu.memref_slice %arg4[%dma_start3A_15, %dma_start3A_16] : memref<102400x32xf32, #tpu.memory_space<hbm>> -> memref<102400x32xf32, #tpu.memory_space<hbm>>
    tpu.enqueue_indirect_dma source(%dma_start3A_17 : memref<102400x32xf32, #tpu.memory_space<hbm>>) target(%dma_start3A_11 : memref<128x32xf32, #tpu.memory_space<vmem>>) offsets(%dma_start3A_14 : memref<128xi32, #tpu.memory_space<vmem>>) semaphore(%arg13 : memref<!tpu.dma_semaphore, #tpu.memory_space<semaphore_mem>>)
    %dma_start3A_18 = arith.constant 1 : i32
    %dma_start3A_19 = arith.constant 128 : i32
    %dma_start3A_20 = arith.constant 0 : i32
    %dma_start3A_21 = tpu.memref_slice %arg10[%dma_start3A_19, %dma_start3A_20] : memref<512x32xf32, #tpu.memory_space<vmem>> -> memref<128x32xf32, #tpu.memory_space<vmem>>
    %dma_start3A_22 = arith.constant 0 : i32
    %dma_start3A_23 = tpu.memref_slice %arg6[%dma_start3A_18, %dma_start3A_22] : memref<4x128xi32, #tpu.memory_space<vmem>> -> memref<1x128xi32, #tpu.memory_space<vmem>>
    %dma_start3A_24 = tpu.memref_squeeze %dma_start3A_23 : memref<1x128xi32, #tpu.memory_space<vmem>> -> memref<128xi32, #tpu.memory_space<vmem>>
    %dma_start3A_25 = arith.constant 0 : i32
    %dma_start3A_26 = arith.constant 0 : i32
    %dma_start3A_27 = tpu.memref_slice %arg4[%dma_start3A_25, %dma_start3A_26] : memref<102400x32xf32, #tpu.memory_space<hbm>> -> memref<102400x32xf32, #tpu.memory_space<hbm>>
    tpu.enqueue_indirect_dma source(%dma_start3A_27 : memref<102400x32xf32, #tpu.memory_space<hbm>>) target(%dma_start3A_21 : memref<128x32xf32, #tpu.memory_space<vmem>>) offsets(%dma_start3A_24 : memref<128xi32, #tpu.memory_space<vmem>>) semaphore(%arg14 : memref<!tpu.dma_semaphore, #tpu.memory_space<semaphore_mem>>)
    %dma_start3A_28 = arith.constant 2 : i32
    %dma_start3A_29 = arith.constant 256 : i32
    %dma_start3A_30 = arith.constant 0 : i32
    %dma_start3A_31 = tpu.memref_slice %arg10[%dma_start3A_29, %dma_start3A_30] : memref<512x32xf32, #tpu.memory_space<vmem>> -> memref<128x32xf32, #tpu.memory_space<vmem>>
    %dma_start3A_32 = arith.constant 0 : i32
    %dma_start3A_33 = tpu.memref_slice %arg6[%dma_start3A_28, %dma_start3A_32] : memref<4x128xi32, #tpu.memory_space<vmem>> -> memref<1x128xi32, #tpu.memory_space<vmem>>
    %dma_start3A_34 = tpu.memref_squeeze %dma_start3A_33 : memref<1x128xi32, #tpu.memory_space<vmem>> -> memref<128xi32, #tpu.memory_space<vmem>>
    %dma_start3A_35 = arith.constant 0 : i32
    %dma_start3A_36 = arith.constant 0 : i32
    %dma_start3A_37 = tpu.memref_slice %arg4[%dma_start3A_35, %dma_start3A_36] : memref<102400x32xf32, #tpu.memory_space<hbm>> -> memref<102400x32xf32, #tpu.memory_space<hbm>>
    tpu.enqueue_indirect_dma source(%dma_start3A_37 : memref<102400x32xf32, #tpu.memory_space<hbm>>) target(%dma_start3A_31 : memref<128x32xf32, #tpu.memory_space<vmem>>) offsets(%dma_start3A_34 : memref<128xi32, #tpu.memory_space<vmem>>) semaphore(%arg15 : memref<!tpu.dma_semaphore, #tpu.memory_space<semaphore_mem>>)
    %dma_start3A_38 = arith.constant 3 : i32
    %dma_start3A_39 = arith.constant 384 : i32
    %dma_start3A_40 = arith.constant 0 : i32
    %dma_start3A_41 = tpu.memref_slice %arg10[%dma_start3A_39, %dma_start3A_40] : memref<512x32xf32, #tpu.memory_space<vmem>> -> memref<128x32xf32, #tpu.memory_space<vmem>>
    %dma_start3A_42 = arith.constant 0 : i32
    %dma_start3A_43 = tpu.memref_slice %arg6[%dma_start3A_38, %dma_start3A_42] : memref<4x128xi32, #tpu.memory_space<vmem>> -> memref<1x128xi32, #tpu.memory_space<vmem>>
    %dma_start3A_44 = tpu.memref_squeeze %dma_start3A_43 : memref<1x128xi32, #tpu.memory_space<vmem>> -> memref<128xi32, #tpu.memory_space<vmem>>
    %dma_start3A_45 = arith.constant 0 : i32
    %dma_start3A_46 = arith.constant 0 : i32
    %dma_start3A_47 = tpu.memref_slice %arg4[%dma_start3A_45, %dma_start3A_46] : memref<102400x32xf32, #tpu.memory_space<hbm>> -> memref<102400x32xf32, #tpu.memory_space<hbm>>
    tpu.enqueue_indirect_dma source(%dma_start3A_47 : memref<102400x32xf32, #tpu.memory_space<hbm>>) target(%dma_start3A_41 : memref<128x32xf32, #tpu.memory_space<vmem>>) offsets(%dma_start3A_44 : memref<128xi32, #tpu.memory_space<vmem>>) semaphore(%arg16 : memref<!tpu.dma_semaphore, #tpu.memory_space<semaphore_mem>>)
    %scan3A = arith.constant 0 : i32
    %scan3A_48 = arith.constant 0 : i32
    %scan3A_49 = arith.constant 64 : i32
    %scan3A_50 = arith.addi %scan3A_48, %scan3A_49 : i32
    %scan3A_51 = arith.constant 1 : i32
    %scan3A_52 = scf.for %scan3A_76 = %scan3A_48 to %scan3A_50 step %scan3A_51 iter_args(%scan3A_77 = %scan3A) -> (i32)  : i32 {
      %broadcast_in_dim3A = arith.constant 0.000000e+00 : f32
      %broadcast_in_dim3A_78 = vector.broadcast %broadcast_in_dim3A : f32 to vector<16xf32>
      %swap3A = arith.index_cast %scan3A_76 : i32 to index
      %swap3A_79 = arith.constant 0 : index
      %swap3A_80 = tpu.vector_load %arg11[%swap3A, %swap3A_79] {strides = array<i32>} : memref<64x32xf32, #tpu.memory_space<vmem>>, vector<1x16xf32>,
      %swap3A_81 = vector.shape_cast %swap3A_80 : vector<1x16xf32> to vector<16xf32>
      %swap3A_82 = vector.shape_cast %broadcast_in_dim3A_78 : vector<16xf32> to vector<1x16xf32>
      tpu.vector_store %arg11[%swap3A, %swap3A_79], %swap3A_82 {strides = array<i32>} : memref<64x32xf32, #tpu.memory_space<vmem>>, vector<1x16xf32>,
      %broadcast_in_dim3A_83 = arith.constant 0.000000e+00 : f32
      %broadcast_in_dim3A_84 = vector.broadcast %broadcast_in_dim3A_83 : f32 to vector<16xf32>
      %swap3A_85 = arith.index_cast %scan3A_76 : i32 to index
      %swap3A_86 = arith.constant 16 : index
      %swap3A_87 = tpu.vector_load %arg11[%swap3A_85, %swap3A_86] {strides = array<i32>} : memref<64x32xf32, #tpu.memory_space<vmem>>, vector<1x16xf32>,
      %swap3A_88 = vector.shape_cast %swap3A_87 : vector<1x16xf32> to vector<16xf32>
      %swap3A_89 = vector.shape_cast %broadcast_in_dim3A_84 : vector<16xf32> to vector<1x16xf32>
      tpu.vector_store %arg11[%swap3A_85, %swap3A_86], %swap3A_89 {strides = array<i32>} : memref<64x32xf32, #tpu.memory_space<vmem>>, vector<1x16xf32>,
      %scan3A_90 = arith.constant 0 : i32
      scf.yield %scan3A_90 : i32
    }
    %scan3A_53 = arith.constant 64 : i32
    %scan3A_54 = arith.constant 0 : i32
    %scan3A_55 = arith.constant 0 : i32
    %scan3A_56 = arith.constant 52 : i32
    %scan3A_57 = arith.addi %scan3A_55, %scan3A_56 : i32
    %scan3A_58 = arith.constant 1 : i32
    %scan3A_59 = scf.for %scan3A_76 = %scan3A_55 to %scan3A_57 step %scan3A_58 iter_args(%scan3A_77 = %scan3A_54) -> (i32)  : i32 {
      %mul3A_78 = arith.constant 3328 : i32
      %mul3A_79 = arith.muli %arg1, %mul3A_78 : i32
      %mul3A_80 = arith.constant 64 : i32
      %mul3A_81 = arith.muli %scan3A_76, %mul3A_80 : i32
      %add3A_82 = arith.addi %mul3A_79, %mul3A_81 : i32
      "tpu.region"() ({
        %run_scoped3A = tpu.sem_alloc : memref<!tpu.dma_semaphore, #tpu.memory_space<semaphore_mem>>
        %dma_start3A_84 = arith.constant 0 : i32
        %dma_start3A_85 = tpu.memref_slice %arg12[%add3A_82, %dma_start3A_84] : memref<53248x32xf32, #tpu.memory_space<vmem_shared>> -> memref<64x32xf32, #tpu.memory_space<vmem_shared>>
        %dma_start3A_86 = arith.constant 0 : i32
        %dma_start3A_87 = tpu.memref_slice %arg12[%add3A_82, %dma_start3A_86] : memref<53248x32xf32, #tpu.memory_space<vmem_shared>> -> memref<64x32xf32, #tpu.memory_space<vmem_shared>>
        tpu.enqueue_dma source(%arg11 : memref<64x32xf32, #tpu.memory_space<vmem>>) target(%dma_start3A_87 : memref<64x32xf32, #tpu.memory_space<vmem_shared>>) target_semaphore(%run_scoped3A : memref<!tpu.dma_semaphore, #tpu.memory_space<semaphore_mem>>)
        %dma_wait3A = arith.constant 0 : i32
        %dma_wait3A_88 = tpu.memref_slice %arg12[%add3A_82, %dma_wait3A] : memref<53248x32xf32, #tpu.memory_space<vmem_shared>> -> memref<64x32xf32, #tpu.memory_space<vmem_shared>>
        %dma_wait3A_89 = arith.constant 0 : i32
        %dma_wait3A_90 = tpu.memref_slice %arg12[%add3A_82, %dma_wait3A_89] : memref<53248x32xf32, #tpu.memory_space<vmem_shared>> -> memref<64x32xf32, #tpu.memory_space<vmem_shared>>
        tpu.wait_dma2 semaphore(%run_scoped3A : memref<!tpu.dma_semaphore, #tpu.memory_space<semaphore_mem>>) src(%arg11 : memref<64x32xf32, #tpu.memory_space<vmem>>) dst(%dma_wait3A_90 : memref<64x32xf32, #tpu.memory_space<vmem_shared>>)
        tpu.yield
      }) : () -> ()
      %scan3A_83 = arith.constant 0 : i32
      scf.yield %scan3A_83 : i32
    }
    %scan3A_60 = arith.constant 52 : i32
    %barrier3A = arith.constant 0 : index
    tpu.barrier barrier_id(%barrier3A)
    %scan3A_61 = arith.constant 0 : i32
    %scan3A_62 = arith.constant 0 : i32
    %scan3A_63 = arith.constant 50 : i32
    %scan3A_64 = arith.addi %scan3A_62, %scan3A_63 : i32
    %scan3A_65 = arith.constant 1 : i32
    %scan3A_66 = scf.for %scan3A_76 = %scan3A_62 to %scan3A_64 step %scan3A_65 iter_args(%scan3A_77 = %scan3A_61) -> (i32)  : i32 {
      %mul3A_78 = arith.constant 2 : i32
      %mul3A_79 = arith.muli %mul3A_78, %scan3A_76 : i32
      %eq3A = arith.constant 49 : i32
      %eq3A_80 = arith.cmpi eq, %scan3A_76, %eq3A : i32
      %add3A_81 = arith.constant 1 : i32
      %add3A_82 = arith.addi %mul3A_79, %add3A_81 : i32
      %mul3A_83 = arith.constant 4 : i32
      %mul3A_84 = arith.muli %add3A_82, %mul3A_83 : i32
      %add3A_85 = arith.addi %mul3A_2, %mul3A_84 : i32
      "tpu.region"() ({
        %run_scoped3A = tpu.sem_alloc : memref<!tpu.dma_semaphore, #tpu.memory_space<semaphore_mem>>
        %dma_start3A_391 = arith.constant 0 : i32
        %dma_start3A_392 = tpu.memref_slice %arg2[%add3A_85, %dma_start3A_391] : memref<12800x128xi32, #tpu.memory_space<hbm>> -> memref<4x128xi32, #tpu.memory_space<hbm>>
        %dma_start3A_393 = arith.constant 0 : i32
        %dma_start3A_394 = tpu.memref_slice %arg2[%add3A_85, %dma_start3A_393] : memref<12800x128xi32, #tpu.memory_space<hbm>> -> memref<4x128xi32, #tpu.memory_space<hbm>>
        tpu.enqueue_dma source(%dma_start3A_394 : memref<4x128xi32, #tpu.memory_space<hbm>>) target(%arg8 : memref<4x128xi32, #tpu.memory_space<vmem>>) target_semaphore(%run_scoped3A : memref<!tpu.dma_semaphore, #tpu.memory_space<semaphore_mem>>)
        %dma_wait3A_395 = arith.constant 0 : i32
        %dma_wait3A_396 = tpu.memref_slice %arg2[%add3A_85, %dma_wait3A_395] : memref<12800x128xi32, #tpu.memory_space<hbm>> -> memref<4x128xi32, #tpu.memory_space<hbm>>
        %dma_wait3A_397 = arith.constant 0 : i32
        %dma_wait3A_398 = tpu.memref_slice %arg2[%add3A_85, %dma_wait3A_397] : memref<12800x128xi32, #tpu.memory_space<hbm>> -> memref<4x128xi32, #tpu.memory_space<hbm>>
        tpu.wait_dma2 semaphore(%run_scoped3A : memref<!tpu.dma_semaphore, #tpu.memory_space<semaphore_mem>>) src(%dma_wait3A_398 : memref<4x128xi32, #tpu.memory_space<hbm>>) dst(%arg8 : memref<4x128xi32, #tpu.memory_space<vmem>>)
        tpu.yield
      }) : () -> ()
      %mul3A_86 = arith.constant 4 : i32
      %mul3A_87 = arith.muli %add3A_82, %mul3A_86 : i32
      %add3A_88 = arith.addi %mul3A_4, %mul3A_87 : i32
      "tpu.region"() ({
        %run_scoped3A = tpu.sem_alloc : memref<!tpu.dma_semaphore, #tpu.memory_space<semaphore_mem>>
        %dma_start3A_391 = arith.constant 0 : i32
        %dma_start3A_392 = tpu.memref_slice %arg3[%add3A_88, %dma_start3A_391] : memref<6400x128xi32, #tpu.memory_space<hbm>> -> memref<4x128xi32, #tpu.memory_space<hbm>>
        %dma_start3A_393 = arith.constant 0 : i32
        %dma_start3A_394 = tpu.memref_slice %arg3[%add3A_88, %dma_start3A_393] : memref<6400x128xi32, #tpu.memory_space<hbm>> -> memref<4x128xi32, #tpu.memory_space<hbm>>
        tpu.enqueue_dma source(%dma_start3A_394 : memref<4x128xi32, #tpu.memory_space<hbm>>) target(%arg9 : memref<4x128xi32, #tpu.memory_space<vmem>>) target_semaphore(%run_scoped3A : memref<!tpu.dma_semaphore, #tpu.memory_space<semaphore_mem>>)
        %dma_wait3A_395 = arith.constant 0 : i32
        %dma_wait3A_396 = tpu.memref_slice %arg3[%add3A_88, %dma_wait3A_395] : memref<6400x128xi32, #tpu.memory_space<hbm>> -> memref<4x128xi32, #tpu.memory_space<hbm>>
        %dma_wait3A_397 = arith.constant 0 : i32
        %dma_wait3A_398 = tpu.memref_slice %arg3[%add3A_88, %dma_wait3A_397] : memref<6400x128xi32, #tpu.memory_space<hbm>> -> memref<4x128xi32, #tpu.memory_space<hbm>>
        tpu.wait_dma2 semaphore(%run_scoped3A : memref<!tpu.dma_semaphore, #tpu.memory_space<semaphore_mem>>) src(%dma_wait3A_398 : memref<4x128xi32, #tpu.memory_space<hbm>>) dst(%arg9 : memref<4x128xi32, #tpu.memory_space<vmem>>)
        tpu.yield
      }) : () -> ()
      %dma_wait3A = arith.constant 0 : i32
      %dma_wait3A_89 = arith.constant 0 : i32
      %dma_wait3A_90 = arith.constant 0 : i32
      %dma_wait3A_91 = tpu.memref_slice %arg10[%dma_wait3A_89, %dma_wait3A_90] : memref<512x32xf32, #tpu.memory_space<vmem>> -> memref<128x32xf32, #tpu.memory_space<vmem>>
      %dma_wait3A_92 = arith.constant 0 : i32
      %dma_wait3A_93 = tpu.memref_slice %arg6[%dma_wait3A, %dma_wait3A_92] : memref<4x128xi32, #tpu.memory_space<vmem>> -> memref<1x128xi32, #tpu.memory_space<vmem>>
      %dma_wait3A_94 = tpu.memref_squeeze %dma_wait3A_93 : memref<1x128xi32, #tpu.memory_space<vmem>> -> memref<128xi32, #tpu.memory_space<vmem>>
      %dma_wait3A_95 = arith.constant 0 : i32
      %dma_wait3A_96 = arith.constant 0 : i32
      %dma_wait3A_97 = tpu.memref_slice %arg4[%dma_wait3A_95, %dma_wait3A_96] : memref<102400x32xf32, #tpu.memory_space<hbm>> -> memref<102400x32xf32, #tpu.memory_space<hbm>>
      tpu.wait_indirect_dma semaphore(%arg13 : memref<!tpu.dma_semaphore, #tpu.memory_space<semaphore_mem>>) src(%dma_wait3A_97 : memref<102400x32xf32, #tpu.memory_space<hbm>>) dst(%dma_wait3A_91 : memref<128x32xf32, #tpu.memory_space<vmem>>)
      %dma_start3A_98 = arith.constant 0 : i32
      %dma_start3A_99 = arith.constant 0 : i32
      %dma_start3A_100 = arith.constant 0 : i32
      %dma_start3A_101 = tpu.memref_slice %arg10[%dma_start3A_99, %dma_start3A_100] : memref<512x32xf32, #tpu.memory_space<vmem>> -> memref<128x32xf32, #tpu.memory_space<vmem>>
      %dma_start3A_102 = arith.constant 0 : i32
      %dma_start3A_103 = tpu.memref_slice %arg7[%dma_start3A_98, %dma_start3A_102] : memref<4x128xi32, #tpu.memory_space<vmem>> -> memref<1x128xi32, #tpu.memory_space<vmem>>
      %dma_start3A_104 = tpu.memref_squeeze %dma_start3A_103 : memref<1x128xi32, #tpu.memory_space<vmem>> -> memref<128xi32, #tpu.memory_space<vmem>>
      %dma_start3A_105 = arith.constant 0 : i32
      %dma_start3A_106 = arith.constant 0 : i32
      %dma_start3A_107 = tpu.memref_slice %arg12[%dma_start3A_105, %dma_start3A_106] : memref<53248x32xf32, #tpu.memory_space<vmem_shared>> -> memref<53248x32xf32, #tpu.memory_space<vmem_shared>>
      tpu.enqueue_indirect_dma source(%dma_start3A_101 : memref<128x32xf32, #tpu.memory_space<vmem>>) target(%dma_start3A_107 : memref<53248x32xf32, #tpu.memory_space<vmem_shared>>) offsets(%dma_start3A_104 : memref<128xi32, #tpu.memory_space<vmem>>) semaphore(%arg17 : memref<!tpu.dma_semaphore, #tpu.memory_space<semaphore_mem>>) {add = true}
      %dma_wait3A_108 = arith.constant 1 : i32
      %dma_wait3A_109 = arith.constant 128 : i32
      %dma_wait3A_110 = arith.constant 0 : i32
      %dma_wait3A_111 = tpu.memref_slice %arg10[%dma_wait3A_109, %dma_wait3A_110] : memref<512x32xf32, #tpu.memory_space<vmem>> -> memref<128x32xf32, #tpu.memory_space<vmem>>
      %dma_wait3A_112 = arith.constant 0 : i32
      %dma_wait3A_113 = tpu.memref_slice %arg6[%dma_wait3A_108, %dma_wait3A_112] : memref<4x128xi32, #tpu.memory_space<vmem>> -> memref<1x128xi32, #tpu.memory_space<vmem>>
      %dma_wait3A_114 = tpu.memref_squeeze %dma_wait3A_113 : memref<1x128xi32, #tpu.memory_space<vmem>> -> memref<128xi32, #tpu.memory_space<vmem>>
      %dma_wait3A_115 = arith.constant 0 : i32
      %dma_wait3A_116 = arith.constant 0 : i32
      %dma_wait3A_117 = tpu.memref_slice %arg4[%dma_wait3A_115, %dma_wait3A_116] : memref<102400x32xf32, #tpu.memory_space<hbm>> -> memref<102400x32xf32, #tpu.memory_space<hbm>>
      tpu.wait_indirect_dma semaphore(%arg14 : memref<!tpu.dma_semaphore, #tpu.memory_space<semaphore_mem>>) src(%dma_wait3A_117 : memref<102400x32xf32, #tpu.memory_space<hbm>>) dst(%dma_wait3A_111 : memref<128x32xf32, #tpu.memory_space<vmem>>)
      %dma_start3A_118 = arith.constant 1 : i32
      %dma_start3A_119 = arith.constant 128 : i32
      %dma_start3A_120 = arith.constant 0 : i32
      %dma_start3A_121 = tpu.memref_slice %arg10[%dma_start3A_119, %dma_start3A_120] : memref<512x32xf32, #tpu.memory_space<vmem>> -> memref<128x32xf32, #tpu.memory_space<vmem>>
      %dma_start3A_122 = arith.constant 0 : i32
      %dma_start3A_123 = tpu.memref_slice %arg7[%dma_start3A_118, %dma_start3A_122] : memref<4x128xi32, #tpu.memory_space<vmem>> -> memref<1x128xi32, #tpu.memory_space<vmem>>
      %dma_start3A_124 = tpu.memref_squeeze %dma_start3A_123 : memref<1x128xi32, #tpu.memory_space<vmem>> -> memref<128xi32, #tpu.memory_space<vmem>>
      %dma_start3A_125 = arith.constant 0 : i32
      %dma_start3A_126 = arith.constant 0 : i32
      %dma_start3A_127 = tpu.memref_slice %arg12[%dma_start3A_125, %dma_start3A_126] : memref<53248x32xf32, #tpu.memory_space<vmem_shared>> -> memref<53248x32xf32, #tpu.memory_space<vmem_shared>>
      tpu.enqueue_indirect_dma source(%dma_start3A_121 : memref<128x32xf32, #tpu.memory_space<vmem>>) target(%dma_start3A_127 : memref<53248x32xf32, #tpu.memory_space<vmem_shared>>) offsets(%dma_start3A_124 : memref<128xi32, #tpu.memory_space<vmem>>) semaphore(%arg18 : memref<!tpu.dma_semaphore, #tpu.memory_space<semaphore_mem>>) {add = true}
      %dma_wait3A_128 = arith.constant 2 : i32
      %dma_wait3A_129 = arith.constant 256 : i32
      %dma_wait3A_130 = arith.constant 0 : i32
      %dma_wait3A_131 = tpu.memref_slice %arg10[%dma_wait3A_129, %dma_wait3A_130] : memref<512x32xf32, #tpu.memory_space<vmem>> -> memref<128x32xf32, #tpu.memory_space<vmem>>
      %dma_wait3A_132 = arith.constant 0 : i32
      %dma_wait3A_133 = tpu.memref_slice %arg6[%dma_wait3A_128, %dma_wait3A_132] : memref<4x128xi32, #tpu.memory_space<vmem>> -> memref<1x128xi32, #tpu.memory_space<vmem>>
      %dma_wait3A_134 = tpu.memref_squeeze %dma_wait3A_133 : memref<1x128xi32, #tpu.memory_space<vmem>> -> memref<128xi32, #tpu.memory_space<vmem>>
      %dma_wait3A_135 = arith.constant 0 : i32
      %dma_wait3A_136 = arith.constant 0 : i32
      %dma_wait3A_137 = tpu.memref_slice %arg4[%dma_wait3A_135, %dma_wait3A_136] : memref<102400x32xf32, #tpu.memory_space<hbm>> -> memref<102400x32xf32, #tpu.memory_space<hbm>>
      tpu.wait_indirect_dma semaphore(%arg15 : memref<!tpu.dma_semaphore, #tpu.memory_space<semaphore_mem>>) src(%dma_wait3A_137 : memref<102400x32xf32, #tpu.memory_space<hbm>>) dst(%dma_wait3A_131 : memref<128x32xf32, #tpu.memory_space<vmem>>)
      %dma_start3A_138 = arith.constant 2 : i32
      %dma_start3A_139 = arith.constant 256 : i32
      %dma_start3A_140 = arith.constant 0 : i32
      %dma_start3A_141 = tpu.memref_slice %arg10[%dma_start3A_139, %dma_start3A_140] : memref<512x32xf32, #tpu.memory_space<vmem>> -> memref<128x32xf32, #tpu.memory_space<vmem>>
      %dma_start3A_142 = arith.constant 0 : i32
      %dma_start3A_143 = tpu.memref_slice %arg7[%dma_start3A_138, %dma_start3A_142] : memref<4x128xi32, #tpu.memory_space<vmem>> -> memref<1x128xi32, #tpu.memory_space<vmem>>
      %dma_start3A_144 = tpu.memref_squeeze %dma_start3A_143 : memref<1x128xi32, #tpu.memory_space<vmem>> -> memref<128xi32, #tpu.memory_space<vmem>>
      %dma_start3A_145 = arith.constant 0 : i32
      %dma_start3A_146 = arith.constant 0 : i32
      %dma_start3A_147 = tpu.memref_slice %arg12[%dma_start3A_145, %dma_start3A_146] : memref<53248x32xf32, #tpu.memory_space<vmem_shared>> -> memref<53248x32xf32, #tpu.memory_space<vmem_shared>>
      tpu.enqueue_indirect_dma source(%dma_start3A_141 : memref<128x32xf32, #tpu.memory_space<vmem>>) target(%dma_start3A_147 : memref<53248x32xf32, #tpu.memory_space<vmem_shared>>) offsets(%dma_start3A_144 : memref<128xi32, #tpu.memory_space<vmem>>) semaphore(%arg19 : memref<!tpu.dma_semaphore, #tpu.memory_space<semaphore_mem>>) {add = true}
      %dma_wait3A_148 = arith.constant 3 : i32
      %dma_wait3A_149 = arith.constant 384 : i32
      %dma_wait3A_150 = arith.constant 0 : i32
      %dma_wait3A_151 = tpu.memref_slice %arg10[%dma_wait3A_149, %dma_wait3A_150] : memref<512x32xf32, #tpu.memory_space<vmem>> -> memref<128x32xf32, #tpu.memory_space<vmem>>
      %dma_wait3A_152 = arith.constant 0 : i32
      %dma_wait3A_153 = tpu.memref_slice %arg6[%dma_wait3A_148, %dma_wait3A_152] : memref<4x128xi32, #tpu.memory_space<vmem>> -> memref<1x128xi32, #tpu.memory_space<vmem>>
      %dma_wait3A_154 = tpu.memref_squeeze %dma_wait3A_153 : memref<1x128xi32, #tpu.memory_space<vmem>> -> memref<128xi32, #tpu.memory_space<vmem>>
      %dma_wait3A_155 = arith.constant 0 : i32
      %dma_wait3A_156 = arith.constant 0 : i32
      %dma_wait3A_157 = tpu.memref_slice %arg4[%dma_wait3A_155, %dma_wait3A_156] : memref<102400x32xf32, #tpu.memory_space<hbm>> -> memref<102400x32xf32, #tpu.memory_space<hbm>>
      tpu.wait_indirect_dma semaphore(%arg16 : memref<!tpu.dma_semaphore, #tpu.memory_space<semaphore_mem>>) src(%dma_wait3A_157 : memref<102400x32xf32, #tpu.memory_space<hbm>>) dst(%dma_wait3A_151 : memref<128x32xf32, #tpu.memory_space<vmem>>)
      %dma_start3A_158 = arith.constant 3 : i32
      %dma_start3A_159 = arith.constant 384 : i32
      %dma_start3A_160 = arith.constant 0 : i32
      %dma_start3A_161 = tpu.memref_slice %arg10[%dma_start3A_159, %dma_start3A_160] : memref<512x32xf32, #tpu.memory_space<vmem>> -> memref<128x32xf32, #tpu.memory_space<vmem>>
      %dma_start3A_162 = arith.constant 0 : i32
      %dma_start3A_163 = tpu.memref_slice %arg7[%dma_start3A_158, %dma_start3A_162] : memref<4x128xi32, #tpu.memory_space<vmem>> -> memref<1x128xi32, #tpu.memory_space<vmem>>
      %dma_start3A_164 = tpu.memref_squeeze %dma_start3A_163 : memref<1x128xi32, #tpu.memory_space<vmem>> -> memref<128xi32, #tpu.memory_space<vmem>>
      %dma_start3A_165 = arith.constant 0 : i32
      %dma_start3A_166 = arith.constant 0 : i32
      %dma_start3A_167 = tpu.memref_slice %arg12[%dma_start3A_165, %dma_start3A_166] : memref<53248x32xf32, #tpu.memory_space<vmem_shared>> -> memref<53248x32xf32, #tpu.memory_space<vmem_shared>>
      tpu.enqueue_indirect_dma source(%dma_start3A_161 : memref<128x32xf32, #tpu.memory_space<vmem>>) target(%dma_start3A_167 : memref<53248x32xf32, #tpu.memory_space<vmem_shared>>) offsets(%dma_start3A_164 : memref<128xi32, #tpu.memory_space<vmem>>) semaphore(%arg20 : memref<!tpu.dma_semaphore, #tpu.memory_space<semaphore_mem>>) {add = true}
      %dma_wait3A_168 = arith.constant 0 : i32
      %dma_wait3A_169 = arith.constant 0 : i32
      %dma_wait3A_170 = arith.constant 0 : i32
      %dma_wait3A_171 = tpu.memref_slice %arg10[%dma_wait3A_169, %dma_wait3A_170] : memref<512x32xf32, #tpu.memory_space<vmem>> -> memref<128x32xf32, #tpu.memory_space<vmem>>
      %dma_wait3A_172 = arith.constant 0 : i32
      %dma_wait3A_173 = tpu.memref_slice %arg7[%dma_wait3A_168, %dma_wait3A_172] : memref<4x128xi32, #tpu.memory_space<vmem>> -> memref<1x128xi32, #tpu.memory_space<vmem>>
      %dma_wait3A_174 = tpu.memref_squeeze %dma_wait3A_173 : memref<1x128xi32, #tpu.memory_space<vmem>> -> memref<128xi32, #tpu.memory_space<vmem>>
      %dma_wait3A_175 = arith.constant 0 : i32
      %dma_wait3A_176 = arith.constant 0 : i32
      %dma_wait3A_177 = tpu.memref_slice %arg12[%dma_wait3A_175, %dma_wait3A_176] : memref<53248x32xf32, #tpu.memory_space<vmem_shared>> -> memref<53248x32xf32, #tpu.memory_space<vmem_shared>>
      tpu.wait_indirect_dma semaphore(%arg17 : memref<!tpu.dma_semaphore, #tpu.memory_space<semaphore_mem>>) src(%dma_wait3A_171 : memref<128x32xf32, #tpu.memory_space<vmem>>) dst(%dma_wait3A_177 : memref<53248x32xf32, #tpu.memory_space<vmem_shared>>)
      %dma_start3A_178 = arith.constant 0 : i32
      %dma_start3A_179 = arith.constant 0 : i32
      %dma_start3A_180 = arith.constant 0 : i32
      %dma_start3A_181 = tpu.memref_slice %arg10[%dma_start3A_179, %dma_start3A_180] : memref<512x32xf32, #tpu.memory_space<vmem>> -> memref<128x32xf32, #tpu.memory_space<vmem>>
      %dma_start3A_182 = arith.constant 0 : i32
      %dma_start3A_183 = tpu.memref_slice %arg8[%dma_start3A_178, %dma_start3A_182] : memref<4x128xi32, #tpu.memory_space<vmem>> -> memref<1x128xi32, #tpu.memory_space<vmem>>
      %dma_start3A_184 = tpu.memref_squeeze %dma_start3A_183 : memref<1x128xi32, #tpu.memory_space<vmem>> -> memref<128xi32, #tpu.memory_space<vmem>>
      %dma_start3A_185 = arith.constant 0 : i32
      %dma_start3A_186 = arith.constant 0 : i32
      %dma_start3A_187 = tpu.memref_slice %arg4[%dma_start3A_185, %dma_start3A_186] : memref<102400x32xf32, #tpu.memory_space<hbm>> -> memref<102400x32xf32, #tpu.memory_space<hbm>>
      tpu.enqueue_indirect_dma source(%dma_start3A_187 : memref<102400x32xf32, #tpu.memory_space<hbm>>) target(%dma_start3A_181 : memref<128x32xf32, #tpu.memory_space<vmem>>) offsets(%dma_start3A_184 : memref<128xi32, #tpu.memory_space<vmem>>) semaphore(%arg13 : memref<!tpu.dma_semaphore, #tpu.memory_space<semaphore_mem>>)
      %dma_wait3A_188 = arith.constant 1 : i32
      %dma_wait3A_189 = arith.constant 128 : i32
      %dma_wait3A_190 = arith.constant 0 : i32
      %dma_wait3A_191 = tpu.memref_slice %arg10[%dma_wait3A_189, %dma_wait3A_190] : memref<512x32xf32, #tpu.memory_space<vmem>> -> memref<128x32xf32, #tpu.memory_space<vmem>>
      %dma_wait3A_192 = arith.constant 0 : i32
      %dma_wait3A_193 = tpu.memref_slice %arg7[%dma_wait3A_188, %dma_wait3A_192] : memref<4x128xi32, #tpu.memory_space<vmem>> -> memref<1x128xi32, #tpu.memory_space<vmem>>
      %dma_wait3A_194 = tpu.memref_squeeze %dma_wait3A_193 : memref<1x128xi32, #tpu.memory_space<vmem>> -> memref<128xi32, #tpu.memory_space<vmem>>
      %dma_wait3A_195 = arith.constant 0 : i32
      %dma_wait3A_196 = arith.constant 0 : i32
      %dma_wait3A_197 = tpu.memref_slice %arg12[%dma_wait3A_195, %dma_wait3A_196] : memref<53248x32xf32, #tpu.memory_space<vmem_shared>> -> memref<53248x32xf32, #tpu.memory_space<vmem_shared>>
      tpu.wait_indirect_dma semaphore(%arg18 : memref<!tpu.dma_semaphore, #tpu.memory_space<semaphore_mem>>) src(%dma_wait3A_191 : memref<128x32xf32, #tpu.memory_space<vmem>>) dst(%dma_wait3A_197 : memref<53248x32xf32, #tpu.memory_space<vmem_shared>>)
      %dma_start3A_198 = arith.constant 1 : i32
      %dma_start3A_199 = arith.constant 128 : i32
      %dma_start3A_200 = arith.constant 0 : i32
      %dma_start3A_201 = tpu.memref_slice %arg10[%dma_start3A_199, %dma_start3A_200] : memref<512x32xf32, #tpu.memory_space<vmem>> -> memref<128x32xf32, #tpu.memory_space<vmem>>
      %dma_start3A_202 = arith.constant 0 : i32
      %dma_start3A_203 = tpu.memref_slice %arg8[%dma_start3A_198, %dma_start3A_202] : memref<4x128xi32, #tpu.memory_space<vmem>> -> memref<1x128xi32, #tpu.memory_space<vmem>>
      %dma_start3A_204 = tpu.memref_squeeze %dma_start3A_203 : memref<1x128xi32, #tpu.memory_space<vmem>> -> memref<128xi32, #tpu.memory_space<vmem>>
      %dma_start3A_205 = arith.constant 0 : i32
      %dma_start3A_206 = arith.constant 0 : i32
      %dma_start3A_207 = tpu.memref_slice %arg4[%dma_start3A_205, %dma_start3A_206] : memref<102400x32xf32, #tpu.memory_space<hbm>> -> memref<102400x32xf32, #tpu.memory_space<hbm>>
      tpu.enqueue_indirect_dma source(%dma_start3A_207 : memref<102400x32xf32, #tpu.memory_space<hbm>>) target(%dma_start3A_201 : memref<128x32xf32, #tpu.memory_space<vmem>>) offsets(%dma_start3A_204 : memref<128xi32, #tpu.memory_space<vmem>>) semaphore(%arg14 : memref<!tpu.dma_semaphore, #tpu.memory_space<semaphore_mem>>)
      %dma_wait3A_208 = arith.constant 2 : i32
      %dma_wait3A_209 = arith.constant 256 : i32
      %dma_wait3A_210 = arith.constant 0 : i32
      %dma_wait3A_211 = tpu.memref_slice %arg10[%dma_wait3A_209, %dma_wait3A_210] : memref<512x32xf32, #tpu.memory_space<vmem>> -> memref<128x32xf32, #tpu.memory_space<vmem>>
      %dma_wait3A_212 = arith.constant 0 : i32
      %dma_wait3A_213 = tpu.memref_slice %arg7[%dma_wait3A_208, %dma_wait3A_212] : memref<4x128xi32, #tpu.memory_space<vmem>> -> memref<1x128xi32, #tpu.memory_space<vmem>>
      %dma_wait3A_214 = tpu.memref_squeeze %dma_wait3A_213 : memref<1x128xi32, #tpu.memory_space<vmem>> -> memref<128xi32, #tpu.memory_space<vmem>>
      %dma_wait3A_215 = arith.constant 0 : i32
      %dma_wait3A_216 = arith.constant 0 : i32
      %dma_wait3A_217 = tpu.memref_slice %arg12[%dma_wait3A_215, %dma_wait3A_216] : memref<53248x32xf32, #tpu.memory_space<vmem_shared>> -> memref<53248x32xf32, #tpu.memory_space<vmem_shared>>
      tpu.wait_indirect_dma semaphore(%arg19 : memref<!tpu.dma_semaphore, #tpu.memory_space<semaphore_mem>>) src(%dma_wait3A_211 : memref<128x32xf32, #tpu.memory_space<vmem>>) dst(%dma_wait3A_217 : memref<53248x32xf32, #tpu.memory_space<vmem_shared>>)
      %dma_start3A_218 = arith.constant 2 : i32
      %dma_start3A_219 = arith.constant 256 : i32
      %dma_start3A_220 = arith.constant 0 : i32
      %dma_start3A_221 = tpu.memref_slice %arg10[%dma_start3A_219, %dma_start3A_220] : memref<512x32xf32, #tpu.memory_space<vmem>> -> memref<128x32xf32, #tpu.memory_space<vmem>>
      %dma_start3A_222 = arith.constant 0 : i32
      %dma_start3A_223 = tpu.memref_slice %arg8[%dma_start3A_218, %dma_start3A_222] : memref<4x128xi32, #tpu.memory_space<vmem>> -> memref<1x128xi32, #tpu.memory_space<vmem>>
      %dma_start3A_224 = tpu.memref_squeeze %dma_start3A_223 : memref<1x128xi32, #tpu.memory_space<vmem>> -> memref<128xi32, #tpu.memory_space<vmem>>
      %dma_start3A_225 = arith.constant 0 : i32
      %dma_start3A_226 = arith.constant 0 : i32
      %dma_start3A_227 = tpu.memref_slice %arg4[%dma_start3A_225, %dma_start3A_226] : memref<102400x32xf32, #tpu.memory_space<hbm>> -> memref<102400x32xf32, #tpu.memory_space<hbm>>
      tpu.enqueue_indirect_dma source(%dma_start3A_227 : memref<102400x32xf32, #tpu.memory_space<hbm>>) target(%dma_start3A_221 : memref<128x32xf32, #tpu.memory_space<vmem>>) offsets(%dma_start3A_224 : memref<128xi32, #tpu.memory_space<vmem>>) semaphore(%arg15 : memref<!tpu.dma_semaphore, #tpu.memory_space<semaphore_mem>>)
      %dma_wait3A_228 = arith.constant 3 : i32
      %dma_wait3A_229 = arith.constant 384 : i32
      %dma_wait3A_230 = arith.constant 0 : i32
      %dma_wait3A_231 = tpu.memref_slice %arg10[%dma_wait3A_229, %dma_wait3A_230] : memref<512x32xf32, #tpu.memory_space<vmem>> -> memref<128x32xf32, #tpu.memory_space<vmem>>
      %dma_wait3A_232 = arith.constant 0 : i32
      %dma_wait3A_233 = tpu.memref_slice %arg7[%dma_wait3A_228, %dma_wait3A_232] : memref<4x128xi32, #tpu.memory_space<vmem>> -> memref<1x128xi32, #tpu.memory_space<vmem>>
      %dma_wait3A_234 = tpu.memref_squeeze %dma_wait3A_233 : memref<1x128xi32, #tpu.memory_space<vmem>> -> memref<128xi32, #tpu.memory_space<vmem>>
      %dma_wait3A_235 = arith.constant 0 : i32
      %dma_wait3A_236 = arith.constant 0 : i32
      %dma_wait3A_237 = tpu.memref_slice %arg12[%dma_wait3A_235, %dma_wait3A_236] : memref<53248x32xf32, #tpu.memory_space<vmem_shared>> -> memref<53248x32xf32, #tpu.memory_space<vmem_shared>>
      tpu.wait_indirect_dma semaphore(%arg20 : memref<!tpu.dma_semaphore, #tpu.memory_space<semaphore_mem>>) src(%dma_wait3A_231 : memref<128x32xf32, #tpu.memory_space<vmem>>) dst(%dma_wait3A_237 : memref<53248x32xf32, #tpu.memory_space<vmem_shared>>)
      %dma_start3A_238 = arith.constant 3 : i32
      %dma_start3A_239 = arith.constant 384 : i32
      %dma_start3A_240 = arith.constant 0 : i32
      %dma_start3A_241 = tpu.memref_slice %arg10[%dma_start3A_239, %dma_start3A_240] : memref<512x32xf32, #tpu.memory_space<vmem>> -> memref<128x32xf32, #tpu.memory_space<vmem>>
      %dma_start3A_242 = arith.constant 0 : i32
      %dma_start3A_243 = tpu.memref_slice %arg8[%dma_start3A_238, %dma_start3A_242] : memref<4x128xi32, #tpu.memory_space<vmem>> -> memref<1x128xi32, #tpu.memory_space<vmem>>
      %dma_start3A_244 = tpu.memref_squeeze %dma_start3A_243 : memref<1x128xi32, #tpu.memory_space<vmem>> -> memref<128xi32, #tpu.memory_space<vmem>>
      %dma_start3A_245 = arith.constant 0 : i32
      %dma_start3A_246 = arith.constant 0 : i32
      %dma_start3A_247 = tpu.memref_slice %arg4[%dma_start3A_245, %dma_start3A_246] : memref<102400x32xf32, #tpu.memory_space<hbm>> -> memref<102400x32xf32, #tpu.memory_space<hbm>>
      tpu.enqueue_indirect_dma source(%dma_start3A_247 : memref<102400x32xf32, #tpu.memory_space<hbm>>) target(%dma_start3A_241 : memref<128x32xf32, #tpu.memory_space<vmem>>) offsets(%dma_start3A_244 : memref<128xi32, #tpu.memory_space<vmem>>) semaphore(%arg16 : memref<!tpu.dma_semaphore, #tpu.memory_space<semaphore_mem>>)
      %not3A = arith.constant true
      %not3A_248 = arith.xori %eq3A_80, %not3A : i1
      %convert_element_type3A = arith.extui %not3A_248 : i1 to i32
      %cond3A = arith.constant 0 : i32
      %cond3A_249 = arith.cmpi ne, %convert_element_type3A, %cond3A : i32
      scf.if %cond3A_249 {
        %add3A_391 = arith.constant 2 : i32
        %add3A_392 = arith.addi %mul3A_79, %add3A_391 : i32
        %mul3A_393 = arith.constant 4 : i32
        %mul3A_394 = arith.muli %add3A_392, %mul3A_393 : i32
        %add3A_395 = arith.addi %mul3A_2, %mul3A_394 : i32
        "tpu.region"() ({
          %run_scoped3A = tpu.sem_alloc : memref<!tpu.dma_semaphore, #tpu.memory_space<semaphore_mem>>
          %dma_start3A_399 = arith.constant 0 : i32
          %dma_start3A_400 = tpu.memref_slice %arg2[%add3A_395, %dma_start3A_399] : memref<12800x128xi32, #tpu.memory_space<hbm>> -> memref<4x128xi32, #tpu.memory_space<hbm>>
          %dma_start3A_401 = arith.constant 0 : i32
          %dma_start3A_402 = tpu.memref_slice %arg2[%add3A_395, %dma_start3A_401] : memref<12800x128xi32, #tpu.memory_space<hbm>> -> memref<4x128xi32, #tpu.memory_space<hbm>>
          tpu.enqueue_dma source(%dma_start3A_402 : memref<4x128xi32, #tpu.memory_space<hbm>>) target(%arg6 : memref<4x128xi32, #tpu.memory_space<vmem>>) target_semaphore(%run_scoped3A : memref<!tpu.dma_semaphore, #tpu.memory_space<semaphore_mem>>)
          %dma_wait3A_403 = arith.constant 0 : i32
          %dma_wait3A_404 = tpu.memref_slice %arg2[%add3A_395, %dma_wait3A_403] : memref<12800x128xi32, #tpu.memory_space<hbm>> -> memref<4x128xi32, #tpu.memory_space<hbm>>
          %dma_wait3A_405 = arith.constant 0 : i32
          %dma_wait3A_406 = tpu.memref_slice %arg2[%add3A_395, %dma_wait3A_405] : memref<12800x128xi32, #tpu.memory_space<hbm>> -> memref<4x128xi32, #tpu.memory_space<hbm>>
          tpu.wait_dma2 semaphore(%run_scoped3A : memref<!tpu.dma_semaphore, #tpu.memory_space<semaphore_mem>>) src(%dma_wait3A_406 : memref<4x128xi32, #tpu.memory_space<hbm>>) dst(%arg6 : memref<4x128xi32, #tpu.memory_space<vmem>>)
          tpu.yield
        }) : () -> ()
        %mul3A_396 = arith.constant 4 : i32
        %mul3A_397 = arith.muli %add3A_392, %mul3A_396 : i32
        %add3A_398 = arith.addi %mul3A_4, %mul3A_397 : i32
        "tpu.region"() ({
          %run_scoped3A = tpu.sem_alloc : memref<!tpu.dma_semaphore, #tpu.memory_space<semaphore_mem>>
          %dma_start3A_399 = arith.constant 0 : i32
          %dma_start3A_400 = tpu.memref_slice %arg3[%add3A_398, %dma_start3A_399] : memref<6400x128xi32, #tpu.memory_space<hbm>> -> memref<4x128xi32, #tpu.memory_space<hbm>>
          %dma_start3A_401 = arith.constant 0 : i32
          %dma_start3A_402 = tpu.memref_slice %arg3[%add3A_398, %dma_start3A_401] : memref<6400x128xi32, #tpu.memory_space<hbm>> -> memref<4x128xi32, #tpu.memory_space<hbm>>
          tpu.enqueue_dma source(%dma_start3A_402 : memref<4x128xi32, #tpu.memory_space<hbm>>) target(%arg7 : memref<4x128xi32, #tpu.memory_space<vmem>>) target_semaphore(%run_scoped3A : memref<!tpu.dma_semaphore, #tpu.memory_space<semaphore_mem>>)
          %dma_wait3A_403 = arith.constant 0 : i32
          %dma_wait3A_404 = tpu.memref_slice %arg3[%add3A_398, %dma_wait3A_403] : memref<6400x128xi32, #tpu.memory_space<hbm>> -> memref<4x128xi32, #tpu.memory_space<hbm>>
          %dma_wait3A_405 = arith.constant 0 : i32
          %dma_wait3A_406 = tpu.memref_slice %arg3[%add3A_398, %dma_wait3A_405] : memref<6400x128xi32, #tpu.memory_space<hbm>> -> memref<4x128xi32, #tpu.memory_space<hbm>>
          tpu.wait_dma2 semaphore(%run_scoped3A : memref<!tpu.dma_semaphore, #tpu.memory_space<semaphore_mem>>) src(%dma_wait3A_406 : memref<4x128xi32, #tpu.memory_space<hbm>>) dst(%arg7 : memref<4x128xi32, #tpu.memory_space<vmem>>)
          tpu.yield
        }) : () -> ()
      } else {
      }
      %dma_wait3A_250 = arith.constant 0 : i32
      %dma_wait3A_251 = arith.constant 0 : i32
      %dma_wait3A_252 = arith.constant 0 : i32
      %dma_wait3A_253 = tpu.memref_slice %arg10[%dma_wait3A_251, %dma_wait3A_252] : memref<512x32xf32, #tpu.memory_space<vmem>> -> memref<128x32xf32, #tpu.memory_space<vmem>>
      %dma_wait3A_254 = arith.constant 0 : i32
      %dma_wait3A_255 = tpu.memref_slice %arg8[%dma_wait3A_250, %dma_wait3A_254] : memref<4x128xi32, #tpu.memory_space<vmem>> -> memref<1x128xi32, #tpu.memory_space<vmem>>
      %dma_wait3A_256 = tpu.memref_squeeze %dma_wait3A_255 : memref<1x128xi32, #tpu.memory_space<vmem>> -> memref<128xi32, #tpu.memory_space<vmem>>
      %dma_wait3A_257 = arith.constant 0 : i32
      %dma_wait3A_258 = arith.constant 0 : i32
      %dma_wait3A_259 = tpu.memref_slice %arg4[%dma_wait3A_257, %dma_wait3A_258] : memref<102400x32xf32, #tpu.memory_space<hbm>> -> memref<102400x32xf32, #tpu.memory_space<hbm>>
      tpu.wait_indirect_dma semaphore(%arg13 : memref<!tpu.dma_semaphore, #tpu.memory_space<semaphore_mem>>) src(%dma_wait3A_259 : memref<102400x32xf32, #tpu.memory_space<hbm>>) dst(%dma_wait3A_253 : memref<128x32xf32, #tpu.memory_space<vmem>>)
      %dma_start3A_260 = arith.constant 0 : i32
      %dma_start3A_261 = arith.constant 0 : i32
      %dma_start3A_262 = arith.constant 0 : i32
      %dma_start3A_263 = tpu.memref_slice %arg10[%dma_start3A_261, %dma_start3A_262] : memref<512x32xf32, #tpu.memory_space<vmem>> -> memref<128x32xf32, #tpu.memory_space<vmem>>
      %dma_start3A_264 = arith.constant 0 : i32
      %dma_start3A_265 = tpu.memref_slice %arg9[%dma_start3A_260, %dma_start3A_264] : memref<4x128xi32, #tpu.memory_space<vmem>> -> memref<1x128xi32, #tpu.memory_space<vmem>>
      %dma_start3A_266 = tpu.memref_squeeze %dma_start3A_265 : memref<1x128xi32, #tpu.memory_space<vmem>> -> memref<128xi32, #tpu.memory_space<vmem>>
      %dma_start3A_267 = arith.constant 0 : i32
      %dma_start3A_268 = arith.constant 0 : i32
      %dma_start3A_269 = tpu.memref_slice %arg12[%dma_start3A_267, %dma_start3A_268] : memref<53248x32xf32, #tpu.memory_space<vmem_shared>> -> memref<53248x32xf32, #tpu.memory_space<vmem_shared>>
      tpu.enqueue_indirect_dma source(%dma_start3A_263 : memref<128x32xf32, #tpu.memory_space<vmem>>) target(%dma_start3A_269 : memref<53248x32xf32, #tpu.memory_space<vmem_shared>>) offsets(%dma_start3A_266 : memref<128xi32, #tpu.memory_space<vmem>>) semaphore(%arg17 : memref<!tpu.dma_semaphore, #tpu.memory_space<semaphore_mem>>) {add = true}
      %dma_wait3A_270 = arith.constant 1 : i32
      %dma_wait3A_271 = arith.constant 128 : i32
      %dma_wait3A_272 = arith.constant 0 : i32
      %dma_wait3A_273 = tpu.memref_slice %arg10[%dma_wait3A_271, %dma_wait3A_272] : memref<512x32xf32, #tpu.memory_space<vmem>> -> memref<128x32xf32, #tpu.memory_space<vmem>>
      %dma_wait3A_274 = arith.constant 0 : i32
      %dma_wait3A_275 = tpu.memref_slice %arg8[%dma_wait3A_270, %dma_wait3A_274] : memref<4x128xi32, #tpu.memory_space<vmem>> -> memref<1x128xi32, #tpu.memory_space<vmem>>
      %dma_wait3A_276 = tpu.memref_squeeze %dma_wait3A_275 : memref<1x128xi32, #tpu.memory_space<vmem>> -> memref<128xi32, #tpu.memory_space<vmem>>
      %dma_wait3A_277 = arith.constant 0 : i32
      %dma_wait3A_278 = arith.constant 0 : i32
      %dma_wait3A_279 = tpu.memref_slice %arg4[%dma_wait3A_277, %dma_wait3A_278] : memref<102400x32xf32, #tpu.memory_space<hbm>> -> memref<102400x32xf32, #tpu.memory_space<hbm>>
      tpu.wait_indirect_dma semaphore(%arg14 : memref<!tpu.dma_semaphore, #tpu.memory_space<semaphore_mem>>) src(%dma_wait3A_279 : memref<102400x32xf32, #tpu.memory_space<hbm>>) dst(%dma_wait3A_273 : memref<128x32xf32, #tpu.memory_space<vmem>>)
      %dma_start3A_280 = arith.constant 1 : i32
      %dma_start3A_281 = arith.constant 128 : i32
      %dma_start3A_282 = arith.constant 0 : i32
      %dma_start3A_283 = tpu.memref_slice %arg10[%dma_start3A_281, %dma_start3A_282] : memref<512x32xf32, #tpu.memory_space<vmem>> -> memref<128x32xf32, #tpu.memory_space<vmem>>
      %dma_start3A_284 = arith.constant 0 : i32
      %dma_start3A_285 = tpu.memref_slice %arg9[%dma_start3A_280, %dma_start3A_284] : memref<4x128xi32, #tpu.memory_space<vmem>> -> memref<1x128xi32, #tpu.memory_space<vmem>>
      %dma_start3A_286 = tpu.memref_squeeze %dma_start3A_285 : memref<1x128xi32, #tpu.memory_space<vmem>> -> memref<128xi32, #tpu.memory_space<vmem>>
      %dma_start3A_287 = arith.constant 0 : i32
      %dma_start3A_288 = arith.constant 0 : i32
      %dma_start3A_289 = tpu.memref_slice %arg12[%dma_start3A_287, %dma_start3A_288] : memref<53248x32xf32, #tpu.memory_space<vmem_shared>> -> memref<53248x32xf32, #tpu.memory_space<vmem_shared>>
      tpu.enqueue_indirect_dma source(%dma_start3A_283 : memref<128x32xf32, #tpu.memory_space<vmem>>) target(%dma_start3A_289 : memref<53248x32xf32, #tpu.memory_space<vmem_shared>>) offsets(%dma_start3A_286 : memref<128xi32, #tpu.memory_space<vmem>>) semaphore(%arg18 : memref<!tpu.dma_semaphore, #tpu.memory_space<semaphore_mem>>) {add = true}
      %dma_wait3A_290 = arith.constant 2 : i32
      %dma_wait3A_291 = arith.constant 256 : i32
      %dma_wait3A_292 = arith.constant 0 : i32
      %dma_wait3A_293 = tpu.memref_slice %arg10[%dma_wait3A_291, %dma_wait3A_292] : memref<512x32xf32, #tpu.memory_space<vmem>> -> memref<128x32xf32, #tpu.memory_space<vmem>>
      %dma_wait3A_294 = arith.constant 0 : i32
      %dma_wait3A_295 = tpu.memref_slice %arg8[%dma_wait3A_290, %dma_wait3A_294] : memref<4x128xi32, #tpu.memory_space<vmem>> -> memref<1x128xi32, #tpu.memory_space<vmem>>
      %dma_wait3A_296 = tpu.memref_squeeze %dma_wait3A_295 : memref<1x128xi32, #tpu.memory_space<vmem>> -> memref<128xi32, #tpu.memory_space<vmem>>
      %dma_wait3A_297 = arith.constant 0 : i32
      %dma_wait3A_298 = arith.constant 0 : i32
      %dma_wait3A_299 = tpu.memref_slice %arg4[%dma_wait3A_297, %dma_wait3A_298] : memref<102400x32xf32, #tpu.memory_space<hbm>> -> memref<102400x32xf32, #tpu.memory_space<hbm>>
      tpu.wait_indirect_dma semaphore(%arg15 : memref<!tpu.dma_semaphore, #tpu.memory_space<semaphore_mem>>) src(%dma_wait3A_299 : memref<102400x32xf32, #tpu.memory_space<hbm>>) dst(%dma_wait3A_293 : memref<128x32xf32, #tpu.memory_space<vmem>>)
      %dma_start3A_300 = arith.constant 2 : i32
      %dma_start3A_301 = arith.constant 256 : i32
      %dma_start3A_302 = arith.constant 0 : i32
      %dma_start3A_303 = tpu.memref_slice %arg10[%dma_start3A_301, %dma_start3A_302] : memref<512x32xf32, #tpu.memory_space<vmem>> -> memref<128x32xf32, #tpu.memory_space<vmem>>
      %dma_start3A_304 = arith.constant 0 : i32
      %dma_start3A_305 = tpu.memref_slice %arg9[%dma_start3A_300, %dma_start3A_304] : memref<4x128xi32, #tpu.memory_space<vmem>> -> memref<1x128xi32, #tpu.memory_space<vmem>>
      %dma_start3A_306 = tpu.memref_squeeze %dma_start3A_305 : memref<1x128xi32, #tpu.memory_space<vmem>> -> memref<128xi32, #tpu.memory_space<vmem>>
      %dma_start3A_307 = arith.constant 0 : i32
      %dma_start3A_308 = arith.constant 0 : i32
      %dma_start3A_309 = tpu.memref_slice %arg12[%dma_start3A_307, %dma_start3A_308] : memref<53248x32xf32, #tpu.memory_space<vmem_shared>> -> memref<53248x32xf32, #tpu.memory_space<vmem_shared>>
      tpu.enqueue_indirect_dma source(%dma_start3A_303 : memref<128x32xf32, #tpu.memory_space<vmem>>) target(%dma_start3A_309 : memref<53248x32xf32, #tpu.memory_space<vmem_shared>>) offsets(%dma_start3A_306 : memref<128xi32, #tpu.memory_space<vmem>>) semaphore(%arg19 : memref<!tpu.dma_semaphore, #tpu.memory_space<semaphore_mem>>) {add = true}
      %dma_wait3A_310 = arith.constant 3 : i32
      %dma_wait3A_311 = arith.constant 384 : i32
      %dma_wait3A_312 = arith.constant 0 : i32
      %dma_wait3A_313 = tpu.memref_slice %arg10[%dma_wait3A_311, %dma_wait3A_312] : memref<512x32xf32, #tpu.memory_space<vmem>> -> memref<128x32xf32, #tpu.memory_space<vmem>>
      %dma_wait3A_314 = arith.constant 0 : i32
      %dma_wait3A_315 = tpu.memref_slice %arg8[%dma_wait3A_310, %dma_wait3A_314] : memref<4x128xi32, #tpu.memory_space<vmem>> -> memref<1x128xi32, #tpu.memory_space<vmem>>
      %dma_wait3A_316 = tpu.memref_squeeze %dma_wait3A_315 : memref<1x128xi32, #tpu.memory_space<vmem>> -> memref<128xi32, #tpu.memory_space<vmem>>
      %dma_wait3A_317 = arith.constant 0 : i32
      %dma_wait3A_318 = arith.constant 0 : i32
      %dma_wait3A_319 = tpu.memref_slice %arg4[%dma_wait3A_317, %dma_wait3A_318] : memref<102400x32xf32, #tpu.memory_space<hbm>> -> memref<102400x32xf32, #tpu.memory_space<hbm>>
      tpu.wait_indirect_dma semaphore(%arg16 : memref<!tpu.dma_semaphore, #tpu.memory_space<semaphore_mem>>) src(%dma_wait3A_319 : memref<102400x32xf32, #tpu.memory_space<hbm>>) dst(%dma_wait3A_313 : memref<128x32xf32, #tpu.memory_space<vmem>>)
      %dma_start3A_320 = arith.constant 3 : i32
      %dma_start3A_321 = arith.constant 384 : i32
      %dma_start3A_322 = arith.constant 0 : i32
      %dma_start3A_323 = tpu.memref_slice %arg10[%dma_start3A_321, %dma_start3A_322] : memref<512x32xf32, #tpu.memory_space<vmem>> -> memref<128x32xf32, #tpu.memory_space<vmem>>
      %dma_start3A_324 = arith.constant 0 : i32
      %dma_start3A_325 = tpu.memref_slice %arg9[%dma_start3A_320, %dma_start3A_324] : memref<4x128xi32, #tpu.memory_space<vmem>> -> memref<1x128xi32, #tpu.memory_space<vmem>>
      %dma_start3A_326 = tpu.memref_squeeze %dma_start3A_325 : memref<1x128xi32, #tpu.memory_space<vmem>> -> memref<128xi32, #tpu.memory_space<vmem>>
      %dma_start3A_327 = arith.constant 0 : i32
      %dma_start3A_328 = arith.constant 0 : i32
      %dma_start3A_329 = tpu.memref_slice %arg12[%dma_start3A_327, %dma_start3A_328] : memref<53248x32xf32, #tpu.memory_space<vmem_shared>> -> memref<53248x32xf32, #tpu.memory_space<vmem_shared>>
      tpu.enqueue_indirect_dma source(%dma_start3A_323 : memref<128x32xf32, #tpu.memory_space<vmem>>) target(%dma_start3A_329 : memref<53248x32xf32, #tpu.memory_space<vmem_shared>>) offsets(%dma_start3A_326 : memref<128xi32, #tpu.memory_space<vmem>>) semaphore(%arg20 : memref<!tpu.dma_semaphore, #tpu.memory_space<semaphore_mem>>) {add = true}
      %dma_wait3A_330 = arith.constant 0 : i32
      %dma_wait3A_331 = arith.constant 0 : i32
      %dma_wait3A_332 = arith.constant 0 : i32
      %dma_wait3A_333 = tpu.memref_slice %arg10[%dma_wait3A_331, %dma_wait3A_332] : memref<512x32xf32, #tpu.memory_space<vmem>> -> memref<128x32xf32, #tpu.memory_space<vmem>>
      %dma_wait3A_334 = arith.constant 0 : i32
      %dma_wait3A_335 = tpu.memref_slice %arg9[%dma_wait3A_330, %dma_wait3A_334] : memref<4x128xi32, #tpu.memory_space<vmem>> -> memref<1x128xi32, #tpu.memory_space<vmem>>
      %dma_wait3A_336 = tpu.memref_squeeze %dma_wait3A_335 : memref<1x128xi32, #tpu.memory_space<vmem>> -> memref<128xi32, #tpu.memory_space<vmem>>
      %dma_wait3A_337 = arith.constant 0 : i32
      %dma_wait3A_338 = arith.constant 0 : i32
      %dma_wait3A_339 = tpu.memref_slice %arg12[%dma_wait3A_337, %dma_wait3A_338] : memref<53248x32xf32, #tpu.memory_space<vmem_shared>> -> memref<53248x32xf32, #tpu.memory_space<vmem_shared>>
      tpu.wait_indirect_dma semaphore(%arg17 : memref<!tpu.dma_semaphore, #tpu.memory_space<semaphore_mem>>) src(%dma_wait3A_333 : memref<128x32xf32, #tpu.memory_space<vmem>>) dst(%dma_wait3A_339 : memref<53248x32xf32, #tpu.memory_space<vmem_shared>>)
      %not3A_340 = arith.constant true
      %not3A_341 = arith.xori %eq3A_80, %not3A_340 : i1
      %convert_element_type3A_342 = arith.extui %not3A_341 : i1 to i32
      %cond3A_343 = arith.constant 0 : i32
      %cond3A_344 = arith.cmpi ne, %convert_element_type3A_342, %cond3A_343 : i32
      scf.if %cond3A_344 {
        %dma_start3A_391 = arith.constant 0 : i32
        %dma_start3A_392 = arith.constant 0 : i32
        %dma_start3A_393 = arith.constant 0 : i32
        %dma_start3A_394 = tpu.memref_slice %arg10[%dma_start3A_392, %dma_start3A_393] : memref<512x32xf32, #tpu.memory_space<vmem>> -> memref<128x32xf32, #tpu.memory_space<vmem>>
        %dma_start3A_395 = arith.constant 0 : i32
        %dma_start3A_396 = tpu.memref_slice %arg6[%dma_start3A_391, %dma_start3A_395] : memref<4x128xi32, #tpu.memory_space<vmem>> -> memref<1x128xi32, #tpu.memory_space<vmem>>
        %dma_start3A_397 = tpu.memref_squeeze %dma_start3A_396 : memref<1x128xi32, #tpu.memory_space<vmem>> -> memref<128xi32, #tpu.memory_space<vmem>>
        %dma_start3A_398 = arith.constant 0 : i32
        %dma_start3A_399 = arith.constant 0 : i32
        %dma_start3A_400 = tpu.memref_slice %arg4[%dma_start3A_398, %dma_start3A_399] : memref<102400x32xf32, #tpu.memory_space<hbm>> -> memref<102400x32xf32, #tpu.memory_space<hbm>>
        tpu.enqueue_indirect_dma source(%dma_start3A_400 : memref<102400x32xf32, #tpu.memory_space<hbm>>) target(%dma_start3A_394 : memref<128x32xf32, #tpu.memory_space<vmem>>) offsets(%dma_start3A_397 : memref<128xi32, #tpu.memory_space<vmem>>) semaphore(%arg13 : memref<!tpu.dma_semaphore, #tpu.memory_space<semaphore_mem>>)
      } else {
      }
      %dma_wait3A_345 = arith.constant 1 : i32
      %dma_wait3A_346 = arith.constant 128 : i32
      %dma_wait3A_347 = arith.constant 0 : i32
      %dma_wait3A_348 = tpu.memref_slice %arg10[%dma_wait3A_346, %dma_wait3A_347] : memref<512x32xf32, #tpu.memory_space<vmem>> -> memref<128x32xf32, #tpu.memory_space<vmem>>
      %dma_wait3A_349 = arith.constant 0 : i32
      %dma_wait3A_350 = tpu.memref_slice %arg9[%dma_wait3A_345, %dma_wait3A_349] : memref<4x128xi32, #tpu.memory_space<vmem>> -> memref<1x128xi32, #tpu.memory_space<vmem>>
      %dma_wait3A_351 = tpu.memref_squeeze %dma_wait3A_350 : memref<1x128xi32, #tpu.memory_space<vmem>> -> memref<128xi32, #tpu.memory_space<vmem>>
      %dma_wait3A_352 = arith.constant 0 : i32
      %dma_wait3A_353 = arith.constant 0 : i32
      %dma_wait3A_354 = tpu.memref_slice %arg12[%dma_wait3A_352, %dma_wait3A_353] : memref<53248x32xf32, #tpu.memory_space<vmem_shared>> -> memref<53248x32xf32, #tpu.memory_space<vmem_shared>>
      tpu.wait_indirect_dma semaphore(%arg18 : memref<!tpu.dma_semaphore, #tpu.memory_space<semaphore_mem>>) src(%dma_wait3A_348 : memref<128x32xf32, #tpu.memory_space<vmem>>) dst(%dma_wait3A_354 : memref<53248x32xf32, #tpu.memory_space<vmem_shared>>)
      %not3A_355 = arith.constant true
      %not3A_356 = arith.xori %eq3A_80, %not3A_355 : i1
      %convert_element_type3A_357 = arith.extui %not3A_356 : i1 to i32
      %cond3A_358 = arith.constant 0 : i32
      %cond3A_359 = arith.cmpi ne, %convert_element_type3A_357, %cond3A_358 : i32
      scf.if %cond3A_359 {
        %dma_start3A_391 = arith.constant 1 : i32
        %dma_start3A_392 = arith.constant 128 : i32
        %dma_start3A_393 = arith.constant 0 : i32
        %dma_start3A_394 = tpu.memref_slice %arg10[%dma_start3A_392, %dma_start3A_393] : memref<512x32xf32, #tpu.memory_space<vmem>> -> memref<128x32xf32, #tpu.memory_space<vmem>>
        %dma_start3A_395 = arith.constant 0 : i32
        %dma_start3A_396 = tpu.memref_slice %arg6[%dma_start3A_391, %dma_start3A_395] : memref<4x128xi32, #tpu.memory_space<vmem>> -> memref<1x128xi32, #tpu.memory_space<vmem>>
        %dma_start3A_397 = tpu.memref_squeeze %dma_start3A_396 : memref<1x128xi32, #tpu.memory_space<vmem>> -> memref<128xi32, #tpu.memory_space<vmem>>
        %dma_start3A_398 = arith.constant 0 : i32
        %dma_start3A_399 = arith.constant 0 : i32
        %dma_start3A_400 = tpu.memref_slice %arg4[%dma_start3A_398, %dma_start3A_399] : memref<102400x32xf32, #tpu.memory_space<hbm>> -> memref<102400x32xf32, #tpu.memory_space<hbm>>
        tpu.enqueue_indirect_dma source(%dma_start3A_400 : memref<102400x32xf32, #tpu.memory_space<hbm>>) target(%dma_start3A_394 : memref<128x32xf32, #tpu.memory_space<vmem>>) offsets(%dma_start3A_397 : memref<128xi32, #tpu.memory_space<vmem>>) semaphore(%arg14 : memref<!tpu.dma_semaphore, #tpu.memory_space<semaphore_mem>>)
      } else {
      }
      %dma_wait3A_360 = arith.constant 2 : i32
      %dma_wait3A_361 = arith.constant 256 : i32
      %dma_wait3A_362 = arith.constant 0 : i32
      %dma_wait3A_363 = tpu.memref_slice %arg10[%dma_wait3A_361, %dma_wait3A_362] : memref<512x32xf32, #tpu.memory_space<vmem>> -> memref<128x32xf32, #tpu.memory_space<vmem>>
      %dma_wait3A_364 = arith.constant 0 : i32
      %dma_wait3A_365 = tpu.memref_slice %arg9[%dma_wait3A_360, %dma_wait3A_364] : memref<4x128xi32, #tpu.memory_space<vmem>> -> memref<1x128xi32, #tpu.memory_space<vmem>>
      %dma_wait3A_366 = tpu.memref_squeeze %dma_wait3A_365 : memref<1x128xi32, #tpu.memory_space<vmem>> -> memref<128xi32, #tpu.memory_space<vmem>>
      %dma_wait3A_367 = arith.constant 0 : i32
      %dma_wait3A_368 = arith.constant 0 : i32
      %dma_wait3A_369 = tpu.memref_slice %arg12[%dma_wait3A_367, %dma_wait3A_368] : memref<53248x32xf32, #tpu.memory_space<vmem_shared>> -> memref<53248x32xf32, #tpu.memory_space<vmem_shared>>
      tpu.wait_indirect_dma semaphore(%arg19 : memref<!tpu.dma_semaphore, #tpu.memory_space<semaphore_mem>>) src(%dma_wait3A_363 : memref<128x32xf32, #tpu.memory_space<vmem>>) dst(%dma_wait3A_369 : memref<53248x32xf32, #tpu.memory_space<vmem_shared>>)
      %not3A_370 = arith.constant true
      %not3A_371 = arith.xori %eq3A_80, %not3A_370 : i1
      %convert_element_type3A_372 = arith.extui %not3A_371 : i1 to i32
      %cond3A_373 = arith.constant 0 : i32
      %cond3A_374 = arith.cmpi ne, %convert_element_type3A_372, %cond3A_373 : i32
      scf.if %cond3A_374 {
        %dma_start3A_391 = arith.constant 2 : i32
        %dma_start3A_392 = arith.constant 256 : i32
        %dma_start3A_393 = arith.constant 0 : i32
        %dma_start3A_394 = tpu.memref_slice %arg10[%dma_start3A_392, %dma_start3A_393] : memref<512x32xf32, #tpu.memory_space<vmem>> -> memref<128x32xf32, #tpu.memory_space<vmem>>
        %dma_start3A_395 = arith.constant 0 : i32
        %dma_start3A_396 = tpu.memref_slice %arg6[%dma_start3A_391, %dma_start3A_395] : memref<4x128xi32, #tpu.memory_space<vmem>> -> memref<1x128xi32, #tpu.memory_space<vmem>>
        %dma_start3A_397 = tpu.memref_squeeze %dma_start3A_396 : memref<1x128xi32, #tpu.memory_space<vmem>> -> memref<128xi32, #tpu.memory_space<vmem>>
        %dma_start3A_398 = arith.constant 0 : i32
        %dma_start3A_399 = arith.constant 0 : i32
        %dma_start3A_400 = tpu.memref_slice %arg4[%dma_start3A_398, %dma_start3A_399] : memref<102400x32xf32, #tpu.memory_space<hbm>> -> memref<102400x32xf32, #tpu.memory_space<hbm>>
        tpu.enqueue_indirect_dma source(%dma_start3A_400 : memref<102400x32xf32, #tpu.memory_space<hbm>>) target(%dma_start3A_394 : memref<128x32xf32, #tpu.memory_space<vmem>>) offsets(%dma_start3A_397 : memref<128xi32, #tpu.memory_space<vmem>>) semaphore(%arg15 : memref<!tpu.dma_semaphore, #tpu.memory_space<semaphore_mem>>)
      } else {
      }
      %dma_wait3A_375 = arith.constant 3 : i32
      %dma_wait3A_376 = arith.constant 384 : i32
      %dma_wait3A_377 = arith.constant 0 : i32
      %dma_wait3A_378 = tpu.memref_slice %arg10[%dma_wait3A_376, %dma_wait3A_377] : memref<512x32xf32, #tpu.memory_space<vmem>> -> memref<128x32xf32, #tpu.memory_space<vmem>>
      %dma_wait3A_379 = arith.constant 0 : i32
      %dma_wait3A_380 = tpu.memref_slice %arg9[%dma_wait3A_375, %dma_wait3A_379] : memref<4x128xi32, #tpu.memory_space<vmem>> -> memref<1x128xi32, #tpu.memory_space<vmem>>
      %dma_wait3A_381 = tpu.memref_squeeze %dma_wait3A_380 : memref<1x128xi32, #tpu.memory_space<vmem>> -> memref<128xi32, #tpu.memory_space<vmem>>
      %dma_wait3A_382 = arith.constant 0 : i32
      %dma_wait3A_383 = arith.constant 0 : i32
      %dma_wait3A_384 = tpu.memref_slice %arg12[%dma_wait3A_382, %dma_wait3A_383] : memref<53248x32xf32, #tpu.memory_space<vmem_shared>> -> memref<53248x32xf32, #tpu.memory_space<vmem_shared>>
      tpu.wait_indirect_dma semaphore(%arg20 : memref<!tpu.dma_semaphore, #tpu.memory_space<semaphore_mem>>) src(%dma_wait3A_378 : memref<128x32xf32, #tpu.memory_space<vmem>>) dst(%dma_wait3A_384 : memref<53248x32xf32, #tpu.memory_space<vmem_shared>>)
      %not3A_385 = arith.constant true
      %not3A_386 = arith.xori %eq3A_80, %not3A_385 : i1
      %convert_element_type3A_387 = arith.extui %not3A_386 : i1 to i32
      %cond3A_388 = arith.constant 0 : i32
      %cond3A_389 = arith.cmpi ne, %convert_element_type3A_387, %cond3A_388 : i32
      scf.if %cond3A_389 {
        %dma_start3A_391 = arith.constant 3 : i32
        %dma_start3A_392 = arith.constant 384 : i32
        %dma_start3A_393 = arith.constant 0 : i32
        %dma_start3A_394 = tpu.memref_slice %arg10[%dma_start3A_392, %dma_start3A_393] : memref<512x32xf32, #tpu.memory_space<vmem>> -> memref<128x32xf32, #tpu.memory_space<vmem>>
        %dma_start3A_395 = arith.constant 0 : i32
        %dma_start3A_396 = tpu.memref_slice %arg6[%dma_start3A_391, %dma_start3A_395] : memref<4x128xi32, #tpu.memory_space<vmem>> -> memref<1x128xi32, #tpu.memory_space<vmem>>
        %dma_start3A_397 = tpu.memref_squeeze %dma_start3A_396 : memref<1x128xi32, #tpu.memory_space<vmem>> -> memref<128xi32, #tpu.memory_space<vmem>>
        %dma_start3A_398 = arith.constant 0 : i32
        %dma_start3A_399 = arith.constant 0 : i32
        %dma_start3A_400 = tpu.memref_slice %arg4[%dma_start3A_398, %dma_start3A_399] : memref<102400x32xf32, #tpu.memory_space<hbm>> -> memref<102400x32xf32, #tpu.memory_space<hbm>>
        tpu.enqueue_indirect_dma source(%dma_start3A_400 : memref<102400x32xf32, #tpu.memory_space<hbm>>) target(%dma_start3A_394 : memref<128x32xf32, #tpu.memory_space<vmem>>) offsets(%dma_start3A_397 : memref<128xi32, #tpu.memory_space<vmem>>) semaphore(%arg16 : memref<!tpu.dma_semaphore, #tpu.memory_space<semaphore_mem>>)
      } else {
      }
      %scan3A_390 = arith.constant 0 : i32
      scf.yield %scan3A_390 : i32
    }
    %scan3A_67 = arith.constant 50 : i32
    %barrier3A_68 = arith.constant 0 : index
    tpu.barrier barrier_id(%barrier3A_68)
    %mul3A_69 = arith.constant 3328 : i32
    %mul3A_70 = arith.muli %arg1, %mul3A_69 : i32
    %mul3A_71 = arith.constant 16 : i32
    %mul3A_72 = arith.muli %arg0, %mul3A_71 : i32
    %add3A_73 = arith.addi %mul3A_72, %arg1 : i32
    %mul3A_74 = arith.constant 3328 : i32
    %mul3A_75 = arith.muli %add3A_73, %mul3A_74 : i32
    "tpu.region"() ({
      %run_scoped3A = tpu.sem_alloc : memref<!tpu.dma_semaphore, #tpu.memory_space<semaphore_mem>>
      %dma_start3A_76 = arith.constant 0 : i32
      %dma_start3A_77 = tpu.memref_slice %arg5[%mul3A_75, %dma_start3A_76] : memref<106496x32xf32, #tpu.memory_space<hbm>> -> memref<3328x32xf32, #tpu.memory_space<hbm>>
      %dma_start3A_78 = arith.constant 0 : i32
      %dma_start3A_79 = tpu.memref_slice %arg12[%mul3A_70, %dma_start3A_78] : memref<53248x32xf32, #tpu.memory_space<vmem_shared>> -> memref<3328x32xf32, #tpu.memory_space<vmem_shared>>
      tpu.enqueue_dma source(%dma_start3A_79 : memref<3328x32xf32, #tpu.memory_space<vmem_shared>>) target(%dma_start3A_77 : memref<3328x32xf32, #tpu.memory_space<hbm>>) target_semaphore(%run_scoped3A : memref<!tpu.dma_semaphore, #tpu.memory_space<semaphore_mem>>)
      %dma_wait3A = arith.constant 0 : i32
      %dma_wait3A_80 = tpu.memref_slice %arg5[%mul3A_75, %dma_wait3A] : memref<106496x32xf32, #tpu.memory_space<hbm>> -> memref<3328x32xf32, #tpu.memory_space<hbm>>
      %dma_wait3A_81 = arith.constant 0 : i32
      %dma_wait3A_82 = tpu.memref_slice %arg12[%mul3A_70, %dma_wait3A_81] : memref<53248x32xf32, #tpu.memory_space<vmem_shared>> -> memref<3328x32xf32, #tpu.memory_space<vmem_shared>>
      tpu.wait_dma2 semaphore(%run_scoped3A : memref<!tpu.dma_semaphore, #tpu.memory_space<semaphore_mem>>) src(%dma_wait3A_82 : memref<3328x32xf32, #tpu.memory_space<vmem_shared>>) dst(%dma_wait3A_80 : memref<3328x32xf32, #tpu.memory_space<hbm>>)
      tpu.yield
    }) : () -> ()
    return
  }
}

#map = affine_map<(d0, d1) -> (0, 0)>
module attributes {stable_mosaic.version = 14 : i64} {
  func.func @_scat_body(%arg0: i32, %arg1: i32, %arg2: memref<12800x128xi32, #tpu.memory_space<hbm>>, %arg3: memref<6400x128xi32, #tpu.memory_space<hbm>>, %arg4: memref<102400x32xf32, #tpu.memory_space<hbm>>, %arg5: memref<106496x32xf32, #tpu.memory_space<hbm>>, %arg6: memref<4x128xi32, #tpu.memory_space<vmem>>, %arg7: memref<4x128xi32, #tpu.memory_space<vmem>>, %arg8: memref<4x128xi32, #tpu.memory_space<vmem>>, %arg9: memref<4x128xi32, #tpu.memory_space<vmem>>, %arg10: memref<512x32xf32, #tpu.memory_space<vmem>>, %arg11: memref<64x32xf32, #tpu.memory_space<vmem>>, %arg12: memref<53248x32xf32, #tpu.memory_space<vmem_shared>>, %arg13: memref<!tpu.dma_semaphore, #tpu.memory_space<semaphore_mem>>, %arg14: memref<!tpu.dma_semaphore, #tpu.memory_space<semaphore_mem>>, %arg15: memref<!tpu.dma_semaphore, #tpu.memory_space<semaphore_mem>>, %arg16: memref<!tpu.dma_semaphore, #tpu.memory_space<semaphore_mem>>, %arg17: memref<!tpu.dma_semaphore, #tpu.memory_space<semaphore_mem>>, %arg18: memref<!tpu.dma_semaphore, #tpu.memory_space<semaphore_mem>>, %arg19: memref<!tpu.dma_semaphore, #tpu.memory_space<semaphore_mem>>, %arg20: memref<!tpu.dma_semaphore, #tpu.memory_space<semaphore_mem>>) attributes {dimension_semantics = [#tpu.dimension_semantics<core_parallel>, #tpu.dimension_semantics<subcore_parallel>], iteration_bounds = array<i64: 2, 16>, scalar_prefetch = 0 : i64, scratch_operands = 15 : i64, tpu.core_type = #tpu.core_type<sc_vector_subcore>, window_params = [{transform_indices = #map}, {transform_indices = #map}, {transform_indices = #map}, {transform_indices = #map}]} {
    %mul3A = arith.constant 16 : i32
    %mul3A_0 = arith.muli %arg0, %mul3A : i32
    %add3A = arith.addi %mul3A_0, %arg1 : i32
    %mul3A_1 = arith.constant 400 : i32
    %mul3A_2 = arith.muli %add3A, %mul3A_1 : i32
    %mul3A_3 = arith.constant 400 : i32
    %mul3A_4 = arith.muli %arg1, %mul3A_3 : i32
    %add3A_5 = arith.constant 0 : i32
    %add3A_6 = arith.addi %mul3A_2, %add3A_5 : i32
    "tpu.region"() ({
      %run_scoped3A = tpu.sem_alloc : memref<!tpu.dma_semaphore, #tpu.memory_space<semaphore_mem>>
      %dma_start3A_76 = arith.constant 0 : i32
      %dma_start3A_77 = tpu.memref_slice %arg2[%add3A_6, %dma_start3A_76] : memref<12800x128xi32, #tpu.memory_space<hbm>> -> memref<4x128xi32, #tpu.memory_space<hbm>>
      %dma_start3A_78 = arith.constant 0 : i32
      %dma_start3A_79 = tpu.memref_slice %arg2[%add3A_6, %dma_start3A_78] : memref<12800x128xi32, #tpu.memory_space<hbm>> -> memref<4x128xi32, #tpu.memory_space<hbm>>
      tpu.enqueue_dma source(%dma_start3A_79 : memref<4x128xi32, #tpu.memory_space<hbm>>) target(%arg6 : memref<4x128xi32, #tpu.memory_space<vmem>>) target_semaphore(%run_scoped3A : memref<!tpu.dma_semaphore, #tpu.memory_space<semaphore_mem>>)
      %dma_wait3A = arith.constant 0 : i32
      %dma_wait3A_80 = tpu.memref_slice %arg2[%add3A_6, %dma_wait3A] : memref<12800x128xi32, #tpu.memory_space<hbm>> -> memref<4x128xi32, #tpu.memory_space<hbm>>
      %dma_wait3A_81 = arith.constant 0 : i32
      %dma_wait3A_82 = tpu.memref_slice %arg2[%add3A_6, %dma_wait3A_81] : memref<12800x128xi32, #tpu.memory_space<hbm>> -> memref<4x128xi32, #tpu.memory_space<hbm>>
      tpu.wait_dma2 semaphore(%run_scoped3A : memref<!tpu.dma_semaphore, #tpu.memory_space<semaphore_mem>>) src(%dma_wait3A_82 : memref<4x128xi32, #tpu.memory_space<hbm>>) dst(%arg6 : memref<4x128xi32, #tpu.memory_space<vmem>>)
      tpu.yield
    }) : () -> ()
    %add3A_7 = arith.constant 0 : i32
    %add3A_8 = arith.addi %mul3A_4, %add3A_7 : i32
    "tpu.region"() ({
      %run_scoped3A = tpu.sem_alloc : memref<!tpu.dma_semaphore, #tpu.memory_space<semaphore_mem>>
      %dma_start3A_76 = arith.constant 0 : i32
      %dma_start3A_77 = tpu.memref_slice %arg3[%add3A_8, %dma_start3A_76] : memref<6400x128xi32, #tpu.memory_space<hbm>> -> memref<4x128xi32, #tpu.memory_space<hbm>>
      %dma_start3A_78 = arith.constant 0 : i32
      %dma_start3A_79 = tpu.memref_slice %arg3[%add3A_8, %dma_start3A_78] : memref<6400x128xi32, #tpu.memory_space<hbm>> -> memref<4x128xi32, #tpu.memory_space<hbm>>
      tpu.enqueue_dma source(%dma_start3A_79 : memref<4x128xi32, #tpu.memory_space<hbm>>) target(%arg7 : memref<4x128xi32, #tpu.memory_space<vmem>>) target_semaphore(%run_scoped3A : memref<!tpu.dma_semaphore, #tpu.memory_space<semaphore_mem>>)
      %dma_wait3A = arith.constant 0 : i32
      %dma_wait3A_80 = tpu.memref_slice %arg3[%add3A_8, %dma_wait3A] : memref<6400x128xi32, #tpu.memory_space<hbm>> -> memref<4x128xi32, #tpu.memory_space<hbm>>
      %dma_wait3A_81 = arith.constant 0 : i32
      %dma_wait3A_82 = tpu.memref_slice %arg3[%add3A_8, %dma_wait3A_81] : memref<6400x128xi32, #tpu.memory_space<hbm>> -> memref<4x128xi32, #tpu.memory_space<hbm>>
      tpu.wait_dma2 semaphore(%run_scoped3A : memref<!tpu.dma_semaphore, #tpu.memory_space<semaphore_mem>>) src(%dma_wait3A_82 : memref<4x128xi32, #tpu.memory_space<hbm>>) dst(%arg7 : memref<4x128xi32, #tpu.memory_space<vmem>>)
      tpu.yield
    }) : () -> ()
    %dma_start3A = arith.constant 0 : i32
    %dma_start3A_9 = arith.constant 0 : i32
    %dma_start3A_10 = arith.constant 0 : i32
    %dma_start3A_11 = tpu.memref_slice %arg10[%dma_start3A_9, %dma_start3A_10] : memref<512x32xf32, #tpu.memory_space<vmem>> -> memref<128x32xf32, #tpu.memory_space<vmem>>
    %dma_start3A_12 = arith.constant 0 : i32
    %dma_start3A_13 = tpu.memref_slice %arg6[%dma_start3A, %dma_start3A_12] : memref<4x128xi32, #tpu.memory_space<vmem>> -> memref<1x128xi32, #tpu.memory_space<vmem>>
    %dma_start3A_14 = tpu.memref_squeeze %dma_start3A_13 : memref<1x128xi32, #tpu.memory_space<vmem>> -> memref<128xi32, #tpu.memory_space<vmem>>
    %dma_start3A_15 = arith.constant 0 : i32
    %dma_start3A_16 = arith.constant 0 : i32
    %dma_start3A_17 = tpu.memref_slice %arg4[%dma_start3A_15, %dma_start3A_16] : memref<102400x32xf32, #tpu.memory_space<hbm>> -> memref<102400x32xf32, #tpu.memory_space<hbm>>
    tpu.enqueue_indirect_dma source(%dma_start3A_17 : memref<102400x32xf32, #tpu.memory_space<hbm>>) target(%dma_start3A_11 : memref<128x32xf32, #tpu.memory_space<vmem>>) offsets(%dma_start3A_14 : memref<128xi32, #tpu.memory_space<vmem>>) semaphore(%arg13 : memref<!tpu.dma_semaphore, #tpu.memory_space<semaphore_mem>>)
    %dma_start3A_18 = arith.constant 1 : i32
    %dma_start3A_19 = arith.constant 128 : i32
    %dma_start3A_20 = arith.constant 0 : i32
    %dma_start3A_21 = tpu.memref_slice %arg10[%dma_start3A_19, %dma_start3A_20] : memref<512x32xf32, #tpu.memory_space<vmem>> -> memref<128x32xf32, #tpu.memory_space<vmem>>
    %dma_start3A_22 = arith.constant 0 : i32
    %dma_start3A_23 = tpu.memref_slice %arg6[%dma_start3A_18, %dma_start3A_22] : memref<4x128xi32, #tpu.memory_space<vmem>> -> memref<1x128xi32, #tpu.memory_space<vmem>>
    %dma_start3A_24 = tpu.memref_squeeze %dma_start3A_23 : memref<1x128xi32, #tpu.memory_space<vmem>> -> memref<128xi32, #tpu.memory_space<vmem>>
    %dma_start3A_25 = arith.constant 0 : i32
    %dma_start3A_26 = arith.constant 0 : i32
    %dma_start3A_27 = tpu.memref_slice %arg4[%dma_start3A_25, %dma_start3A_26] : memref<102400x32xf32, #tpu.memory_space<hbm>> -> memref<102400x32xf32, #tpu.memory_space<hbm>>
    tpu.enqueue_indirect_dma source(%dma_start3A_27 : memref<102400x32xf32, #tpu.memory_space<hbm>>) target(%dma_start3A_21 : memref<128x32xf32, #tpu.memory_space<vmem>>) offsets(%dma_start3A_24 : memref<128xi32, #tpu.memory_space<vmem>>) semaphore(%arg14 : memref<!tpu.dma_semaphore, #tpu.memory_space<semaphore_mem>>)
    %dma_start3A_28 = arith.constant 2 : i32
    %dma_start3A_29 = arith.constant 256 : i32
    %dma_start3A_30 = arith.constant 0 : i32
    %dma_start3A_31 = tpu.memref_slice %arg10[%dma_start3A_29, %dma_start3A_30] : memref<512x32xf32, #tpu.memory_space<vmem>> -> memref<128x32xf32, #tpu.memory_space<vmem>>
    %dma_start3A_32 = arith.constant 0 : i32
    %dma_start3A_33 = tpu.memref_slice %arg6[%dma_start3A_28, %dma_start3A_32] : memref<4x128xi32, #tpu.memory_space<vmem>> -> memref<1x128xi32, #tpu.memory_space<vmem>>
    %dma_start3A_34 = tpu.memref_squeeze %dma_start3A_33 : memref<1x128xi32, #tpu.memory_space<vmem>> -> memref<128xi32, #tpu.memory_space<vmem>>
    %dma_start3A_35 = arith.constant 0 : i32
    %dma_start3A_36 = arith.constant 0 : i32
    %dma_start3A_37 = tpu.memref_slice %arg4[%dma_start3A_35, %dma_start3A_36] : memref<102400x32xf32, #tpu.memory_space<hbm>> -> memref<102400x32xf32, #tpu.memory_space<hbm>>
    tpu.enqueue_indirect_dma source(%dma_start3A_37 : memref<102400x32xf32, #tpu.memory_space<hbm>>) target(%dma_start3A_31 : memref<128x32xf32, #tpu.memory_space<vmem>>) offsets(%dma_start3A_34 : memref<128xi32, #tpu.memory_space<vmem>>) semaphore(%arg15 : memref<!tpu.dma_semaphore, #tpu.memory_space<semaphore_mem>>)
    %dma_start3A_38 = arith.constant 3 : i32
    %dma_start3A_39 = arith.constant 384 : i32
    %dma_start3A_40 = arith.constant 0 : i32
    %dma_start3A_41 = tpu.memref_slice %arg10[%dma_start3A_39, %dma_start3A_40] : memref<512x32xf32, #tpu.memory_space<vmem>> -> memref<128x32xf32, #tpu.memory_space<vmem>>
    %dma_start3A_42 = arith.constant 0 : i32
    %dma_start3A_43 = tpu.memref_slice %arg6[%dma_start3A_38, %dma_start3A_42] : memref<4x128xi32, #tpu.memory_space<vmem>> -> memref<1x128xi32, #tpu.memory_space<vmem>>
    %dma_start3A_44 = tpu.memref_squeeze %dma_start3A_43 : memref<1x128xi32, #tpu.memory_space<vmem>> -> memref<128xi32, #tpu.memory_space<vmem>>
    %dma_start3A_45 = arith.constant 0 : i32
    %dma_start3A_46 = arith.constant 0 : i32
    %dma_start3A_47 = tpu.memref_slice %arg4[%dma_start3A_45, %dma_start3A_46] : memref<102400x32xf32, #tpu.memory_space<hbm>> -> memref<102400x32xf32, #tpu.memory_space<hbm>>
    tpu.enqueue_indirect_dma source(%dma_start3A_47 : memref<102400x32xf32, #tpu.memory_space<hbm>>) target(%dma_start3A_41 : memref<128x32xf32, #tpu.memory_space<vmem>>) offsets(%dma_start3A_44 : memref<128xi32, #tpu.memory_space<vmem>>) semaphore(%arg16 : memref<!tpu.dma_semaphore, #tpu.memory_space<semaphore_mem>>)
    %scan3A = arith.constant 0 : i32
    %scan3A_48 = arith.constant 0 : i32
    %scan3A_49 = arith.constant 64 : i32
    %scan3A_50 = arith.addi %scan3A_48, %scan3A_49 : i32
    %scan3A_51 = arith.constant 1 : i32
    %scan3A_52 = scf.for %scan3A_76 = %scan3A_48 to %scan3A_50 step %scan3A_51 iter_args(%scan3A_77 = %scan3A) -> (i32)  : i32 {
      %broadcast_in_dim3A = arith.constant 0.000000e+00 : f32
      %broadcast_in_dim3A_78 = vector.broadcast %broadcast_in_dim3A : f32 to vector<16xf32>
      %swap3A = arith.index_cast %scan3A_76 : i32 to index
      %swap3A_79 = arith.constant 0 : index
      %swap3A_80 = tpu.vector_load %arg11[%swap3A, %swap3A_79] {strides = array<i32>} : memref<64x32xf32, #tpu.memory_space<vmem>>, vector<1x16xf32>,
      %swap3A_81 = vector.shape_cast %swap3A_80 : vector<1x16xf32> to vector<16xf32>
      %swap3A_82 = vector.shape_cast %broadcast_in_dim3A_78 : vector<16xf32> to vector<1x16xf32>
      tpu.vector_store %arg11[%swap3A, %swap3A_79], %swap3A_82 {strides = array<i32>} : memref<64x32xf32, #tpu.memory_space<vmem>>, vector<1x16xf32>,
      %broadcast_in_dim3A_83 = arith.constant 0.000000e+00 : f32
      %broadcast_in_dim3A_84 = vector.broadcast %broadcast_in_dim3A_83 : f32 to vector<16xf32>
      %swap3A_85 = arith.index_cast %scan3A_76 : i32 to index
      %swap3A_86 = arith.constant 16 : index
      %swap3A_87 = tpu.vector_load %arg11[%swap3A_85, %swap3A_86] {strides = array<i32>} : memref<64x32xf32, #tpu.memory_space<vmem>>, vector<1x16xf32>,
      %swap3A_88 = vector.shape_cast %swap3A_87 : vector<1x16xf32> to vector<16xf32>
      %swap3A_89 = vector.shape_cast %broadcast_in_dim3A_84 : vector<16xf32> to vector<1x16xf32>
      tpu.vector_store %arg11[%swap3A_85, %swap3A_86], %swap3A_89 {strides = array<i32>} : memref<64x32xf32, #tpu.memory_space<vmem>>, vector<1x16xf32>,
      %scan3A_90 = arith.constant 0 : i32
      scf.yield %scan3A_90 : i32
    }
    %scan3A_53 = arith.constant 64 : i32
    %scan3A_54 = arith.constant 0 : i32
    %scan3A_55 = arith.constant 0 : i32
    %scan3A_56 = arith.constant 52 : i32
    %scan3A_57 = arith.addi %scan3A_55, %scan3A_56 : i32
    %scan3A_58 = arith.constant 1 : i32
    %scan3A_59 = scf.for %scan3A_76 = %scan3A_55 to %scan3A_57 step %scan3A_58 iter_args(%scan3A_77 = %scan3A_54) -> (i32)  : i32 {
      %mul3A_78 = arith.constant 3328 : i32
      %mul3A_79 = arith.muli %arg1, %mul3A_78 : i32
      %mul3A_80 = arith.constant 64 : i32
      %mul3A_81 = arith.muli %scan3A_76, %mul3A_80 : i32
      %add3A_82 = arith.addi %mul3A_79, %mul3A_81 : i32
      "tpu.region"() ({
        %run_scoped3A = tpu.sem_alloc : memref<!tpu.dma_semaphore, #tpu.memory_space<semaphore_mem>>
        %dma_start3A_84 = arith.constant 0 : i32
        %dma_start3A_85 = tpu.memref_slice %arg12[%add3A_82, %dma_start3A_84] : memref<53248x32xf32, #tpu.memory_space<vmem_shared>> -> memref<64x32xf32, #tpu.memory_space<vmem_shared>>
        %dma_start3A_86 = arith.constant 0 : i32
        %dma_start3A_87 = tpu.memref_slice %arg12[%add3A_82, %dma_start3A_86] : memref<53248x32xf32, #tpu.memory_space<vmem_shared>> -> memref<64x32xf32, #tpu.memory_space<vmem_shared>>
        tpu.enqueue_dma source(%arg11 : memref<64x32xf32, #tpu.memory_space<vmem>>) target(%dma_start3A_87 : memref<64x32xf32, #tpu.memory_space<vmem_shared>>) target_semaphore(%run_scoped3A : memref<!tpu.dma_semaphore, #tpu.memory_space<semaphore_mem>>)
        %dma_wait3A = arith.constant 0 : i32
        %dma_wait3A_88 = tpu.memref_slice %arg12[%add3A_82, %dma_wait3A] : memref<53248x32xf32, #tpu.memory_space<vmem_shared>> -> memref<64x32xf32, #tpu.memory_space<vmem_shared>>
        %dma_wait3A_89 = arith.constant 0 : i32
        %dma_wait3A_90 = tpu.memref_slice %arg12[%add3A_82, %dma_wait3A_89] : memref<53248x32xf32, #tpu.memory_space<vmem_shared>> -> memref<64x32xf32, #tpu.memory_space<vmem_shared>>
        tpu.wait_dma2 semaphore(%run_scoped3A : memref<!tpu.dma_semaphore, #tpu.memory_space<semaphore_mem>>) src(%arg11 : memref<64x32xf32, #tpu.memory_space<vmem>>) dst(%dma_wait3A_90 : memref<64x32xf32, #tpu.memory_space<vmem_shared>>)
        tpu.yield
      }) : () -> ()
      %scan3A_83 = arith.constant 0 : i32
      scf.yield %scan3A_83 : i32
    }
    %scan3A_60 = arith.constant 52 : i32
    %barrier3A = arith.constant 0 : index
    tpu.barrier barrier_id(%barrier3A)
    %scan3A_61 = arith.constant 0 : i32
    %scan3A_62 = arith.constant 0 : i32
    %scan3A_63 = arith.constant 50 : i32
    %scan3A_64 = arith.addi %scan3A_62, %scan3A_63 : i32
    %scan3A_65 = arith.constant 1 : i32
    %scan3A_66 = scf.for %scan3A_76 = %scan3A_62 to %scan3A_64 step %scan3A_65 iter_args(%scan3A_77 = %scan3A_61) -> (i32)  : i32 {
      %mul3A_78 = arith.constant 2 : i32
      %mul3A_79 = arith.muli %mul3A_78, %scan3A_76 : i32
      %eq3A = arith.constant 49 : i32
      %eq3A_80 = arith.cmpi eq, %scan3A_76, %eq3A : i32
      %add3A_81 = arith.constant 1 : i32
      %add3A_82 = arith.addi %mul3A_79, %add3A_81 : i32
      %mul3A_83 = arith.constant 4 : i32
      %mul3A_84 = arith.muli %add3A_82, %mul3A_83 : i32
      %add3A_85 = arith.addi %mul3A_2, %mul3A_84 : i32
      "tpu.region"() ({
        %run_scoped3A = tpu.sem_alloc : memref<!tpu.dma_semaphore, #tpu.memory_space<semaphore_mem>>
        %dma_start3A_391 = arith.constant 0 : i32
        %dma_start3A_392 = tpu.memref_slice %arg2[%add3A_85, %dma_start3A_391] : memref<12800x128xi32, #tpu.memory_space<hbm>> -> memref<4x128xi32, #tpu.memory_space<hbm>>
        %dma_start3A_393 = arith.constant 0 : i32
        %dma_start3A_394 = tpu.memref_slice %arg2[%add3A_85, %dma_start3A_393] : memref<12800x128xi32, #tpu.memory_space<hbm>> -> memref<4x128xi32, #tpu.memory_space<hbm>>
        tpu.enqueue_dma source(%dma_start3A_394 : memref<4x128xi32, #tpu.memory_space<hbm>>) target(%arg8 : memref<4x128xi32, #tpu.memory_space<vmem>>) target_semaphore(%run_scoped3A : memref<!tpu.dma_semaphore, #tpu.memory_space<semaphore_mem>>)
        %dma_wait3A_395 = arith.constant 0 : i32
        %dma_wait3A_396 = tpu.memref_slice %arg2[%add3A_85, %dma_wait3A_395] : memref<12800x128xi32, #tpu.memory_space<hbm>> -> memref<4x128xi32, #tpu.memory_space<hbm>>
        %dma_wait3A_397 = arith.constant 0 : i32
        %dma_wait3A_398 = tpu.memref_slice %arg2[%add3A_85, %dma_wait3A_397] : memref<12800x128xi32, #tpu.memory_space<hbm>> -> memref<4x128xi32, #tpu.memory_space<hbm>>
        tpu.wait_dma2 semaphore(%run_scoped3A : memref<!tpu.dma_semaphore, #tpu.memory_space<semaphore_mem>>) src(%dma_wait3A_398 : memref<4x128xi32, #tpu.memory_space<hbm>>) dst(%arg8 : memref<4x128xi32, #tpu.memory_space<vmem>>)
        tpu.yield
      }) : () -> ()
      %mul3A_86 = arith.constant 4 : i32
      %mul3A_87 = arith.muli %add3A_82, %mul3A_86 : i32
      %add3A_88 = arith.addi %mul3A_4, %mul3A_87 : i32
      "tpu.region"() ({
        %run_scoped3A = tpu.sem_alloc : memref<!tpu.dma_semaphore, #tpu.memory_space<semaphore_mem>>
        %dma_start3A_391 = arith.constant 0 : i32
        %dma_start3A_392 = tpu.memref_slice %arg3[%add3A_88, %dma_start3A_391] : memref<6400x128xi32, #tpu.memory_space<hbm>> -> memref<4x128xi32, #tpu.memory_space<hbm>>
        %dma_start3A_393 = arith.constant 0 : i32
        %dma_start3A_394 = tpu.memref_slice %arg3[%add3A_88, %dma_start3A_393] : memref<6400x128xi32, #tpu.memory_space<hbm>> -> memref<4x128xi32, #tpu.memory_space<hbm>>
        tpu.enqueue_dma source(%dma_start3A_394 : memref<4x128xi32, #tpu.memory_space<hbm>>) target(%arg9 : memref<4x128xi32, #tpu.memory_space<vmem>>) target_semaphore(%run_scoped3A : memref<!tpu.dma_semaphore, #tpu.memory_space<semaphore_mem>>)
        %dma_wait3A_395 = arith.constant 0 : i32
        %dma_wait3A_396 = tpu.memref_slice %arg3[%add3A_88, %dma_wait3A_395] : memref<6400x128xi32, #tpu.memory_space<hbm>> -> memref<4x128xi32, #tpu.memory_space<hbm>>
        %dma_wait3A_397 = arith.constant 0 : i32
        %dma_wait3A_398 = tpu.memref_slice %arg3[%add3A_88, %dma_wait3A_397] : memref<6400x128xi32, #tpu.memory_space<hbm>> -> memref<4x128xi32, #tpu.memory_space<hbm>>
        tpu.wait_dma2 semaphore(%run_scoped3A : memref<!tpu.dma_semaphore, #tpu.memory_space<semaphore_mem>>) src(%dma_wait3A_398 : memref<4x128xi32, #tpu.memory_space<hbm>>) dst(%arg9 : memref<4x128xi32, #tpu.memory_space<vmem>>)
        tpu.yield
      }) : () -> ()
      %dma_wait3A = arith.constant 0 : i32
      %dma_wait3A_89 = arith.constant 0 : i32
      %dma_wait3A_90 = arith.constant 0 : i32
      %dma_wait3A_91 = tpu.memref_slice %arg10[%dma_wait3A_89, %dma_wait3A_90] : memref<512x32xf32, #tpu.memory_space<vmem>> -> memref<128x32xf32, #tpu.memory_space<vmem>>
      %dma_wait3A_92 = arith.constant 0 : i32
      %dma_wait3A_93 = tpu.memref_slice %arg6[%dma_wait3A, %dma_wait3A_92] : memref<4x128xi32, #tpu.memory_space<vmem>> -> memref<1x128xi32, #tpu.memory_space<vmem>>
      %dma_wait3A_94 = tpu.memref_squeeze %dma_wait3A_93 : memref<1x128xi32, #tpu.memory_space<vmem>> -> memref<128xi32, #tpu.memory_space<vmem>>
      %dma_wait3A_95 = arith.constant 0 : i32
      %dma_wait3A_96 = arith.constant 0 : i32
      %dma_wait3A_97 = tpu.memref_slice %arg4[%dma_wait3A_95, %dma_wait3A_96] : memref<102400x32xf32, #tpu.memory_space<hbm>> -> memref<102400x32xf32, #tpu.memory_space<hbm>>
      tpu.wait_indirect_dma semaphore(%arg13 : memref<!tpu.dma_semaphore, #tpu.memory_space<semaphore_mem>>) src(%dma_wait3A_97 : memref<102400x32xf32, #tpu.memory_space<hbm>>) dst(%dma_wait3A_91 : memref<128x32xf32, #tpu.memory_space<vmem>>)
      %dma_start3A_98 = arith.constant 0 : i32
      %dma_start3A_99 = arith.constant 0 : i32
      %dma_start3A_100 = arith.constant 0 : i32
      %dma_start3A_101 = tpu.memref_slice %arg10[%dma_start3A_99, %dma_start3A_100] : memref<512x32xf32, #tpu.memory_space<vmem>> -> memref<128x32xf32, #tpu.memory_space<vmem>>
      %dma_start3A_102 = arith.constant 0 : i32
      %dma_start3A_103 = tpu.memref_slice %arg7[%dma_start3A_98, %dma_start3A_102] : memref<4x128xi32, #tpu.memory_space<vmem>> -> memref<1x128xi32, #tpu.memory_space<vmem>>
      %dma_start3A_104 = tpu.memref_squeeze %dma_start3A_103 : memref<1x128xi32, #tpu.memory_space<vmem>> -> memref<128xi32, #tpu.memory_space<vmem>>
      %dma_start3A_105 = arith.constant 0 : i32
      %dma_start3A_106 = arith.constant 0 : i32
      %dma_start3A_107 = tpu.memref_slice %arg12[%dma_start3A_105, %dma_start3A_106] : memref<53248x32xf32, #tpu.memory_space<vmem_shared>> -> memref<53248x32xf32, #tpu.memory_space<vmem_shared>>
      tpu.enqueue_indirect_dma source(%dma_start3A_101 : memref<128x32xf32, #tpu.memory_space<vmem>>) target(%dma_start3A_107 : memref<53248x32xf32, #tpu.memory_space<vmem_shared>>) offsets(%dma_start3A_104 : memref<128xi32, #tpu.memory_space<vmem>>) semaphore(%arg17 : memref<!tpu.dma_semaphore, #tpu.memory_space<semaphore_mem>>) {add = true}
      %dma_wait3A_108 = arith.constant 1 : i32
      %dma_wait3A_109 = arith.constant 128 : i32
      %dma_wait3A_110 = arith.constant 0 : i32
      %dma_wait3A_111 = tpu.memref_slice %arg10[%dma_wait3A_109, %dma_wait3A_110] : memref<512x32xf32, #tpu.memory_space<vmem>> -> memref<128x32xf32, #tpu.memory_space<vmem>>
      %dma_wait3A_112 = arith.constant 0 : i32
      %dma_wait3A_113 = tpu.memref_slice %arg6[%dma_wait3A_108, %dma_wait3A_112] : memref<4x128xi32, #tpu.memory_space<vmem>> -> memref<1x128xi32, #tpu.memory_space<vmem>>
      %dma_wait3A_114 = tpu.memref_squeeze %dma_wait3A_113 : memref<1x128xi32, #tpu.memory_space<vmem>> -> memref<128xi32, #tpu.memory_space<vmem>>
      %dma_wait3A_115 = arith.constant 0 : i32
      %dma_wait3A_116 = arith.constant 0 : i32
      %dma_wait3A_117 = tpu.memref_slice %arg4[%dma_wait3A_115, %dma_wait3A_116] : memref<102400x32xf32, #tpu.memory_space<hbm>> -> memref<102400x32xf32, #tpu.memory_space<hbm>>
      tpu.wait_indirect_dma semaphore(%arg14 : memref<!tpu.dma_semaphore, #tpu.memory_space<semaphore_mem>>) src(%dma_wait3A_117 : memref<102400x32xf32, #tpu.memory_space<hbm>>) dst(%dma_wait3A_111 : memref<128x32xf32, #tpu.memory_space<vmem>>)
      %dma_start3A_118 = arith.constant 1 : i32
      %dma_start3A_119 = arith.constant 128 : i32
      %dma_start3A_120 = arith.constant 0 : i32
      %dma_start3A_121 = tpu.memref_slice %arg10[%dma_start3A_119, %dma_start3A_120] : memref<512x32xf32, #tpu.memory_space<vmem>> -> memref<128x32xf32, #tpu.memory_space<vmem>>
      %dma_start3A_122 = arith.constant 0 : i32
      %dma_start3A_123 = tpu.memref_slice %arg7[%dma_start3A_118, %dma_start3A_122] : memref<4x128xi32, #tpu.memory_space<vmem>> -> memref<1x128xi32, #tpu.memory_space<vmem>>
      %dma_start3A_124 = tpu.memref_squeeze %dma_start3A_123 : memref<1x128xi32, #tpu.memory_space<vmem>> -> memref<128xi32, #tpu.memory_space<vmem>>
      %dma_start3A_125 = arith.constant 0 : i32
      %dma_start3A_126 = arith.constant 0 : i32
      %dma_start3A_127 = tpu.memref_slice %arg12[%dma_start3A_125, %dma_start3A_126] : memref<53248x32xf32, #tpu.memory_space<vmem_shared>> -> memref<53248x32xf32, #tpu.memory_space<vmem_shared>>
      tpu.enqueue_indirect_dma source(%dma_start3A_121 : memref<128x32xf32, #tpu.memory_space<vmem>>) target(%dma_start3A_127 : memref<53248x32xf32, #tpu.memory_space<vmem_shared>>) offsets(%dma_start3A_124 : memref<128xi32, #tpu.memory_space<vmem>>) semaphore(%arg18 : memref<!tpu.dma_semaphore, #tpu.memory_space<semaphore_mem>>) {add = true}
      %dma_wait3A_128 = arith.constant 2 : i32
      %dma_wait3A_129 = arith.constant 256 : i32
      %dma_wait3A_130 = arith.constant 0 : i32
      %dma_wait3A_131 = tpu.memref_slice %arg10[%dma_wait3A_129, %dma_wait3A_130] : memref<512x32xf32, #tpu.memory_space<vmem>> -> memref<128x32xf32, #tpu.memory_space<vmem>>
      %dma_wait3A_132 = arith.constant 0 : i32
      %dma_wait3A_133 = tpu.memref_slice %arg6[%dma_wait3A_128, %dma_wait3A_132] : memref<4x128xi32, #tpu.memory_space<vmem>> -> memref<1x128xi32, #tpu.memory_space<vmem>>
      %dma_wait3A_134 = tpu.memref_squeeze %dma_wait3A_133 : memref<1x128xi32, #tpu.memory_space<vmem>> -> memref<128xi32, #tpu.memory_space<vmem>>
      %dma_wait3A_135 = arith.constant 0 : i32
      %dma_wait3A_136 = arith.constant 0 : i32
      %dma_wait3A_137 = tpu.memref_slice %arg4[%dma_wait3A_135, %dma_wait3A_136] : memref<102400x32xf32, #tpu.memory_space<hbm>> -> memref<102400x32xf32, #tpu.memory_space<hbm>>
      tpu.wait_indirect_dma semaphore(%arg15 : memref<!tpu.dma_semaphore, #tpu.memory_space<semaphore_mem>>) src(%dma_wait3A_137 : memref<102400x32xf32, #tpu.memory_space<hbm>>) dst(%dma_wait3A_131 : memref<128x32xf32, #tpu.memory_space<vmem>>)
      %dma_start3A_138 = arith.constant 2 : i32
      %dma_start3A_139 = arith.constant 256 : i32
      %dma_start3A_140 = arith.constant 0 : i32
      %dma_start3A_141 = tpu.memref_slice %arg10[%dma_start3A_139, %dma_start3A_140] : memref<512x32xf32, #tpu.memory_space<vmem>> -> memref<128x32xf32, #tpu.memory_space<vmem>>
      %dma_start3A_142 = arith.constant 0 : i32
      %dma_start3A_143 = tpu.memref_slice %arg7[%dma_start3A_138, %dma_start3A_142] : memref<4x128xi32, #tpu.memory_space<vmem>> -> memref<1x128xi32, #tpu.memory_space<vmem>>
      %dma_start3A_144 = tpu.memref_squeeze %dma_start3A_143 : memref<1x128xi32, #tpu.memory_space<vmem>> -> memref<128xi32, #tpu.memory_space<vmem>>
      %dma_start3A_145 = arith.constant 0 : i32
      %dma_start3A_146 = arith.constant 0 : i32
      %dma_start3A_147 = tpu.memref_slice %arg12[%dma_start3A_145, %dma_start3A_146] : memref<53248x32xf32, #tpu.memory_space<vmem_shared>> -> memref<53248x32xf32, #tpu.memory_space<vmem_shared>>
      tpu.enqueue_indirect_dma source(%dma_start3A_141 : memref<128x32xf32, #tpu.memory_space<vmem>>) target(%dma_start3A_147 : memref<53248x32xf32, #tpu.memory_space<vmem_shared>>) offsets(%dma_start3A_144 : memref<128xi32, #tpu.memory_space<vmem>>) semaphore(%arg19 : memref<!tpu.dma_semaphore, #tpu.memory_space<semaphore_mem>>) {add = true}
      %dma_wait3A_148 = arith.constant 3 : i32
      %dma_wait3A_149 = arith.constant 384 : i32
      %dma_wait3A_150 = arith.constant 0 : i32
      %dma_wait3A_151 = tpu.memref_slice %arg10[%dma_wait3A_149, %dma_wait3A_150] : memref<512x32xf32, #tpu.memory_space<vmem>> -> memref<128x32xf32, #tpu.memory_space<vmem>>
      %dma_wait3A_152 = arith.constant 0 : i32
      %dma_wait3A_153 = tpu.memref_slice %arg6[%dma_wait3A_148, %dma_wait3A_152] : memref<4x128xi32, #tpu.memory_space<vmem>> -> memref<1x128xi32, #tpu.memory_space<vmem>>
      %dma_wait3A_154 = tpu.memref_squeeze %dma_wait3A_153 : memref<1x128xi32, #tpu.memory_space<vmem>> -> memref<128xi32, #tpu.memory_space<vmem>>
      %dma_wait3A_155 = arith.constant 0 : i32
      %dma_wait3A_156 = arith.constant 0 : i32
      %dma_wait3A_157 = tpu.memref_slice %arg4[%dma_wait3A_155, %dma_wait3A_156] : memref<102400x32xf32, #tpu.memory_space<hbm>> -> memref<102400x32xf32, #tpu.memory_space<hbm>>
      tpu.wait_indirect_dma semaphore(%arg16 : memref<!tpu.dma_semaphore, #tpu.memory_space<semaphore_mem>>) src(%dma_wait3A_157 : memref<102400x32xf32, #tpu.memory_space<hbm>>) dst(%dma_wait3A_151 : memref<128x32xf32, #tpu.memory_space<vmem>>)
      %dma_start3A_158 = arith.constant 3 : i32
      %dma_start3A_159 = arith.constant 384 : i32
      %dma_start3A_160 = arith.constant 0 : i32
      %dma_start3A_161 = tpu.memref_slice %arg10[%dma_start3A_159, %dma_start3A_160] : memref<512x32xf32, #tpu.memory_space<vmem>> -> memref<128x32xf32, #tpu.memory_space<vmem>>
      %dma_start3A_162 = arith.constant 0 : i32
      %dma_start3A_163 = tpu.memref_slice %arg7[%dma_start3A_158, %dma_start3A_162] : memref<4x128xi32, #tpu.memory_space<vmem>> -> memref<1x128xi32, #tpu.memory_space<vmem>>
      %dma_start3A_164 = tpu.memref_squeeze %dma_start3A_163 : memref<1x128xi32, #tpu.memory_space<vmem>> -> memref<128xi32, #tpu.memory_space<vmem>>
      %dma_start3A_165 = arith.constant 0 : i32
      %dma_start3A_166 = arith.constant 0 : i32
      %dma_start3A_167 = tpu.memref_slice %arg12[%dma_start3A_165, %dma_start3A_166] : memref<53248x32xf32, #tpu.memory_space<vmem_shared>> -> memref<53248x32xf32, #tpu.memory_space<vmem_shared>>
      tpu.enqueue_indirect_dma source(%dma_start3A_161 : memref<128x32xf32, #tpu.memory_space<vmem>>) target(%dma_start3A_167 : memref<53248x32xf32, #tpu.memory_space<vmem_shared>>) offsets(%dma_start3A_164 : memref<128xi32, #tpu.memory_space<vmem>>) semaphore(%arg20 : memref<!tpu.dma_semaphore, #tpu.memory_space<semaphore_mem>>) {add = true}
      %dma_wait3A_168 = arith.constant 0 : i32
      %dma_wait3A_169 = arith.constant 0 : i32
      %dma_wait3A_170 = arith.constant 0 : i32
      %dma_wait3A_171 = tpu.memref_slice %arg10[%dma_wait3A_169, %dma_wait3A_170] : memref<512x32xf32, #tpu.memory_space<vmem>> -> memref<128x32xf32, #tpu.memory_space<vmem>>
      %dma_wait3A_172 = arith.constant 0 : i32
      %dma_wait3A_173 = tpu.memref_slice %arg7[%dma_wait3A_168, %dma_wait3A_172] : memref<4x128xi32, #tpu.memory_space<vmem>> -> memref<1x128xi32, #tpu.memory_space<vmem>>
      %dma_wait3A_174 = tpu.memref_squeeze %dma_wait3A_173 : memref<1x128xi32, #tpu.memory_space<vmem>> -> memref<128xi32, #tpu.memory_space<vmem>>
      %dma_wait3A_175 = arith.constant 0 : i32
      %dma_wait3A_176 = arith.constant 0 : i32
      %dma_wait3A_177 = tpu.memref_slice %arg12[%dma_wait3A_175, %dma_wait3A_176] : memref<53248x32xf32, #tpu.memory_space<vmem_shared>> -> memref<53248x32xf32, #tpu.memory_space<vmem_shared>>
      tpu.wait_indirect_dma semaphore(%arg17 : memref<!tpu.dma_semaphore, #tpu.memory_space<semaphore_mem>>) src(%dma_wait3A_171 : memref<128x32xf32, #tpu.memory_space<vmem>>) dst(%dma_wait3A_177 : memref<53248x32xf32, #tpu.memory_space<vmem_shared>>)
      %dma_start3A_178 = arith.constant 0 : i32
      %dma_start3A_179 = arith.constant 0 : i32
      %dma_start3A_180 = arith.constant 0 : i32
      %dma_start3A_181 = tpu.memref_slice %arg10[%dma_start3A_179, %dma_start3A_180] : memref<512x32xf32, #tpu.memory_space<vmem>> -> memref<128x32xf32, #tpu.memory_space<vmem>>
      %dma_start3A_182 = arith.constant 0 : i32
      %dma_start3A_183 = tpu.memref_slice %arg8[%dma_start3A_178, %dma_start3A_182] : memref<4x128xi32, #tpu.memory_space<vmem>> -> memref<1x128xi32, #tpu.memory_space<vmem>>
      %dma_start3A_184 = tpu.memref_squeeze %dma_start3A_183 : memref<1x128xi32, #tpu.memory_space<vmem>> -> memref<128xi32, #tpu.memory_space<vmem>>
      %dma_start3A_185 = arith.constant 0 : i32
      %dma_start3A_186 = arith.constant 0 : i32
      %dma_start3A_187 = tpu.memref_slice %arg4[%dma_start3A_185, %dma_start3A_186] : memref<102400x32xf32, #tpu.memory_space<hbm>> -> memref<102400x32xf32, #tpu.memory_space<hbm>>
      tpu.enqueue_indirect_dma source(%dma_start3A_187 : memref<102400x32xf32, #tpu.memory_space<hbm>>) target(%dma_start3A_181 : memref<128x32xf32, #tpu.memory_space<vmem>>) offsets(%dma_start3A_184 : memref<128xi32, #tpu.memory_space<vmem>>) semaphore(%arg13 : memref<!tpu.dma_semaphore, #tpu.memory_space<semaphore_mem>>)
      %dma_wait3A_188 = arith.constant 1 : i32
      %dma_wait3A_189 = arith.constant 128 : i32
      %dma_wait3A_190 = arith.constant 0 : i32
      %dma_wait3A_191 = tpu.memref_slice %arg10[%dma_wait3A_189, %dma_wait3A_190] : memref<512x32xf32, #tpu.memory_space<vmem>> -> memref<128x32xf32, #tpu.memory_space<vmem>>
      %dma_wait3A_192 = arith.constant 0 : i32
      %dma_wait3A_193 = tpu.memref_slice %arg7[%dma_wait3A_188, %dma_wait3A_192] : memref<4x128xi32, #tpu.memory_space<vmem>> -> memref<1x128xi32, #tpu.memory_space<vmem>>
      %dma_wait3A_194 = tpu.memref_squeeze %dma_wait3A_193 : memref<1x128xi32, #tpu.memory_space<vmem>> -> memref<128xi32, #tpu.memory_space<vmem>>
      %dma_wait3A_195 = arith.constant 0 : i32
      %dma_wait3A_196 = arith.constant 0 : i32
      %dma_wait3A_197 = tpu.memref_slice %arg12[%dma_wait3A_195, %dma_wait3A_196] : memref<53248x32xf32, #tpu.memory_space<vmem_shared>> -> memref<53248x32xf32, #tpu.memory_space<vmem_shared>>
      tpu.wait_indirect_dma semaphore(%arg18 : memref<!tpu.dma_semaphore, #tpu.memory_space<semaphore_mem>>) src(%dma_wait3A_191 : memref<128x32xf32, #tpu.memory_space<vmem>>) dst(%dma_wait3A_197 : memref<53248x32xf32, #tpu.memory_space<vmem_shared>>)
      %dma_start3A_198 = arith.constant 1 : i32
      %dma_start3A_199 = arith.constant 128 : i32
      %dma_start3A_200 = arith.constant 0 : i32
      %dma_start3A_201 = tpu.memref_slice %arg10[%dma_start3A_199, %dma_start3A_200] : memref<512x32xf32, #tpu.memory_space<vmem>> -> memref<128x32xf32, #tpu.memory_space<vmem>>
      %dma_start3A_202 = arith.constant 0 : i32
      %dma_start3A_203 = tpu.memref_slice %arg8[%dma_start3A_198, %dma_start3A_202] : memref<4x128xi32, #tpu.memory_space<vmem>> -> memref<1x128xi32, #tpu.memory_space<vmem>>
      %dma_start3A_204 = tpu.memref_squeeze %dma_start3A_203 : memref<1x128xi32, #tpu.memory_space<vmem>> -> memref<128xi32, #tpu.memory_space<vmem>>
      %dma_start3A_205 = arith.constant 0 : i32
      %dma_start3A_206 = arith.constant 0 : i32
      %dma_start3A_207 = tpu.memref_slice %arg4[%dma_start3A_205, %dma_start3A_206] : memref<102400x32xf32, #tpu.memory_space<hbm>> -> memref<102400x32xf32, #tpu.memory_space<hbm>>
      tpu.enqueue_indirect_dma source(%dma_start3A_207 : memref<102400x32xf32, #tpu.memory_space<hbm>>) target(%dma_start3A_201 : memref<128x32xf32, #tpu.memory_space<vmem>>) offsets(%dma_start3A_204 : memref<128xi32, #tpu.memory_space<vmem>>) semaphore(%arg14 : memref<!tpu.dma_semaphore, #tpu.memory_space<semaphore_mem>>)
      %dma_wait3A_208 = arith.constant 2 : i32
      %dma_wait3A_209 = arith.constant 256 : i32
      %dma_wait3A_210 = arith.constant 0 : i32
      %dma_wait3A_211 = tpu.memref_slice %arg10[%dma_wait3A_209, %dma_wait3A_210] : memref<512x32xf32, #tpu.memory_space<vmem>> -> memref<128x32xf32, #tpu.memory_space<vmem>>
      %dma_wait3A_212 = arith.constant 0 : i32
      %dma_wait3A_213 = tpu.memref_slice %arg7[%dma_wait3A_208, %dma_wait3A_212] : memref<4x128xi32, #tpu.memory_space<vmem>> -> memref<1x128xi32, #tpu.memory_space<vmem>>
      %dma_wait3A_214 = tpu.memref_squeeze %dma_wait3A_213 : memref<1x128xi32, #tpu.memory_space<vmem>> -> memref<128xi32, #tpu.memory_space<vmem>>
      %dma_wait3A_215 = arith.constant 0 : i32
      %dma_wait3A_216 = arith.constant 0 : i32
      %dma_wait3A_217 = tpu.memref_slice %arg12[%dma_wait3A_215, %dma_wait3A_216] : memref<53248x32xf32, #tpu.memory_space<vmem_shared>> -> memref<53248x32xf32, #tpu.memory_space<vmem_shared>>
      tpu.wait_indirect_dma semaphore(%arg19 : memref<!tpu.dma_semaphore, #tpu.memory_space<semaphore_mem>>) src(%dma_wait3A_211 : memref<128x32xf32, #tpu.memory_space<vmem>>) dst(%dma_wait3A_217 : memref<53248x32xf32, #tpu.memory_space<vmem_shared>>)
      %dma_start3A_218 = arith.constant 2 : i32
      %dma_start3A_219 = arith.constant 256 : i32
      %dma_start3A_220 = arith.constant 0 : i32
      %dma_start3A_221 = tpu.memref_slice %arg10[%dma_start3A_219, %dma_start3A_220] : memref<512x32xf32, #tpu.memory_space<vmem>> -> memref<128x32xf32, #tpu.memory_space<vmem>>
      %dma_start3A_222 = arith.constant 0 : i32
      %dma_start3A_223 = tpu.memref_slice %arg8[%dma_start3A_218, %dma_start3A_222] : memref<4x128xi32, #tpu.memory_space<vmem>> -> memref<1x128xi32, #tpu.memory_space<vmem>>
      %dma_start3A_224 = tpu.memref_squeeze %dma_start3A_223 : memref<1x128xi32, #tpu.memory_space<vmem>> -> memref<128xi32, #tpu.memory_space<vmem>>
      %dma_start3A_225 = arith.constant 0 : i32
      %dma_start3A_226 = arith.constant 0 : i32
      %dma_start3A_227 = tpu.memref_slice %arg4[%dma_start3A_225, %dma_start3A_226] : memref<102400x32xf32, #tpu.memory_space<hbm>> -> memref<102400x32xf32, #tpu.memory_space<hbm>>
      tpu.enqueue_indirect_dma source(%dma_start3A_227 : memref<102400x32xf32, #tpu.memory_space<hbm>>) target(%dma_start3A_221 : memref<128x32xf32, #tpu.memory_space<vmem>>) offsets(%dma_start3A_224 : memref<128xi32, #tpu.memory_space<vmem>>) semaphore(%arg15 : memref<!tpu.dma_semaphore, #tpu.memory_space<semaphore_mem>>)
      %dma_wait3A_228 = arith.constant 3 : i32
      %dma_wait3A_229 = arith.constant 384 : i32
      %dma_wait3A_230 = arith.constant 0 : i32
      %dma_wait3A_231 = tpu.memref_slice %arg10[%dma_wait3A_229, %dma_wait3A_230] : memref<512x32xf32, #tpu.memory_space<vmem>> -> memref<128x32xf32, #tpu.memory_space<vmem>>
      %dma_wait3A_232 = arith.constant 0 : i32
      %dma_wait3A_233 = tpu.memref_slice %arg7[%dma_wait3A_228, %dma_wait3A_232] : memref<4x128xi32, #tpu.memory_space<vmem>> -> memref<1x128xi32, #tpu.memory_space<vmem>>
      %dma_wait3A_234 = tpu.memref_squeeze %dma_wait3A_233 : memref<1x128xi32, #tpu.memory_space<vmem>> -> memref<128xi32, #tpu.memory_space<vmem>>
      %dma_wait3A_235 = arith.constant 0 : i32
      %dma_wait3A_236 = arith.constant 0 : i32
      %dma_wait3A_237 = tpu.memref_slice %arg12[%dma_wait3A_235, %dma_wait3A_236] : memref<53248x32xf32, #tpu.memory_space<vmem_shared>> -> memref<53248x32xf32, #tpu.memory_space<vmem_shared>>
      tpu.wait_indirect_dma semaphore(%arg20 : memref<!tpu.dma_semaphore, #tpu.memory_space<semaphore_mem>>) src(%dma_wait3A_231 : memref<128x32xf32, #tpu.memory_space<vmem>>) dst(%dma_wait3A_237 : memref<53248x32xf32, #tpu.memory_space<vmem_shared>>)
      %dma_start3A_238 = arith.constant 3 : i32
      %dma_start3A_239 = arith.constant 384 : i32
      %dma_start3A_240 = arith.constant 0 : i32
      %dma_start3A_241 = tpu.memref_slice %arg10[%dma_start3A_239, %dma_start3A_240] : memref<512x32xf32, #tpu.memory_space<vmem>> -> memref<128x32xf32, #tpu.memory_space<vmem>>
      %dma_start3A_242 = arith.constant 0 : i32
      %dma_start3A_243 = tpu.memref_slice %arg8[%dma_start3A_238, %dma_start3A_242] : memref<4x128xi32, #tpu.memory_space<vmem>> -> memref<1x128xi32, #tpu.memory_space<vmem>>
      %dma_start3A_244 = tpu.memref_squeeze %dma_start3A_243 : memref<1x128xi32, #tpu.memory_space<vmem>> -> memref<128xi32, #tpu.memory_space<vmem>>
      %dma_start3A_245 = arith.constant 0 : i32
      %dma_start3A_246 = arith.constant 0 : i32
      %dma_start3A_247 = tpu.memref_slice %arg4[%dma_start3A_245, %dma_start3A_246] : memref<102400x32xf32, #tpu.memory_space<hbm>> -> memref<102400x32xf32, #tpu.memory_space<hbm>>
      tpu.enqueue_indirect_dma source(%dma_start3A_247 : memref<102400x32xf32, #tpu.memory_space<hbm>>) target(%dma_start3A_241 : memref<128x32xf32, #tpu.memory_space<vmem>>) offsets(%dma_start3A_244 : memref<128xi32, #tpu.memory_space<vmem>>) semaphore(%arg16 : memref<!tpu.dma_semaphore, #tpu.memory_space<semaphore_mem>>)
      %not3A = arith.constant true
      %not3A_248 = arith.xori %eq3A_80, %not3A : i1
      %convert_element_type3A = arith.extui %not3A_248 : i1 to i32
      %cond3A = arith.constant 0 : i32
      %cond3A_249 = arith.cmpi ne, %convert_element_type3A, %cond3A : i32
      scf.if %cond3A_249 {
        %add3A_391 = arith.constant 2 : i32
        %add3A_392 = arith.addi %mul3A_79, %add3A_391 : i32
        %mul3A_393 = arith.constant 4 : i32
        %mul3A_394 = arith.muli %add3A_392, %mul3A_393 : i32
        %add3A_395 = arith.addi %mul3A_2, %mul3A_394 : i32
        "tpu.region"() ({
          %run_scoped3A = tpu.sem_alloc : memref<!tpu.dma_semaphore, #tpu.memory_space<semaphore_mem>>
          %dma_start3A_399 = arith.constant 0 : i32
          %dma_start3A_400 = tpu.memref_slice %arg2[%add3A_395, %dma_start3A_399] : memref<12800x128xi32, #tpu.memory_space<hbm>> -> memref<4x128xi32, #tpu.memory_space<hbm>>
          %dma_start3A_401 = arith.constant 0 : i32
          %dma_start3A_402 = tpu.memref_slice %arg2[%add3A_395, %dma_start3A_401] : memref<12800x128xi32, #tpu.memory_space<hbm>> -> memref<4x128xi32, #tpu.memory_space<hbm>>
          tpu.enqueue_dma source(%dma_start3A_402 : memref<4x128xi32, #tpu.memory_space<hbm>>) target(%arg6 : memref<4x128xi32, #tpu.memory_space<vmem>>) target_semaphore(%run_scoped3A : memref<!tpu.dma_semaphore, #tpu.memory_space<semaphore_mem>>)
          %dma_wait3A_403 = arith.constant 0 : i32
          %dma_wait3A_404 = tpu.memref_slice %arg2[%add3A_395, %dma_wait3A_403] : memref<12800x128xi32, #tpu.memory_space<hbm>> -> memref<4x128xi32, #tpu.memory_space<hbm>>
          %dma_wait3A_405 = arith.constant 0 : i32
          %dma_wait3A_406 = tpu.memref_slice %arg2[%add3A_395, %dma_wait3A_405] : memref<12800x128xi32, #tpu.memory_space<hbm>> -> memref<4x128xi32, #tpu.memory_space<hbm>>
          tpu.wait_dma2 semaphore(%run_scoped3A : memref<!tpu.dma_semaphore, #tpu.memory_space<semaphore_mem>>) src(%dma_wait3A_406 : memref<4x128xi32, #tpu.memory_space<hbm>>) dst(%arg6 : memref<4x128xi32, #tpu.memory_space<vmem>>)
          tpu.yield
        }) : () -> ()
        %mul3A_396 = arith.constant 4 : i32
        %mul3A_397 = arith.muli %add3A_392, %mul3A_396 : i32
        %add3A_398 = arith.addi %mul3A_4, %mul3A_397 : i32
        "tpu.region"() ({
          %run_scoped3A = tpu.sem_alloc : memref<!tpu.dma_semaphore, #tpu.memory_space<semaphore_mem>>
          %dma_start3A_399 = arith.constant 0 : i32
          %dma_start3A_400 = tpu.memref_slice %arg3[%add3A_398, %dma_start3A_399] : memref<6400x128xi32, #tpu.memory_space<hbm>> -> memref<4x128xi32, #tpu.memory_space<hbm>>
          %dma_start3A_401 = arith.constant 0 : i32
          %dma_start3A_402 = tpu.memref_slice %arg3[%add3A_398, %dma_start3A_401] : memref<6400x128xi32, #tpu.memory_space<hbm>> -> memref<4x128xi32, #tpu.memory_space<hbm>>
          tpu.enqueue_dma source(%dma_start3A_402 : memref<4x128xi32, #tpu.memory_space<hbm>>) target(%arg7 : memref<4x128xi32, #tpu.memory_space<vmem>>) target_semaphore(%run_scoped3A : memref<!tpu.dma_semaphore, #tpu.memory_space<semaphore_mem>>)
          %dma_wait3A_403 = arith.constant 0 : i32
          %dma_wait3A_404 = tpu.memref_slice %arg3[%add3A_398, %dma_wait3A_403] : memref<6400x128xi32, #tpu.memory_space<hbm>> -> memref<4x128xi32, #tpu.memory_space<hbm>>
          %dma_wait3A_405 = arith.constant 0 : i32
          %dma_wait3A_406 = tpu.memref_slice %arg3[%add3A_398, %dma_wait3A_405] : memref<6400x128xi32, #tpu.memory_space<hbm>> -> memref<4x128xi32, #tpu.memory_space<hbm>>
          tpu.wait_dma2 semaphore(%run_scoped3A : memref<!tpu.dma_semaphore, #tpu.memory_space<semaphore_mem>>) src(%dma_wait3A_406 : memref<4x128xi32, #tpu.memory_space<hbm>>) dst(%arg7 : memref<4x128xi32, #tpu.memory_space<vmem>>)
          tpu.yield
        }) : () -> ()
      } else {
      }
      %dma_wait3A_250 = arith.constant 0 : i32
      %dma_wait3A_251 = arith.constant 0 : i32
      %dma_wait3A_252 = arith.constant 0 : i32
      %dma_wait3A_253 = tpu.memref_slice %arg10[%dma_wait3A_251, %dma_wait3A_252] : memref<512x32xf32, #tpu.memory_space<vmem>> -> memref<128x32xf32, #tpu.memory_space<vmem>>
      %dma_wait3A_254 = arith.constant 0 : i32
      %dma_wait3A_255 = tpu.memref_slice %arg8[%dma_wait3A_250, %dma_wait3A_254] : memref<4x128xi32, #tpu.memory_space<vmem>> -> memref<1x128xi32, #tpu.memory_space<vmem>>
      %dma_wait3A_256 = tpu.memref_squeeze %dma_wait3A_255 : memref<1x128xi32, #tpu.memory_space<vmem>> -> memref<128xi32, #tpu.memory_space<vmem>>
      %dma_wait3A_257 = arith.constant 0 : i32
      %dma_wait3A_258 = arith.constant 0 : i32
      %dma_wait3A_259 = tpu.memref_slice %arg4[%dma_wait3A_257, %dma_wait3A_258] : memref<102400x32xf32, #tpu.memory_space<hbm>> -> memref<102400x32xf32, #tpu.memory_space<hbm>>
      tpu.wait_indirect_dma semaphore(%arg13 : memref<!tpu.dma_semaphore, #tpu.memory_space<semaphore_mem>>) src(%dma_wait3A_259 : memref<102400x32xf32, #tpu.memory_space<hbm>>) dst(%dma_wait3A_253 : memref<128x32xf32, #tpu.memory_space<vmem>>)
      %dma_start3A_260 = arith.constant 0 : i32
      %dma_start3A_261 = arith.constant 0 : i32
      %dma_start3A_262 = arith.constant 0 : i32
      %dma_start3A_263 = tpu.memref_slice %arg10[%dma_start3A_261, %dma_start3A_262] : memref<512x32xf32, #tpu.memory_space<vmem>> -> memref<128x32xf32, #tpu.memory_space<vmem>>
      %dma_start3A_264 = arith.constant 0 : i32
      %dma_start3A_265 = tpu.memref_slice %arg9[%dma_start3A_260, %dma_start3A_264] : memref<4x128xi32, #tpu.memory_space<vmem>> -> memref<1x128xi32, #tpu.memory_space<vmem>>
      %dma_start3A_266 = tpu.memref_squeeze %dma_start3A_265 : memref<1x128xi32, #tpu.memory_space<vmem>> -> memref<128xi32, #tpu.memory_space<vmem>>
      %dma_start3A_267 = arith.constant 0 : i32
      %dma_start3A_268 = arith.constant 0 : i32
      %dma_start3A_269 = tpu.memref_slice %arg12[%dma_start3A_267, %dma_start3A_268] : memref<53248x32xf32, #tpu.memory_space<vmem_shared>> -> memref<53248x32xf32, #tpu.memory_space<vmem_shared>>
      tpu.enqueue_indirect_dma source(%dma_start3A_263 : memref<128x32xf32, #tpu.memory_space<vmem>>) target(%dma_start3A_269 : memref<53248x32xf32, #tpu.memory_space<vmem_shared>>) offsets(%dma_start3A_266 : memref<128xi32, #tpu.memory_space<vmem>>) semaphore(%arg17 : memref<!tpu.dma_semaphore, #tpu.memory_space<semaphore_mem>>) {add = true}
      %dma_wait3A_270 = arith.constant 1 : i32
      %dma_wait3A_271 = arith.constant 128 : i32
      %dma_wait3A_272 = arith.constant 0 : i32
      %dma_wait3A_273 = tpu.memref_slice %arg10[%dma_wait3A_271, %dma_wait3A_272] : memref<512x32xf32, #tpu.memory_space<vmem>> -> memref<128x32xf32, #tpu.memory_space<vmem>>
      %dma_wait3A_274 = arith.constant 0 : i32
      %dma_wait3A_275 = tpu.memref_slice %arg8[%dma_wait3A_270, %dma_wait3A_274] : memref<4x128xi32, #tpu.memory_space<vmem>> -> memref<1x128xi32, #tpu.memory_space<vmem>>
      %dma_wait3A_276 = tpu.memref_squeeze %dma_wait3A_275 : memref<1x128xi32, #tpu.memory_space<vmem>> -> memref<128xi32, #tpu.memory_space<vmem>>
      %dma_wait3A_277 = arith.constant 0 : i32
      %dma_wait3A_278 = arith.constant 0 : i32
      %dma_wait3A_279 = tpu.memref_slice %arg4[%dma_wait3A_277, %dma_wait3A_278] : memref<102400x32xf32, #tpu.memory_space<hbm>> -> memref<102400x32xf32, #tpu.memory_space<hbm>>
      tpu.wait_indirect_dma semaphore(%arg14 : memref<!tpu.dma_semaphore, #tpu.memory_space<semaphore_mem>>) src(%dma_wait3A_279 : memref<102400x32xf32, #tpu.memory_space<hbm>>) dst(%dma_wait3A_273 : memref<128x32xf32, #tpu.memory_space<vmem>>)
      %dma_start3A_280 = arith.constant 1 : i32
      %dma_start3A_281 = arith.constant 128 : i32
      %dma_start3A_282 = arith.constant 0 : i32
      %dma_start3A_283 = tpu.memref_slice %arg10[%dma_start3A_281, %dma_start3A_282] : memref<512x32xf32, #tpu.memory_space<vmem>> -> memref<128x32xf32, #tpu.memory_space<vmem>>
      %dma_start3A_284 = arith.constant 0 : i32
      %dma_start3A_285 = tpu.memref_slice %arg9[%dma_start3A_280, %dma_start3A_284] : memref<4x128xi32, #tpu.memory_space<vmem>> -> memref<1x128xi32, #tpu.memory_space<vmem>>
      %dma_start3A_286 = tpu.memref_squeeze %dma_start3A_285 : memref<1x128xi32, #tpu.memory_space<vmem>> -> memref<128xi32, #tpu.memory_space<vmem>>
      %dma_start3A_287 = arith.constant 0 : i32
      %dma_start3A_288 = arith.constant 0 : i32
      %dma_start3A_289 = tpu.memref_slice %arg12[%dma_start3A_287, %dma_start3A_288] : memref<53248x32xf32, #tpu.memory_space<vmem_shared>> -> memref<53248x32xf32, #tpu.memory_space<vmem_shared>>
      tpu.enqueue_indirect_dma source(%dma_start3A_283 : memref<128x32xf32, #tpu.memory_space<vmem>>) target(%dma_start3A_289 : memref<53248x32xf32, #tpu.memory_space<vmem_shared>>) offsets(%dma_start3A_286 : memref<128xi32, #tpu.memory_space<vmem>>) semaphore(%arg18 : memref<!tpu.dma_semaphore, #tpu.memory_space<semaphore_mem>>) {add = true}
      %dma_wait3A_290 = arith.constant 2 : i32
      %dma_wait3A_291 = arith.constant 256 : i32
      %dma_wait3A_292 = arith.constant 0 : i32
      %dma_wait3A_293 = tpu.memref_slice %arg10[%dma_wait3A_291, %dma_wait3A_292] : memref<512x32xf32, #tpu.memory_space<vmem>> -> memref<128x32xf32, #tpu.memory_space<vmem>>
      %dma_wait3A_294 = arith.constant 0 : i32
      %dma_wait3A_295 = tpu.memref_slice %arg8[%dma_wait3A_290, %dma_wait3A_294] : memref<4x128xi32, #tpu.memory_space<vmem>> -> memref<1x128xi32, #tpu.memory_space<vmem>>
      %dma_wait3A_296 = tpu.memref_squeeze %dma_wait3A_295 : memref<1x128xi32, #tpu.memory_space<vmem>> -> memref<128xi32, #tpu.memory_space<vmem>>
      %dma_wait3A_297 = arith.constant 0 : i32
      %dma_wait3A_298 = arith.constant 0 : i32
      %dma_wait3A_299 = tpu.memref_slice %arg4[%dma_wait3A_297, %dma_wait3A_298] : memref<102400x32xf32, #tpu.memory_space<hbm>> -> memref<102400x32xf32, #tpu.memory_space<hbm>>
      tpu.wait_indirect_dma semaphore(%arg15 : memref<!tpu.dma_semaphore, #tpu.memory_space<semaphore_mem>>) src(%dma_wait3A_299 : memref<102400x32xf32, #tpu.memory_space<hbm>>) dst(%dma_wait3A_293 : memref<128x32xf32, #tpu.memory_space<vmem>>)
      %dma_start3A_300 = arith.constant 2 : i32
      %dma_start3A_301 = arith.constant 256 : i32
      %dma_start3A_302 = arith.constant 0 : i32
      %dma_start3A_303 = tpu.memref_slice %arg10[%dma_start3A_301, %dma_start3A_302] : memref<512x32xf32, #tpu.memory_space<vmem>> -> memref<128x32xf32, #tpu.memory_space<vmem>>
      %dma_start3A_304 = arith.constant 0 : i32
      %dma_start3A_305 = tpu.memref_slice %arg9[%dma_start3A_300, %dma_start3A_304] : memref<4x128xi32, #tpu.memory_space<vmem>> -> memref<1x128xi32, #tpu.memory_space<vmem>>
      %dma_start3A_306 = tpu.memref_squeeze %dma_start3A_305 : memref<1x128xi32, #tpu.memory_space<vmem>> -> memref<128xi32, #tpu.memory_space<vmem>>
      %dma_start3A_307 = arith.constant 0 : i32
      %dma_start3A_308 = arith.constant 0 : i32
      %dma_start3A_309 = tpu.memref_slice %arg12[%dma_start3A_307, %dma_start3A_308] : memref<53248x32xf32, #tpu.memory_space<vmem_shared>> -> memref<53248x32xf32, #tpu.memory_space<vmem_shared>>
      tpu.enqueue_indirect_dma source(%dma_start3A_303 : memref<128x32xf32, #tpu.memory_space<vmem>>) target(%dma_start3A_309 : memref<53248x32xf32, #tpu.memory_space<vmem_shared>>) offsets(%dma_start3A_306 : memref<128xi32, #tpu.memory_space<vmem>>) semaphore(%arg19 : memref<!tpu.dma_semaphore, #tpu.memory_space<semaphore_mem>>) {add = true}
      %dma_wait3A_310 = arith.constant 3 : i32
      %dma_wait3A_311 = arith.constant 384 : i32
      %dma_wait3A_312 = arith.constant 0 : i32
      %dma_wait3A_313 = tpu.memref_slice %arg10[%dma_wait3A_311, %dma_wait3A_312] : memref<512x32xf32, #tpu.memory_space<vmem>> -> memref<128x32xf32, #tpu.memory_space<vmem>>
      %dma_wait3A_314 = arith.constant 0 : i32
      %dma_wait3A_315 = tpu.memref_slice %arg8[%dma_wait3A_310, %dma_wait3A_314] : memref<4x128xi32, #tpu.memory_space<vmem>> -> memref<1x128xi32, #tpu.memory_space<vmem>>
      %dma_wait3A_316 = tpu.memref_squeeze %dma_wait3A_315 : memref<1x128xi32, #tpu.memory_space<vmem>> -> memref<128xi32, #tpu.memory_space<vmem>>
      %dma_wait3A_317 = arith.constant 0 : i32
      %dma_wait3A_318 = arith.constant 0 : i32
      %dma_wait3A_319 = tpu.memref_slice %arg4[%dma_wait3A_317, %dma_wait3A_318] : memref<102400x32xf32, #tpu.memory_space<hbm>> -> memref<102400x32xf32, #tpu.memory_space<hbm>>
      tpu.wait_indirect_dma semaphore(%arg16 : memref<!tpu.dma_semaphore, #tpu.memory_space<semaphore_mem>>) src(%dma_wait3A_319 : memref<102400x32xf32, #tpu.memory_space<hbm>>) dst(%dma_wait3A_313 : memref<128x32xf32, #tpu.memory_space<vmem>>)
      %dma_start3A_320 = arith.constant 3 : i32
      %dma_start3A_321 = arith.constant 384 : i32
      %dma_start3A_322 = arith.constant 0 : i32
      %dma_start3A_323 = tpu.memref_slice %arg10[%dma_start3A_321, %dma_start3A_322] : memref<512x32xf32, #tpu.memory_space<vmem>> -> memref<128x32xf32, #tpu.memory_space<vmem>>
      %dma_start3A_324 = arith.constant 0 : i32
      %dma_start3A_325 = tpu.memref_slice %arg9[%dma_start3A_320, %dma_start3A_324] : memref<4x128xi32, #tpu.memory_space<vmem>> -> memref<1x128xi32, #tpu.memory_space<vmem>>
      %dma_start3A_326 = tpu.memref_squeeze %dma_start3A_325 : memref<1x128xi32, #tpu.memory_space<vmem>> -> memref<128xi32, #tpu.memory_space<vmem>>
      %dma_start3A_327 = arith.constant 0 : i32
      %dma_start3A_328 = arith.constant 0 : i32
      %dma_start3A_329 = tpu.memref_slice %arg12[%dma_start3A_327, %dma_start3A_328] : memref<53248x32xf32, #tpu.memory_space<vmem_shared>> -> memref<53248x32xf32, #tpu.memory_space<vmem_shared>>
      tpu.enqueue_indirect_dma source(%dma_start3A_323 : memref<128x32xf32, #tpu.memory_space<vmem>>) target(%dma_start3A_329 : memref<53248x32xf32, #tpu.memory_space<vmem_shared>>) offsets(%dma_start3A_326 : memref<128xi32, #tpu.memory_space<vmem>>) semaphore(%arg20 : memref<!tpu.dma_semaphore, #tpu.memory_space<semaphore_mem>>) {add = true}
      %dma_wait3A_330 = arith.constant 0 : i32
      %dma_wait3A_331 = arith.constant 0 : i32
      %dma_wait3A_332 = arith.constant 0 : i32
      %dma_wait3A_333 = tpu.memref_slice %arg10[%dma_wait3A_331, %dma_wait3A_332] : memref<512x32xf32, #tpu.memory_space<vmem>> -> memref<128x32xf32, #tpu.memory_space<vmem>>
      %dma_wait3A_334 = arith.constant 0 : i32
      %dma_wait3A_335 = tpu.memref_slice %arg9[%dma_wait3A_330, %dma_wait3A_334] : memref<4x128xi32, #tpu.memory_space<vmem>> -> memref<1x128xi32, #tpu.memory_space<vmem>>
      %dma_wait3A_336 = tpu.memref_squeeze %dma_wait3A_335 : memref<1x128xi32, #tpu.memory_space<vmem>> -> memref<128xi32, #tpu.memory_space<vmem>>
      %dma_wait3A_337 = arith.constant 0 : i32
      %dma_wait3A_338 = arith.constant 0 : i32
      %dma_wait3A_339 = tpu.memref_slice %arg12[%dma_wait3A_337, %dma_wait3A_338] : memref<53248x32xf32, #tpu.memory_space<vmem_shared>> -> memref<53248x32xf32, #tpu.memory_space<vmem_shared>>
      tpu.wait_indirect_dma semaphore(%arg17 : memref<!tpu.dma_semaphore, #tpu.memory_space<semaphore_mem>>) src(%dma_wait3A_333 : memref<128x32xf32, #tpu.memory_space<vmem>>) dst(%dma_wait3A_339 : memref<53248x32xf32, #tpu.memory_space<vmem_shared>>)
      %not3A_340 = arith.constant true
      %not3A_341 = arith.xori %eq3A_80, %not3A_340 : i1
      %convert_element_type3A_342 = arith.extui %not3A_341 : i1 to i32
      %cond3A_343 = arith.constant 0 : i32
      %cond3A_344 = arith.cmpi ne, %convert_element_type3A_342, %cond3A_343 : i32
      scf.if %cond3A_344 {
        %dma_start3A_391 = arith.constant 0 : i32
        %dma_start3A_392 = arith.constant 0 : i32
        %dma_start3A_393 = arith.constant 0 : i32
        %dma_start3A_394 = tpu.memref_slice %arg10[%dma_start3A_392, %dma_start3A_393] : memref<512x32xf32, #tpu.memory_space<vmem>> -> memref<128x32xf32, #tpu.memory_space<vmem>>
        %dma_start3A_395 = arith.constant 0 : i32
        %dma_start3A_396 = tpu.memref_slice %arg6[%dma_start3A_391, %dma_start3A_395] : memref<4x128xi32, #tpu.memory_space<vmem>> -> memref<1x128xi32, #tpu.memory_space<vmem>>
        %dma_start3A_397 = tpu.memref_squeeze %dma_start3A_396 : memref<1x128xi32, #tpu.memory_space<vmem>> -> memref<128xi32, #tpu.memory_space<vmem>>
        %dma_start3A_398 = arith.constant 0 : i32
        %dma_start3A_399 = arith.constant 0 : i32
        %dma_start3A_400 = tpu.memref_slice %arg4[%dma_start3A_398, %dma_start3A_399] : memref<102400x32xf32, #tpu.memory_space<hbm>> -> memref<102400x32xf32, #tpu.memory_space<hbm>>
        tpu.enqueue_indirect_dma source(%dma_start3A_400 : memref<102400x32xf32, #tpu.memory_space<hbm>>) target(%dma_start3A_394 : memref<128x32xf32, #tpu.memory_space<vmem>>) offsets(%dma_start3A_397 : memref<128xi32, #tpu.memory_space<vmem>>) semaphore(%arg13 : memref<!tpu.dma_semaphore, #tpu.memory_space<semaphore_mem>>)
      } else {
      }
      %dma_wait3A_345 = arith.constant 1 : i32
      %dma_wait3A_346 = arith.constant 128 : i32
      %dma_wait3A_347 = arith.constant 0 : i32
      %dma_wait3A_348 = tpu.memref_slice %arg10[%dma_wait3A_346, %dma_wait3A_347] : memref<512x32xf32, #tpu.memory_space<vmem>> -> memref<128x32xf32, #tpu.memory_space<vmem>>
      %dma_wait3A_349 = arith.constant 0 : i32
      %dma_wait3A_350 = tpu.memref_slice %arg9[%dma_wait3A_345, %dma_wait3A_349] : memref<4x128xi32, #tpu.memory_space<vmem>> -> memref<1x128xi32, #tpu.memory_space<vmem>>
      %dma_wait3A_351 = tpu.memref_squeeze %dma_wait3A_350 : memref<1x128xi32, #tpu.memory_space<vmem>> -> memref<128xi32, #tpu.memory_space<vmem>>
      %dma_wait3A_352 = arith.constant 0 : i32
      %dma_wait3A_353 = arith.constant 0 : i32
      %dma_wait3A_354 = tpu.memref_slice %arg12[%dma_wait3A_352, %dma_wait3A_353] : memref<53248x32xf32, #tpu.memory_space<vmem_shared>> -> memref<53248x32xf32, #tpu.memory_space<vmem_shared>>
      tpu.wait_indirect_dma semaphore(%arg18 : memref<!tpu.dma_semaphore, #tpu.memory_space<semaphore_mem>>) src(%dma_wait3A_348 : memref<128x32xf32, #tpu.memory_space<vmem>>) dst(%dma_wait3A_354 : memref<53248x32xf32, #tpu.memory_space<vmem_shared>>)
      %not3A_355 = arith.constant true
      %not3A_356 = arith.xori %eq3A_80, %not3A_355 : i1
      %convert_element_type3A_357 = arith.extui %not3A_356 : i1 to i32
      %cond3A_358 = arith.constant 0 : i32
      %cond3A_359 = arith.cmpi ne, %convert_element_type3A_357, %cond3A_358 : i32
      scf.if %cond3A_359 {
        %dma_start3A_391 = arith.constant 1 : i32
        %dma_start3A_392 = arith.constant 128 : i32
        %dma_start3A_393 = arith.constant 0 : i32
        %dma_start3A_394 = tpu.memref_slice %arg10[%dma_start3A_392, %dma_start3A_393] : memref<512x32xf32, #tpu.memory_space<vmem>> -> memref<128x32xf32, #tpu.memory_space<vmem>>
        %dma_start3A_395 = arith.constant 0 : i32
        %dma_start3A_396 = tpu.memref_slice %arg6[%dma_start3A_391, %dma_start3A_395] : memref<4x128xi32, #tpu.memory_space<vmem>> -> memref<1x128xi32, #tpu.memory_space<vmem>>
        %dma_start3A_397 = tpu.memref_squeeze %dma_start3A_396 : memref<1x128xi32, #tpu.memory_space<vmem>> -> memref<128xi32, #tpu.memory_space<vmem>>
        %dma_start3A_398 = arith.constant 0 : i32
        %dma_start3A_399 = arith.constant 0 : i32
        %dma_start3A_400 = tpu.memref_slice %arg4[%dma_start3A_398, %dma_start3A_399] : memref<102400x32xf32, #tpu.memory_space<hbm>> -> memref<102400x32xf32, #tpu.memory_space<hbm>>
        tpu.enqueue_indirect_dma source(%dma_start3A_400 : memref<102400x32xf32, #tpu.memory_space<hbm>>) target(%dma_start3A_394 : memref<128x32xf32, #tpu.memory_space<vmem>>) offsets(%dma_start3A_397 : memref<128xi32, #tpu.memory_space<vmem>>) semaphore(%arg14 : memref<!tpu.dma_semaphore, #tpu.memory_space<semaphore_mem>>)
      } else {
      }
      %dma_wait3A_360 = arith.constant 2 : i32
      %dma_wait3A_361 = arith.constant 256 : i32
      %dma_wait3A_362 = arith.constant 0 : i32
      %dma_wait3A_363 = tpu.memref_slice %arg10[%dma_wait3A_361, %dma_wait3A_362] : memref<512x32xf32, #tpu.memory_space<vmem>> -> memref<128x32xf32, #tpu.memory_space<vmem>>
      %dma_wait3A_364 = arith.constant 0 : i32
      %dma_wait3A_365 = tpu.memref_slice %arg9[%dma_wait3A_360, %dma_wait3A_364] : memref<4x128xi32, #tpu.memory_space<vmem>> -> memref<1x128xi32, #tpu.memory_space<vmem>>
      %dma_wait3A_366 = tpu.memref_squeeze %dma_wait3A_365 : memref<1x128xi32, #tpu.memory_space<vmem>> -> memref<128xi32, #tpu.memory_space<vmem>>
      %dma_wait3A_367 = arith.constant 0 : i32
      %dma_wait3A_368 = arith.constant 0 : i32
      %dma_wait3A_369 = tpu.memref_slice %arg12[%dma_wait3A_367, %dma_wait3A_368] : memref<53248x32xf32, #tpu.memory_space<vmem_shared>> -> memref<53248x32xf32, #tpu.memory_space<vmem_shared>>
      tpu.wait_indirect_dma semaphore(%arg19 : memref<!tpu.dma_semaphore, #tpu.memory_space<semaphore_mem>>) src(%dma_wait3A_363 : memref<128x32xf32, #tpu.memory_space<vmem>>) dst(%dma_wait3A_369 : memref<53248x32xf32, #tpu.memory_space<vmem_shared>>)
      %not3A_370 = arith.constant true
      %not3A_371 = arith.xori %eq3A_80, %not3A_370 : i1
      %convert_element_type3A_372 = arith.extui %not3A_371 : i1 to i32
      %cond3A_373 = arith.constant 0 : i32
      %cond3A_374 = arith.cmpi ne, %convert_element_type3A_372, %cond3A_373 : i32
      scf.if %cond3A_374 {
        %dma_start3A_391 = arith.constant 2 : i32
        %dma_start3A_392 = arith.constant 256 : i32
        %dma_start3A_393 = arith.constant 0 : i32
        %dma_start3A_394 = tpu.memref_slice %arg10[%dma_start3A_392, %dma_start3A_393] : memref<512x32xf32, #tpu.memory_space<vmem>> -> memref<128x32xf32, #tpu.memory_space<vmem>>
        %dma_start3A_395 = arith.constant 0 : i32
        %dma_start3A_396 = tpu.memref_slice %arg6[%dma_start3A_391, %dma_start3A_395] : memref<4x128xi32, #tpu.memory_space<vmem>> -> memref<1x128xi32, #tpu.memory_space<vmem>>
        %dma_start3A_397 = tpu.memref_squeeze %dma_start3A_396 : memref<1x128xi32, #tpu.memory_space<vmem>> -> memref<128xi32, #tpu.memory_space<vmem>>
        %dma_start3A_398 = arith.constant 0 : i32
        %dma_start3A_399 = arith.constant 0 : i32
        %dma_start3A_400 = tpu.memref_slice %arg4[%dma_start3A_398, %dma_start3A_399] : memref<102400x32xf32, #tpu.memory_space<hbm>> -> memref<102400x32xf32, #tpu.memory_space<hbm>>
        tpu.enqueue_indirect_dma source(%dma_start3A_400 : memref<102400x32xf32, #tpu.memory_space<hbm>>) target(%dma_start3A_394 : memref<128x32xf32, #tpu.memory_space<vmem>>) offsets(%dma_start3A_397 : memref<128xi32, #tpu.memory_space<vmem>>) semaphore(%arg15 : memref<!tpu.dma_semaphore, #tpu.memory_space<semaphore_mem>>)
      } else {
      }
      %dma_wait3A_375 = arith.constant 3 : i32
      %dma_wait3A_376 = arith.constant 384 : i32
      %dma_wait3A_377 = arith.constant 0 : i32
      %dma_wait3A_378 = tpu.memref_slice %arg10[%dma_wait3A_376, %dma_wait3A_377] : memref<512x32xf32, #tpu.memory_space<vmem>> -> memref<128x32xf32, #tpu.memory_space<vmem>>
      %dma_wait3A_379 = arith.constant 0 : i32
      %dma_wait3A_380 = tpu.memref_slice %arg9[%dma_wait3A_375, %dma_wait3A_379] : memref<4x128xi32, #tpu.memory_space<vmem>> -> memref<1x128xi32, #tpu.memory_space<vmem>>
      %dma_wait3A_381 = tpu.memref_squeeze %dma_wait3A_380 : memref<1x128xi32, #tpu.memory_space<vmem>> -> memref<128xi32, #tpu.memory_space<vmem>>
      %dma_wait3A_382 = arith.constant 0 : i32
      %dma_wait3A_383 = arith.constant 0 : i32
      %dma_wait3A_384 = tpu.memref_slice %arg12[%dma_wait3A_382, %dma_wait3A_383] : memref<53248x32xf32, #tpu.memory_space<vmem_shared>> -> memref<53248x32xf32, #tpu.memory_space<vmem_shared>>
      tpu.wait_indirect_dma semaphore(%arg20 : memref<!tpu.dma_semaphore, #tpu.memory_space<semaphore_mem>>) src(%dma_wait3A_378 : memref<128x32xf32, #tpu.memory_space<vmem>>) dst(%dma_wait3A_384 : memref<53248x32xf32, #tpu.memory_space<vmem_shared>>)
      %not3A_385 = arith.constant true
      %not3A_386 = arith.xori %eq3A_80, %not3A_385 : i1
      %convert_element_type3A_387 = arith.extui %not3A_386 : i1 to i32
      %cond3A_388 = arith.constant 0 : i32
      %cond3A_389 = arith.cmpi ne, %convert_element_type3A_387, %cond3A_388 : i32
      scf.if %cond3A_389 {
        %dma_start3A_391 = arith.constant 3 : i32
        %dma_start3A_392 = arith.constant 384 : i32
        %dma_start3A_393 = arith.constant 0 : i32
        %dma_start3A_394 = tpu.memref_slice %arg10[%dma_start3A_392, %dma_start3A_393] : memref<512x32xf32, #tpu.memory_space<vmem>> -> memref<128x32xf32, #tpu.memory_space<vmem>>
        %dma_start3A_395 = arith.constant 0 : i32
        %dma_start3A_396 = tpu.memref_slice %arg6[%dma_start3A_391, %dma_start3A_395] : memref<4x128xi32, #tpu.memory_space<vmem>> -> memref<1x128xi32, #tpu.memory_space<vmem>>
        %dma_start3A_397 = tpu.memref_squeeze %dma_start3A_396 : memref<1x128xi32, #tpu.memory_space<vmem>> -> memref<128xi32, #tpu.memory_space<vmem>>
        %dma_start3A_398 = arith.constant 0 : i32
        %dma_start3A_399 = arith.constant 0 : i32
        %dma_start3A_400 = tpu.memref_slice %arg4[%dma_start3A_398, %dma_start3A_399] : memref<102400x32xf32, #tpu.memory_space<hbm>> -> memref<102400x32xf32, #tpu.memory_space<hbm>>
        tpu.enqueue_indirect_dma source(%dma_start3A_400 : memref<102400x32xf32, #tpu.memory_space<hbm>>) target(%dma_start3A_394 : memref<128x32xf32, #tpu.memory_space<vmem>>) offsets(%dma_start3A_397 : memref<128xi32, #tpu.memory_space<vmem>>) semaphore(%arg16 : memref<!tpu.dma_semaphore, #tpu.memory_space<semaphore_mem>>)
      } else {
      }
      %scan3A_390 = arith.constant 0 : i32
      scf.yield %scan3A_390 : i32
    }
    %scan3A_67 = arith.constant 50 : i32
    %barrier3A_68 = arith.constant 0 : index
    tpu.barrier barrier_id(%barrier3A_68)
    %mul3A_69 = arith.constant 3328 : i32
    %mul3A_70 = arith.muli %arg1, %mul3A_69 : i32
    %mul3A_71 = arith.constant 16 : i32
    %mul3A_72 = arith.muli %arg0, %mul3A_71 : i32
    %add3A_73 = arith.addi %mul3A_72, %arg1 : i32
    %mul3A_74 = arith.constant 3328 : i32
    %mul3A_75 = arith.muli %add3A_73, %mul3A_74 : i32
    "tpu.region"() ({
      %run_scoped3A = tpu.sem_alloc : memref<!tpu.dma_semaphore, #tpu.memory_space<semaphore_mem>>
      %dma_start3A_76 = arith.constant 0 : i32
      %dma_start3A_77 = tpu.memref_slice %arg5[%mul3A_75, %dma_start3A_76] : memref<106496x32xf32, #tpu.memory_space<hbm>> -> memref<3328x32xf32, #tpu.memory_space<hbm>>
      %dma_start3A_78 = arith.constant 0 : i32
      %dma_start3A_79 = tpu.memref_slice %arg12[%mul3A_70, %dma_start3A_78] : memref<53248x32xf32, #tpu.memory_space<vmem_shared>> -> memref<3328x32xf32, #tpu.memory_space<vmem_shared>>
      tpu.enqueue_dma source(%dma_start3A_79 : memref<3328x32xf32, #tpu.memory_space<vmem_shared>>) target(%dma_start3A_77 : memref<3328x32xf32, #tpu.memory_space<hbm>>) target_semaphore(%run_scoped3A : memref<!tpu.dma_semaphore, #tpu.memory_space<semaphore_mem>>)
      %dma_wait3A = arith.constant 0 : i32
      %dma_wait3A_80 = tpu.memref_slice %arg5[%mul3A_75, %dma_wait3A] : memref<106496x32xf32, #tpu.memory_space<hbm>> -> memref<3328x32xf32, #tpu.memory_space<hbm>>
      %dma_wait3A_81 = arith.constant 0 : i32
      %dma_wait3A_82 = tpu.memref_slice %arg12[%mul3A_70, %dma_wait3A_81] : memref<53248x32xf32, #tpu.memory_space<vmem_shared>> -> memref<3328x32xf32, #tpu.memory_space<vmem_shared>>
      tpu.wait_dma2 semaphore(%run_scoped3A : memref<!tpu.dma_semaphore, #tpu.memory_space<semaphore_mem>>) src(%dma_wait3A_82 : memref<3328x32xf32, #tpu.memory_space<vmem_shared>>) dst(%dma_wait3A_80 : memref<3328x32xf32, #tpu.memory_space<hbm>>)
      tpu.yield
    }) : () -> ()
    return
  }
}

module attributes {stable_mosaic.version = 14 : i64} {
  func.func @_d1_body(%arg0: i32, %arg1: i32, %arg2: memref<2048x128xf32, #tpu.memory_space<vmem>>, %arg3: memref<1x128x32xf32, #tpu.memory_space<vmem>>, %arg4: memref<512x128xf32, #tpu.memory_space<vmem>>, %arg5: memref<512x128xf32, #tpu.memory_space<vmem>>, %arg6: memref<512x128xf32, #tpu.memory_space<vmem>>) attributes {dimension_semantics = [#tpu.dimension_semantics<arbitrary>, #tpu.dimension_semantics<arbitrary>], iteration_bounds = array<i64: 2, 25>, scalar_prefetch = 0 : i64, scratch_operands = 0 : i64, tpu.core_type = #tpu.core_type<tc>, window_params = [{transform_indices = @transform_0, window_bounds = array<i64: 2048, 128>}, {transform_indices = @transform_1, window_bounds = array<i64: 1, 128, 32>}, {transform_indices = @transform_2, window_bounds = array<i64: 512, 128>}, {transform_indices = @transform_3, window_bounds = array<i64: 512, 128>}, {transform_indices = @transform_4, window_bounds = array<i64: 512, 128>}]} {
    %get3A = arith.constant 0 : index
    %get3A_0 = arith.constant 0 : index
    %get3A_1 = vector.load %arg2[%get3A, %get3A_0] : memref<2048x128xf32, #tpu.memory_space<vmem>>, vector<512x128xf32>
    %get3A_2 = arith.constant 0 : index
    %get3A_3 = arith.constant 0 : index
    %get3A_4 = arith.constant 0 : index
    %get3A_5 = vector.load %arg3[%get3A_2, %get3A_3, %get3A_4] : memref<1x128x32xf32, #tpu.memory_space<vmem>>, vector<1x128x32xf32>
    %get3A_6 = vector.shape_cast %get3A_5 : vector<1x128x32xf32> to vector<128x32xf32>
    %dot_general3A = arith.constant dense<0.000000e+00> : vector<512x32xf32>
    %dot_general3A_7 = tpu.matmul %get3A_1, %get3A_6, %dot_general3A {dimension_numbers = #tpu.dot_dimension_numbers<[1], [0], [0], [1], [0, 0, 1, 1], [], []>, transpose_lhs_hint = false} : vector<512x128xf32>, vector<128x32xf32>, vector<512x32xf32> -> vector<512x32xf32>
    %get3A_8 = arith.constant 0 : index
    %get3A_9 = arith.constant 0 : index
    %get3A_10 = vector.load %arg4[%get3A_8, %get3A_9] : memref<512x128xf32, #tpu.memory_space<vmem>>, vector<512x1xf32>
    %get3A_11 = arith.constant 0 : index
    %get3A_12 = arith.constant 0 : index
    %get3A_13 = vector.load %arg5[%get3A_11, %get3A_12] : memref<512x128xf32, #tpu.memory_space<vmem>>, vector<512x1xf32>
    %add3A = arith.addf %get3A_10, %get3A_13 : vector<512x1xf32>
    %add3A_14 = arith.constant 1.000000e+00 : f32
    %add3A_15 = vector.broadcast %add3A_14 : f32 to vector<512x1xf32>
    %add3A_16 = arith.addf %add3A, %add3A_15 : vector<512x1xf32>
    %rsqrt3A = math.rsqrt %add3A_16 : vector<512x1xf32>
    %mul3A = vector.broadcast %rsqrt3A : vector<512x1xf32> to vector<512x32xf32>
    %mul3A_17 = arith.mulf %dot_general3A_7, %mul3A : vector<512x32xf32>
    %swap3A = arith.constant 0 : index
    %swap3A_18 = arith.constant 0 : index
    %swap3A_19 = vector.load %arg6[%swap3A, %swap3A_18] : memref<512x128xf32, #tpu.memory_space<vmem>>, vector<512x32xf32>
    tpu.vector_store %arg6[%swap3A, %swap3A_18], %mul3A_17 {strides = array<i32>} : memref<512x128xf32, #tpu.memory_space<vmem>>, vector<512x32xf32>,
    %get3A_20 = arith.constant 512 : index
    %get3A_21 = arith.constant 0 : index
    %get3A_22 = vector.load %arg2[%get3A_20, %get3A_21] : memref<2048x128xf32, #tpu.memory_space<vmem>>, vector<512x128xf32>
    %get3A_23 = arith.constant 0 : index
    %get3A_24 = arith.constant 0 : index
    %get3A_25 = arith.constant 0 : index
    %get3A_26 = vector.load %arg3[%get3A_23, %get3A_24, %get3A_25] : memref<1x128x32xf32, #tpu.memory_space<vmem>>, vector<1x128x32xf32>
    %get3A_27 = vector.shape_cast %get3A_26 : vector<1x128x32xf32> to vector<128x32xf32>
    %dot_general3A_28 = arith.constant dense<0.000000e+00> : vector<512x32xf32>
    %dot_general3A_29 = tpu.matmul %get3A_22, %get3A_27, %dot_general3A_28 {dimension_numbers = #tpu.dot_dimension_numbers<[1], [0], [0], [1], [0, 0, 1, 1], [], []>, transpose_lhs_hint = false} : vector<512x128xf32>, vector<128x32xf32>, vector<512x32xf32> -> vector<512x32xf32>
    %get3A_30 = arith.constant 0 : index
    %get3A_31 = arith.constant 32 : index
    %get3A_32 = vector.load %arg4[%get3A_30, %get3A_31] : memref<512x128xf32, #tpu.memory_space<vmem>>, vector<512x1xf32>
    %get3A_33 = arith.constant 0 : index
    %get3A_34 = arith.constant 32 : index
    %get3A_35 = vector.load %arg5[%get3A_33, %get3A_34] : memref<512x128xf32, #tpu.memory_space<vmem>>, vector<512x1xf32>
    %add3A_36 = arith.addf %get3A_32, %get3A_35 : vector<512x1xf32>
    %add3A_37 = arith.constant 1.000000e+00 : f32
    %add3A_38 = vector.broadcast %add3A_37 : f32 to vector<512x1xf32>
    %add3A_39 = arith.addf %add3A_36, %add3A_38 : vector<512x1xf32>
    %rsqrt3A_40 = math.rsqrt %add3A_39 : vector<512x1xf32>
    %mul3A_41 = vector.broadcast %rsqrt3A_40 : vector<512x1xf32> to vector<512x32xf32>
    %mul3A_42 = arith.mulf %dot_general3A_29, %mul3A_41 : vector<512x32xf32>
    %swap3A_43 = arith.constant 0 : index
    %swap3A_44 = arith.constant 32 : index
    %swap3A_45 = vector.load %arg6[%swap3A_43, %swap3A_44] : memref<512x128xf32, #tpu.memory_space<vmem>>, vector<512x32xf32>
    tpu.vector_store %arg6[%swap3A_43, %swap3A_44], %mul3A_42 {strides = array<i32>} : memref<512x128xf32, #tpu.memory_space<vmem>>, vector<512x32xf32>,
    %get3A_46 = arith.constant 1024 : index
    %get3A_47 = arith.constant 0 : index
    %get3A_48 = vector.load %arg2[%get3A_46, %get3A_47] : memref<2048x128xf32, #tpu.memory_space<vmem>>, vector<512x128xf32>
    %get3A_49 = arith.constant 0 : index
    %get3A_50 = arith.constant 0 : index
    %get3A_51 = arith.constant 0 : index
    %get3A_52 = vector.load %arg3[%get3A_49, %get3A_50, %get3A_51] : memref<1x128x32xf32, #tpu.memory_space<vmem>>, vector<1x128x32xf32>
    %get3A_53 = vector.shape_cast %get3A_52 : vector<1x128x32xf32> to vector<128x32xf32>
    %dot_general3A_54 = arith.constant dense<0.000000e+00> : vector<512x32xf32>
    %dot_general3A_55 = tpu.matmul %get3A_48, %get3A_53, %dot_general3A_54 {dimension_numbers = #tpu.dot_dimension_numbers<[1], [0], [0], [1], [0, 0, 1, 1], [], []>, transpose_lhs_hint = false} : vector<512x128xf32>, vector<128x32xf32>, vector<512x32xf32> -> vector<512x32xf32>
    %get3A_56 = arith.constant 0 : index
    %get3A_57 = arith.constant 64 : index
    %get3A_58 = vector.load %arg4[%get3A_56, %get3A_57] : memref<512x128xf32, #tpu.memory_space<vmem>>, vector<512x1xf32>
    %get3A_59 = arith.constant 0 : index
    %get3A_60 = arith.constant 64 : index
    %get3A_61 = vector.load %arg5[%get3A_59, %get3A_60] : memref<512x128xf32, #tpu.memory_space<vmem>>, vector<512x1xf32>
    %add3A_62 = arith.addf %get3A_58, %get3A_61 : vector<512x1xf32>
    %add3A_63 = arith.constant 1.000000e+00 : f32
    %add3A_64 = vector.broadcast %add3A_63 : f32 to vector<512x1xf32>
    %add3A_65 = arith.addf %add3A_62, %add3A_64 : vector<512x1xf32>
    %rsqrt3A_66 = math.rsqrt %add3A_65 : vector<512x1xf32>
    %mul3A_67 = vector.broadcast %rsqrt3A_66 : vector<512x1xf32> to vector<512x32xf32>
    %mul3A_68 = arith.mulf %dot_general3A_55, %mul3A_67 : vector<512x32xf32>
    %swap3A_69 = arith.constant 0 : index
    %swap3A_70 = arith.constant 64 : index
    %swap3A_71 = vector.load %arg6[%swap3A_69, %swap3A_70] : memref<512x128xf32, #tpu.memory_space<vmem>>, vector<512x32xf32>
    tpu.vector_store %arg6[%swap3A_69, %swap3A_70], %mul3A_68 {strides = array<i32>} : memref<512x128xf32, #tpu.memory_space<vmem>>, vector<512x32xf32>,
    %get3A_72 = arith.constant 1536 : index
    %get3A_73 = arith.constant 0 : index
    %get3A_74 = vector.load %arg2[%get3A_72, %get3A_73] : memref<2048x128xf32, #tpu.memory_space<vmem>>, vector<512x128xf32>
    %get3A_75 = arith.constant 0 : index
    %get3A_76 = arith.constant 0 : index
    %get3A_77 = arith.constant 0 : index
    %get3A_78 = vector.load %arg3[%get3A_75, %get3A_76, %get3A_77] : memref<1x128x32xf32, #tpu.memory_space<vmem>>, vector<1x128x32xf32>
    %get3A_79 = vector.shape_cast %get3A_78 : vector<1x128x32xf32> to vector<128x32xf32>
    %dot_general3A_80 = arith.constant dense<0.000000e+00> : vector<512x32xf32>
    %dot_general3A_81 = tpu.matmul %get3A_74, %get3A_79, %dot_general3A_80 {dimension_numbers = #tpu.dot_dimension_numbers<[1], [0], [0], [1], [0, 0, 1, 1], [], []>, transpose_lhs_hint = false} : vector<512x128xf32>, vector<128x32xf32>, vector<512x32xf32> -> vector<512x32xf32>
    %get3A_82 = arith.constant 0 : index
    %get3A_83 = arith.constant 96 : index
    %get3A_84 = vector.load %arg4[%get3A_82, %get3A_83] : memref<512x128xf32, #tpu.memory_space<vmem>>, vector<512x1xf32>
    %get3A_85 = arith.constant 0 : index
    %get3A_86 = arith.constant 96 : index
    %get3A_87 = vector.load %arg5[%get3A_85, %get3A_86] : memref<512x128xf32, #tpu.memory_space<vmem>>, vector<512x1xf32>
    %add3A_88 = arith.addf %get3A_84, %get3A_87 : vector<512x1xf32>
    %add3A_89 = arith.constant 1.000000e+00 : f32
    %add3A_90 = vector.broadcast %add3A_89 : f32 to vector<512x1xf32>
    %add3A_91 = arith.addf %add3A_88, %add3A_90 : vector<512x1xf32>
    %rsqrt3A_92 = math.rsqrt %add3A_91 : vector<512x1xf32>
    %mul3A_93 = vector.broadcast %rsqrt3A_92 : vector<512x1xf32> to vector<512x32xf32>
    %mul3A_94 = arith.mulf %dot_general3A_81, %mul3A_93 : vector<512x32xf32>
    %swap3A_95 = arith.constant 0 : index
    %swap3A_96 = arith.constant 96 : index
    %swap3A_97 = vector.load %arg6[%swap3A_95, %swap3A_96] : memref<512x128xf32, #tpu.memory_space<vmem>>, vector<512x32xf32>
    tpu.vector_store %arg6[%swap3A_95, %swap3A_96], %mul3A_94 {strides = array<i32>} : memref<512x128xf32, #tpu.memory_space<vmem>>, vector<512x32xf32>,
    return
  }
  func.func @transform_0(%arg0: i32, %arg1: i32) -> (i32, i32) {
    %c0_i32 = arith.constant 0 : i32
    %c0_i32_0 = arith.constant 0 : i32
    return %arg1, %c0_i32 : i32, i32
  }
  func.func @transform_1(%arg0: i32, %arg1: i32) -> (i32, i32, i32) {
    %c0_i32 = arith.constant 0 : i32
    %c0_i32_0 = arith.constant 0 : i32
    %c0_i32_1 = arith.constant 0 : i32
    return %arg0, %c0_i32, %c0_i32_0 : i32, i32, i32
  }
  func.func @transform_2(%arg0: i32, %arg1: i32) -> (i32, i32) {
    %c0_i32 = arith.constant 0 : i32
    %c0_i32_0 = arith.constant 0 : i32
    return %arg1, %c0_i32 : i32, i32
  }
  func.func @transform_3(%arg0: i32, %arg1: i32) -> (i32, i32) {
    %add3A = arith.constant 26 : i32
    %add3A_0 = arith.addi %add3A, %arg1 : i32
    %c0_i32 = arith.constant 0 : i32
    %c0_i32_1 = arith.constant 0 : i32
    return %add3A_0, %c0_i32 : i32, i32
  }
  func.func @transform_4(%arg0: i32, %arg1: i32) -> (i32, i32) {
    %mul3A = arith.constant 25 : i32
    %mul3A_0 = arith.muli %arg0, %mul3A : i32
    %add3A = arith.addi %mul3A_0, %arg1 : i32
    %c0_i32 = arith.constant 0 : i32
    %c0_i32_1 = arith.constant 0 : i32
    return %add3A, %c0_i32 : i32, i32
  }
}

module attributes {stable_mosaic.version = 14 : i64} {
  func.func @_m_body(%arg0: i32, %arg1: memref<512x128xf32, #tpu.memory_space<vmem>>, %arg2: memref<512x128xf32, #tpu.memory_space<vmem>>, %arg3: memref<512x128xf32, #tpu.memory_space<vmem>>, %arg4: memref<512x128xf32, #tpu.memory_space<vmem>>, %arg5: memref<512x128xf32, #tpu.memory_space<vmem>>, %arg6: memref<512x128xf32, #tpu.memory_space<vmem>>, %arg7: memref<1x64xf32, #tpu.memory_space<vmem>>, %arg8: memref<1x64xf32, #tpu.memory_space<vmem>>, %arg9: memref<1x64xf32, #tpu.memory_space<vmem>>, %arg10: memref<1x64x32xf32, #tpu.memory_space<vmem>>, %arg11: memref<512x128xf32, #tpu.memory_space<vmem>>, %arg12: memref<12800x256xf32, #tpu.memory_space<vmem>>, %arg13: memref<2x64xf32, #tpu.memory_space<vmem>>) attributes {dimension_semantics = [#tpu.dimension_semantics<arbitrary>], iteration_bounds = array<i64: 75>, scalar_prefetch = 0 : i64, scratch_operands = 2 : i64, tpu.core_type = #tpu.core_type<tc>, window_params = [{transform_indices = @transform_0, window_bounds = array<i64: 512, 128>}, {transform_indices = @transform_1, window_bounds = array<i64: 512, 128>}, {transform_indices = @transform_2, window_bounds = array<i64: 512, 128>}, {transform_indices = @transform_3, window_bounds = array<i64: 512, 128>}, {transform_indices = @transform_4, window_bounds = array<i64: 512, 128>}, {transform_indices = @transform_5, window_bounds = array<i64: 512, 128>}, {pipeline_mode = #tpu.pipeline_mode<synchronous>, transform_indices = @transform_6, window_bounds = array<i64: 1, 64>}, {pipeline_mode = #tpu.pipeline_mode<synchronous>, transform_indices = @transform_7, window_bounds = array<i64: 1, 64>}, {pipeline_mode = #tpu.pipeline_mode<synchronous>, transform_indices = @transform_8, window_bounds = array<i64: 1, 64>}, {transform_indices = @transform_9, window_bounds = array<i64: 1, 64, 32>}, {transform_indices = @transform_10, window_bounds = array<i64: 512, 128>}]} {
    %lt3A = arith.constant 25 : i32
    %lt3A_0 = arith.cmpi slt, %arg0, %lt3A : i32
    %convert_element_type3A = arith.extui %lt3A_0 : i1 to i32
    %cond3A = arith.constant 0 : i32
    %cond3A_1 = arith.cmpi ne, %convert_element_type3A, %cond3A : i32
    scf.if %cond3A_1 {
      %get3A = arith.constant 0 : index
      %get3A_6 = arith.constant 0 : index
      %get3A_7 = vector.load %arg1[%get3A, %get3A_6] : memref<512x128xf32, #tpu.memory_space<vmem>>, vector<512x128xf32>
      %get3A_8 = arith.constant 0 : index
      %get3A_9 = arith.constant 0 : index
      %get3A_10 = vector.load %arg2[%get3A_8, %get3A_9] : memref<512x128xf32, #tpu.memory_space<vmem>>, vector<512x128xf32>
      %get3A_11 = arith.constant 0 : index
      %get3A_12 = arith.constant 0 : index
      %get3A_13 = vector.load %arg3[%get3A_11, %get3A_12] : memref<512x128xf32, #tpu.memory_space<vmem>>, vector<512x128xf32>
      %get3A_14 = arith.constant 0 : index
      %get3A_15 = arith.constant 0 : index
      %get3A_16 = vector.load %arg4[%get3A_14, %get3A_15] : memref<512x128xf32, #tpu.memory_space<vmem>>, vector<512x128xf32>
      %get3A_17 = arith.constant 0 : index
      %get3A_18 = arith.constant 0 : index
      %get3A_19 = vector.load %arg5[%get3A_17, %get3A_18] : memref<512x128xf32, #tpu.memory_space<vmem>>, vector<512x1xf32>
      %get3A_20 = arith.constant 0 : index
      %get3A_21 = arith.constant 0 : index
      %get3A_22 = vector.load %arg6[%get3A_20, %get3A_21] : memref<512x128xf32, #tpu.memory_space<vmem>>, vector<512x1xf32>
      %add3A = arith.addf %get3A_19, %get3A_22 : vector<512x1xf32>
      %add3A_23 = arith.constant 1.000000e+00 : f32
      %add3A_24 = vector.broadcast %add3A_23 : f32 to vector<512x1xf32>
      %add3A_25 = arith.addf %add3A, %add3A_24 : vector<512x1xf32>
      %rsqrt3A = math.rsqrt %add3A_25 : vector<512x1xf32>
      %slice3A = vector.extract_strided_slice %get3A_7 {offsets = [0, 0], sizes = [512, 32], strides = [1, 1]} : vector<512x128xf32> to vector<512x32xf32>
      %slice3A_26 = vector.extract_strided_slice %get3A_13 {offsets = [0, 0], sizes = [512, 32], strides = [1, 1]} : vector<512x128xf32> to vector<512x32xf32>
      %add3A_27 = arith.addf %slice3A, %slice3A_26 : vector<512x32xf32>
      %slice3A_28 = vector.extract_strided_slice %get3A_10 {offsets = [0, 0], sizes = [512, 32], strides = [1, 1]} : vector<512x128xf32> to vector<512x32xf32>
      %slice3A_29 = vector.extract_strided_slice %get3A_16 {offsets = [0, 0], sizes = [512, 32], strides = [1, 1]} : vector<512x128xf32> to vector<512x32xf32>
      %add3A_30 = arith.addf %slice3A_28, %slice3A_29 : vector<512x32xf32>
      %concatenate3A = tpu.concatenate %add3A_27, %add3A_30 in 1 : vector<512x32xf32>, vector<512x32xf32> -> vector<512x64xf32>
      %mul3A = vector.broadcast %rsqrt3A : vector<512x1xf32> to vector<512x64xf32>
      %mul3A_31 = arith.mulf %concatenate3A, %mul3A : vector<512x64xf32>
      %get3A_32 = arith.constant 0 : index
      %get3A_33 = arith.constant 0 : index
      %get3A_34 = vector.load %arg7[%get3A_32, %get3A_33] : memref<1x64xf32, #tpu.memory_space<vmem>>, vector<1x64xf32>
      %add3A_35 = vector.broadcast %get3A_34 : vector<1x64xf32> to vector<512x64xf32>
      %add3A_36 = arith.addf %mul3A_31, %add3A_35 : vector<512x64xf32>
      %mul3A_37 = arith.constant 512 : i32
      %mul3A_38 = arith.muli %arg0, %mul3A_37 : i32
      %swap3A = arith.index_cast %mul3A_38 : i32 to index
      %swap3A_39 = arith.constant 0 : index
      %swap3A_40 = vector.load %arg12[%swap3A, %swap3A_39] : memref<12800x256xf32, #tpu.memory_space<vmem>>, vector<512x64xf32>
      tpu.vector_store %arg12[%swap3A, %swap3A_39], %add3A_36 {strides = array<i32>} : memref<12800x256xf32, #tpu.memory_space<vmem>>, vector<512x64xf32>,
      %iota3A = tpu.iota {dimensions = array<i32: 0>} : vector<512x1xi32>
      %mul3A_41 = arith.constant 512 : i32
      %mul3A_42 = arith.muli %arg0, %mul3A_41 : i32
      %add3A_43 = vector.broadcast %mul3A_42 : i32 to vector<512x1xi32>
      %add3A_44 = arith.addi %add3A_43, %iota3A : vector<512x1xi32>
      %mul3A_45 = arith.constant 4 : i32
      %mul3A_46 = vector.broadcast %mul3A_45 : i32 to vector<512x1xi32>
      %mul3A_47 = arith.muli %add3A_44, %mul3A_46 : vector<512x1xi32>
      %add3A_48 = arith.constant 0 : i32
      %add3A_49 = vector.broadcast %add3A_48 : i32 to vector<512x1xi32>
      %add3A_50 = arith.addi %mul3A_47, %add3A_49 : vector<512x1xi32>
      %lt3A_51 = arith.constant 50000 : i32
      %lt3A_52 = vector.broadcast %lt3A_51 : i32 to vector<512x1xi32>
      %lt3A_53 = arith.cmpi slt, %add3A_50, %lt3A_52 : vector<512x1xi32>
      %jit3A = arith.constant 0.000000e+00 : f32
      %broadcast_in_dim3A = vector.shape_cast %lt3A_53 : vector<512x1xi1> to vector<512x1xi1>
      %broadcast_in_dim3A_54 = vector.broadcast %broadcast_in_dim3A : vector<512x1xi1> to vector<512x64xi1>
      %broadcast_in_dim3A_55 = vector.broadcast %jit3A : f32 to vector<512x64xf32>
      %select_n3A = arith.select %broadcast_in_dim3A_54, %add3A_36, %broadcast_in_dim3A_55 : vector<512x64xi1>, vector<512x64xf32>
      %reduce_sum3A = arith.constant dense<0.000000e+00> : vector<64xf32>
      %reduce_sum3A_56 = vector.multi_reduction <add>, %select_n3A, %reduce_sum3A [0] : vector<512x64xf32> to vector<64xf32>
      %broadcast_in_dim3A_57 = vector.shape_cast %reduce_sum3A_56 : vector<64xf32> to vector<1x64xf32>
      %mul3A_58 = arith.mulf %select_n3A, %select_n3A : vector<512x64xf32>
      %reduce_sum3A_59 = arith.constant dense<0.000000e+00> : vector<64xf32>
      %reduce_sum3A_60 = vector.multi_reduction <add>, %mul3A_58, %reduce_sum3A_59 [0] : vector<512x64xf32> to vector<64xf32>
      %broadcast_in_dim3A_61 = vector.shape_cast %reduce_sum3A_60 : vector<64xf32> to vector<1x64xf32>
      %concatenate3A_62 = tpu.concatenate %broadcast_in_dim3A_57, %broadcast_in_dim3A_61 in 0 : vector<1x64xf32>, vector<1x64xf32> -> vector<2x64xf32>
      %get3A_63 = arith.constant 0 : index
      %get3A_64 = arith.constant 32 : index
      %get3A_65 = vector.load %arg5[%get3A_63, %get3A_64] : memref<512x128xf32, #tpu.memory_space<vmem>>, vector<512x1xf32>
      %get3A_66 = arith.constant 0 : index
      %get3A_67 = arith.constant 32 : index
      %get3A_68 = vector.load %arg6[%get3A_66, %get3A_67] : memref<512x128xf32, #tpu.memory_space<vmem>>, vector<512x1xf32>
      %add3A_69 = arith.addf %get3A_65, %get3A_68 : vector<512x1xf32>
      %add3A_70 = arith.constant 1.000000e+00 : f32
      %add3A_71 = vector.broadcast %add3A_70 : f32 to vector<512x1xf32>
      %add3A_72 = arith.addf %add3A_69, %add3A_71 : vector<512x1xf32>
      %rsqrt3A_73 = math.rsqrt %add3A_72 : vector<512x1xf32>
      %slice3A_74 = vector.extract_strided_slice %get3A_7 {offsets = [0, 32], sizes = [512, 32], strides = [1, 1]} : vector<512x128xf32> to vector<512x32xf32>
      %slice3A_75 = vector.extract_strided_slice %get3A_13 {offsets = [0, 32], sizes = [512, 32], strides = [1, 1]} : vector<512x128xf32> to vector<512x32xf32>
      %add3A_76 = arith.addf %slice3A_74, %slice3A_75 : vector<512x32xf32>
      %slice3A_77 = vector.extract_strided_slice %get3A_10 {offsets = [0, 32], sizes = [512, 32], strides = [1, 1]} : vector<512x128xf32> to vector<512x32xf32>
      %slice3A_78 = vector.extract_strided_slice %get3A_16 {offsets = [0, 32], sizes = [512, 32], strides = [1, 1]} : vector<512x128xf32> to vector<512x32xf32>
      %add3A_79 = arith.addf %slice3A_77, %slice3A_78 : vector<512x32xf32>
      %concatenate3A_80 = tpu.concatenate %add3A_76, %add3A_79 in 1 : vector<512x32xf32>, vector<512x32xf32> -> vector<512x64xf32>
      %mul3A_81 = vector.broadcast %rsqrt3A_73 : vector<512x1xf32> to vector<512x64xf32>
      %mul3A_82 = arith.mulf %concatenate3A_80, %mul3A_81 : vector<512x64xf32>
      %get3A_83 = arith.constant 0 : index
      %get3A_84 = arith.constant 0 : index
      %get3A_85 = vector.load %arg7[%get3A_83, %get3A_84] : memref<1x64xf32, #tpu.memory_space<vmem>>, vector<1x64xf32>
      %add3A_86 = vector.broadcast %get3A_85 : vector<1x64xf32> to vector<512x64xf32>
      %add3A_87 = arith.addf %mul3A_82, %add3A_86 : vector<512x64xf32>
      %mul3A_88 = arith.constant 512 : i32
      %mul3A_89 = arith.muli %arg0, %mul3A_88 : i32
      %swap3A_90 = arith.index_cast %mul3A_89 : i32 to index
      %swap3A_91 = arith.constant 64 : index
      %swap3A_92 = vector.load %arg12[%swap3A_90, %swap3A_91] : memref<12800x256xf32, #tpu.memory_space<vmem>>, vector<512x64xf32>
      tpu.vector_store %arg12[%swap3A_90, %swap3A_91], %add3A_87 {strides = array<i32>} : memref<12800x256xf32, #tpu.memory_space<vmem>>, vector<512x64xf32>,
      %iota3A_93 = tpu.iota {dimensions = array<i32: 0>} : vector<512x1xi32>
      %mul3A_94 = arith.constant 512 : i32
      %mul3A_95 = arith.muli %arg0, %mul3A_94 : i32
      %add3A_96 = vector.broadcast %mul3A_95 : i32 to vector<512x1xi32>
      %add3A_97 = arith.addi %add3A_96, %iota3A_93 : vector<512x1xi32>
      %mul3A_98 = arith.constant 4 : i32
      %mul3A_99 = vector.broadcast %mul3A_98 : i32 to vector<512x1xi32>
      %mul3A_100 = arith.muli %add3A_97, %mul3A_99 : vector<512x1xi32>
      %add3A_101 = arith.constant 1 : i32
      %add3A_102 = vector.broadcast %add3A_101 : i32 to vector<512x1xi32>
      %add3A_103 = arith.addi %mul3A_100, %add3A_102 : vector<512x1xi32>
      %lt3A_104 = arith.constant 50000 : i32
      %lt3A_105 = vector.broadcast %lt3A_104 : i32 to vector<512x1xi32>
      %lt3A_106 = arith.cmpi slt, %add3A_103, %lt3A_105 : vector<512x1xi32>
      %jit3A_107 = arith.constant 0.000000e+00 : f32
      %broadcast_in_dim3A_108 = vector.shape_cast %lt3A_106 : vector<512x1xi1> to vector<512x1xi1>
      %broadcast_in_dim3A_109 = vector.broadcast %broadcast_in_dim3A_108 : vector<512x1xi1> to vector<512x64xi1>
      %broadcast_in_dim3A_110 = vector.broadcast %jit3A_107 : f32 to vector<512x64xf32>
      %select_n3A_111 = arith.select %broadcast_in_dim3A_109, %add3A_87, %broadcast_in_dim3A_110 : vector<512x64xi1>, vector<512x64xf32>
      %reduce_sum3A_112 = arith.constant dense<0.000000e+00> : vector<64xf32>
      %reduce_sum3A_113 = vector.multi_reduction <add>, %select_n3A_111, %reduce_sum3A_112 [0] : vector<512x64xf32> to vector<64xf32>
      %broadcast_in_dim3A_114 = vector.shape_cast %reduce_sum3A_113 : vector<64xf32> to vector<1x64xf32>
      %mul3A_115 = arith.mulf %select_n3A_111, %select_n3A_111 : vector<512x64xf32>
      %reduce_sum3A_116 = arith.constant dense<0.000000e+00> : vector<64xf32>
      %reduce_sum3A_117 = vector.multi_reduction <add>, %mul3A_115, %reduce_sum3A_116 [0] : vector<512x64xf32> to vector<64xf32>
      %broadcast_in_dim3A_118 = vector.shape_cast %reduce_sum3A_117 : vector<64xf32> to vector<1x64xf32>
      %concatenate3A_119 = tpu.concatenate %broadcast_in_dim3A_114, %broadcast_in_dim3A_118 in 0 : vector<1x64xf32>, vector<1x64xf32> -> vector<2x64xf32>
      %add3A_120 = arith.addf %concatenate3A_62, %concatenate3A_119 : vector<2x64xf32>
      %get3A_121 = arith.constant 0 : index
      %get3A_122 = arith.constant 64 : index
      %get3A_123 = vector.load %arg5[%get3A_121, %get3A_122] : memref<512x128xf32, #tpu.memory_space<vmem>>, vector<512x1xf32>
      %get3A_124 = arith.constant 0 : index
      %get3A_125 = arith.constant 64 : index
      %get3A_126 = vector.load %arg6[%get3A_124, %get3A_125] : memref<512x128xf32, #tpu.memory_space<vmem>>, vector<512x1xf32>
      %add3A_127 = arith.addf %get3A_123, %get3A_126 : vector<512x1xf32>
      %add3A_128 = arith.constant 1.000000e+00 : f32
      %add3A_129 = vector.broadcast %add3A_128 : f32 to vector<512x1xf32>
      %add3A_130 = arith.addf %add3A_127, %add3A_129 : vector<512x1xf32>
      %rsqrt3A_131 = math.rsqrt %add3A_130 : vector<512x1xf32>
      %slice3A_132 = vector.extract_strided_slice %get3A_7 {offsets = [0, 64], sizes = [512, 32], strides = [1, 1]} : vector<512x128xf32> to vector<512x32xf32>
      %slice3A_133 = vector.extract_strided_slice %get3A_13 {offsets = [0, 64], sizes = [512, 32], strides = [1, 1]} : vector<512x128xf32> to vector<512x32xf32>
      %add3A_134 = arith.addf %slice3A_132, %slice3A_133 : vector<512x32xf32>
      %slice3A_135 = vector.extract_strided_slice %get3A_10 {offsets = [0, 64], sizes = [512, 32], strides = [1, 1]} : vector<512x128xf32> to vector<512x32xf32>
      %slice3A_136 = vector.extract_strided_slice %get3A_16 {offsets = [0, 64], sizes = [512, 32], strides = [1, 1]} : vector<512x128xf32> to vector<512x32xf32>
      %add3A_137 = arith.addf %slice3A_135, %slice3A_136 : vector<512x32xf32>
      %concatenate3A_138 = tpu.concatenate %add3A_134, %add3A_137 in 1 : vector<512x32xf32>, vector<512x32xf32> -> vector<512x64xf32>
      %mul3A_139 = vector.broadcast %rsqrt3A_131 : vector<512x1xf32> to vector<512x64xf32>
      %mul3A_140 = arith.mulf %concatenate3A_138, %mul3A_139 : vector<512x64xf32>
      %get3A_141 = arith.constant 0 : index
      %get3A_142 = arith.constant 0 : index
      %get3A_143 = vector.load %arg7[%get3A_141, %get3A_142] : memref<1x64xf32, #tpu.memory_space<vmem>>, vector<1x64xf32>
      %add3A_144 = vector.broadcast %get3A_143 : vector<1x64xf32> to vector<512x64xf32>
      %add3A_145 = arith.addf %mul3A_140, %add3A_144 : vector<512x64xf32>
      %mul3A_146 = arith.constant 512 : i32
      %mul3A_147 = arith.muli %arg0, %mul3A_146 : i32
      %swap3A_148 = arith.index_cast %mul3A_147 : i32 to index
      %swap3A_149 = arith.constant 128 : index
      %swap3A_150 = vector.load %arg12[%swap3A_148, %swap3A_149] : memref<12800x256xf32, #tpu.memory_space<vmem>>, vector<512x64xf32>
      tpu.vector_store %arg12[%swap3A_148, %swap3A_149], %add3A_145 {strides = array<i32>} : memref<12800x256xf32, #tpu.memory_space<vmem>>, vector<512x64xf32>,
      %iota3A_151 = tpu.iota {dimensions = array<i32: 0>} : vector<512x1xi32>
      %mul3A_152 = arith.constant 512 : i32
      %mul3A_153 = arith.muli %arg0, %mul3A_152 : i32
      %add3A_154 = vector.broadcast %mul3A_153 : i32 to vector<512x1xi32>
      %add3A_155 = arith.addi %add3A_154, %iota3A_151 : vector<512x1xi32>
      %mul3A_156 = arith.constant 4 : i32
      %mul3A_157 = vector.broadcast %mul3A_156 : i32 to vector<512x1xi32>
      %mul3A_158 = arith.muli %add3A_155, %mul3A_157 : vector<512x1xi32>
      %add3A_159 = arith.constant 2 : i32
      %add3A_160 = vector.broadcast %add3A_159 : i32 to vector<512x1xi32>
      %add3A_161 = arith.addi %mul3A_158, %add3A_160 : vector<512x1xi32>
      %lt3A_162 = arith.constant 50000 : i32
      %lt3A_163 = vector.broadcast %lt3A_162 : i32 to vector<512x1xi32>
      %lt3A_164 = arith.cmpi slt, %add3A_161, %lt3A_163 : vector<512x1xi32>
      %jit3A_165 = arith.constant 0.000000e+00 : f32
      %broadcast_in_dim3A_166 = vector.shape_cast %lt3A_164 : vector<512x1xi1> to vector<512x1xi1>
      %broadcast_in_dim3A_167 = vector.broadcast %broadcast_in_dim3A_166 : vector<512x1xi1> to vector<512x64xi1>
      %broadcast_in_dim3A_168 = vector.broadcast %jit3A_165 : f32 to vector<512x64xf32>
      %select_n3A_169 = arith.select %broadcast_in_dim3A_167, %add3A_145, %broadcast_in_dim3A_168 : vector<512x64xi1>, vector<512x64xf32>
      %reduce_sum3A_170 = arith.constant dense<0.000000e+00> : vector<64xf32>
      %reduce_sum3A_171 = vector.multi_reduction <add>, %select_n3A_169, %reduce_sum3A_170 [0] : vector<512x64xf32> to vector<64xf32>
      %broadcast_in_dim3A_172 = vector.shape_cast %reduce_sum3A_171 : vector<64xf32> to vector<1x64xf32>
      %mul3A_173 = arith.mulf %select_n3A_169, %select_n3A_169 : vector<512x64xf32>
      %reduce_sum3A_174 = arith.constant dense<0.000000e+00> : vector<64xf32>
      %reduce_sum3A_175 = vector.multi_reduction <add>, %mul3A_173, %reduce_sum3A_174 [0] : vector<512x64xf32> to vector<64xf32>
      %broadcast_in_dim3A_176 = vector.shape_cast %reduce_sum3A_175 : vector<64xf32> to vector<1x64xf32>
      %concatenate3A_177 = tpu.concatenate %broadcast_in_dim3A_172, %broadcast_in_dim3A_176 in 0 : vector<1x64xf32>, vector<1x64xf32> -> vector<2x64xf32>
      %add3A_178 = arith.addf %add3A_120, %concatenate3A_177 : vector<2x64xf32>
      %get3A_179 = arith.constant 0 : index
      %get3A_180 = arith.constant 96 : index
      %get3A_181 = vector.load %arg5[%get3A_179, %get3A_180] : memref<512x128xf32, #tpu.memory_space<vmem>>, vector<512x1xf32>
      %get3A_182 = arith.constant 0 : index
      %get3A_183 = arith.constant 96 : index
      %get3A_184 = vector.load %arg6[%get3A_182, %get3A_183] : memref<512x128xf32, #tpu.memory_space<vmem>>, vector<512x1xf32>
      %add3A_185 = arith.addf %get3A_181, %get3A_184 : vector<512x1xf32>
      %add3A_186 = arith.constant 1.000000e+00 : f32
      %add3A_187 = vector.broadcast %add3A_186 : f32 to vector<512x1xf32>
      %add3A_188 = arith.addf %add3A_185, %add3A_187 : vector<512x1xf32>
      %rsqrt3A_189 = math.rsqrt %add3A_188 : vector<512x1xf32>
      %slice3A_190 = vector.extract_strided_slice %get3A_7 {offsets = [0, 96], sizes = [512, 32], strides = [1, 1]} : vector<512x128xf32> to vector<512x32xf32>
      %slice3A_191 = vector.extract_strided_slice %get3A_13 {offsets = [0, 96], sizes = [512, 32], strides = [1, 1]} : vector<512x128xf32> to vector<512x32xf32>
      %add3A_192 = arith.addf %slice3A_190, %slice3A_191 : vector<512x32xf32>
      %slice3A_193 = vector.extract_strided_slice %get3A_10 {offsets = [0, 96], sizes = [512, 32], strides = [1, 1]} : vector<512x128xf32> to vector<512x32xf32>
      %slice3A_194 = vector.extract_strided_slice %get3A_16 {offsets = [0, 96], sizes = [512, 32], strides = [1, 1]} : vector<512x128xf32> to vector<512x32xf32>
      %add3A_195 = arith.addf %slice3A_193, %slice3A_194 : vector<512x32xf32>
      %concatenate3A_196 = tpu.concatenate %add3A_192, %add3A_195 in 1 : vector<512x32xf32>, vector<512x32xf32> -> vector<512x64xf32>
      %mul3A_197 = vector.broadcast %rsqrt3A_189 : vector<512x1xf32> to vector<512x64xf32>
      %mul3A_198 = arith.mulf %concatenate3A_196, %mul3A_197 : vector<512x64xf32>
      %get3A_199 = arith.constant 0 : index
      %get3A_200 = arith.constant 0 : index
      %get3A_201 = vector.load %arg7[%get3A_199, %get3A_200] : memref<1x64xf32, #tpu.memory_space<vmem>>, vector<1x64xf32>
      %add3A_202 = vector.broadcast %get3A_201 : vector<1x64xf32> to vector<512x64xf32>
      %add3A_203 = arith.addf %mul3A_198, %add3A_202 : vector<512x64xf32>
      %mul3A_204 = arith.constant 512 : i32
      %mul3A_205 = arith.muli %arg0, %mul3A_204 : i32
      %swap3A_206 = arith.index_cast %mul3A_205 : i32 to index
      %swap3A_207 = arith.constant 192 : index
      %swap3A_208 = vector.load %arg12[%swap3A_206, %swap3A_207] : memref<12800x256xf32, #tpu.memory_space<vmem>>, vector<512x64xf32>
      tpu.vector_store %arg12[%swap3A_206, %swap3A_207], %add3A_203 {strides = array<i32>} : memref<12800x256xf32, #tpu.memory_space<vmem>>, vector<512x64xf32>,
      %iota3A_209 = tpu.iota {dimensions = array<i32: 0>} : vector<512x1xi32>
      %mul3A_210 = arith.constant 512 : i32
      %mul3A_211 = arith.muli %arg0, %mul3A_210 : i32
      %add3A_212 = vector.broadcast %mul3A_211 : i32 to vector<512x1xi32>
      %add3A_213 = arith.addi %add3A_212, %iota3A_209 : vector<512x1xi32>
      %mul3A_214 = arith.constant 4 : i32
      %mul3A_215 = vector.broadcast %mul3A_214 : i32 to vector<512x1xi32>
      %mul3A_216 = arith.muli %add3A_213, %mul3A_215 : vector<512x1xi32>
      %add3A_217 = arith.constant 3 : i32
      %add3A_218 = vector.broadcast %add3A_217 : i32 to vector<512x1xi32>
      %add3A_219 = arith.addi %mul3A_216, %add3A_218 : vector<512x1xi32>
      %lt3A_220 = arith.constant 50000 : i32
      %lt3A_221 = vector.broadcast %lt3A_220 : i32 to vector<512x1xi32>
      %lt3A_222 = arith.cmpi slt, %add3A_219, %lt3A_221 : vector<512x1xi32>
      %jit3A_223 = arith.constant 0.000000e+00 : f32
      %broadcast_in_dim3A_224 = vector.shape_cast %lt3A_222 : vector<512x1xi1> to vector<512x1xi1>
      %broadcast_in_dim3A_225 = vector.broadcast %broadcast_in_dim3A_224 : vector<512x1xi1> to vector<512x64xi1>
      %broadcast_in_dim3A_226 = vector.broadcast %jit3A_223 : f32 to vector<512x64xf32>
      %select_n3A_227 = arith.select %broadcast_in_dim3A_225, %add3A_203, %broadcast_in_dim3A_226 : vector<512x64xi1>, vector<512x64xf32>
      %reduce_sum3A_228 = arith.constant dense<0.000000e+00> : vector<64xf32>
      %reduce_sum3A_229 = vector.multi_reduction <add>, %select_n3A_227, %reduce_sum3A_228 [0] : vector<512x64xf32> to vector<64xf32>
      %broadcast_in_dim3A_230 = vector.shape_cast %reduce_sum3A_229 : vector<64xf32> to vector<1x64xf32>
      %mul3A_231 = arith.mulf %select_n3A_227, %select_n3A_227 : vector<512x64xf32>
      %reduce_sum3A_232 = arith.constant dense<0.000000e+00> : vector<64xf32>
      %reduce_sum3A_233 = vector.multi_reduction <add>, %mul3A_231, %reduce_sum3A_232 [0] : vector<512x64xf32> to vector<64xf32>
      %broadcast_in_dim3A_234 = vector.shape_cast %reduce_sum3A_233 : vector<64xf32> to vector<1x64xf32>
      %concatenate3A_235 = tpu.concatenate %broadcast_in_dim3A_230, %broadcast_in_dim3A_234 in 0 : vector<1x64xf32>, vector<1x64xf32> -> vector<2x64xf32>
      %add3A_236 = arith.addf %add3A_178, %concatenate3A_235 : vector<2x64xf32>
      %eq3A = arith.constant 0 : i32
      %eq3A_237 = arith.cmpi eq, %arg0, %eq3A : i32
      %convert_element_type3A_238 = arith.extui %eq3A_237 : i1 to i32
      %cond3A_239 = arith.constant 0 : i32
      %cond3A_240 = arith.cmpi ne, %convert_element_type3A_238, %cond3A_239 : i32
      scf.if %cond3A_240 {
        %swap3A_245 = arith.constant 0 : index
        %swap3A_246 = arith.constant 0 : index
        %swap3A_247 = vector.load %arg13[%swap3A_245, %swap3A_246] : memref<2x64xf32, #tpu.memory_space<vmem>>, vector<2x64xf32>
        tpu.vector_store %arg13[%swap3A_245, %swap3A_246], %add3A_236 {strides = array<i32>} : memref<2x64xf32, #tpu.memory_space<vmem>>, vector<2x64xf32>,
      } else {
      }
      %gt3A = arith.constant 0 : i32
      %gt3A_241 = arith.cmpi sgt, %arg0, %gt3A : i32
      %convert_element_type3A_242 = arith.extui %gt3A_241 : i1 to i32
      %cond3A_243 = arith.constant 0 : i32
      %cond3A_244 = arith.cmpi ne, %convert_element_type3A_242, %cond3A_243 : i32
      scf.if %cond3A_244 {
        %get3A_245 = arith.constant 0 : index
        %get3A_246 = arith.constant 0 : index
        %get3A_247 = vector.load %arg13[%get3A_245, %get3A_246] : memref<2x64xf32, #tpu.memory_space<vmem>>, vector<2x64xf32>
        %add3A_248 = arith.addf %get3A_247, %add3A_236 : vector<2x64xf32>
        %swap3A_249 = arith.constant 0 : index
        %swap3A_250 = arith.constant 0 : index
        %swap3A_251 = vector.load %arg13[%swap3A_249, %swap3A_250] : memref<2x64xf32, #tpu.memory_space<vmem>>, vector<2x64xf32>
        tpu.vector_store %arg13[%swap3A_249, %swap3A_250], %add3A_248 {strides = array<i32>} : memref<2x64xf32, #tpu.memory_space<vmem>>, vector<2x64xf32>,
      } else {
      }
    } else {
    }
    %ge3A = arith.constant 25 : i32
    %ge3A_2 = arith.cmpi sge, %arg0, %ge3A : i32
    %convert_element_type3A_3 = arith.extui %ge3A_2 : i1 to i32
    %cond3A_4 = arith.constant 0 : i32
    %cond3A_5 = arith.cmpi ne, %convert_element_type3A_3, %cond3A_4 : i32
    scf.if %cond3A_5 {
      %sub3A = arith.constant 25 : i32
      %sub3A_6 = arith.subi %arg0, %sub3A : i32
      %rem3A = arith.constant 25 : i32
      %rem3A_7 = arith.remsi %sub3A_6, %rem3A : i32
      %get3A = arith.constant 0 : index
      %get3A_8 = arith.constant 0 : index
      %get3A_9 = vector.load %arg13[%get3A, %get3A_8] : memref<2x64xf32, #tpu.memory_space<vmem>>, vector<2x64xf32>
      %slice3A = vector.extract_strided_slice %get3A_9 {offsets = [0, 0], sizes = [1, 64], strides = [1, 1]} : vector<2x64xf32> to vector<1x64xf32>
      %mul3A = arith.constant 2.000000e-05 : f32
      %mul3A_10 = vector.broadcast %mul3A : f32 to vector<1x64xf32>
      %mul3A_11 = arith.mulf %slice3A, %mul3A_10 : vector<1x64xf32>
      %slice3A_12 = vector.extract_strided_slice %get3A_9 {offsets = [1, 0], sizes = [1, 64], strides = [1, 1]} : vector<2x64xf32> to vector<1x64xf32>
      %mul3A_13 = arith.constant 2.000000e-05 : f32
      %mul3A_14 = vector.broadcast %mul3A_13 : f32 to vector<1x64xf32>
      %mul3A_15 = arith.mulf %slice3A_12, %mul3A_14 : vector<1x64xf32>
      %mul3A_16 = arith.mulf %mul3A_11, %mul3A_11 : vector<1x64xf32>
      %sub3A_17 = arith.subf %mul3A_15, %mul3A_16 : vector<1x64xf32>
      %get3A_18 = arith.constant 0 : index
      %get3A_19 = arith.constant 0 : index
      %get3A_20 = vector.load %arg8[%get3A_18, %get3A_19] : memref<1x64xf32, #tpu.memory_space<vmem>>, vector<1x64xf32>
      %add3A = arith.constant 9.99999974E-6 : f32
      %add3A_21 = vector.broadcast %add3A : f32 to vector<1x64xf32>
      %add3A_22 = arith.addf %sub3A_17, %add3A_21 : vector<1x64xf32>
      %rsqrt3A = math.rsqrt %add3A_22 : vector<1x64xf32>
      %mul3A_23 = arith.mulf %get3A_20, %rsqrt3A : vector<1x64xf32>
      %get3A_24 = arith.constant 0 : index
      %get3A_25 = arith.constant 0 : index
      %get3A_26 = vector.load %arg9[%get3A_24, %get3A_25] : memref<1x64xf32, #tpu.memory_space<vmem>>, vector<1x64xf32>
      %mul3A_27 = arith.mulf %mul3A_11, %mul3A_23 : vector<1x64xf32>
      %sub3A_28 = arith.subf %get3A_26, %mul3A_27 : vector<1x64xf32>
      %mul3A_29 = arith.constant 512 : i32
      %mul3A_30 = arith.muli %rem3A_7, %mul3A_29 : i32
      %get3A_31 = arith.index_cast %mul3A_30 : i32 to index
      %get3A_32 = arith.constant 0 : index
      %get3A_33 = vector.load %arg12[%get3A_31, %get3A_32] : memref<12800x256xf32, #tpu.memory_space<vmem>>, vector<512x64xf32>
      %mul3A_34 = vector.broadcast %mul3A_23 : vector<1x64xf32> to vector<512x64xf32>
      %mul3A_35 = arith.mulf %get3A_33, %mul3A_34 : vector<512x64xf32>
      %add3A_36 = vector.broadcast %sub3A_28 : vector<1x64xf32> to vector<512x64xf32>
      %add3A_37 = arith.addf %mul3A_35, %add3A_36 : vector<512x64xf32>
      %max3A = arith.constant 0.000000e+00 : f32
      %max3A_38 = vector.broadcast %max3A : f32 to vector<512x64xf32>
      %max3A_39 = arith.maximumf %add3A_37, %max3A_38 : vector<512x64xf32>
      %get3A_40 = arith.constant 0 : index
      %get3A_41 = arith.constant 0 : index
      %get3A_42 = arith.constant 0 : index
      %get3A_43 = vector.load %arg10[%get3A_40, %get3A_41, %get3A_42] : memref<1x64x32xf32, #tpu.memory_space<vmem>>, vector<1x64x32xf32>
      %get3A_44 = vector.shape_cast %get3A_43 : vector<1x64x32xf32> to vector<64x32xf32>
      %dot_general3A = arith.constant dense<0.000000e+00> : vector<512x32xf32>
      %dot_general3A_45 = tpu.matmul %max3A_39, %get3A_44, %dot_general3A {dimension_numbers = #tpu.dot_dimension_numbers<[1], [0], [0], [1], [0, 0, 1, 1], [], []>, transpose_lhs_hint = false} : vector<512x64xf32>, vector<64x32xf32>, vector<512x32xf32> -> vector<512x32xf32>
      %get3A_46 = arith.constant 0 : index
      %get3A_47 = arith.constant 0 : index
      %get3A_48 = vector.load %arg5[%get3A_46, %get3A_47] : memref<512x128xf32, #tpu.memory_space<vmem>>, vector<512x1xf32>
      %get3A_49 = arith.constant 0 : index
      %get3A_50 = arith.constant 0 : index
      %get3A_51 = vector.load %arg6[%get3A_49, %get3A_50] : memref<512x128xf32, #tpu.memory_space<vmem>>, vector<512x1xf32>
      %add3A_52 = arith.addf %get3A_48, %get3A_51 : vector<512x1xf32>
      %add3A_53 = arith.constant 1.000000e+00 : f32
      %add3A_54 = vector.broadcast %add3A_53 : f32 to vector<512x1xf32>
      %add3A_55 = arith.addf %add3A_52, %add3A_54 : vector<512x1xf32>
      %rsqrt3A_56 = math.rsqrt %add3A_55 : vector<512x1xf32>
      %mul3A_57 = vector.broadcast %rsqrt3A_56 : vector<512x1xf32> to vector<512x32xf32>
      %mul3A_58 = arith.mulf %dot_general3A_45, %mul3A_57 : vector<512x32xf32>
      %swap3A = arith.constant 0 : index
      %swap3A_59 = arith.constant 0 : index
      %swap3A_60 = vector.load %arg11[%swap3A, %swap3A_59] : memref<512x128xf32, #tpu.memory_space<vmem>>, vector<512x32xf32>
      tpu.vector_store %arg11[%swap3A, %swap3A_59], %mul3A_58 {strides = array<i32>} : memref<512x128xf32, #tpu.memory_space<vmem>>, vector<512x32xf32>,
      %mul3A_61 = arith.constant 512 : i32
      %mul3A_62 = arith.muli %rem3A_7, %mul3A_61 : i32
      %get3A_63 = arith.index_cast %mul3A_62 : i32 to index
      %get3A_64 = arith.constant 64 : index
      %get3A_65 = vector.load %arg12[%get3A_63, %get3A_64] : memref<12800x256xf32, #tpu.memory_space<vmem>>, vector<512x64xf32>
      %mul3A_66 = vector.broadcast %mul3A_23 : vector<1x64xf32> to vector<512x64xf32>
      %mul3A_67 = arith.mulf %get3A_65, %mul3A_66 : vector<512x64xf32>
      %add3A_68 = vector.broadcast %sub3A_28 : vector<1x64xf32> to vector<512x64xf32>
      %add3A_69 = arith.addf %mul3A_67, %add3A_68 : vector<512x64xf32>
      %max3A_70 = arith.constant 0.000000e+00 : f32
      %max3A_71 = vector.broadcast %max3A_70 : f32 to vector<512x64xf32>
      %max3A_72 = arith.maximumf %add3A_69, %max3A_71 : vector<512x64xf32>
      %get3A_73 = arith.constant 0 : index
      %get3A_74 = arith.constant 0 : index
      %get3A_75 = arith.constant 0 : index
      %get3A_76 = vector.load %arg10[%get3A_73, %get3A_74, %get3A_75] : memref<1x64x32xf32, #tpu.memory_space<vmem>>, vector<1x64x32xf32>
      %get3A_77 = vector.shape_cast %get3A_76 : vector<1x64x32xf32> to vector<64x32xf32>
      %dot_general3A_78 = arith.constant dense<0.000000e+00> : vector<512x32xf32>
      %dot_general3A_79 = tpu.matmul %max3A_72, %get3A_77, %dot_general3A_78 {dimension_numbers = #tpu.dot_dimension_numbers<[1], [0], [0], [1], [0, 0, 1, 1], [], []>, transpose_lhs_hint = false} : vector<512x64xf32>, vector<64x32xf32>, vector<512x32xf32> -> vector<512x32xf32>
      %get3A_80 = arith.constant 0 : index
      %get3A_81 = arith.constant 32 : index
      %get3A_82 = vector.load %arg5[%get3A_80, %get3A_81] : memref<512x128xf32, #tpu.memory_space<vmem>>, vector<512x1xf32>
      %get3A_83 = arith.constant 0 : index
      %get3A_84 = arith.constant 32 : index
      %get3A_85 = vector.load %arg6[%get3A_83, %get3A_84] : memref<512x128xf32, #tpu.memory_space<vmem>>, vector<512x1xf32>
      %add3A_86 = arith.addf %get3A_82, %get3A_85 : vector<512x1xf32>
      %add3A_87 = arith.constant 1.000000e+00 : f32
      %add3A_88 = vector.broadcast %add3A_87 : f32 to vector<512x1xf32>
      %add3A_89 = arith.addf %add3A_86, %add3A_88 : vector<512x1xf32>
      %rsqrt3A_90 = math.rsqrt %add3A_89 : vector<512x1xf32>
      %mul3A_91 = vector.broadcast %rsqrt3A_90 : vector<512x1xf32> to vector<512x32xf32>
      %mul3A_92 = arith.mulf %dot_general3A_79, %mul3A_91 : vector<512x32xf32>
      %swap3A_93 = arith.constant 0 : index
      %swap3A_94 = arith.constant 32 : index
      %swap3A_95 = vector.load %arg11[%swap3A_93, %swap3A_94] : memref<512x128xf32, #tpu.memory_space<vmem>>, vector<512x32xf32>
      tpu.vector_store %arg11[%swap3A_93, %swap3A_94], %mul3A_92 {strides = array<i32>} : memref<512x128xf32, #tpu.memory_space<vmem>>, vector<512x32xf32>,
      %mul3A_96 = arith.constant 512 : i32
      %mul3A_97 = arith.muli %rem3A_7, %mul3A_96 : i32
      %get3A_98 = arith.index_cast %mul3A_97 : i32 to index
      %get3A_99 = arith.constant 128 : index
      %get3A_100 = vector.load %arg12[%get3A_98, %get3A_99] : memref<12800x256xf32, #tpu.memory_space<vmem>>, vector<512x64xf32>
      %mul3A_101 = vector.broadcast %mul3A_23 : vector<1x64xf32> to vector<512x64xf32>
      %mul3A_102 = arith.mulf %get3A_100, %mul3A_101 : vector<512x64xf32>
      %add3A_103 = vector.broadcast %sub3A_28 : vector<1x64xf32> to vector<512x64xf32>
      %add3A_104 = arith.addf %mul3A_102, %add3A_103 : vector<512x64xf32>
      %max3A_105 = arith.constant 0.000000e+00 : f32
      %max3A_106 = vector.broadcast %max3A_105 : f32 to vector<512x64xf32>
      %max3A_107 = arith.maximumf %add3A_104, %max3A_106 : vector<512x64xf32>
      %get3A_108 = arith.constant 0 : index
      %get3A_109 = arith.constant 0 : index
      %get3A_110 = arith.constant 0 : index
      %get3A_111 = vector.load %arg10[%get3A_108, %get3A_109, %get3A_110] : memref<1x64x32xf32, #tpu.memory_space<vmem>>, vector<1x64x32xf32>
      %get3A_112 = vector.shape_cast %get3A_111 : vector<1x64x32xf32> to vector<64x32xf32>
      %dot_general3A_113 = arith.constant dense<0.000000e+00> : vector<512x32xf32>
      %dot_general3A_114 = tpu.matmul %max3A_107, %get3A_112, %dot_general3A_113 {dimension_numbers = #tpu.dot_dimension_numbers<[1], [0], [0], [1], [0, 0, 1, 1], [], []>, transpose_lhs_hint = false} : vector<512x64xf32>, vector<64x32xf32>, vector<512x32xf32> -> vector<512x32xf32>
      %get3A_115 = arith.constant 0 : index
      %get3A_116 = arith.constant 64 : index
      %get3A_117 = vector.load %arg5[%get3A_115, %get3A_116] : memref<512x128xf32, #tpu.memory_space<vmem>>, vector<512x1xf32>
      %get3A_118 = arith.constant 0 : index
      %get3A_119 = arith.constant 64 : index
      %get3A_120 = vector.load %arg6[%get3A_118, %get3A_119] : memref<512x128xf32, #tpu.memory_space<vmem>>, vector<512x1xf32>
      %add3A_121 = arith.addf %get3A_117, %get3A_120 : vector<512x1xf32>
      %add3A_122 = arith.constant 1.000000e+00 : f32
      %add3A_123 = vector.broadcast %add3A_122 : f32 to vector<512x1xf32>
      %add3A_124 = arith.addf %add3A_121, %add3A_123 : vector<512x1xf32>
      %rsqrt3A_125 = math.rsqrt %add3A_124 : vector<512x1xf32>
      %mul3A_126 = vector.broadcast %rsqrt3A_125 : vector<512x1xf32> to vector<512x32xf32>
      %mul3A_127 = arith.mulf %dot_general3A_114, %mul3A_126 : vector<512x32xf32>
      %swap3A_128 = arith.constant 0 : index
      %swap3A_129 = arith.constant 64 : index
      %swap3A_130 = vector.load %arg11[%swap3A_128, %swap3A_129] : memref<512x128xf32, #tpu.memory_space<vmem>>, vector<512x32xf32>
      tpu.vector_store %arg11[%swap3A_128, %swap3A_129], %mul3A_127 {strides = array<i32>} : memref<512x128xf32, #tpu.memory_space<vmem>>, vector<512x32xf32>,
      %mul3A_131 = arith.constant 512 : i32
      %mul3A_132 = arith.muli %rem3A_7, %mul3A_131 : i32
      %get3A_133 = arith.index_cast %mul3A_132 : i32 to index
      %get3A_134 = arith.constant 192 : index
      %get3A_135 = vector.load %arg12[%get3A_133, %get3A_134] : memref<12800x256xf32, #tpu.memory_space<vmem>>, vector<512x64xf32>
      %mul3A_136 = vector.broadcast %mul3A_23 : vector<1x64xf32> to vector<512x64xf32>
      %mul3A_137 = arith.mulf %get3A_135, %mul3A_136 : vector<512x64xf32>
      %add3A_138 = vector.broadcast %sub3A_28 : vector<1x64xf32> to vector<512x64xf32>
      %add3A_139 = arith.addf %mul3A_137, %add3A_138 : vector<512x64xf32>
      %max3A_140 = arith.constant 0.000000e+00 : f32
      %max3A_141 = vector.broadcast %max3A_140 : f32 to vector<512x64xf32>
      %max3A_142 = arith.maximumf %add3A_139, %max3A_141 : vector<512x64xf32>
      %get3A_143 = arith.constant 0 : index
      %get3A_144 = arith.constant 0 : index
      %get3A_145 = arith.constant 0 : index
      %get3A_146 = vector.load %arg10[%get3A_143, %get3A_144, %get3A_145] : memref<1x64x32xf32, #tpu.memory_space<vmem>>, vector<1x64x32xf32>
      %get3A_147 = vector.shape_cast %get3A_146 : vector<1x64x32xf32> to vector<64x32xf32>
      %dot_general3A_148 = arith.constant dense<0.000000e+00> : vector<512x32xf32>
      %dot_general3A_149 = tpu.matmul %max3A_142, %get3A_147, %dot_general3A_148 {dimension_numbers = #tpu.dot_dimension_numbers<[1], [0], [0], [1], [0, 0, 1, 1], [], []>, transpose_lhs_hint = false} : vector<512x64xf32>, vector<64x32xf32>, vector<512x32xf32> -> vector<512x32xf32>
      %get3A_150 = arith.constant 0 : index
      %get3A_151 = arith.constant 96 : index
      %get3A_152 = vector.load %arg5[%get3A_150, %get3A_151] : memref<512x128xf32, #tpu.memory_space<vmem>>, vector<512x1xf32>
      %get3A_153 = arith.constant 0 : index
      %get3A_154 = arith.constant 96 : index
      %get3A_155 = vector.load %arg6[%get3A_153, %get3A_154] : memref<512x128xf32, #tpu.memory_space<vmem>>, vector<512x1xf32>
      %add3A_156 = arith.addf %get3A_152, %get3A_155 : vector<512x1xf32>
      %add3A_157 = arith.constant 1.000000e+00 : f32
      %add3A_158 = vector.broadcast %add3A_157 : f32 to vector<512x1xf32>
      %add3A_159 = arith.addf %add3A_156, %add3A_158 : vector<512x1xf32>
      %rsqrt3A_160 = math.rsqrt %add3A_159 : vector<512x1xf32>
      %mul3A_161 = vector.broadcast %rsqrt3A_160 : vector<512x1xf32> to vector<512x32xf32>
      %mul3A_162 = arith.mulf %dot_general3A_149, %mul3A_161 : vector<512x32xf32>
      %swap3A_163 = arith.constant 0 : index
      %swap3A_164 = arith.constant 96 : index
      %swap3A_165 = vector.load %arg11[%swap3A_163, %swap3A_164] : memref<512x128xf32, #tpu.memory_space<vmem>>, vector<512x32xf32>
      tpu.vector_store %arg11[%swap3A_163, %swap3A_164], %mul3A_162 {strides = array<i32>} : memref<512x128xf32, #tpu.memory_space<vmem>>, vector<512x32xf32>,
    } else {
    }
    return
  }
  func.func @transform_0(%arg0: i32) -> (i32, i32) {
    %lt3A = arith.constant 25 : i32
    %lt3A_0 = arith.cmpi slt, %arg0, %lt3A : i32
    %jit3A = arith.constant 0 : i32
    %select_n3A = arith.select %lt3A_0, %arg0, %jit3A : i32
    %c0_i32 = arith.constant 0 : i32
    %c0_i32_1 = arith.constant 0 : i32
    return %select_n3A, %c0_i32 : i32, i32
  }
  func.func @transform_1(%arg0: i32) -> (i32, i32) {
    %lt3A = arith.constant 25 : i32
    %lt3A_0 = arith.cmpi slt, %arg0, %lt3A : i32
    %jit3A = arith.constant 0 : i32
    %select_n3A = arith.select %lt3A_0, %arg0, %jit3A : i32
    %add3A = arith.constant 26 : i32
    %add3A_1 = arith.addi %add3A, %select_n3A : i32
    %c0_i32 = arith.constant 0 : i32
    %c0_i32_2 = arith.constant 0 : i32
    return %add3A_1, %c0_i32 : i32, i32
  }
  func.func @transform_2(%arg0: i32) -> (i32, i32) {
    %lt3A = arith.constant 25 : i32
    %lt3A_0 = arith.cmpi slt, %arg0, %lt3A : i32
    %jit3A = arith.constant 0 : i32
    %select_n3A = arith.select %lt3A_0, %arg0, %jit3A : i32
    %c0_i32 = arith.constant 0 : i32
    %c0_i32_1 = arith.constant 0 : i32
    return %select_n3A, %c0_i32 : i32, i32
  }
  func.func @transform_3(%arg0: i32) -> (i32, i32) {
    %lt3A = arith.constant 25 : i32
    %lt3A_0 = arith.cmpi slt, %arg0, %lt3A : i32
    %jit3A = arith.constant 0 : i32
    %select_n3A = arith.select %lt3A_0, %arg0, %jit3A : i32
    %add3A = arith.constant 25 : i32
    %add3A_1 = arith.addi %add3A, %select_n3A : i32
    %c0_i32 = arith.constant 0 : i32
    %c0_i32_2 = arith.constant 0 : i32
    return %add3A_1, %c0_i32 : i32, i32
  }
  func.func @transform_4(%arg0: i32) -> (i32, i32) {
    %lt3A = arith.constant 25 : i32
    %lt3A_0 = arith.cmpi slt, %arg0, %lt3A : i32
    %sub3A = arith.constant 25 : i32
    %sub3A_1 = arith.subi %arg0, %sub3A : i32
    %rem3A = arith.constant 25 : i32
    %rem3A_2 = arith.remsi %sub3A_1, %rem3A : i32
    %select_n3A = arith.select %lt3A_0, %arg0, %rem3A_2 : i32
    %c0_i32 = arith.constant 0 : i32
    %c0_i32_3 = arith.constant 0 : i32
    return %select_n3A, %c0_i32 : i32, i32
  }
  func.func @transform_5(%arg0: i32) -> (i32, i32) {
    %lt3A = arith.constant 25 : i32
    %lt3A_0 = arith.cmpi slt, %arg0, %lt3A : i32
    %sub3A = arith.constant 25 : i32
    %sub3A_1 = arith.subi %arg0, %sub3A : i32
    %rem3A = arith.constant 25 : i32
    %rem3A_2 = arith.remsi %sub3A_1, %rem3A : i32
    %select_n3A = arith.select %lt3A_0, %arg0, %rem3A_2 : i32
    %add3A = arith.constant 26 : i32
    %add3A_3 = arith.addi %add3A, %select_n3A : i32
    %c0_i32 = arith.constant 0 : i32
    %c0_i32_4 = arith.constant 0 : i32
    return %add3A_3, %c0_i32 : i32, i32
  }
  func.func @transform_6(%arg0: i32) -> (i32, i32) {
    %c0_i32 = arith.constant 0 : i32
    %c0_i32_0 = arith.constant 0 : i32
    %c0_i32_1 = arith.constant 0 : i32
    return %c0_i32, %c0_i32_0 : i32, i32
  }
  func.func @transform_7(%arg0: i32) -> (i32, i32) {
    %c0_i32 = arith.constant 0 : i32
    %c0_i32_0 = arith.constant 0 : i32
    %c0_i32_1 = arith.constant 0 : i32
    return %c0_i32, %c0_i32_0 : i32, i32
  }
  func.func @transform_8(%arg0: i32) -> (i32, i32) {
    %c0_i32 = arith.constant 0 : i32
    %c0_i32_0 = arith.constant 0 : i32
    %c0_i32_1 = arith.constant 0 : i32
    return %c0_i32, %c0_i32_0 : i32, i32
  }
  func.func @transform_9(%arg0: i32) -> (i32, i32, i32) {
    %lt3A = arith.constant 25 : i32
    %lt3A_0 = arith.cmpi slt, %arg0, %lt3A : i32
    %sub3A = arith.constant 25 : i32
    %sub3A_1 = arith.subi %arg0, %sub3A : i32
    %jit3A = arith.constant 25 : i32
    %div3A = arith.divsi %sub3A_1, %jit3A : i32
    %sign3A = arith.constant 0 : i32
    %sign3A_2 = arith.cmpi sgt, %sub3A_1, %sign3A : i32
    %sign3A_3 = arith.extui %sign3A_2 : i1 to i32
    %sign3A_4 = arith.constant 0 : i32
    %sign3A_5 = arith.cmpi slt, %sub3A_1, %sign3A_4 : i32
    %sign3A_6 = arith.extui %sign3A_5 : i1 to i32
    %sign3A_7 = arith.subi %sign3A_3, %sign3A_6 : i32
    %sign3A_8 = arith.constant 0 : i32
    %sign3A_9 = arith.cmpi sgt, %jit3A, %sign3A_8 : i32
    %sign3A_10 = arith.extui %sign3A_9 : i1 to i32
    %sign3A_11 = arith.constant 0 : i32
    %sign3A_12 = arith.cmpi slt, %jit3A, %sign3A_11 : i32
    %sign3A_13 = arith.extui %sign3A_12 : i1 to i32
    %sign3A_14 = arith.subi %sign3A_10, %sign3A_13 : i32
    %ne3A = arith.cmpi ne, %sign3A_7, %sign3A_14 : i32
    %rem3A = arith.remsi %sub3A_1, %jit3A : i32
    %ne3A_15 = arith.constant 0 : i32
    %ne3A_16 = arith.cmpi ne, %rem3A, %ne3A_15 : i32
    %and3A = arith.andi %ne3A, %ne3A_16 : i1
    %sub3A_17 = arith.constant 1 : i32
    %sub3A_18 = arith.subi %div3A, %sub3A_17 : i32
    %select_n3A = arith.select %and3A, %sub3A_18, %div3A : i32
    %jit3A_19 = arith.constant 0 : i32
    %select_n3A_20 = arith.select %lt3A_0, %jit3A_19, %select_n3A : i32
    %c0_i32 = arith.constant 0 : i32
    %c0_i32_21 = arith.constant 0 : i32
    %c0_i32_22 = arith.constant 0 : i32
    return %select_n3A_20, %c0_i32, %c0_i32_21 : i32, i32, i32
  }
  func.func @transform_10(%arg0: i32) -> (i32, i32) {
    %lt3A = arith.constant 25 : i32
    %lt3A_0 = arith.cmpi slt, %arg0, %lt3A : i32
    %sub3A = arith.constant 25 : i32
    %sub3A_1 = arith.subi %arg0, %sub3A : i32
    %jit3A = arith.constant 25 : i32
    %div3A = arith.divsi %sub3A_1, %jit3A : i32
    %sign3A = arith.constant 0 : i32
    %sign3A_2 = arith.cmpi sgt, %sub3A_1, %sign3A : i32
    %sign3A_3 = arith.extui %sign3A_2 : i1 to i32
    %sign3A_4 = arith.constant 0 : i32
    %sign3A_5 = arith.cmpi slt, %sub3A_1, %sign3A_4 : i32
    %sign3A_6 = arith.extui %sign3A_5 : i1 to i32
    %sign3A_7 = arith.subi %sign3A_3, %sign3A_6 : i32
    %sign3A_8 = arith.constant 0 : i32
    %sign3A_9 = arith.cmpi sgt, %jit3A, %sign3A_8 : i32
    %sign3A_10 = arith.extui %sign3A_9 : i1 to i32
    %sign3A_11 = arith.constant 0 : i32
    %sign3A_12 = arith.cmpi slt, %jit3A, %sign3A_11 : i32
    %sign3A_13 = arith.extui %sign3A_12 : i1 to i32
    %sign3A_14 = arith.subi %sign3A_10, %sign3A_13 : i32
    %ne3A = arith.cmpi ne, %sign3A_7, %sign3A_14 : i32
    %rem3A = arith.remsi %sub3A_1, %jit3A : i32
    %ne3A_15 = arith.constant 0 : i32
    %ne3A_16 = arith.cmpi ne, %rem3A, %ne3A_15 : i32
    %and3A = arith.andi %ne3A, %ne3A_16 : i1
    %sub3A_17 = arith.constant 1 : i32
    %sub3A_18 = arith.subi %div3A, %sub3A_17 : i32
    %select_n3A = arith.select %and3A, %sub3A_18, %div3A : i32
    %jit3A_19 = arith.constant 0 : i32
    %select_n3A_20 = arith.select %lt3A_0, %jit3A_19, %select_n3A : i32
    %mul3A = arith.constant 25 : i32
    %mul3A_21 = arith.muli %select_n3A_20, %mul3A : i32
    %lt3A_22 = arith.constant 25 : i32
    %lt3A_23 = arith.cmpi slt, %arg0, %lt3A_22 : i32
    %sub3A_24 = arith.constant 25 : i32
    %sub3A_25 = arith.subi %arg0, %sub3A_24 : i32
    %rem3A_26 = arith.constant 25 : i32
    %rem3A_27 = arith.remsi %sub3A_25, %rem3A_26 : i32
    %jit3A_28 = arith.constant 0 : i32
    %select_n3A_29 = arith.select %lt3A_23, %jit3A_28, %rem3A_27 : i32
    %add3A = arith.addi %mul3A_21, %select_n3A_29 : i32
    %c0_i32 = arith.constant 0 : i32
    %c0_i32_30 = arith.constant 0 : i32
    return %add3A, %c0_i32 : i32, i32
  }
}

module attributes {stable_mosaic.version = 14 : i64} {
  func.func @_p_body(%arg0: i32, %arg1: memref<512x128xf32, #tpu.memory_space<vmem>>, %arg2: memref<512x128xf32, #tpu.memory_space<vmem>>, %arg3: memref<512x128xf32, #tpu.memory_space<vmem>>, %arg4: memref<512x128xf32, #tpu.memory_space<vmem>>, %arg5: memref<512x128xf32, #tpu.memory_space<vmem>>, %arg6: memref<512x128xf32, #tpu.memory_space<vmem>>, %arg7: memref<1x64xf32, #tpu.memory_space<vmem>>, %arg8: memref<1x64xf32, #tpu.memory_space<vmem>>, %arg9: memref<1x64xf32, #tpu.memory_space<vmem>>, %arg10: memref<2048x1xi32, #tpu.memory_space<vmem>>, %arg11: memref<64x8xf32, #tpu.memory_space<vmem>>, %arg12: memref<3x64x100xf32, #tpu.memory_space<vmem>>, %arg13: memref<1x1xf32, #tpu.memory_space<vmem>>, %arg14: memref<64x101xf32, #tpu.memory_space<vmem>>, %arg15: memref<12800x256xf32, #tpu.memory_space<vmem>>, %arg16: memref<2x64xf32, #tpu.memory_space<vmem>>, %arg17: memref<64x64xf32, #tpu.memory_space<vmem>>, %arg18: memref<64x8xf32, #tpu.memory_space<vmem>>) attributes {dimension_semantics = [#tpu.dimension_semantics<arbitrary>], iteration_bounds = array<i64: 50>, scalar_prefetch = 0 : i64, scratch_operands = 4 : i64, tpu.core_type = #tpu.core_type<tc>, window_params = [{transform_indices = @transform_0, window_bounds = array<i64: 512, 128>}, {transform_indices = @transform_1, window_bounds = array<i64: 512, 128>}, {transform_indices = @transform_2, window_bounds = array<i64: 512, 128>}, {transform_indices = @transform_3, window_bounds = array<i64: 512, 128>}, {transform_indices = @transform_4, window_bounds = array<i64: 512, 128>}, {transform_indices = @transform_5, window_bounds = array<i64: 512, 128>}, {pipeline_mode = #tpu.pipeline_mode<synchronous>, transform_indices = @transform_6, window_bounds = array<i64: 1, 64>}, {pipeline_mode = #tpu.pipeline_mode<synchronous>, transform_indices = @transform_7, window_bounds = array<i64: 1, 64>}, {pipeline_mode = #tpu.pipeline_mode<synchronous>, transform_indices = @transform_8, window_bounds = array<i64: 1, 64>}, {transform_indices = @transform_9, window_bounds = array<i64: 2048, 1>}, {pipeline_mode = #tpu.pipeline_mode<synchronous>, transform_indices = @transform_10, window_bounds = array<i64: 64, 8>}, {pipeline_mode = #tpu.pipeline_mode<synchronous>, transform_indices = @transform_11, window_bounds = array<i64: 3, 64, 100>}, {pipeline_mode = #tpu.pipeline_mode<synchronous>, transform_indices = @transform_12, window_bounds = array<i64: 1, 1>}, {pipeline_mode = #tpu.pipeline_mode<synchronous>, transform_indices = @transform_13, window_bounds = array<i64: 64, 101>}]} {
    %lt3A = arith.constant 25 : i32
    %lt3A_0 = arith.cmpi slt, %arg0, %lt3A : i32
    %convert_element_type3A = arith.extui %lt3A_0 : i1 to i32
    %cond3A = arith.constant 0 : i32
    %cond3A_1 = arith.cmpi ne, %convert_element_type3A, %cond3A : i32
    scf.if %cond3A_1 {
      %get3A = arith.constant 0 : index
      %get3A_10 = arith.constant 0 : index
      %get3A_11 = vector.load %arg1[%get3A, %get3A_10] : memref<512x128xf32, #tpu.memory_space<vmem>>, vector<512x128xf32>
      %get3A_12 = arith.constant 0 : index
      %get3A_13 = arith.constant 0 : index
      %get3A_14 = vector.load %arg2[%get3A_12, %get3A_13] : memref<512x128xf32, #tpu.memory_space<vmem>>, vector<512x128xf32>
      %get3A_15 = arith.constant 0 : index
      %get3A_16 = arith.constant 0 : index
      %get3A_17 = vector.load %arg3[%get3A_15, %get3A_16] : memref<512x128xf32, #tpu.memory_space<vmem>>, vector<512x128xf32>
      %get3A_18 = arith.constant 0 : index
      %get3A_19 = arith.constant 0 : index
      %get3A_20 = vector.load %arg4[%get3A_18, %get3A_19] : memref<512x128xf32, #tpu.memory_space<vmem>>, vector<512x128xf32>
      %get3A_21 = arith.constant 0 : index
      %get3A_22 = arith.constant 0 : index
      %get3A_23 = vector.load %arg5[%get3A_21, %get3A_22] : memref<512x128xf32, #tpu.memory_space<vmem>>, vector<512x1xf32>
      %get3A_24 = arith.constant 0 : index
      %get3A_25 = arith.constant 0 : index
      %get3A_26 = vector.load %arg6[%get3A_24, %get3A_25] : memref<512x128xf32, #tpu.memory_space<vmem>>, vector<512x1xf32>
      %add3A = arith.addf %get3A_23, %get3A_26 : vector<512x1xf32>
      %add3A_27 = arith.constant 1.000000e+00 : f32
      %add3A_28 = vector.broadcast %add3A_27 : f32 to vector<512x1xf32>
      %add3A_29 = arith.addf %add3A, %add3A_28 : vector<512x1xf32>
      %rsqrt3A = math.rsqrt %add3A_29 : vector<512x1xf32>
      %slice3A = vector.extract_strided_slice %get3A_11 {offsets = [0, 0], sizes = [512, 32], strides = [1, 1]} : vector<512x128xf32> to vector<512x32xf32>
      %slice3A_30 = vector.extract_strided_slice %get3A_17 {offsets = [0, 0], sizes = [512, 32], strides = [1, 1]} : vector<512x128xf32> to vector<512x32xf32>
      %add3A_31 = arith.addf %slice3A, %slice3A_30 : vector<512x32xf32>
      %slice3A_32 = vector.extract_strided_slice %get3A_14 {offsets = [0, 0], sizes = [512, 32], strides = [1, 1]} : vector<512x128xf32> to vector<512x32xf32>
      %slice3A_33 = vector.extract_strided_slice %get3A_20 {offsets = [0, 0], sizes = [512, 32], strides = [1, 1]} : vector<512x128xf32> to vector<512x32xf32>
      %add3A_34 = arith.addf %slice3A_32, %slice3A_33 : vector<512x32xf32>
      %concatenate3A = tpu.concatenate %add3A_31, %add3A_34 in 1 : vector<512x32xf32>, vector<512x32xf32> -> vector<512x64xf32>
      %mul3A = vector.broadcast %rsqrt3A : vector<512x1xf32> to vector<512x64xf32>
      %mul3A_35 = arith.mulf %concatenate3A, %mul3A : vector<512x64xf32>
      %get3A_36 = arith.constant 0 : index
      %get3A_37 = arith.constant 0 : index
      %get3A_38 = vector.load %arg7[%get3A_36, %get3A_37] : memref<1x64xf32, #tpu.memory_space<vmem>>, vector<1x64xf32>
      %add3A_39 = vector.broadcast %get3A_38 : vector<1x64xf32> to vector<512x64xf32>
      %add3A_40 = arith.addf %mul3A_35, %add3A_39 : vector<512x64xf32>
      %mul3A_41 = arith.constant 512 : i32
      %mul3A_42 = arith.muli %arg0, %mul3A_41 : i32
      %swap3A = arith.index_cast %mul3A_42 : i32 to index
      %swap3A_43 = arith.constant 0 : index
      %swap3A_44 = vector.load %arg15[%swap3A, %swap3A_43] : memref<12800x256xf32, #tpu.memory_space<vmem>>, vector<512x64xf32>
      tpu.vector_store %arg15[%swap3A, %swap3A_43], %add3A_40 {strides = array<i32>} : memref<12800x256xf32, #tpu.memory_space<vmem>>, vector<512x64xf32>,
      %iota3A = tpu.iota {dimensions = array<i32: 0>} : vector<512x1xi32>
      %mul3A_45 = arith.constant 512 : i32
      %mul3A_46 = arith.muli %arg0, %mul3A_45 : i32
      %add3A_47 = vector.broadcast %mul3A_46 : i32 to vector<512x1xi32>
      %add3A_48 = arith.addi %add3A_47, %iota3A : vector<512x1xi32>
      %mul3A_49 = arith.constant 4 : i32
      %mul3A_50 = vector.broadcast %mul3A_49 : i32 to vector<512x1xi32>
      %mul3A_51 = arith.muli %add3A_48, %mul3A_50 : vector<512x1xi32>
      %add3A_52 = arith.constant 0 : i32
      %add3A_53 = vector.broadcast %add3A_52 : i32 to vector<512x1xi32>
      %add3A_54 = arith.addi %mul3A_51, %add3A_53 : vector<512x1xi32>
      %lt3A_55 = arith.constant 50000 : i32
      %lt3A_56 = vector.broadcast %lt3A_55 : i32 to vector<512x1xi32>
      %lt3A_57 = arith.cmpi slt, %add3A_54, %lt3A_56 : vector<512x1xi32>
      %jit3A = arith.constant 0.000000e+00 : f32
      %broadcast_in_dim3A = vector.shape_cast %lt3A_57 : vector<512x1xi1> to vector<512x1xi1>
      %broadcast_in_dim3A_58 = vector.broadcast %broadcast_in_dim3A : vector<512x1xi1> to vector<512x64xi1>
      %broadcast_in_dim3A_59 = vector.broadcast %jit3A : f32 to vector<512x64xf32>
      %select_n3A = arith.select %broadcast_in_dim3A_58, %add3A_40, %broadcast_in_dim3A_59 : vector<512x64xi1>, vector<512x64xf32>
      %reduce_sum3A = arith.constant dense<0.000000e+00> : vector<64xf32>
      %reduce_sum3A_60 = vector.multi_reduction <add>, %select_n3A, %reduce_sum3A [0] : vector<512x64xf32> to vector<64xf32>
      %broadcast_in_dim3A_61 = vector.shape_cast %reduce_sum3A_60 : vector<64xf32> to vector<1x64xf32>
      %mul3A_62 = arith.mulf %select_n3A, %select_n3A : vector<512x64xf32>
      %reduce_sum3A_63 = arith.constant dense<0.000000e+00> : vector<64xf32>
      %reduce_sum3A_64 = vector.multi_reduction <add>, %mul3A_62, %reduce_sum3A_63 [0] : vector<512x64xf32> to vector<64xf32>
      %broadcast_in_dim3A_65 = vector.shape_cast %reduce_sum3A_64 : vector<64xf32> to vector<1x64xf32>
      %concatenate3A_66 = tpu.concatenate %broadcast_in_dim3A_61, %broadcast_in_dim3A_65 in 0 : vector<1x64xf32>, vector<1x64xf32> -> vector<2x64xf32>
      %get3A_67 = arith.constant 0 : index
      %get3A_68 = arith.constant 32 : index
      %get3A_69 = vector.load %arg5[%get3A_67, %get3A_68] : memref<512x128xf32, #tpu.memory_space<vmem>>, vector<512x1xf32>
      %get3A_70 = arith.constant 0 : index
      %get3A_71 = arith.constant 32 : index
      %get3A_72 = vector.load %arg6[%get3A_70, %get3A_71] : memref<512x128xf32, #tpu.memory_space<vmem>>, vector<512x1xf32>
      %add3A_73 = arith.addf %get3A_69, %get3A_72 : vector<512x1xf32>
      %add3A_74 = arith.constant 1.000000e+00 : f32
      %add3A_75 = vector.broadcast %add3A_74 : f32 to vector<512x1xf32>
      %add3A_76 = arith.addf %add3A_73, %add3A_75 : vector<512x1xf32>
      %rsqrt3A_77 = math.rsqrt %add3A_76 : vector<512x1xf32>
      %slice3A_78 = vector.extract_strided_slice %get3A_11 {offsets = [0, 32], sizes = [512, 32], strides = [1, 1]} : vector<512x128xf32> to vector<512x32xf32>
      %slice3A_79 = vector.extract_strided_slice %get3A_17 {offsets = [0, 32], sizes = [512, 32], strides = [1, 1]} : vector<512x128xf32> to vector<512x32xf32>
      %add3A_80 = arith.addf %slice3A_78, %slice3A_79 : vector<512x32xf32>
      %slice3A_81 = vector.extract_strided_slice %get3A_14 {offsets = [0, 32], sizes = [512, 32], strides = [1, 1]} : vector<512x128xf32> to vector<512x32xf32>
      %slice3A_82 = vector.extract_strided_slice %get3A_20 {offsets = [0, 32], sizes = [512, 32], strides = [1, 1]} : vector<512x128xf32> to vector<512x32xf32>
      %add3A_83 = arith.addf %slice3A_81, %slice3A_82 : vector<512x32xf32>
      %concatenate3A_84 = tpu.concatenate %add3A_80, %add3A_83 in 1 : vector<512x32xf32>, vector<512x32xf32> -> vector<512x64xf32>
      %mul3A_85 = vector.broadcast %rsqrt3A_77 : vector<512x1xf32> to vector<512x64xf32>
      %mul3A_86 = arith.mulf %concatenate3A_84, %mul3A_85 : vector<512x64xf32>
      %get3A_87 = arith.constant 0 : index
      %get3A_88 = arith.constant 0 : index
      %get3A_89 = vector.load %arg7[%get3A_87, %get3A_88] : memref<1x64xf32, #tpu.memory_space<vmem>>, vector<1x64xf32>
      %add3A_90 = vector.broadcast %get3A_89 : vector<1x64xf32> to vector<512x64xf32>
      %add3A_91 = arith.addf %mul3A_86, %add3A_90 : vector<512x64xf32>
      %mul3A_92 = arith.constant 512 : i32
      %mul3A_93 = arith.muli %arg0, %mul3A_92 : i32
      %swap3A_94 = arith.index_cast %mul3A_93 : i32 to index
      %swap3A_95 = arith.constant 64 : index
      %swap3A_96 = vector.load %arg15[%swap3A_94, %swap3A_95] : memref<12800x256xf32, #tpu.memory_space<vmem>>, vector<512x64xf32>
      tpu.vector_store %arg15[%swap3A_94, %swap3A_95], %add3A_91 {strides = array<i32>} : memref<12800x256xf32, #tpu.memory_space<vmem>>, vector<512x64xf32>,
      %iota3A_97 = tpu.iota {dimensions = array<i32: 0>} : vector<512x1xi32>
      %mul3A_98 = arith.constant 512 : i32
      %mul3A_99 = arith.muli %arg0, %mul3A_98 : i32
      %add3A_100 = vector.broadcast %mul3A_99 : i32 to vector<512x1xi32>
      %add3A_101 = arith.addi %add3A_100, %iota3A_97 : vector<512x1xi32>
      %mul3A_102 = arith.constant 4 : i32
      %mul3A_103 = vector.broadcast %mul3A_102 : i32 to vector<512x1xi32>
      %mul3A_104 = arith.muli %add3A_101, %mul3A_103 : vector<512x1xi32>
      %add3A_105 = arith.constant 1 : i32
      %add3A_106 = vector.broadcast %add3A_105 : i32 to vector<512x1xi32>
      %add3A_107 = arith.addi %mul3A_104, %add3A_106 : vector<512x1xi32>
      %lt3A_108 = arith.constant 50000 : i32
      %lt3A_109 = vector.broadcast %lt3A_108 : i32 to vector<512x1xi32>
      %lt3A_110 = arith.cmpi slt, %add3A_107, %lt3A_109 : vector<512x1xi32>
      %jit3A_111 = arith.constant 0.000000e+00 : f32
      %broadcast_in_dim3A_112 = vector.shape_cast %lt3A_110 : vector<512x1xi1> to vector<512x1xi1>
      %broadcast_in_dim3A_113 = vector.broadcast %broadcast_in_dim3A_112 : vector<512x1xi1> to vector<512x64xi1>
      %broadcast_in_dim3A_114 = vector.broadcast %jit3A_111 : f32 to vector<512x64xf32>
      %select_n3A_115 = arith.select %broadcast_in_dim3A_113, %add3A_91, %broadcast_in_dim3A_114 : vector<512x64xi1>, vector<512x64xf32>
      %reduce_sum3A_116 = arith.constant dense<0.000000e+00> : vector<64xf32>
      %reduce_sum3A_117 = vector.multi_reduction <add>, %select_n3A_115, %reduce_sum3A_116 [0] : vector<512x64xf32> to vector<64xf32>
      %broadcast_in_dim3A_118 = vector.shape_cast %reduce_sum3A_117 : vector<64xf32> to vector<1x64xf32>
      %mul3A_119 = arith.mulf %select_n3A_115, %select_n3A_115 : vector<512x64xf32>
      %reduce_sum3A_120 = arith.constant dense<0.000000e+00> : vector<64xf32>
      %reduce_sum3A_121 = vector.multi_reduction <add>, %mul3A_119, %reduce_sum3A_120 [0] : vector<512x64xf32> to vector<64xf32>
      %broadcast_in_dim3A_122 = vector.shape_cast %reduce_sum3A_121 : vector<64xf32> to vector<1x64xf32>
      %concatenate3A_123 = tpu.concatenate %broadcast_in_dim3A_118, %broadcast_in_dim3A_122 in 0 : vector<1x64xf32>, vector<1x64xf32> -> vector<2x64xf32>
      %add3A_124 = arith.addf %concatenate3A_66, %concatenate3A_123 : vector<2x64xf32>
      %get3A_125 = arith.constant 0 : index
      %get3A_126 = arith.constant 64 : index
      %get3A_127 = vector.load %arg5[%get3A_125, %get3A_126] : memref<512x128xf32, #tpu.memory_space<vmem>>, vector<512x1xf32>
      %get3A_128 = arith.constant 0 : index
      %get3A_129 = arith.constant 64 : index
      %get3A_130 = vector.load %arg6[%get3A_128, %get3A_129] : memref<512x128xf32, #tpu.memory_space<vmem>>, vector<512x1xf32>
      %add3A_131 = arith.addf %get3A_127, %get3A_130 : vector<512x1xf32>
      %add3A_132 = arith.constant 1.000000e+00 : f32
      %add3A_133 = vector.broadcast %add3A_132 : f32 to vector<512x1xf32>
      %add3A_134 = arith.addf %add3A_131, %add3A_133 : vector<512x1xf32>
      %rsqrt3A_135 = math.rsqrt %add3A_134 : vector<512x1xf32>
      %slice3A_136 = vector.extract_strided_slice %get3A_11 {offsets = [0, 64], sizes = [512, 32], strides = [1, 1]} : vector<512x128xf32> to vector<512x32xf32>
      %slice3A_137 = vector.extract_strided_slice %get3A_17 {offsets = [0, 64], sizes = [512, 32], strides = [1, 1]} : vector<512x128xf32> to vector<512x32xf32>
      %add3A_138 = arith.addf %slice3A_136, %slice3A_137 : vector<512x32xf32>
      %slice3A_139 = vector.extract_strided_slice %get3A_14 {offsets = [0, 64], sizes = [512, 32], strides = [1, 1]} : vector<512x128xf32> to vector<512x32xf32>
      %slice3A_140 = vector.extract_strided_slice %get3A_20 {offsets = [0, 64], sizes = [512, 32], strides = [1, 1]} : vector<512x128xf32> to vector<512x32xf32>
      %add3A_141 = arith.addf %slice3A_139, %slice3A_140 : vector<512x32xf32>
      %concatenate3A_142 = tpu.concatenate %add3A_138, %add3A_141 in 1 : vector<512x32xf32>, vector<512x32xf32> -> vector<512x64xf32>
      %mul3A_143 = vector.broadcast %rsqrt3A_135 : vector<512x1xf32> to vector<512x64xf32>
      %mul3A_144 = arith.mulf %concatenate3A_142, %mul3A_143 : vector<512x64xf32>
      %get3A_145 = arith.constant 0 : index
      %get3A_146 = arith.constant 0 : index
      %get3A_147 = vector.load %arg7[%get3A_145, %get3A_146] : memref<1x64xf32, #tpu.memory_space<vmem>>, vector<1x64xf32>
      %add3A_148 = vector.broadcast %get3A_147 : vector<1x64xf32> to vector<512x64xf32>
      %add3A_149 = arith.addf %mul3A_144, %add3A_148 : vector<512x64xf32>
      %mul3A_150 = arith.constant 512 : i32
      %mul3A_151 = arith.muli %arg0, %mul3A_150 : i32
      %swap3A_152 = arith.index_cast %mul3A_151 : i32 to index
      %swap3A_153 = arith.constant 128 : index
      %swap3A_154 = vector.load %arg15[%swap3A_152, %swap3A_153] : memref<12800x256xf32, #tpu.memory_space<vmem>>, vector<512x64xf32>
      tpu.vector_store %arg15[%swap3A_152, %swap3A_153], %add3A_149 {strides = array<i32>} : memref<12800x256xf32, #tpu.memory_space<vmem>>, vector<512x64xf32>,
      %iota3A_155 = tpu.iota {dimensions = array<i32: 0>} : vector<512x1xi32>
      %mul3A_156 = arith.constant 512 : i32
      %mul3A_157 = arith.muli %arg0, %mul3A_156 : i32
      %add3A_158 = vector.broadcast %mul3A_157 : i32 to vector<512x1xi32>
      %add3A_159 = arith.addi %add3A_158, %iota3A_155 : vector<512x1xi32>
      %mul3A_160 = arith.constant 4 : i32
      %mul3A_161 = vector.broadcast %mul3A_160 : i32 to vector<512x1xi32>
      %mul3A_162 = arith.muli %add3A_159, %mul3A_161 : vector<512x1xi32>
      %add3A_163 = arith.constant 2 : i32
      %add3A_164 = vector.broadcast %add3A_163 : i32 to vector<512x1xi32>
      %add3A_165 = arith.addi %mul3A_162, %add3A_164 : vector<512x1xi32>
      %lt3A_166 = arith.constant 50000 : i32
      %lt3A_167 = vector.broadcast %lt3A_166 : i32 to vector<512x1xi32>
      %lt3A_168 = arith.cmpi slt, %add3A_165, %lt3A_167 : vector<512x1xi32>
      %jit3A_169 = arith.constant 0.000000e+00 : f32
      %broadcast_in_dim3A_170 = vector.shape_cast %lt3A_168 : vector<512x1xi1> to vector<512x1xi1>
      %broadcast_in_dim3A_171 = vector.broadcast %broadcast_in_dim3A_170 : vector<512x1xi1> to vector<512x64xi1>
      %broadcast_in_dim3A_172 = vector.broadcast %jit3A_169 : f32 to vector<512x64xf32>
      %select_n3A_173 = arith.select %broadcast_in_dim3A_171, %add3A_149, %broadcast_in_dim3A_172 : vector<512x64xi1>, vector<512x64xf32>
      %reduce_sum3A_174 = arith.constant dense<0.000000e+00> : vector<64xf32>
      %reduce_sum3A_175 = vector.multi_reduction <add>, %select_n3A_173, %reduce_sum3A_174 [0] : vector<512x64xf32> to vector<64xf32>
      %broadcast_in_dim3A_176 = vector.shape_cast %reduce_sum3A_175 : vector<64xf32> to vector<1x64xf32>
      %mul3A_177 = arith.mulf %select_n3A_173, %select_n3A_173 : vector<512x64xf32>
      %reduce_sum3A_178 = arith.constant dense<0.000000e+00> : vector<64xf32>
      %reduce_sum3A_179 = vector.multi_reduction <add>, %mul3A_177, %reduce_sum3A_178 [0] : vector<512x64xf32> to vector<64xf32>
      %broadcast_in_dim3A_180 = vector.shape_cast %reduce_sum3A_179 : vector<64xf32> to vector<1x64xf32>
      %concatenate3A_181 = tpu.concatenate %broadcast_in_dim3A_176, %broadcast_in_dim3A_180 in 0 : vector<1x64xf32>, vector<1x64xf32> -> vector<2x64xf32>
      %add3A_182 = arith.addf %add3A_124, %concatenate3A_181 : vector<2x64xf32>
      %get3A_183 = arith.constant 0 : index
      %get3A_184 = arith.constant 96 : index
      %get3A_185 = vector.load %arg5[%get3A_183, %get3A_184] : memref<512x128xf32, #tpu.memory_space<vmem>>, vector<512x1xf32>
      %get3A_186 = arith.constant 0 : index
      %get3A_187 = arith.constant 96 : index
      %get3A_188 = vector.load %arg6[%get3A_186, %get3A_187] : memref<512x128xf32, #tpu.memory_space<vmem>>, vector<512x1xf32>
      %add3A_189 = arith.addf %get3A_185, %get3A_188 : vector<512x1xf32>
      %add3A_190 = arith.constant 1.000000e+00 : f32
      %add3A_191 = vector.broadcast %add3A_190 : f32 to vector<512x1xf32>
      %add3A_192 = arith.addf %add3A_189, %add3A_191 : vector<512x1xf32>
      %rsqrt3A_193 = math.rsqrt %add3A_192 : vector<512x1xf32>
      %slice3A_194 = vector.extract_strided_slice %get3A_11 {offsets = [0, 96], sizes = [512, 32], strides = [1, 1]} : vector<512x128xf32> to vector<512x32xf32>
      %slice3A_195 = vector.extract_strided_slice %get3A_17 {offsets = [0, 96], sizes = [512, 32], strides = [1, 1]} : vector<512x128xf32> to vector<512x32xf32>
      %add3A_196 = arith.addf %slice3A_194, %slice3A_195 : vector<512x32xf32>
      %slice3A_197 = vector.extract_strided_slice %get3A_14 {offsets = [0, 96], sizes = [512, 32], strides = [1, 1]} : vector<512x128xf32> to vector<512x32xf32>
      %slice3A_198 = vector.extract_strided_slice %get3A_20 {offsets = [0, 96], sizes = [512, 32], strides = [1, 1]} : vector<512x128xf32> to vector<512x32xf32>
      %add3A_199 = arith.addf %slice3A_197, %slice3A_198 : vector<512x32xf32>
      %concatenate3A_200 = tpu.concatenate %add3A_196, %add3A_199 in 1 : vector<512x32xf32>, vector<512x32xf32> -> vector<512x64xf32>
      %mul3A_201 = vector.broadcast %rsqrt3A_193 : vector<512x1xf32> to vector<512x64xf32>
      %mul3A_202 = arith.mulf %concatenate3A_200, %mul3A_201 : vector<512x64xf32>
      %get3A_203 = arith.constant 0 : index
      %get3A_204 = arith.constant 0 : index
      %get3A_205 = vector.load %arg7[%get3A_203, %get3A_204] : memref<1x64xf32, #tpu.memory_space<vmem>>, vector<1x64xf32>
      %add3A_206 = vector.broadcast %get3A_205 : vector<1x64xf32> to vector<512x64xf32>
      %add3A_207 = arith.addf %mul3A_202, %add3A_206 : vector<512x64xf32>
      %mul3A_208 = arith.constant 512 : i32
      %mul3A_209 = arith.muli %arg0, %mul3A_208 : i32
      %swap3A_210 = arith.index_cast %mul3A_209 : i32 to index
      %swap3A_211 = arith.constant 192 : index
      %swap3A_212 = vector.load %arg15[%swap3A_210, %swap3A_211] : memref<12800x256xf32, #tpu.memory_space<vmem>>, vector<512x64xf32>
      tpu.vector_store %arg15[%swap3A_210, %swap3A_211], %add3A_207 {strides = array<i32>} : memref<12800x256xf32, #tpu.memory_space<vmem>>, vector<512x64xf32>,
      %iota3A_213 = tpu.iota {dimensions = array<i32: 0>} : vector<512x1xi32>
      %mul3A_214 = arith.constant 512 : i32
      %mul3A_215 = arith.muli %arg0, %mul3A_214 : i32
      %add3A_216 = vector.broadcast %mul3A_215 : i32 to vector<512x1xi32>
      %add3A_217 = arith.addi %add3A_216, %iota3A_213 : vector<512x1xi32>
      %mul3A_218 = arith.constant 4 : i32
      %mul3A_219 = vector.broadcast %mul3A_218 : i32 to vector<512x1xi32>
      %mul3A_220 = arith.muli %add3A_217, %mul3A_219 : vector<512x1xi32>
      %add3A_221 = arith.constant 3 : i32
      %add3A_222 = vector.broadcast %add3A_221 : i32 to vector<512x1xi32>
      %add3A_223 = arith.addi %mul3A_220, %add3A_222 : vector<512x1xi32>
      %lt3A_224 = arith.constant 50000 : i32
      %lt3A_225 = vector.broadcast %lt3A_224 : i32 to vector<512x1xi32>
      %lt3A_226 = arith.cmpi slt, %add3A_223, %lt3A_225 : vector<512x1xi32>
      %jit3A_227 = arith.constant 0.000000e+00 : f32
      %broadcast_in_dim3A_228 = vector.shape_cast %lt3A_226 : vector<512x1xi1> to vector<512x1xi1>
      %broadcast_in_dim3A_229 = vector.broadcast %broadcast_in_dim3A_228 : vector<512x1xi1> to vector<512x64xi1>
      %broadcast_in_dim3A_230 = vector.broadcast %jit3A_227 : f32 to vector<512x64xf32>
      %select_n3A_231 = arith.select %broadcast_in_dim3A_229, %add3A_207, %broadcast_in_dim3A_230 : vector<512x64xi1>, vector<512x64xf32>
      %reduce_sum3A_232 = arith.constant dense<0.000000e+00> : vector<64xf32>
      %reduce_sum3A_233 = vector.multi_reduction <add>, %select_n3A_231, %reduce_sum3A_232 [0] : vector<512x64xf32> to vector<64xf32>
      %broadcast_in_dim3A_234 = vector.shape_cast %reduce_sum3A_233 : vector<64xf32> to vector<1x64xf32>
      %mul3A_235 = arith.mulf %select_n3A_231, %select_n3A_231 : vector<512x64xf32>
      %reduce_sum3A_236 = arith.constant dense<0.000000e+00> : vector<64xf32>
      %reduce_sum3A_237 = vector.multi_reduction <add>, %mul3A_235, %reduce_sum3A_236 [0] : vector<512x64xf32> to vector<64xf32>
      %broadcast_in_dim3A_238 = vector.shape_cast %reduce_sum3A_237 : vector<64xf32> to vector<1x64xf32>
      %concatenate3A_239 = tpu.concatenate %broadcast_in_dim3A_234, %broadcast_in_dim3A_238 in 0 : vector<1x64xf32>, vector<1x64xf32> -> vector<2x64xf32>
      %add3A_240 = arith.addf %add3A_182, %concatenate3A_239 : vector<2x64xf32>
      %eq3A_241 = arith.constant 0 : i32
      %eq3A_242 = arith.cmpi eq, %arg0, %eq3A_241 : i32
      %convert_element_type3A_243 = arith.extui %eq3A_242 : i1 to i32
      %cond3A_244 = arith.constant 0 : i32
      %cond3A_245 = arith.cmpi ne, %convert_element_type3A_243, %cond3A_244 : i32
      scf.if %cond3A_245 {
        %swap3A_250 = arith.constant 0 : index
        %swap3A_251 = arith.constant 0 : index
        %swap3A_252 = vector.load %arg16[%swap3A_250, %swap3A_251] : memref<2x64xf32, #tpu.memory_space<vmem>>, vector<2x64xf32>
        tpu.vector_store %arg16[%swap3A_250, %swap3A_251], %add3A_240 {strides = array<i32>} : memref<2x64xf32, #tpu.memory_space<vmem>>, vector<2x64xf32>,
      } else {
      }
      %gt3A = arith.constant 0 : i32
      %gt3A_246 = arith.cmpi sgt, %arg0, %gt3A : i32
      %convert_element_type3A_247 = arith.extui %gt3A_246 : i1 to i32
      %cond3A_248 = arith.constant 0 : i32
      %cond3A_249 = arith.cmpi ne, %convert_element_type3A_247, %cond3A_248 : i32
      scf.if %cond3A_249 {
        %get3A_250 = arith.constant 0 : index
        %get3A_251 = arith.constant 0 : index
        %get3A_252 = vector.load %arg16[%get3A_250, %get3A_251] : memref<2x64xf32, #tpu.memory_space<vmem>>, vector<2x64xf32>
        %add3A_253 = arith.addf %get3A_252, %add3A_240 : vector<2x64xf32>
        %swap3A_254 = arith.constant 0 : index
        %swap3A_255 = arith.constant 0 : index
        %swap3A_256 = vector.load %arg16[%swap3A_254, %swap3A_255] : memref<2x64xf32, #tpu.memory_space<vmem>>, vector<2x64xf32>
        tpu.vector_store %arg16[%swap3A_254, %swap3A_255], %add3A_253 {strides = array<i32>} : memref<2x64xf32, #tpu.memory_space<vmem>>, vector<2x64xf32>,
      } else {
      }
    } else {
    }
    %ge3A = arith.constant 25 : i32
    %ge3A_2 = arith.cmpi sge, %arg0, %ge3A : i32
    %convert_element_type3A_3 = arith.extui %ge3A_2 : i1 to i32
    %cond3A_4 = arith.constant 0 : i32
    %cond3A_5 = arith.cmpi ne, %convert_element_type3A_3, %cond3A_4 : i32
    scf.if %cond3A_5 {
      %sub3A = arith.constant 25 : i32
      %sub3A_10 = arith.subi %arg0, %sub3A : i32
      %get3A = arith.constant 0 : index
      %get3A_11 = arith.constant 0 : index
      %get3A_12 = vector.load %arg16[%get3A, %get3A_11] : memref<2x64xf32, #tpu.memory_space<vmem>>, vector<2x64xf32>
      %slice3A = vector.extract_strided_slice %get3A_12 {offsets = [0, 0], sizes = [1, 64], strides = [1, 1]} : vector<2x64xf32> to vector<1x64xf32>
      %mul3A = arith.constant 2.000000e-05 : f32
      %mul3A_13 = vector.broadcast %mul3A : f32 to vector<1x64xf32>
      %mul3A_14 = arith.mulf %slice3A, %mul3A_13 : vector<1x64xf32>
      %slice3A_15 = vector.extract_strided_slice %get3A_12 {offsets = [1, 0], sizes = [1, 64], strides = [1, 1]} : vector<2x64xf32> to vector<1x64xf32>
      %mul3A_16 = arith.constant 2.000000e-05 : f32
      %mul3A_17 = vector.broadcast %mul3A_16 : f32 to vector<1x64xf32>
      %mul3A_18 = arith.mulf %slice3A_15, %mul3A_17 : vector<1x64xf32>
      %mul3A_19 = arith.mulf %mul3A_14, %mul3A_14 : vector<1x64xf32>
      %sub3A_20 = arith.subf %mul3A_18, %mul3A_19 : vector<1x64xf32>
      %get3A_21 = arith.constant 0 : index
      %get3A_22 = arith.constant 0 : index
      %get3A_23 = vector.load %arg8[%get3A_21, %get3A_22] : memref<1x64xf32, #tpu.memory_space<vmem>>, vector<1x64xf32>
      %add3A = arith.constant 9.99999974E-6 : f32
      %add3A_24 = vector.broadcast %add3A : f32 to vector<1x64xf32>
      %add3A_25 = arith.addf %sub3A_20, %add3A_24 : vector<1x64xf32>
      %rsqrt3A = math.rsqrt %add3A_25 : vector<1x64xf32>
      %mul3A_26 = arith.mulf %get3A_23, %rsqrt3A : vector<1x64xf32>
      %get3A_27 = arith.constant 0 : index
      %get3A_28 = arith.constant 0 : index
      %get3A_29 = vector.load %arg9[%get3A_27, %get3A_28] : memref<1x64xf32, #tpu.memory_space<vmem>>, vector<1x64xf32>
      %mul3A_30 = arith.mulf %mul3A_14, %mul3A_26 : vector<1x64xf32>
      %sub3A_31 = arith.subf %get3A_29, %mul3A_30 : vector<1x64xf32>
      %iota3A = tpu.iota {dimensions = array<i32: 1>} : vector<512x64xi32>
      %mul3A_32 = arith.constant 512 : i32
      %mul3A_33 = arith.muli %sub3A_10, %mul3A_32 : i32
      %get3A_34 = arith.index_cast %mul3A_33 : i32 to index
      %get3A_35 = arith.constant 0 : index
      %get3A_36 = vector.load %arg15[%get3A_34, %get3A_35] : memref<12800x256xf32, #tpu.memory_space<vmem>>, vector<512x64xf32>
      %mul3A_37 = vector.broadcast %mul3A_26 : vector<1x64xf32> to vector<512x64xf32>
      %mul3A_38 = arith.mulf %get3A_36, %mul3A_37 : vector<512x64xf32>
      %add3A_39 = vector.broadcast %sub3A_31 : vector<1x64xf32> to vector<512x64xf32>
      %add3A_40 = arith.addf %mul3A_38, %add3A_39 : vector<512x64xf32>
      %get3A_41 = arith.constant 0 : index
      %get3A_42 = arith.constant 0 : index
      %get3A_43 = vector.load %arg10[%get3A_41, %get3A_42] : memref<2048x1xi32, #tpu.memory_space<vmem>>, vector<512x1xi32>
      %eq3A_44 = vector.broadcast %get3A_43 : vector<512x1xi32> to vector<512x64xi32>
      %eq3A_45 = arith.cmpi eq, %eq3A_44, %iota3A : vector<512x64xi32>
      %convert_element_type3A_46 = arith.extui %eq3A_45 : vector<512x64xi1> to vector<512x64xi32>
      %convert_element_type3A_47 = arith.sitofp %convert_element_type3A_46 : vector<512x64xi32> to vector<512x64xf32>
      %dot_general3A = arith.constant dense<0.000000e+00> : vector<64x64xf32>
      %dot_general3A_48 = tpu.matmul %convert_element_type3A_47, %add3A_40, %dot_general3A {dimension_numbers = #tpu.dot_dimension_numbers<[0], [0], [1], [1], [0, 1, 1, 1], [], []>, transpose_lhs_hint = false} : vector<512x64xf32>, vector<512x64xf32>, vector<64x64xf32> -> vector<64x64xf32>
      %broadcast_in_dim3A = arith.constant 1.000000e+00 : f32
      %broadcast_in_dim3A_49 = vector.broadcast %broadcast_in_dim3A : f32 to vector<512x8xf32>
      %dot_general3A_50 = arith.constant dense<0.000000e+00> : vector<64x8xf32>
      %dot_general3A_51 = tpu.matmul %convert_element_type3A_47, %broadcast_in_dim3A_49, %dot_general3A_50 {dimension_numbers = #tpu.dot_dimension_numbers<[0], [0], [1], [1], [0, 1, 1, 1], [], []>, transpose_lhs_hint = false} : vector<512x64xf32>, vector<512x8xf32>, vector<64x8xf32> -> vector<64x8xf32>
      %mul3A_52 = arith.constant 512 : i32
      %mul3A_53 = arith.muli %sub3A_10, %mul3A_52 : i32
      %get3A_54 = arith.index_cast %mul3A_53 : i32 to index
      %get3A_55 = arith.constant 64 : index
      %get3A_56 = vector.load %arg15[%get3A_54, %get3A_55] : memref<12800x256xf32, #tpu.memory_space<vmem>>, vector<512x64xf32>
      %mul3A_57 = vector.broadcast %mul3A_26 : vector<1x64xf32> to vector<512x64xf32>
      %mul3A_58 = arith.mulf %get3A_56, %mul3A_57 : vector<512x64xf32>
      %add3A_59 = vector.broadcast %sub3A_31 : vector<1x64xf32> to vector<512x64xf32>
      %add3A_60 = arith.addf %mul3A_58, %add3A_59 : vector<512x64xf32>
      %get3A_61 = arith.constant 512 : index
      %get3A_62 = arith.constant 0 : index
      %get3A_63 = vector.load %arg10[%get3A_61, %get3A_62] : memref<2048x1xi32, #tpu.memory_space<vmem>>, vector<512x1xi32>
      %eq3A_64 = vector.broadcast %get3A_63 : vector<512x1xi32> to vector<512x64xi32>
      %eq3A_65 = arith.cmpi eq, %eq3A_64, %iota3A : vector<512x64xi32>
      %convert_element_type3A_66 = arith.extui %eq3A_65 : vector<512x64xi1> to vector<512x64xi32>
      %convert_element_type3A_67 = arith.sitofp %convert_element_type3A_66 : vector<512x64xi32> to vector<512x64xf32>
      %dot_general3A_68 = arith.constant dense<0.000000e+00> : vector<64x64xf32>
      %dot_general3A_69 = tpu.matmul %convert_element_type3A_67, %add3A_60, %dot_general3A_68 {dimension_numbers = #tpu.dot_dimension_numbers<[0], [0], [1], [1], [0, 1, 1, 1], [], []>, transpose_lhs_hint = false} : vector<512x64xf32>, vector<512x64xf32>, vector<64x64xf32> -> vector<64x64xf32>
      %broadcast_in_dim3A_70 = arith.constant 1.000000e+00 : f32
      %broadcast_in_dim3A_71 = vector.broadcast %broadcast_in_dim3A_70 : f32 to vector<512x8xf32>
      %dot_general3A_72 = arith.constant dense<0.000000e+00> : vector<64x8xf32>
      %dot_general3A_73 = tpu.matmul %convert_element_type3A_67, %broadcast_in_dim3A_71, %dot_general3A_72 {dimension_numbers = #tpu.dot_dimension_numbers<[0], [0], [1], [1], [0, 1, 1, 1], [], []>, transpose_lhs_hint = false} : vector<512x64xf32>, vector<512x8xf32>, vector<64x8xf32> -> vector<64x8xf32>
      %add3A_74 = arith.addf %dot_general3A_48, %dot_general3A_69 : vector<64x64xf32>
      %add3A_75 = arith.addf %dot_general3A_51, %dot_general3A_73 : vector<64x8xf32>
      %mul3A_76 = arith.constant 512 : i32
      %mul3A_77 = arith.muli %sub3A_10, %mul3A_76 : i32
      %get3A_78 = arith.index_cast %mul3A_77 : i32 to index
      %get3A_79 = arith.constant 128 : index
      %get3A_80 = vector.load %arg15[%get3A_78, %get3A_79] : memref<12800x256xf32, #tpu.memory_space<vmem>>, vector<512x64xf32>
      %mul3A_81 = vector.broadcast %mul3A_26 : vector<1x64xf32> to vector<512x64xf32>
      %mul3A_82 = arith.mulf %get3A_80, %mul3A_81 : vector<512x64xf32>
      %add3A_83 = vector.broadcast %sub3A_31 : vector<1x64xf32> to vector<512x64xf32>
      %add3A_84 = arith.addf %mul3A_82, %add3A_83 : vector<512x64xf32>
      %get3A_85 = arith.constant 1024 : index
      %get3A_86 = arith.constant 0 : index
      %get3A_87 = vector.load %arg10[%get3A_85, %get3A_86] : memref<2048x1xi32, #tpu.memory_space<vmem>>, vector<512x1xi32>
      %eq3A_88 = vector.broadcast %get3A_87 : vector<512x1xi32> to vector<512x64xi32>
      %eq3A_89 = arith.cmpi eq, %eq3A_88, %iota3A : vector<512x64xi32>
      %convert_element_type3A_90 = arith.extui %eq3A_89 : vector<512x64xi1> to vector<512x64xi32>
      %convert_element_type3A_91 = arith.sitofp %convert_element_type3A_90 : vector<512x64xi32> to vector<512x64xf32>
      %dot_general3A_92 = arith.constant dense<0.000000e+00> : vector<64x64xf32>
      %dot_general3A_93 = tpu.matmul %convert_element_type3A_91, %add3A_84, %dot_general3A_92 {dimension_numbers = #tpu.dot_dimension_numbers<[0], [0], [1], [1], [0, 1, 1, 1], [], []>, transpose_lhs_hint = false} : vector<512x64xf32>, vector<512x64xf32>, vector<64x64xf32> -> vector<64x64xf32>
      %broadcast_in_dim3A_94 = arith.constant 1.000000e+00 : f32
      %broadcast_in_dim3A_95 = vector.broadcast %broadcast_in_dim3A_94 : f32 to vector<512x8xf32>
      %dot_general3A_96 = arith.constant dense<0.000000e+00> : vector<64x8xf32>
      %dot_general3A_97 = tpu.matmul %convert_element_type3A_91, %broadcast_in_dim3A_95, %dot_general3A_96 {dimension_numbers = #tpu.dot_dimension_numbers<[0], [0], [1], [1], [0, 1, 1, 1], [], []>, transpose_lhs_hint = false} : vector<512x64xf32>, vector<512x8xf32>, vector<64x8xf32> -> vector<64x8xf32>
      %add3A_98 = arith.addf %add3A_74, %dot_general3A_93 : vector<64x64xf32>
      %add3A_99 = arith.addf %add3A_75, %dot_general3A_97 : vector<64x8xf32>
      %mul3A_100 = arith.constant 512 : i32
      %mul3A_101 = arith.muli %sub3A_10, %mul3A_100 : i32
      %get3A_102 = arith.index_cast %mul3A_101 : i32 to index
      %get3A_103 = arith.constant 192 : index
      %get3A_104 = vector.load %arg15[%get3A_102, %get3A_103] : memref<12800x256xf32, #tpu.memory_space<vmem>>, vector<512x64xf32>
      %mul3A_105 = vector.broadcast %mul3A_26 : vector<1x64xf32> to vector<512x64xf32>
      %mul3A_106 = arith.mulf %get3A_104, %mul3A_105 : vector<512x64xf32>
      %add3A_107 = vector.broadcast %sub3A_31 : vector<1x64xf32> to vector<512x64xf32>
      %add3A_108 = arith.addf %mul3A_106, %add3A_107 : vector<512x64xf32>
      %get3A_109 = arith.constant 1536 : index
      %get3A_110 = arith.constant 0 : index
      %get3A_111 = vector.load %arg10[%get3A_109, %get3A_110] : memref<2048x1xi32, #tpu.memory_space<vmem>>, vector<512x1xi32>
      %eq3A_112 = vector.broadcast %get3A_111 : vector<512x1xi32> to vector<512x64xi32>
      %eq3A_113 = arith.cmpi eq, %eq3A_112, %iota3A : vector<512x64xi32>
      %convert_element_type3A_114 = arith.extui %eq3A_113 : vector<512x64xi1> to vector<512x64xi32>
      %convert_element_type3A_115 = arith.sitofp %convert_element_type3A_114 : vector<512x64xi32> to vector<512x64xf32>
      %dot_general3A_116 = arith.constant dense<0.000000e+00> : vector<64x64xf32>
      %dot_general3A_117 = tpu.matmul %convert_element_type3A_115, %add3A_108, %dot_general3A_116 {dimension_numbers = #tpu.dot_dimension_numbers<[0], [0], [1], [1], [0, 1, 1, 1], [], []>, transpose_lhs_hint = false} : vector<512x64xf32>, vector<512x64xf32>, vector<64x64xf32> -> vector<64x64xf32>
      %broadcast_in_dim3A_118 = arith.constant 1.000000e+00 : f32
      %broadcast_in_dim3A_119 = vector.broadcast %broadcast_in_dim3A_118 : f32 to vector<512x8xf32>
      %dot_general3A_120 = arith.constant dense<0.000000e+00> : vector<64x8xf32>
      %dot_general3A_121 = tpu.matmul %convert_element_type3A_115, %broadcast_in_dim3A_119, %dot_general3A_120 {dimension_numbers = #tpu.dot_dimension_numbers<[0], [0], [1], [1], [0, 1, 1, 1], [], []>, transpose_lhs_hint = false} : vector<512x64xf32>, vector<512x8xf32>, vector<64x8xf32> -> vector<64x8xf32>
      %add3A_122 = arith.addf %add3A_98, %dot_general3A_117 : vector<64x64xf32>
      %add3A_123 = arith.addf %add3A_99, %dot_general3A_121 : vector<64x8xf32>
      %eq3A_124 = arith.constant 0 : i32
      %eq3A_125 = arith.cmpi eq, %sub3A_10, %eq3A_124 : i32
      %convert_element_type3A_126 = arith.extui %eq3A_125 : i1 to i32
      %cond3A_127 = arith.constant 0 : i32
      %cond3A_128 = arith.cmpi ne, %convert_element_type3A_126, %cond3A_127 : i32
      scf.if %cond3A_128 {
        %swap3A = arith.constant 0 : index
        %swap3A_133 = arith.constant 0 : index
        %swap3A_134 = vector.load %arg17[%swap3A, %swap3A_133] : memref<64x64xf32, #tpu.memory_space<vmem>>, vector<64x64xf32>
        tpu.vector_store %arg17[%swap3A, %swap3A_133], %add3A_122 {strides = array<i32>} : memref<64x64xf32, #tpu.memory_space<vmem>>, vector<64x64xf32>,
        %swap3A_135 = arith.constant 0 : index
        %swap3A_136 = arith.constant 0 : index
        %swap3A_137 = vector.load %arg18[%swap3A_135, %swap3A_136] : memref<64x8xf32, #tpu.memory_space<vmem>>, vector<64x8xf32>
        tpu.vector_store %arg18[%swap3A_135, %swap3A_136], %add3A_123 {strides = array<i32>} : memref<64x8xf32, #tpu.memory_space<vmem>>, vector<64x8xf32>,
      } else {
      }
      %gt3A = arith.constant 0 : i32
      %gt3A_129 = arith.cmpi sgt, %sub3A_10, %gt3A : i32
      %convert_element_type3A_130 = arith.extui %gt3A_129 : i1 to i32
      %cond3A_131 = arith.constant 0 : i32
      %cond3A_132 = arith.cmpi ne, %convert_element_type3A_130, %cond3A_131 : i32
      scf.if %cond3A_132 {
        %get3A_133 = arith.constant 0 : index
        %get3A_134 = arith.constant 0 : index
        %get3A_135 = vector.load %arg17[%get3A_133, %get3A_134] : memref<64x64xf32, #tpu.memory_space<vmem>>, vector<64x64xf32>
        %add3A_136 = arith.addf %get3A_135, %add3A_122 : vector<64x64xf32>
        %swap3A = arith.constant 0 : index
        %swap3A_137 = arith.constant 0 : index
        %swap3A_138 = vector.load %arg17[%swap3A, %swap3A_137] : memref<64x64xf32, #tpu.memory_space<vmem>>, vector<64x64xf32>
        tpu.vector_store %arg17[%swap3A, %swap3A_137], %add3A_136 {strides = array<i32>} : memref<64x64xf32, #tpu.memory_space<vmem>>, vector<64x64xf32>,
        %get3A_139 = arith.constant 0 : index
        %get3A_140 = arith.constant 0 : index
        %get3A_141 = vector.load %arg18[%get3A_139, %get3A_140] : memref<64x8xf32, #tpu.memory_space<vmem>>, vector<64x8xf32>
        %add3A_142 = arith.addf %get3A_141, %add3A_123 : vector<64x8xf32>
        %swap3A_143 = arith.constant 0 : index
        %swap3A_144 = arith.constant 0 : index
        %swap3A_145 = vector.load %arg18[%swap3A_143, %swap3A_144] : memref<64x8xf32, #tpu.memory_space<vmem>>, vector<64x8xf32>
        tpu.vector_store %arg18[%swap3A_143, %swap3A_144], %add3A_142 {strides = array<i32>} : memref<64x8xf32, #tpu.memory_space<vmem>>, vector<64x8xf32>,
      } else {
      }
    } else {
    }
    %eq3A = arith.constant 49 : i32
    %eq3A_6 = arith.cmpi eq, %arg0, %eq3A : i32
    %convert_element_type3A_7 = arith.extui %eq3A_6 : i1 to i32
    %cond3A_8 = arith.constant 0 : i32
    %cond3A_9 = arith.cmpi ne, %convert_element_type3A_7, %cond3A_8 : i32
    scf.if %cond3A_9 {
      %get3A = arith.constant 0 : index
      %get3A_10 = arith.constant 0 : index
      %get3A_11 = vector.load %arg17[%get3A, %get3A_10] : memref<64x64xf32, #tpu.memory_space<vmem>>, vector<64x64xf32>
      %get3A_12 = arith.constant 0 : index
      %get3A_13 = arith.constant 0 : index
      %get3A_14 = vector.load %arg18[%get3A_12, %get3A_13] : memref<64x8xf32, #tpu.memory_space<vmem>>, vector<64x8xf32>
      %slice3A = vector.extract_strided_slice %get3A_14 {offsets = [0, 0], sizes = [64, 1], strides = [1, 1]} : vector<64x8xf32> to vector<64x1xf32>
      %max3A = arith.constant 1.000000e+00 : f32
      %max3A_15 = vector.broadcast %max3A : f32 to vector<64x1xf32>
      %max3A_16 = arith.maximumf %slice3A, %max3A_15 : vector<64x1xf32>
      %div3A = vector.broadcast %max3A_16 : vector<64x1xf32> to vector<64x64xf32>
      %div3A_17 = arith.divf %get3A_11, %div3A : vector<64x64xf32>
      %mul3A = arith.mulf %div3A_17, %div3A_17 : vector<64x64xf32>
      %reduce_sum3A = arith.constant dense<0.000000e+00> : vector<64xf32>
      %reduce_sum3A_18 = vector.multi_reduction <add>, %mul3A, %reduce_sum3A [1] : vector<64x64xf32> to vector<64xf32>
      %broadcast_in_dim3A = vector.shape_cast %reduce_sum3A_18 : vector<64xf32> to vector<64x1xf32>
      %get3A_19 = arith.constant 0 : index
      %get3A_20 = arith.constant 0 : index
      %get3A_21 = vector.load %arg11[%get3A_19, %get3A_20] : memref<64x8xf32, #tpu.memory_space<vmem>>, vector<64x8xf32>
      %mul3A_22 = arith.mulf %get3A_21, %get3A_21 : vector<64x8xf32>
      %reduce_sum3A_23 = arith.constant dense<0.000000e+00> : vector<8xf32>
      %reduce_sum3A_24 = vector.multi_reduction <add>, %mul3A_22, %reduce_sum3A_23 [0] : vector<64x8xf32> to vector<8xf32>
      %broadcast_in_dim3A_25 = vector.shape_cast %reduce_sum3A_24 : vector<8xf32> to vector<1x8xf32>
      %add3A = vector.broadcast %broadcast_in_dim3A : vector<64x1xf32> to vector<64x8xf32>
      %add3A_26 = vector.broadcast %broadcast_in_dim3A_25 : vector<1x8xf32> to vector<64x8xf32>
      %add3A_27 = arith.addf %add3A, %add3A_26 : vector<64x8xf32>
      %dot_general3A = arith.constant dense<0.000000e+00> : vector<64x8xf32>
      %dot_general3A_28 = tpu.matmul %div3A_17, %get3A_21, %dot_general3A {dimension_numbers = #tpu.dot_dimension_numbers<[1], [0], [0], [1], [0, 0, 1, 1], [], []>, transpose_lhs_hint = false} : vector<64x64xf32>, vector<64x8xf32>, vector<64x8xf32> -> vector<64x8xf32>
      %mul3A_29 = arith.constant 2.000000e+00 : f32
      %mul3A_30 = vector.broadcast %mul3A_29 : f32 to vector<64x8xf32>
      %mul3A_31 = arith.mulf %mul3A_30, %dot_general3A_28 : vector<64x8xf32>
      %sub3A = arith.subf %add3A_27, %mul3A_31 : vector<64x8xf32>
      %reduce_min3A = arith.constant dense<0x7F800000> : vector<64xf32>
      %reduce_min3A_32 = vector.multi_reduction <minimumf>, %sub3A, %reduce_min3A [1] : vector<64x8xf32> to vector<64xf32>
      %broadcast_in_dim3A_33 = vector.shape_cast %reduce_min3A_32 : vector<64xf32> to vector<64x1xf32>
      %get3A_34 = arith.constant 0 : index
      %get3A_35 = arith.constant 0 : index
      %get3A_36 = arith.constant 0 : index
      %get3A_37 = vector.load %arg12[%get3A_34, %get3A_35, %get3A_36] : memref<3x64x100xf32, #tpu.memory_space<vmem>>, vector<1x64x100xf32>
      %get3A_38 = vector.shape_cast %get3A_37 : vector<1x64x100xf32> to vector<64x100xf32>
      %mul3A_39 = arith.mulf %get3A_38, %get3A_38 : vector<64x100xf32>
      %reduce_sum3A_40 = arith.constant dense<0.000000e+00> : vector<100xf32>
      %reduce_sum3A_41 = vector.multi_reduction <add>, %mul3A_39, %reduce_sum3A_40 [0] : vector<64x100xf32> to vector<100xf32>
      %broadcast_in_dim3A_42 = vector.shape_cast %reduce_sum3A_41 : vector<100xf32> to vector<1x100xf32>
      %add3A_43 = vector.broadcast %broadcast_in_dim3A : vector<64x1xf32> to vector<64x100xf32>
      %add3A_44 = vector.broadcast %broadcast_in_dim3A_42 : vector<1x100xf32> to vector<64x100xf32>
      %add3A_45 = arith.addf %add3A_43, %add3A_44 : vector<64x100xf32>
      %dot_general3A_46 = arith.constant dense<0.000000e+00> : vector<64x100xf32>
      %dot_general3A_47 = tpu.matmul %div3A_17, %get3A_38, %dot_general3A_46 {dimension_numbers = #tpu.dot_dimension_numbers<[1], [0], [0], [1], [0, 0, 1, 1], [], []>, transpose_lhs_hint = false} : vector<64x64xf32>, vector<64x100xf32>, vector<64x100xf32> -> vector<64x100xf32>
      %mul3A_48 = arith.constant 2.000000e+00 : f32
      %mul3A_49 = vector.broadcast %mul3A_48 : f32 to vector<64x100xf32>
      %mul3A_50 = arith.mulf %mul3A_49, %dot_general3A_47 : vector<64x100xf32>
      %sub3A_51 = arith.subf %add3A_45, %mul3A_50 : vector<64x100xf32>
      %get3A_52 = arith.constant 1 : index
      %get3A_53 = arith.constant 0 : index
      %get3A_54 = arith.constant 0 : index
      %get3A_55 = vector.load %arg12[%get3A_52, %get3A_53, %get3A_54] : memref<3x64x100xf32, #tpu.memory_space<vmem>>, vector<1x64x100xf32>
      %get3A_56 = vector.shape_cast %get3A_55 : vector<1x64x100xf32> to vector<64x100xf32>
      %mul3A_57 = arith.mulf %get3A_56, %get3A_56 : vector<64x100xf32>
      %reduce_sum3A_58 = arith.constant dense<0.000000e+00> : vector<100xf32>
      %reduce_sum3A_59 = vector.multi_reduction <add>, %mul3A_57, %reduce_sum3A_58 [0] : vector<64x100xf32> to vector<100xf32>
      %broadcast_in_dim3A_60 = vector.shape_cast %reduce_sum3A_59 : vector<100xf32> to vector<1x100xf32>
      %add3A_61 = vector.broadcast %broadcast_in_dim3A : vector<64x1xf32> to vector<64x100xf32>
      %add3A_62 = vector.broadcast %broadcast_in_dim3A_60 : vector<1x100xf32> to vector<64x100xf32>
      %add3A_63 = arith.addf %add3A_61, %add3A_62 : vector<64x100xf32>
      %dot_general3A_64 = arith.constant dense<0.000000e+00> : vector<64x100xf32>
      %dot_general3A_65 = tpu.matmul %div3A_17, %get3A_56, %dot_general3A_64 {dimension_numbers = #tpu.dot_dimension_numbers<[1], [0], [0], [1], [0, 0, 1, 1], [], []>, transpose_lhs_hint = false} : vector<64x64xf32>, vector<64x100xf32>, vector<64x100xf32> -> vector<64x100xf32>
      %mul3A_66 = arith.constant 2.000000e+00 : f32
      %mul3A_67 = vector.broadcast %mul3A_66 : f32 to vector<64x100xf32>
      %mul3A_68 = arith.mulf %mul3A_67, %dot_general3A_65 : vector<64x100xf32>
      %sub3A_69 = arith.subf %add3A_63, %mul3A_68 : vector<64x100xf32>
      %min3A = arith.minimumf %sub3A_51, %sub3A_69 : vector<64x100xf32>
      %get3A_70 = arith.constant 2 : index
      %get3A_71 = arith.constant 0 : index
      %get3A_72 = arith.constant 0 : index
      %get3A_73 = vector.load %arg12[%get3A_70, %get3A_71, %get3A_72] : memref<3x64x100xf32, #tpu.memory_space<vmem>>, vector<1x64x100xf32>
      %get3A_74 = vector.shape_cast %get3A_73 : vector<1x64x100xf32> to vector<64x100xf32>
      %mul3A_75 = arith.mulf %get3A_74, %get3A_74 : vector<64x100xf32>
      %reduce_sum3A_76 = arith.constant dense<0.000000e+00> : vector<100xf32>
      %reduce_sum3A_77 = vector.multi_reduction <add>, %mul3A_75, %reduce_sum3A_76 [0] : vector<64x100xf32> to vector<100xf32>
      %broadcast_in_dim3A_78 = vector.shape_cast %reduce_sum3A_77 : vector<100xf32> to vector<1x100xf32>
      %add3A_79 = vector.broadcast %broadcast_in_dim3A : vector<64x1xf32> to vector<64x100xf32>
      %add3A_80 = vector.broadcast %broadcast_in_dim3A_78 : vector<1x100xf32> to vector<64x100xf32>
      %add3A_81 = arith.addf %add3A_79, %add3A_80 : vector<64x100xf32>
      %dot_general3A_82 = arith.constant dense<0.000000e+00> : vector<64x100xf32>
      %dot_general3A_83 = tpu.matmul %div3A_17, %get3A_74, %dot_general3A_82 {dimension_numbers = #tpu.dot_dimension_numbers<[1], [0], [0], [1], [0, 0, 1, 1], [], []>, transpose_lhs_hint = false} : vector<64x64xf32>, vector<64x100xf32>, vector<64x100xf32> -> vector<64x100xf32>
      %mul3A_84 = arith.constant 2.000000e+00 : f32
      %mul3A_85 = vector.broadcast %mul3A_84 : f32 to vector<64x100xf32>
      %mul3A_86 = arith.mulf %mul3A_85, %dot_general3A_83 : vector<64x100xf32>
      %sub3A_87 = arith.subf %add3A_81, %mul3A_86 : vector<64x100xf32>
      %min3A_88 = arith.minimumf %min3A, %sub3A_87 : vector<64x100xf32>
      %get3A_89 = arith.constant 0 : index
      %get3A_90 = arith.constant 0 : index
      %get3A_91 = vector.load %arg13[%get3A_89, %get3A_90] : memref<1x1xf32, #tpu.memory_space<vmem>>, vector<1x1xf32>
      %get3A_92 = vector.extract %get3A_91[0, 0] : f32 from vector<1x1xf32>
      %neg3A = arith.constant 0.000000e+00 : f32
      %neg3A_93 = vector.broadcast %neg3A : f32 to vector<64x1xf32>
      %neg3A_94 = arith.subf %neg3A_93, %broadcast_in_dim3A_33 : vector<64x1xf32>
      %neg3A_95 = arith.constant 0.000000e+00 : f32
      %neg3A_96 = vector.broadcast %neg3A_95 : f32 to vector<64x100xf32>
      %neg3A_97 = arith.subf %neg3A_96, %min3A_88 : vector<64x100xf32>
      %concatenate3A = tpu.concatenate %neg3A_94, %neg3A_97 in 1 : vector<64x1xf32>, vector<64x100xf32> -> vector<64x101xf32>
      %div3A_98 = vector.broadcast %get3A_92 : f32 to vector<64x101xf32>
      %div3A_99 = arith.divf %concatenate3A, %div3A_98 : vector<64x101xf32>
      %swap3A = arith.constant 0 : index
      %swap3A_100 = arith.constant 0 : index
      %swap3A_101 = vector.load %arg14[%swap3A, %swap3A_100] : memref<64x101xf32, #tpu.memory_space<vmem>>, vector<64x101xf32>
      tpu.vector_store %arg14[%swap3A, %swap3A_100], %div3A_99 {strides = array<i32>} : memref<64x101xf32, #tpu.memory_space<vmem>>, vector<64x101xf32>,
    } else {
    }
    return
  }
  func.func @transform_0(%arg0: i32) -> (i32, i32) {
    %lt3A = arith.constant 25 : i32
    %lt3A_0 = arith.cmpi slt, %arg0, %lt3A : i32
    %jit3A = arith.constant 0 : i32
    %select_n3A = arith.select %lt3A_0, %arg0, %jit3A : i32
    %c0_i32 = arith.constant 0 : i32
    %c0_i32_1 = arith.constant 0 : i32
    return %select_n3A, %c0_i32 : i32, i32
  }
  func.func @transform_1(%arg0: i32) -> (i32, i32) {
    %lt3A = arith.constant 25 : i32
    %lt3A_0 = arith.cmpi slt, %arg0, %lt3A : i32
    %jit3A = arith.constant 0 : i32
    %select_n3A = arith.select %lt3A_0, %arg0, %jit3A : i32
    %add3A = arith.constant 26 : i32
    %add3A_1 = arith.addi %add3A, %select_n3A : i32
    %c0_i32 = arith.constant 0 : i32
    %c0_i32_2 = arith.constant 0 : i32
    return %add3A_1, %c0_i32 : i32, i32
  }
  func.func @transform_2(%arg0: i32) -> (i32, i32) {
    %lt3A = arith.constant 25 : i32
    %lt3A_0 = arith.cmpi slt, %arg0, %lt3A : i32
    %jit3A = arith.constant 0 : i32
    %select_n3A = arith.select %lt3A_0, %arg0, %jit3A : i32
    %c0_i32 = arith.constant 0 : i32
    %c0_i32_1 = arith.constant 0 : i32
    return %select_n3A, %c0_i32 : i32, i32
  }
  func.func @transform_3(%arg0: i32) -> (i32, i32) {
    %lt3A = arith.constant 25 : i32
    %lt3A_0 = arith.cmpi slt, %arg0, %lt3A : i32
    %jit3A = arith.constant 0 : i32
    %select_n3A = arith.select %lt3A_0, %arg0, %jit3A : i32
    %add3A = arith.constant 25 : i32
    %add3A_1 = arith.addi %add3A, %select_n3A : i32
    %c0_i32 = arith.constant 0 : i32
    %c0_i32_2 = arith.constant 0 : i32
    return %add3A_1, %c0_i32 : i32, i32
  }
  func.func @transform_4(%arg0: i32) -> (i32, i32) {
    %lt3A = arith.constant 25 : i32
    %lt3A_0 = arith.cmpi slt, %arg0, %lt3A : i32
    %jit3A = arith.constant 0 : i32
    %select_n3A = arith.select %lt3A_0, %arg0, %jit3A : i32
    %c0_i32 = arith.constant 0 : i32
    %c0_i32_1 = arith.constant 0 : i32
    return %select_n3A, %c0_i32 : i32, i32
  }
  func.func @transform_5(%arg0: i32) -> (i32, i32) {
    %lt3A = arith.constant 25 : i32
    %lt3A_0 = arith.cmpi slt, %arg0, %lt3A : i32
    %jit3A = arith.constant 0 : i32
    %select_n3A = arith.select %lt3A_0, %arg0, %jit3A : i32
    %add3A = arith.constant 26 : i32
    %add3A_1 = arith.addi %add3A, %select_n3A : i32
    %c0_i32 = arith.constant 0 : i32
    %c0_i32_2 = arith.constant 0 : i32
    return %add3A_1, %c0_i32 : i32, i32
  }
  func.func @transform_6(%arg0: i32) -> (i32, i32) {
    %c0_i32 = arith.constant 0 : i32
    %c0_i32_0 = arith.constant 0 : i32
    %c0_i32_1 = arith.constant 0 : i32
    return %c0_i32, %c0_i32_0 : i32, i32
  }
  func.func @transform_7(%arg0: i32) -> (i32, i32) {
    %c0_i32 = arith.constant 0 : i32
    %c0_i32_0 = arith.constant 0 : i32
    %c0_i32_1 = arith.constant 0 : i32
    return %c0_i32, %c0_i32_0 : i32, i32
  }
  func.func @transform_8(%arg0: i32) -> (i32, i32) {
    %c0_i32 = arith.constant 0 : i32
    %c0_i32_0 = arith.constant 0 : i32
    %c0_i32_1 = arith.constant 0 : i32
    return %c0_i32, %c0_i32_0 : i32, i32
  }
  func.func @transform_9(%arg0: i32) -> (i32, i32) {
    %lt3A = arith.constant 25 : i32
    %lt3A_0 = arith.cmpi slt, %arg0, %lt3A : i32
    %sub3A = arith.constant 25 : i32
    %sub3A_1 = arith.subi %arg0, %sub3A : i32
    %jit3A = arith.constant 0 : i32
    %select_n3A = arith.select %lt3A_0, %jit3A, %sub3A_1 : i32
    %c0_i32 = arith.constant 0 : i32
    %c0_i32_2 = arith.constant 0 : i32
    return %select_n3A, %c0_i32 : i32, i32
  }
  func.func @transform_10(%arg0: i32) -> (i32, i32) {
    %c0_i32 = arith.constant 0 : i32
    %c0_i32_0 = arith.constant 0 : i32
    %c0_i32_1 = arith.constant 0 : i32
    return %c0_i32, %c0_i32_0 : i32, i32
  }
  func.func @transform_11(%arg0: i32) -> (i32, i32, i32) {
    %c0_i32 = arith.constant 0 : i32
    %c0_i32_0 = arith.constant 0 : i32
    %c0_i32_1 = arith.constant 0 : i32
    %c0_i32_2 = arith.constant 0 : i32
    return %c0_i32, %c0_i32_0, %c0_i32_1 : i32, i32, i32
  }
  func.func @transform_12(%arg0: i32) -> (i32, i32) {
    %c0_i32 = arith.constant 0 : i32
    %c0_i32_0 = arith.constant 0 : i32
    %c0_i32_1 = arith.constant 0 : i32
    return %c0_i32, %c0_i32_0 : i32, i32
  }
  func.func @transform_13(%arg0: i32) -> (i32, i32) {
    %c0_i32 = arith.constant 0 : i32
    %c0_i32_0 = arith.constant 0 : i32
    %c0_i32_1 = arith.constant 0 : i32
    return %c0_i32, %c0_i32_0 : i32, i32
  }
}

</mosaic_0001>

<sc_bundles>
// kernel: kernel.10.cloned.1.call-start
scs
__scs_entry_jumppad:
0x0: {  	(pc) =	sbr.rel $0x88, $3  }
0x1: {  	(tag) =	ssettag $0x0;
	lr =	simm.s32 $0x1  }
0x2: {  	[smem:$0x3F8F] =	sst lr;
	_ =	strace $0xD0000000  }
0x3: {  	_ = 	snop  }
0x4: {  	_ = 	snop  }
0x5: {  	_ = 	snop  }
0x6: {  	_ = 	snop  }
0x7: {  	_ = 	snop  }
__scs_overlays_trampoline_lowered:
0x8: {  	[smem:$0x3F9E] =	sst s0  }
0x9: {  	[smem:$0x3F9F] =	sst s1  }
0xa: {  	[smem:$0x3FA0] =	sst s2  }
0xb: {  	[smem:$0x3FA1] =	sst s3  }
0xc: {  	[smem:$0x3FA2] =	sst s4  }
0xd: {  	[smem:$0x3FA3] =	sst s5  }
0xe: {  	[smem:$0x3FA4] =	sst s6  }
0xf: {  	[smem:$0x3FA5] =	sst s7  }
0x10: {  	[smem:$0x3FA6] =	sst s8  }
0x11: {  	[smem:$0x3FA7] =	sst s9;
	s0 =	simm.s32 @!p0 $0x0  }
0x12: {  	s1 =	sld [smem:$0x3F8D];
	s0 =	simm.s32 @p0 $0x1  }
0x13: {  	[smem:$0x3FA8] =	sst s0;
	s0 =	simm.s32 @!p1 $0x0  }
0x14: {  	s2 =	sld [smem:$0x3F8C];
	s0 =	simm.s32 @p1 $0x1  }
0x15: {  	[smem:$0x3FA9] =	sst s0;
	s0 =	simm.s32 @!p2 $0x0  }
0x16: {  	s3 =	sld [smem:$0x3FDB];
	s0 =	simm.s32 @p2 $0x1  }
0x17: {  	s4 =	simm.s32 $0x1BF5;
	[smem:$0x3FAB] =	sst s0  }
0x18: {  	s0 =	sld [smem:$0x3F8E];
	_ =	swait.ge [sflag:s4], $0x0  }
0x19: {  	s7 =	sld [smem:$0x3F8F]  }
0x1a: {  	s8 =	sadd.s32 $0xFFFFE003, lr  }
0x1b: {  	s9 =	sadd.s32 $0xFFFFFEF7, lr;
	s5 =	simm.s32 $0xFFFFFFFF;
	p2 =	slt.u32 s8, $0xFFFFF086  }
0x1c: {  	p1 =	slt.u32 s9, $0xF7A;
	s5 =	simm.s32 @!p2 $0x0  }
0x1d: {  	s5 =	simm.s32 @p1 $0x1;
	p0 =	seq.s32 s7, s2  }
0x1e: {  	s7 =	smul.u32 @!p0 $0xF7A, s2;
	p2 =	seq.s32 @!p0 s5, $0x0  }
0x1f: {  	s9 =	smul.u32 $0xF7A, s1;
	s8 =	simm.s32 @!p0 $0x1BF5;
	p2 =	por !p2, p0  }
0x20: {  	[sflag:s8] =	ssyncset.s32 @!p0 $0xFFFFF086;
	s6 =	sadd.s32 @!p0 s3, s7;
	s7 =	simm.s32 @!p0 $0x108  }
0x21: {  	s3 =	sadd.s32 s3, s9;
	s6 =	sadd.s32 @!p0 $0x88, s6;
	s7 =	simm.s32 @p2 $0x1082  }
0x22: {  	[simem:s7], [sflag:s8] =	dma.local @!p0 [hbm:s6], $0xF7A  }
0x23: {  	s9 =	sor.u32 $0xD0000000, s2;
	s6 =	simm.s32 $0x108;
	_ =	swait.ge @!p0 [sflag:s8], $0x0  }
0x24: {  	s3 =	sadd.s32 $0x88, s3;
	s6 =	simm.s32 @!p1 $0x1082;
	[sflag:s4] =	ssyncset.s32 $0xFFFFF086  }
0x25: {  	[simem:s6], [sflag:s4] =	dma.local [hbm:s3], $0xF7A  }
0x26: {  	[smem:$0x3F8F] =	sst s1;
	(tag) =	ssettag s2;
	_ =	strace s9  }
0x27: {  	s1 =	sld [smem:$0x3F9F]  }
0x28: {  	s2 =	sld [smem:$0x3FA0]  }
0x29: {  	s4 =	sld [smem:$0x3FA2]  }
0x2a: {  	p0 =	seq.s32 s5, $0x0;
	s5 =	sld [smem:$0x3FA3]  }
0x2b: {  	s6 =	sld [smem:$0x3FA4]  }
0x2c: {  	s7 =	sld [smem:$0x3FA5]  }
0x2d: {  	s3 =	simm.s32 $0x108;
	s8 =	sld [smem:$0x3FA6]  }
0x2e: {  	s3 =	simm.s32 @!p0 $0x1082;
	s9 =	sld [smem:$0x3FA7]  }
0x2f: {  	lr =	sadd.s32 s0, s3;
	s0 =	sld [smem:$0x3F9E]  }
0x30: {  	s3 =	sld [smem:$0x3FA1]  }
0x31: {  	[smem:$0x3FAA] =	sst s10  }
0x32: {  	s10 =	sld [smem:$0x3FA8];
	_ =	sdelay $0x3  }
0x33: {  	p0 =	seq.s32 s10, $0x1;
	s10 =	sld [smem:$0x3FAA];
	_ =	sdelay $0x3  }
0x34: {  	[smem:$0x3FAA] =	sst s10  }
0x35: {  	s10 =	sld [smem:$0x3FA9];
	_ =	sdelay $0x3  }
0x36: {  	p1 =	seq.s32 s10, $0x1;
	s10 =	sld [smem:$0x3FAA];
	_ =	sdelay $0x3  }
0x37: {  	[smem:$0x3FAA] =	sst s10  }
0x38: {  	s10 =	sld [smem:$0x3FAB]  }
0x39: {  	_ = 	snop;
	(pc) =	sbr.ind lr, $3  }
0x3a: {  	_ = 	snop  }
0x3b: {  	_ = 	snop  }
0x3c: {  	p2 =	seq.s32 s10, $0x1;
	s10 =	sld [smem:$0x3FAA]  }
0x3d: {  	_ =	shalt  }
0x3e: {  	_ =	shalt  }
0x3f: {  	_ =	shalt  }
0x40: {  	_ =	shalt  }
0x41: {  	_ =	shalt  }
0x42: {  	_ =	shalt  }
0x43: {  	_ =	shalt  }
0x44: {  	_ =	shalt  }
0x45: {  	_ =	shalt  }
0x46: {  	_ =	shalt  }
0x47: {  	_ =	shalt  }
0x48: {  	_ =	shalt  }
0x49: {  	_ =	shalt  }
0x4a: {  	_ =	shalt  }
0x4b: {  	_ =	shalt  }
0x4c: {  	_ =	shalt  }
0x4d: {  	_ =	shalt  }
0x4e: {  	_ =	shalt  }
0x4f: {  	_ =	shalt  }
0x50: {  	_ =	shalt  }
0x51: {  	_ =	shalt  }
0x52: {  	_ =	shalt  }
0x53: {  	_ =	shalt  }
0x54: {  	_ =	shalt  }
0x55: {  	_ =	shalt  }
0x56: {  	_ =	shalt  }
0x57: {  	_ =	shalt  }
0x58: {  	_ =	shalt  }
0x59: {  	_ =	shalt  }
0x5a: {  	_ =	shalt  }
0x5b: {  	_ =	shalt  }
0x5c: {  	_ =	shalt  }
0x5d: {  	_ =	shalt  }
0x5e: {  	_ =	shalt  }
0x5f: {  	_ =	shalt  }
0x60: {  	_ =	shalt  }
0x61: {  	_ =	shalt  }
0x62: {  	_ =	shalt  }
0x63: {  	_ =	shalt  }
0x64: {  	_ =	shalt  }
0x65: {  	_ =	shalt  }
0x66: {  	_ =	shalt  }
0x67: {  	_ =	shalt  }
0x68: {  	_ =	shalt  }
0x69: {  	_ =	shalt  }
0x6a: {  	_ =	shalt  }
0x6b: {  	_ =	shalt  }
0x6c: {  	_ =	shalt  }
0x6d: {  	_ =	shalt  }
0x6e: {  	_ =	shalt  }
0x6f: {  	_ =	shalt  }
0x70: {  	_ =	shalt  }
0x71: {  	_ =	shalt  }
0x72: {  	_ =	shalt  }
0x73: {  	_ =	shalt  }
0x74: {  	_ =	shalt  }
0x75: {  	_ =	shalt  }
0x76: {  	_ =	shalt  }
0x77: {  	_ =	shalt  }
0x78: {  	_ =	shalt  }
0x79: {  	_ =	shalt  }
0x7a: {  	_ =	shalt  }
0x7b: {  	_ =	shalt  }
0x7c: {  	_ =	shalt  }
0x7d: {  	_ =	shalt  }
0x7e: {  	_ =	shalt  }
0x7f: {  	_ =	shalt  }
0x80: {  	_ =	shalt  }
0x81: {  	_ =	shalt  }
0x82: {  	_ =	shalt  }
0x83: {  	_ =	shalt  }
0x84: {  	_ =	shalt  }
0x85: {  	_ =	shalt  }
0x86: {  	_ =	shalt  }
0x87: {  	_ =	shalt  }
.Lfunc_end0:
.L_simem_size_0:
called_computation_lowered:
.L_overlay_start_0:
0x88: {  	s2 =	sld [smem:$0x3FD9]  }
0x89: {  	s3 =	sld [smem:$0x3FFE];
	_ =	sdelay $0x1  }
0x8a: {  	s1 =	srdreg.scid  }
0x8b: {  	s0 =	sand.u32 $0x1, s1  }
0x8c: {  	s16 =	sshll.u32 s0, $0xA;
	s2 =	sadd.s32 s3, s2  }
0x8d: {  	s2 =	sadd.s32 s2, s16  }
0x8e: {  	[smem:$0x3FB6] =	sst s2  }
0x8f: {  	_ = 	snop  }
0x90: {  	(tm) =	ssettm $0x1  }
0x91: {  	s17 =	sld [smem:$0x3FFB];
	_ =	sdelay $0x3  }
0x92: {  	_ =	strace s17  }
0x93: {  	s2 =	sld [smem:$0x3FFC];
	_ =	sdelay $0x3  }
0x94: {  	_ =	strace s2  }
0x95: {  	s2 =	sld [smem:$0x3FFD];
	_ =	sdelay $0x3  }
0x96: {  	_ =	strace s2  }
0x97: {  	_ =	strace $0x8FFFFFFF  }
0x98: {  	s18 =	sld [smem:$0x3FDB];
	_ =	sdelay $0x1  }
0x99: {  	s19 =	simm.s32 $_scs_section_size  }
0x9a: {  	s4 =	simm.s32 $_size__tile_overlayer_lowered;
	s5 =	simm.s32 $_tile_overlayer_lowered  }
0x9b: {  	s22 =	simm.s32 $0x1BFF;
	s21 =	sshll.u32 s5, $0x1;
	s2 =	sadd.s32 s19, s18  }
0x9c: {  	s6 =	simm.s32 $0x0;
	s20 =	sshll.u32 s4, $0x1;
	s4 =	sadd.s32 s21, s2  }
0x9d: {  	[timem:s6], [sflag:s22] =	dma.local [hbm:s4], s20  }
0x9e: {  	_ =	swait.ge [sflag:s22], s20  }
0x9f: {  	s3 =	ssub.s32 $0x0, s20;
	[sflag:s22] =	ssyncset.done $0x0  }
0xa0: {  	[sflag:s22] =	ssyncadd.s32 s3;
	_ =	sdelay $0x1  }
0xa1: {  	s23 =	simm.s32 $0x1B8B  }
0xa2: {  	_ =	swait.ge [sflag:s23], $0x1  }
0xa3: {  	[sflag:s23] =	ssyncset.done $0x0  }
0xa4: {  	s25 =	simm.s32 $0x1B8E;
	s24 =	sld [smem:$0x3FFE];
	[sflag:s23] =	ssyncadd.s32 $0xFFFFFFFF  }
0xa5: {  	s26 =	simm.s32 $execute0_lowered;
	[smem:$0x3FD2] =	sst s25  }
0xa6: {  	s4 =	sshll.u32 s26, $0x1;
	_ =	strace $0x80000046;
	[dreg:$0x1] =	wrdreg $0xFFFFFFFF  }
0xa7: {  	s28 =	simm.s32 $_size_execute0_lowered;
	s2 =	sadd.s32 s2, s4;
	[dreg:$0x0] =	wrdreg $0x0  }
0xa8: {  	s4 =	sshll.u32 s28, $0x1;
	[dreg:$0x2] =	wrdreg s2  }
0xa9: {  	[dreg:$0x3] =	wrdreg s4  }
0xaa: {  	[dreg:$0x4] =	wrdreg $0xC0  }
0xab: {  	_ =	task [dreg:s6], $0x5FFFF  }
0xac: {  	[dreg:$0x1] =	wrdreg $0xFFFFFFFF  }
0xad: {  	[dreg:$0x0] =	wrdreg $0x60  }
0xae: {  	[dreg:$0x2] =	wrdreg s24  }
0xaf: {  	[dreg:$0x3] =	wrdreg $0x24000  }
0xb0: {  	[dreg:$0x4] =	wrdreg $0x9  }
0xb1: {  	_ =	task.clear_ibuf [dreg:s6], $0x5FFFF;
	_ =	strace $0x90000046  }
0xb2: {  	s29 =	simm.s32 $0x9;
	_ =	strace $0x80000048  }
0xb3: {  	_ =	swait.ge [sflag:s29], $0x1  }
0xb4: {  	[sflag:s29] =	ssyncadd.s32 $0xFFFFFFFF  }
0xb5: {  	_ =	strace $0x90000048  }
0xb6: {  	_ =	sfence  }
0xb7: {  	s30 =	sld [smem:$0x0];
	_ =	sdelay $0x2  }
0xb8: {  	s31 =	sshll.u32 s1, $0xD;
	s1 =	sshrl.u32 s1, $0x2  }
0xb9: {  	s3 =	sand.u32 $0x4000, s31;
	s1 =	sadd.s32 s1, s30  }
0xba: {  	s0 =	sor.u32 s3, s0;
	s1 =	sshll.u32 s1, $0x11  }
0xbb: {  	s0 =	sor.u32 s1, s0  }
0xbc: {  	s0 =	sadd.s32 $0x8F2B, s0  }
0xbd: {  	[sflag:s0] =	ssyncadd.remote.s32 $0x1  }
0xbe: {  	_ =	sfence.sel $0xFFFF  }
0xbf: {  	[dreg:$0x0] =	wrdreg $0xFFFFFFFF;
	(pc) =	sbr.abs _section_cstart, $3  }
0xc0: {  	[dreg:$0x1] =	wrdreg $0xFFFFFFFF  }
0xc1: {  	_ =	task.clear_ibuf [dreg:s6], $0x2FFFF;
	_ =	strace $0x9FFFFFFF  }
0xc2: {  	(tm) =	ssettm $0x7FFFFFFF  }
0xc3: {  	_ =	shalt  }
tec
execute0_lowered:
.L_overlay_start_1:
0x0: {  	(tag) =	ssettag $0x1  }
0x1: {  	s0 =	srdreg.scid;
	s5 =	rddreg [dreg:$0x0]  }
0x2: {  	s2 =	rddreg [dreg:$0x1];
	s3 =	simm.s32 $0x0;
	s13 =	simm.s32 $0x200  }
0x3: {  	s14 =	simm.s32 $0x80;
	s15 =	simm.s32 $0x400;
	s16 =	simm.s32 $0x100  }
0x4: {  	s17 =	simm.s32 $0x180;
	s18 =	simm.s32 $0x1;
	s19 =	simm.s32 $0x2  }
0x5: {  	s20 =	simm.s32 $0x3;
	s21 =	simm.s32 $0x4;
	s22 =	simm.s32 $0x280  }
0x6: {  	s23 =	simm.s32 $0x300;
	s4 =	sand.u32 $0x1, s0;
	s0 =	stileid.u32  }
0x7: {  	s24 =	simm.s32 $0x380;
	s25 =	simm.s32 $0x0;
	s8 =	smul.u32 $0x68000, s0  }
0x8: {  	[smem:$0x7FF] =	sst s3;
	s1 =	sshll.u32 s4, $0x4;
	s9 =	smul.u32 $0xC80, s4  }
0x9: {  	s10 =	sadd.s32 $0x3E00, s5;
	s11 =	smul.u32 $0xC8, s0;
	s6 =	sor.u32 s0, s1  }
0xa: {  	s4 =	ssub.s32 $0x2, s4;
	s1 =	rddreg [dreg:$0x2];
	s7 =	smul.u32 $0x3400, s6  }
0xb: {  	_ =	strace $0x80000047;
	s29 =	sshrl.u32 s4, $0x1;
	s6 =	smul.u32 $0xC80, s6  }
0xc: {  	s12 =	ssub.s32 s4, s29;
	s30 =	sshrl.u32 s8, $0x2;
	s31 =	sadd.s32 s11, s9  }
0xd: {  	s11 =	simm.s32 $0x1400;
	s4 =	sadd.s32 s30, s2;
	s8 =	sshll.u32 s31, $0x4  }
0xe: {  	s7 =	sadd.s32 s7, s5;
	s5 =	sadd.s32 s10, s6;
	s10 =	sadd.s32 s8, s10  }
0xf: {  	s6 =	sadd.s32 $0x1CE00, s7;
	s7 =	smax.u32 s12, $0x1;
	s8 =	sadd.s32 $0xC40, s5  }
0x10: {  	v0 =	vimm.f32 $0.0e+00;
	v1 =	vimm.f32 $1.000000000e+00;
	s9 =	sadd.s32 $0x80, s10;
	s10 =	sadd.s32 $0x40, s10;
	s12 =	simm.s32 $0x5  }
.LBB2_1:
0x11: {  	s26 =	simm.s32 $0x0  }
.LBB2_2:
0x12: {  	p0 =	sne.s32 s26, $0x3F80  }
.Ltmp0:
0x13: {  	s28 =	sshra.s32 s26, $0x2;
	(pc) =	sbr.rel @p0 .LBB2_2-.Ltmp0, $4  }
0x14: {  	[tilespmem:s28+$0x1400] =	vst v0  }
0x15: {  	[tilespmem:s28+$0x1410] =	vst v0  }
0x16: {  	[tilespmem:s28+$0x400] =	vst v1  }
0x17: {  	s26 =	sadd.s32 $0x80, s26;
	[tilespmem:s28+$0x410] =	vst v1  }
0x18: {  	s26 =	sadd.s32 $0x0, s4  }
0x19: {  	[spmem:s26] =	stream.linear.scatter [tilespmem:s11], [sflag:$0x5], $0x1000, $0x38;
	[tilespmem:$0x1C400] =	vst v63  }
0x1a: {  	s26 =	simm.s32 $0x4000;
	_ =	swait.ge [sflag:s12], $0x1000  }
.LBB2_4:
0x1b: {  	s28 =	sshra.s32 s26, $0x2;
	[sflag:s12] =	ssyncset.done $0x0;
	p0 =	sne.s32 s26, $0x64000  }
.Ltmp1:
0x1c: {  	s28 =	sadd.s32 s28, s4;
	[sflag:s12] =	ssyncadd.s32 $0xFFFFF000;
	(pc) =	sbr.rel @p0 .LBB2_4-.Ltmp1, $3  }
0x1d: {  	[spmem:s28] =	stream.linear.scatter [tilespmem:s11], [sflag:$0x5], $0x1000, $0x38;
	[tilespmem:$0x1C400] =	vst v63  }
0x1e: {  	s26 =	sadd.s32 $0x4000, s26;
	_ =	sdelay $0x1  }
0x1f: {  	_ =	swait.ge [sflag:s12], $0x1000  }
0x20: {  	[sflag:s12] =	ssyncset.done $0x0  }
0x21: {  	[sflag:s12] =	ssyncadd.s32 $0xFFFFF000  }
0x22: {  	s26 =	simm.s32 $0x0;
	[bflag:$0x0] =	sbarrier.arrive $0xFFFF  }
0x23: {  	[tilespmem:s26], [sflag:$0x5] =	stream.linear.gather [hbm4b:s5+s26], $0x200, $0x38;
	[tilespmem:$0x1C400] =	vst v63  }
0x24: {  	_ =	swait.ge [sflag:s12], $0x200  }
0x25: {  	[sflag:s12] =	ssyncset.done $0x0  }
0x26: {  	s30 =	sadd.s32 $0x0, s10;
	[sflag:s12] =	ssyncadd.s32 $0xFFFFFE00  }
0x27: {  	[tilespmem:s13], [sflag:$0x5] =	stream.linear.gather [hbm4b:s30+s3], $0x200, $0x38;
	[tilespmem:$0x1C400] =	vst v63  }
0x28: {  	_ =	swait.ge [sflag:s12], $0x200  }
0x29: {  	[sflag:s12] =	ssyncset.done $0x0  }
0x2a: {  	[sflag:s12] =	ssyncadd.s32 $0xFFFFFE00  }
0x2b: {  	[spmem:s2] =	stream.indirect.scatter.add.f32 [tilespmem:s15], [sflag:$0x1], $0x20, s3, s14, $0xb8;
	[tilespmem:$0x1C400] =	vst v63  }
0x2c: {  	_ = 	snop  }
0x2d: {  	[spmem:s2] =	stream.indirect.scatter.add.f32 [tilespmem:s15], [sflag:$0x2], $0x20, s14, s14, $0xb8;
	[tilespmem:$0x1C400] =	vst v63  }
0x2e: {  	_ = 	snop  }
0x2f: {  	[spmem:s2] =	stream.indirect.scatter.add.f32 [tilespmem:s15], [sflag:$0x3], $0x20, s16, s14, $0xb8;
	[tilespmem:$0x1C400] =	vst v63  }
0x30: {  	_ = 	snop  }
0x31: {  	[spmem:s2] =	stream.indirect.scatter.add.f32 [tilespmem:s15], [sflag:$0x4], $0x20, s17, s14, $0xb8;
	[tilespmem:$0x1C400] =	vst v63  }
0x32: {  	_ =	swait.ge [sflag:s18], $0x1000  }
0x33: {  	[sflag:s18] =	ssyncset.done $0x0  }
0x34: {  	[sflag:s18] =	ssyncadd.s32 $0xFFFFF000  }
0x35: {  	_ =	swait.ge [sflag:s19], $0x1000  }
0x36: {  	[sflag:s19] =	ssyncset.done $0x0  }
0x37: {  	[sflag:s19] =	ssyncadd.s32 $0xFFFFF000  }
0x38: {  	_ =	swait.ge [sflag:s20], $0x1000  }
0x39: {  	[sflag:s20] =	ssyncset.done $0x0  }
0x3a: {  	[sflag:s20] =	ssyncadd.s32 $0xFFFFF000  }
0x3b: {  	_ =	swait.ge [sflag:s21], $0x1000  }
0x3c: {  	[sflag:s21] =	ssyncset.done $0x0  }
0x3d: {  	s31 =	sadd.s32 $0x0, s9;
	[sflag:s21] =	ssyncadd.s32 $0xFFFFF000  }
0x3e: {  	[tilespmem:s3], [sflag:$0x5] =	stream.linear.gather [hbm4b:s31+s3], $0x200, $0x38;
	[tilespmem:$0x1C400] =	vst v63  }
0x3f: {  	_ =	swait.ge [sflag:s12], $0x200  }
0x40: {  	[sflag:s12] =	ssyncset.done $0x0  }
0x41: {  	[sflag:s12] =	ssyncadd.s32 $0xFFFFFE00  }
0x42: {  	[spmem:s2] =	stream.indirect.scatter.add.f32 [tilespmem:s15], [sflag:$0x1], $0x20, s13, s14, $0xb8;
	[tilespmem:$0x1C400] =	vst v63  }
0x43: {  	_ = 	snop  }
0x44: {  	[spmem:s2] =	stream.indirect.scatter.add.f32 [tilespmem:s15], [sflag:$0x2], $0x20, s22, s14, $0xb8;
	[tilespmem:$0x1C400] =	vst v63  }
0x45: {  	_ = 	snop  }
0x46: {  	[spmem:s2] =	stream.indirect.scatter.add.f32 [tilespmem:s15], [sflag:$0x3], $0x20, s23, s14, $0xb8;
	[tilespmem:$0x1C400] =	vst v63  }
0x47: {  	_ = 	snop  }
0x48: {  	[spmem:s2] =	stream.indirect.scatter.add.f32 [tilespmem:s15], [sflag:$0x4], $0x20, s24, s14, $0xb8;
	[tilespmem:$0x1C400] =	vst v63  }
0x49: {  	_ =	swait.ge [sflag:s18], $0x1000  }
0x4a: {  	[sflag:s18] =	ssyncset.done $0x0  }
0x4b: {  	[sflag:s18] =	ssyncadd.s32 $0xFFFFF000  }
0x4c: {  	_ =	swait.ge [sflag:s19], $0x1000  }
0x4d: {  	[sflag:s19] =	ssyncset.done $0x0  }
0x4e: {  	[sflag:s19] =	ssyncadd.s32 $0xFFFFF000  }
0x4f: {  	_ =	swait.ge [sflag:s20], $0x1000  }
0x50: {  	[sflag:s20] =	ssyncset.done $0x0  }
0x51: {  	[sflag:s20] =	ssyncadd.s32 $0xFFFFF000  }
0x52: {  	_ =	swait.ge [sflag:s21], $0x1000  }
0x53: {  	s29 =	simm.s32 $0x100;
	s26 =	simm.s32 $0x80;
	[sflag:s21] =	ssyncset.done $0x0  }
.LBB2_6:
0x54: {  	s30 =	sadd.s32 s26, s10  }
0x55: {  	[sflag:s21] =	ssyncadd.s32 $0xFFFFF000;
	s31 =	smov.u32 s29;
	s28 =	sadd.s32 $0x80, s29  }
0x56: {  	[tilespmem:s13], [sflag:$0x5] =	stream.linear.gather [hbm4b:s30+s3], $0x200, $0x38;
	[tilespmem:$0x1C400] =	vst v63  }
0x57: {  	p0 =	sne.s32 s29, $0xB80;
	_ =	swait.ge [sflag:s12], $0x200  }
0x58: {  	[sflag:s12] =	ssyncset.done $0x0  }
0x59: {  	[sflag:s12] =	ssyncadd.s32 $0xFFFFFE00  }
0x5a: {  	[spmem:s2] =	stream.indirect.scatter.add.f32 [tilespmem:s15], [sflag:$0x1], $0x20, s3, s14, $0xb8;
	[tilespmem:$0x1C400] =	vst v63  }
0x5b: {  	_ = 	snop  }
0x5c: {  	[spmem:s2] =	stream.indirect.scatter.add.f32 [tilespmem:s15], [sflag:$0x2], $0x20, s14, s14, $0xb8;
	[tilespmem:$0x1C400] =	vst v63  }
0x5d: {  	_ = 	snop  }
0x5e: {  	[spmem:s2] =	stream.indirect.scatter.add.f32 [tilespmem:s15], [sflag:$0x3], $0x20, s16, s14, $0xb8;
	[tilespmem:$0x1C400] =	vst v63  }
0x5f: {  	_ = 	snop  }
0x60: {  	[spmem:s2] =	stream.indirect.scatter.add.f32 [tilespmem:s15], [sflag:$0x4], $0x20, s17, s14, $0xb8;
	[tilespmem:$0x1C400] =	vst v63  }
0x61: {  	_ =	swait.ge [sflag:s18], $0x1000  }
0x62: {  	[sflag:s18] =	ssyncset.done $0x0  }
0x63: {  	[sflag:s18] =	ssyncadd.s32 $0xFFFFF000  }
0x64: {  	_ =	swait.ge [sflag:s19], $0x1000  }
0x65: {  	[sflag:s19] =	ssyncset.done $0x0  }
0x66: {  	[sflag:s19] =	ssyncadd.s32 $0xFFFFF000  }
0x67: {  	_ =	swait.ge [sflag:s20], $0x1000  }
0x68: {  	[sflag:s20] =	ssyncset.done $0x0  }
0x69: {  	[sflag:s20] =	ssyncadd.s32 $0xFFFFF000  }
0x6a: {  	_ =	swait.ge [sflag:s21], $0x1000  }
0x6b: {  	[sflag:s21] =	ssyncset.done $0x0  }
0x6c: {  	s29 =	sadd.s32 s26, s9;
	s26 =	smov.u32 s31;
	[sflag:s21] =	ssyncadd.s32 $0xFFFFF000  }
0x6d: {  	[tilespmem:s3], [sflag:$0x5] =	stream.linear.gather [hbm4b:s29+s3], $0x200, $0x38;
	[tilespmem:$0x1C400] =	vst v63  }
0x6e: {  	_ =	swait.ge [sflag:s12], $0x200  }
0x6f: {  	[sflag:s12] =	ssyncset.done $0x0  }
0x70: {  	[sflag:s12] =	ssyncadd.s32 $0xFFFFFE00  }
0x71: {  	[spmem:s2] =	stream.indirect.scatter.add.f32 [tilespmem:s15], [sflag:$0x1], $0x20, s13, s14, $0xb8;
	[tilespmem:$0x1C400] =	vst v63  }
0x72: {  	_ = 	snop  }
0x73: {  	[spmem:s2] =	stream.indirect.scatter.add.f32 [tilespmem:s15], [sflag:$0x2], $0x20, s22, s14, $0xb8;
	[tilespmem:$0x1C400] =	vst v63  }
0x74: {  	_ = 	snop  }
0x75: {  	[spmem:s2] =	stream.indirect.scatter.add.f32 [tilespmem:s15], [sflag:$0x3], $0x20, s23, s14, $0xb8;
	[tilespmem:$0x1C400] =	vst v63  }
0x76: {  	_ = 	snop  }
0x77: {  	[spmem:s2] =	stream.indirect.scatter.add.f32 [tilespmem:s15], [sflag:$0x4], $0x20, s24, s14, $0xb8;
	[tilespmem:$0x1C400] =	vst v63  }
0x78: {  	_ =	swait.ge [sflag:s18], $0x1000  }
0x79: {  	[sflag:s18] =	ssyncset.done $0x0  }
0x7a: {  	[sflag:s18] =	ssyncadd.s32 $0xFFFFF000  }
0x7b: {  	_ =	swait.ge [sflag:s19], $0x1000  }
0x7c: {  	[sflag:s19] =	ssyncset.done $0x0  }
0x7d: {  	[sflag:s19] =	ssyncadd.s32 $0xFFFFF000  }
.Ltmp2:
0x7e: {  	_ =	swait.ge [sflag:s20], $0x1000;
	(pc) =	sbr.rel @p0 .LBB2_6-.Ltmp2, $4  }
0x7f: {  	[sflag:s20] =	ssyncset.done $0x0  }
0x80: {  	[sflag:s20] =	ssyncadd.s32 $0xFFFFF000  }
0x81: {  	_ =	swait.ge [sflag:s21], $0x1000  }
0x82: {  	s29 =	smov.u32 s28;
	[sflag:s21] =	ssyncset.done $0x0  }
0x83: {  	s28 =	sadd.s32 s26, s10;
	[sflag:s21] =	ssyncadd.s32 $0xFFFFF000  }
0x84: {  	[tilespmem:s13], [sflag:$0x5] =	stream.linear.gather [hbm4b:s28+s3], $0x200, $0x38;
	[tilespmem:$0x1C400] =	vst v63  }
0x85: {  	_ =	swait.ge [sflag:s12], $0x200  }
0x86: {  	[sflag:s12] =	ssyncset.done $0x0  }
0x87: {  	[sflag:s12] =	ssyncadd.s32 $0xFFFFFE00  }
0x88: {  	[spmem:s2] =	stream.indirect.scatter.add.f32 [tilespmem:s15], [sflag:$0x1], $0x20, s3, s14, $0xb8;
	[tilespmem:$0x1C400] =	vst v63  }
0x89: {  	_ = 	snop  }
0x8a: {  	[spmem:s2] =	stream.indirect.scatter.add.f32 [tilespmem:s15], [sflag:$0x2], $0x20, s14, s14, $0xb8;
	[tilespmem:$0x1C400] =	vst v63  }
0x8b: {  	_ = 	snop  }
0x8c: {  	[spmem:s2] =	stream.indirect.scatter.add.f32 [tilespmem:s15], [sflag:$0x3], $0x20, s16, s14, $0xb8;
	[tilespmem:$0x1C400] =	vst v63  }
0x8d: {  	_ = 	snop  }
0x8e: {  	[spmem:s2] =	stream.indirect.scatter.add.f32 [tilespmem:s15], [sflag:$0x4], $0x20, s17, s14, $0xb8;
	[tilespmem:$0x1C400] =	vst v63  }
0x8f: {  	_ =	swait.ge [sflag:s18], $0x1000  }
0x90: {  	[sflag:s18] =	ssyncset.done $0x0  }
0x91: {  	[sflag:s18] =	ssyncadd.s32 $0xFFFFF000  }
0x92: {  	_ =	swait.ge [sflag:s19], $0x1000  }
0x93: {  	[sflag:s19] =	ssyncset.done $0x0  }
0x94: {  	[sflag:s19] =	ssyncadd.s32 $0xFFFFF000  }
0x95: {  	_ =	swait.ge [sflag:s20], $0x1000  }
0x96: {  	[sflag:s20] =	ssyncset.done $0x0  }
0x97: {  	[sflag:s20] =	ssyncadd.s32 $0xFFFFF000  }
0x98: {  	_ =	swait.ge [sflag:s21], $0x1000  }
0x99: {  	[sflag:s21] =	ssyncset.done $0x0  }
0x9a: {  	s29 =	sadd.s32 s26, s9;
	[sflag:s21] =	ssyncadd.s32 $0xFFFFF000  }
0x9b: {  	[tilespmem:s3], [sflag:$0x5] =	stream.linear.gather [hbm4b:s29+s3], $0x200, $0x38;
	[tilespmem:$0x1C400] =	vst v63  }
0x9c: {  	_ =	swait.ge [sflag:s12], $0x200  }
0x9d: {  	[sflag:s12] =	ssyncset.done $0x0  }
0x9e: {  	[sflag:s12] =	ssyncadd.s32 $0xFFFFFE00  }
0x9f: {  	[spmem:s2] =	stream.indirect.scatter.add.f32 [tilespmem:s15], [sflag:$0x1], $0x20, s13, s14, $0xb8;
	[tilespmem:$0x1C400] =	vst v63  }
0xa0: {  	_ = 	snop  }
0xa1: {  	[spmem:s2] =	stream.indirect.scatter.add.f32 [tilespmem:s15], [sflag:$0x2], $0x20, s22, s14, $0xb8;
	[tilespmem:$0x1C400] =	vst v63  }
0xa2: {  	_ = 	snop  }
0xa3: {  	[spmem:s2] =	stream.indirect.scatter.add.f32 [tilespmem:s15], [sflag:$0x3], $0x20, s23, s14, $0xb8;
	[tilespmem:$0x1C400] =	vst v63  }
0xa4: {  	_ = 	snop  }
0xa5: {  	[spmem:s2] =	stream.indirect.scatter.add.f32 [tilespmem:s15], [sflag:$0x4], $0x20, s24, s14, $0xb8;
	[tilespmem:$0x1C400] =	vst v63  }
0xa6: {  	_ =	swait.ge [sflag:s18], $0x1000  }
0xa7: {  	[sflag:s18] =	ssyncset.done $0x0  }
0xa8: {  	[sflag:s18] =	ssyncadd.s32 $0xFFFFF000  }
0xa9: {  	_ =	swait.ge [sflag:s19], $0x1000  }
0xaa: {  	[sflag:s19] =	ssyncset.done $0x0  }
0xab: {  	[sflag:s19] =	ssyncadd.s32 $0xFFFFF000  }
0xac: {  	_ =	swait.ge [sflag:s20], $0x1000  }
0xad: {  	[sflag:s20] =	ssyncset.done $0x0  }
0xae: {  	[sflag:s20] =	ssyncadd.s32 $0xFFFFF000  }
0xaf: {  	_ =	swait.ge [sflag:s21], $0x1000  }
0xb0: {  	[sflag:s21] =	ssyncset.done $0x0  }
0xb1: {  	[sflag:s21] =	ssyncadd.s32 $0xFFFFF000  }
0xb2: {  	[tilespmem:s13], [sflag:$0x5] =	stream.linear.gather [hbm4b:s8+s3], $0x200, $0x38;
	[tilespmem:$0x1C400] =	vst v63  }
0xb3: {  	_ =	swait.ge [sflag:s12], $0x200  }
0xb4: {  	[sflag:s12] =	ssyncset.done $0x0  }
0xb5: {  	[sflag:s12] =	ssyncadd.s32 $0xFFFFFE00  }
0xb6: {  	[spmem:s2] =	stream.indirect.scatter.add.f32 [tilespmem:s15], [sflag:$0x1], $0x20, s3, s14, $0xb8;
	[tilespmem:$0x1C400] =	vst v63  }
0xb7: {  	_ = 	snop  }
0xb8: {  	[spmem:s2] =	stream.indirect.scatter.add.f32 [tilespmem:s15], [sflag:$0x2], $0x20, s14, s14, $0xb8;
	[tilespmem:$0x1C400] =	vst v63  }
0xb9: {  	_ = 	snop  }
0xba: {  	[spmem:s2] =	stream.indirect.scatter.add.f32 [tilespmem:s15], [sflag:$0x3], $0x20, s16, s14, $0xb8;
	[tilespmem:$0x1C400] =	vst v63  }
0xbb: {  	_ = 	snop  }
0xbc: {  	[spmem:s2] =	stream.indirect.scatter.add.f32 [tilespmem:s15], [sflag:$0x4], $0x20, s17, s14, $0xb8;
	[tilespmem:$0x1C400] =	vst v63  }
0xbd: {  	_ =	swait.ge [sflag:s18], $0x1000  }
0xbe: {  	[sflag:s18] =	ssyncset.done $0x0  }
0xbf: {  	[sflag:s18] =	ssyncadd.s32 $0xFFFFF000  }
0xc0: {  	_ =	swait.ge [sflag:s19], $0x1000  }
0xc1: {  	[sflag:s19] =	ssyncset.done $0x0  }
0xc2: {  	[sflag:s19] =	ssyncadd.s32 $0xFFFFF000  }
0xc3: {  	_ =	swait.ge [sflag:s20], $0x1000  }
0xc4: {  	[sflag:s20] =	ssyncset.done $0x0  }
0xc5: {  	[sflag:s20] =	ssyncadd.s32 $0xFFFFF000  }
0xc6: {  	_ =	swait.ge [sflag:s21], $0x1000  }
0xc7: {  	[sflag:s21] =	ssyncset.done $0x0  }
0xc8: {  	[sflag:s21] =	ssyncadd.s32 $0xFFFFF000  }
0xc9: {  	[spmem:s2] =	stream.indirect.scatter.add.f32 [tilespmem:s15], [sflag:$0x1], $0x20, s13, s14, $0xb8;
	[tilespmem:$0x1C400] =	vst v63  }
0xca: {  	_ = 	snop  }
0xcb: {  	[spmem:s2] =	stream.indirect.scatter.add.f32 [tilespmem:s15], [sflag:$0x2], $0x20, s22, s14, $0xb8;
	[tilespmem:$0x1C400] =	vst v63  }
0xcc: {  	_ = 	snop  }
0xcd: {  	[spmem:s2] =	stream.indirect.scatter.add.f32 [tilespmem:s15], [sflag:$0x3], $0x20, s23, s14, $0xb8;
	[tilespmem:$0x1C400] =	vst v63  }
0xce: {  	_ = 	snop  }
0xcf: {  	[spmem:s2] =	stream.indirect.scatter.add.f32 [tilespmem:s15], [sflag:$0x4], $0x20, s24, s14, $0xb8;
	[tilespmem:$0x1C400] =	vst v63  }
0xd0: {  	_ =	swait.ge [sflag:s18], $0x1000  }
0xd1: {  	[sflag:s18] =	ssyncset.done $0x0  }
0xd2: {  	[sflag:s18] =	ssyncadd.s32 $0xFFFFF000  }
0xd3: {  	_ =	swait.ge [sflag:s19], $0x1000  }
0xd4: {  	[sflag:s19] =	ssyncset.done $0x0  }
0xd5: {  	[sflag:s19] =	ssyncadd.s32 $0xFFFFF000  }
0xd6: {  	_ =	swait.ge [sflag:s20], $0x1000  }
0xd7: {  	[sflag:s20] =	ssyncset.done $0x0  }
0xd8: {  	[sflag:s20] =	ssyncadd.s32 $0xFFFFF000  }
0xd9: {  	_ =	swait.ge [sflag:s21], $0x1000  }
0xda: {  	s30 =	sshll.u32 s0, $0x6;
	s25 =	sadd.s32 $0x1, s25;
	[sflag:s21] =	ssyncset.done $0x0  }
0xdb: {  	s31 =	sshrl.u32 s4, $0x3;
	p0 =	sne.s32 s25, s7;
	[sflag:s21] =	ssyncadd.s32 $0xFFFFF000  }
.Ltmp3:
0xdc: {  	s26 =	sor.u32 $0x1C05, s30;
	[bflag:$0x0] =	sbarrier.arrive $0xFFFF;
	(pc) =	sbr.rel @p0 .LBB2_1-.Ltmp3, $4  }
0xdd: {  	[hbm:s6], [sflag:s26] =	dma.local [spmem:s31], $0x3400  }
0xde: {  	_ =	swait.ge [sflag:s12], $0x3400  }
0xdf: {  	[sflag:s12] =	ssyncset.done $0x0  }
0xe0: {  	[sflag:s12] =	ssyncadd.s32 $0xFFFFCC00  }
0xe1: {  	_ =	sfence.sel $0x180000  }
0xe2: {  	[bflag:$0x0] =	sbarrier.arrive $0xFFFF  }
0xe3: {  	p0 =	sne.s32 s0, $0x0;
	_ =	strace $0x90000047  }
0xe4: {  	s0 =	sadd.s32 @!p0 $0x100000, s1;
	[bflag:$0x2] =	sbarrier.arrive $0xFFFF  }
0xe5: {  	[sflag:s0] =	ssyncadd.tile.s32 @!p0 $0x1;
	_ =	shalt  }
.Lfunc_end2:
_tile_overlayer_lowered:
.L_overlay_start_2:
0xe6: {  	(tag) =	ssettag $0x2  }
0xe7: {  	s0 =	rddreg [dreg:$0x0];
	s2 =	stileid.u32  }
0xe8: {  	s1 =	rddreg [dreg:$0x1];
	p0 =	sne.s32 s2, $0x0  }
0xe9: {  	s3 =	rddreg [dreg:$0x2];
	[bflag:$0x3] =	sbarrier.arrive $0xFFFF;
	s2 =	simm.s32 @!p0 $0x1C05  }
0xea: {  	[timem:s3], [sflag:s2] =	dma.local @!p0 [hbm:s0], s1  }
0xeb: {  	s0 =	simm.s32 @!p0 $0x5  }
0xec: {  	_ =	swait.ge @!p0 [sflag:s0], s1  }
0xed: {  	s1 =	ssub.s32 @!p0 $0x0, s1;
	[sflag:s0] =	ssyncset.done @!p0 $0x0  }
0xee: {  	[sflag:s0] =	ssyncadd.s32 @!p0 s1  }
0xef: {  	[bflag:$0x3] =	sbarrier.arrive $0xFFFF  }
0xf0: {  	_ =	shalt  }

// kernel: kernel.13.cloned.1.call-start
scs
__scs_entry_jumppad:
0x0: {  	(pc) =	sbr.rel $0x88, $3  }
0x1: {  	(tag) =	ssettag $0x0;
	lr =	simm.s32 $0x1  }
0x2: {  	[smem:$0x3F8F] =	sst lr;
	_ =	strace $0xD0000000  }
0x3: {  	_ = 	snop  }
0x4: {  	_ = 	snop  }
0x5: {  	_ = 	snop  }
0x6: {  	_ = 	snop  }
0x7: {  	_ = 	snop  }
__scs_overlays_trampoline_lowered:
0x8: {  	[smem:$0x3F9E] =	sst s0  }
0x9: {  	[smem:$0x3F9F] =	sst s1  }
0xa: {  	[smem:$0x3FA0] =	sst s2  }
0xb: {  	[smem:$0x3FA1] =	sst s3  }
0xc: {  	[smem:$0x3FA2] =	sst s4  }
0xd: {  	[smem:$0x3FA3] =	sst s5  }
0xe: {  	[smem:$0x3FA4] =	sst s6  }
0xf: {  	[smem:$0x3FA5] =	sst s7  }
0x10: {  	[smem:$0x3FA6] =	sst s8  }
0x11: {  	[smem:$0x3FA7] =	sst s9;
	s0 =	simm.s32 @!p0 $0x0  }
0x12: {  	s1 =	sld [smem:$0x3F8D];
	s0 =	simm.s32 @p0 $0x1  }
0x13: {  	[smem:$0x3FA8] =	sst s0;
	s0 =	simm.s32 @!p1 $0x0  }
0x14: {  	s2 =	sld [smem:$0x3F8C];
	s0 =	simm.s32 @p1 $0x1  }
0x15: {  	[smem:$0x3FA9] =	sst s0;
	s0 =	simm.s32 @!p2 $0x0  }
0x16: {  	s3 =	sld [smem:$0x3FDB];
	s0 =	simm.s32 @p2 $0x1  }
0x17: {  	s4 =	simm.s32 $0x1BF5;
	[smem:$0x3FAB] =	sst s0  }
0x18: {  	s0 =	sld [smem:$0x3F8E];
	_ =	swait.ge [sflag:s4], $0x0  }
0x19: {  	s7 =	sld [smem:$0x3F8F]  }
0x1a: {  	s8 =	sadd.s32 $0xFFFFE003, lr  }
0x1b: {  	s9 =	sadd.s32 $0xFFFFFEF7, lr;
	s5 =	simm.s32 $0xFFFFFFFF;
	p2 =	slt.u32 s8, $0xFFFFF086  }
0x1c: {  	p1 =	slt.u32 s9, $0xF7A;
	s5 =	simm.s32 @!p2 $0x0  }
0x1d: {  	s5 =	simm.s32 @p1 $0x1;
	p0 =	seq.s32 s7, s2  }
0x1e: {  	s7 =	smul.u32 @!p0 $0xF7A, s2;
	p2 =	seq.s32 @!p0 s5, $0x0  }
0x1f: {  	s9 =	smul.u32 $0xF7A, s1;
	s8 =	simm.s32 @!p0 $0x1BF5;
	p2 =	por !p2, p0  }
0x20: {  	[sflag:s8] =	ssyncset.s32 @!p0 $0xFFFFF086;
	s6 =	sadd.s32 @!p0 s3, s7;
	s7 =	simm.s32 @!p0 $0x108  }
0x21: {  	s3 =	sadd.s32 s3, s9;
	s6 =	sadd.s32 @!p0 $0x88, s6;
	s7 =	simm.s32 @p2 $0x1082  }
0x22: {  	[simem:s7], [sflag:s8] =	dma.local @!p0 [hbm:s6], $0xF7A  }
0x23: {  	s9 =	sor.u32 $0xD0000000, s2;
	s6 =	simm.s32 $0x108;
	_ =	swait.ge @!p0 [sflag:s8], $0x0  }
0x24: {  	s3 =	sadd.s32 $0x88, s3;
	s6 =	simm.s32 @!p1 $0x1082;
	[sflag:s4] =	ssyncset.s32 $0xFFFFF086  }
0x25: {  	[simem:s6], [sflag:s4] =	dma.local [hbm:s3], $0xF7A  }
0x26: {  	[smem:$0x3F8F] =	sst s1;
	(tag) =	ssettag s2;
	_ =	strace s9  }
0x27: {  	s1 =	sld [smem:$0x3F9F]  }
0x28: {  	s2 =	sld [smem:$0x3FA0]  }
0x29: {  	s4 =	sld [smem:$0x3FA2]  }
0x2a: {  	p0 =	seq.s32 s5, $0x0;
	s5 =	sld [smem:$0x3FA3]  }
0x2b: {  	s6 =	sld [smem:$0x3FA4]  }
0x2c: {  	s7 =	sld [smem:$0x3FA5]  }
0x2d: {  	s3 =	simm.s32 $0x108;
	s8 =	sld [smem:$0x3FA6]  }
0x2e: {  	s3 =	simm.s32 @!p0 $0x1082;
	s9 =	sld [smem:$0x3FA7]  }
0x2f: {  	lr =	sadd.s32 s0, s3;
	s0 =	sld [smem:$0x3F9E]  }
0x30: {  	s3 =	sld [smem:$0x3FA1]  }
0x31: {  	[smem:$0x3FAA] =	sst s10  }
0x32: {  	s10 =	sld [smem:$0x3FA8];
	_ =	sdelay $0x3  }
0x33: {  	p0 =	seq.s32 s10, $0x1;
	s10 =	sld [smem:$0x3FAA];
	_ =	sdelay $0x3  }
0x34: {  	[smem:$0x3FAA] =	sst s10  }
0x35: {  	s10 =	sld [smem:$0x3FA9];
	_ =	sdelay $0x3  }
0x36: {  	p1 =	seq.s32 s10, $0x1;
	s10 =	sld [smem:$0x3FAA];
	_ =	sdelay $0x3  }
0x37: {  	[smem:$0x3FAA] =	sst s10  }
0x38: {  	s10 =	sld [smem:$0x3FAB]  }
0x39: {  	_ = 	snop;
	(pc) =	sbr.ind lr, $3  }
0x3a: {  	_ = 	snop  }
0x3b: {  	_ = 	snop  }
0x3c: {  	p2 =	seq.s32 s10, $0x1;
	s10 =	sld [smem:$0x3FAA]  }
0x3d: {  	_ =	shalt  }
0x3e: {  	_ =	shalt  }
0x3f: {  	_ =	shalt  }
0x40: {  	_ =	shalt  }
0x41: {  	_ =	shalt  }
0x42: {  	_ =	shalt  }
0x43: {  	_ =	shalt  }
0x44: {  	_ =	shalt  }
0x45: {  	_ =	shalt  }
0x46: {  	_ =	shalt  }
0x47: {  	_ =	shalt  }
0x48: {  	_ =	shalt  }
0x49: {  	_ =	shalt  }
0x4a: {  	_ =	shalt  }
0x4b: {  	_ =	shalt  }
0x4c: {  	_ =	shalt  }
0x4d: {  	_ =	shalt  }
0x4e: {  	_ =	shalt  }
0x4f: {  	_ =	shalt  }
0x50: {  	_ =	shalt  }
0x51: {  	_ =	shalt  }
0x52: {  	_ =	shalt  }
0x53: {  	_ =	shalt  }
0x54: {  	_ =	shalt  }
0x55: {  	_ =	shalt  }
0x56: {  	_ =	shalt  }
0x57: {  	_ =	shalt  }
0x58: {  	_ =	shalt  }
0x59: {  	_ =	shalt  }
0x5a: {  	_ =	shalt  }
0x5b: {  	_ =	shalt  }
0x5c: {  	_ =	shalt  }
0x5d: {  	_ =	shalt  }
0x5e: {  	_ =	shalt  }
0x5f: {  	_ =	shalt  }
0x60: {  	_ =	shalt  }
0x61: {  	_ =	shalt  }
0x62: {  	_ =	shalt  }
0x63: {  	_ =	shalt  }
0x64: {  	_ =	shalt  }
0x65: {  	_ =	shalt  }
0x66: {  	_ =	shalt  }
0x67: {  	_ =	shalt  }
0x68: {  	_ =	shalt  }
0x69: {  	_ =	shalt  }
0x6a: {  	_ =	shalt  }
0x6b: {  	_ =	shalt  }
0x6c: {  	_ =	shalt  }
0x6d: {  	_ =	shalt  }
0x6e: {  	_ =	shalt  }
0x6f: {  	_ =	shalt  }
0x70: {  	_ =	shalt  }
0x71: {  	_ =	shalt  }
0x72: {  	_ =	shalt  }
0x73: {  	_ =	shalt  }
0x74: {  	_ =	shalt  }
0x75: {  	_ =	shalt  }
0x76: {  	_ =	shalt  }
0x77: {  	_ =	shalt  }
0x78: {  	_ =	shalt  }
0x79: {  	_ =	shalt  }
0x7a: {  	_ =	shalt  }
0x7b: {  	_ =	shalt  }
0x7c: {  	_ =	shalt  }
0x7d: {  	_ =	shalt  }
0x7e: {  	_ =	shalt  }
0x7f: {  	_ =	shalt  }
0x80: {  	_ =	shalt  }
0x81: {  	_ =	shalt  }
0x82: {  	_ =	shalt  }
0x83: {  	_ =	shalt  }
0x84: {  	_ =	shalt  }
0x85: {  	_ =	shalt  }
0x86: {  	_ =	shalt  }
0x87: {  	_ =	shalt  }
.Lfunc_end0:
.L_simem_size_0:
called_computation.1_lowered:
.L_overlay_start_0:
0x88: {  	s2 =	sld [smem:$0x3FD9]  }
0x89: {  	s3 =	sld [smem:$0x3FFE];
	_ =	sdelay $0x1  }
0x8a: {  	s1 =	srdreg.scid  }
0x8b: {  	s0 =	sand.u32 $0x1, s1  }
0x8c: {  	s16 =	sshll.u32 s0, $0xA;
	s2 =	sadd.s32 s3, s2  }
0x8d: {  	s2 =	sadd.s32 s2, s16  }
0x8e: {  	[smem:$0x3FB6] =	sst s2  }
0x8f: {  	_ = 	snop  }
0x90: {  	(tm) =	ssettm $0x1  }
0x91: {  	s17 =	sld [smem:$0x3FFB];
	_ =	sdelay $0x3  }
0x92: {  	_ =	strace s17  }
0x93: {  	s2 =	sld [smem:$0x3FFC];
	_ =	sdelay $0x3  }
0x94: {  	_ =	strace s2  }
0x95: {  	s2 =	sld [smem:$0x3FFD];
	_ =	sdelay $0x3  }
0x96: {  	_ =	strace s2  }
0x97: {  	_ =	strace $0x8FFFFFFF  }
0x98: {  	s18 =	sld [smem:$0x3FDB];
	_ =	sdelay $0x1  }
0x99: {  	s19 =	simm.s32 $_scs_section_size  }
0x9a: {  	s4 =	simm.s32 $_size__tile_overlayer_lowered;
	s5 =	simm.s32 $_tile_overlayer_lowered  }
0x9b: {  	s22 =	simm.s32 $0x1BFF;
	s21 =	sshll.u32 s5, $0x1;
	s2 =	sadd.s32 s19, s18  }
0x9c: {  	s6 =	simm.s32 $0x0;
	s20 =	sshll.u32 s4, $0x1;
	s4 =	sadd.s32 s21, s2  }
0x9d: {  	[timem:s6], [sflag:s22] =	dma.local [hbm:s4], s20  }
0x9e: {  	_ =	swait.ge [sflag:s22], s20  }
0x9f: {  	s3 =	ssub.s32 $0x0, s20;
	[sflag:s22] =	ssyncset.done $0x0  }
0xa0: {  	[sflag:s22] =	ssyncadd.s32 s3;
	_ =	sdelay $0x1  }
0xa1: {  	s23 =	simm.s32 $0x1B8B  }
0xa2: {  	_ =	swait.ge [sflag:s23], $0x1  }
0xa3: {  	[sflag:s23] =	ssyncset.done $0x0  }
0xa4: {  	s25 =	simm.s32 $0x1B8E;
	s24 =	sld [smem:$0x3FFE];
	[sflag:s23] =	ssyncadd.s32 $0xFFFFFFFF  }
0xa5: {  	s26 =	simm.s32 $execute0_lowered;
	[smem:$0x3FD2] =	sst s25  }
0xa6: {  	s4 =	sshll.u32 s26, $0x1;
	_ =	strace $0x80000049;
	[dreg:$0x1] =	wrdreg $0xFFFFFFFF  }
0xa7: {  	s28 =	simm.s32 $_size_execute0_lowered;
	s2 =	sadd.s32 s2, s4;
	[dreg:$0x0] =	wrdreg $0x0  }
0xa8: {  	s4 =	sshll.u32 s28, $0x1;
	[dreg:$0x2] =	wrdreg s2  }
0xa9: {  	[dreg:$0x3] =	wrdreg s4  }
0xaa: {  	[dreg:$0x4] =	wrdreg $0xC0  }
0xab: {  	_ =	task [dreg:s6], $0x5FFFF  }
0xac: {  	[dreg:$0x1] =	wrdreg $0xFFFFFFFF  }
0xad: {  	[dreg:$0x0] =	wrdreg $0x60  }
0xae: {  	[dreg:$0x2] =	wrdreg s24  }
0xaf: {  	[dreg:$0x3] =	wrdreg $0x50000  }
0xb0: {  	[dreg:$0x4] =	wrdreg $0x9  }
0xb1: {  	_ =	task.clear_ibuf [dreg:s6], $0x5FFFF;
	_ =	strace $0x90000049  }
0xb2: {  	s29 =	simm.s32 $0x9;
	_ =	strace $0x8000004B  }
0xb3: {  	_ =	swait.ge [sflag:s29], $0x1  }
0xb4: {  	[sflag:s29] =	ssyncadd.s32 $0xFFFFFFFF  }
0xb5: {  	_ =	strace $0x9000004B  }
0xb6: {  	_ =	sfence  }
0xb7: {  	s30 =	sld [smem:$0x0];
	_ =	sdelay $0x2  }
0xb8: {  	s31 =	sshll.u32 s1, $0xD;
	s1 =	sshrl.u32 s1, $0x2  }
0xb9: {  	s3 =	sand.u32 $0x4000, s31;
	s1 =	sadd.s32 s1, s30  }
0xba: {  	s0 =	sor.u32 s3, s0;
	s1 =	sshll.u32 s1, $0x11  }
0xbb: {  	s0 =	sor.u32 s1, s0  }
0xbc: {  	s0 =	sadd.s32 $0x8F2B, s0  }
0xbd: {  	[sflag:s0] =	ssyncadd.remote.s32 $0x1  }
0xbe: {  	_ =	sfence.sel $0xFFFF  }
0xbf: {  	[dreg:$0x0] =	wrdreg $0xFFFFFFFF;
	(pc) =	sbr.abs _section_cstart, $3  }
0xc0: {  	[dreg:$0x1] =	wrdreg $0xFFFFFFFF  }
0xc1: {  	_ =	task.clear_ibuf [dreg:s6], $0x2FFFF;
	_ =	strace $0x9FFFFFFF  }
0xc2: {  	(tm) =	ssettm $0x7FFFFFFF  }
0xc3: {  	_ =	shalt  }
tec
execute0_lowered:
.L_overlay_start_1:
0x0: {  	(tag) =	ssettag $0x1  }
0x1: {  	s0 =	rddreg [dreg:$0x0];
	s1 =	srdreg.scid  }
0x2: {  	s2 =	rddreg [dreg:$0x1];
	s11 =	stileid.u32  }
0x3: {  	s3 =	simm.s32 $0x0;
	s12 =	simm.s32 $0x9;
	s14 =	simm.s32 $0x80  }
0x4: {  	s15 =	simm.s32 $0x800;
	s16 =	simm.s32 $0x1800;
	s18 =	simm.s32 $0x2800  }
0x5: {  	s20 =	simm.s32 $0x3800;
	s21 =	simm.s32 $0x4800;
	s22 =	simm.s32 $0x400  }
0x6: {  	s28 =	simm.s32 $0x3;
	s30 =	simm.s32 $0x4;
	s17 =	simm.s32 $0x8  }
0x7: {  	s29 =	simm.s32 $0x780;
	s1 =	sand.u32 $0x1, s1;
	s5 =	smul.u32 $0x1900, s11  }
0x8: {  	[smem:$0x7FF] =	sst s3;
	s7 =	smul.u32 $0x190, s11;
	s8 =	sadd.s32 $0x14CE00, s0  }
0x9: {  	s4 =	sshll.u32 s1, $0x4;
	s10 =	ssub.s32 $0x2, s1;
	s1 =	smul.u32 $0x1900, s1  }
0xa: {  	_ =	strace $0x8000004A;
	s4 =	sor.u32 s11, s4;
	s11 =	smul.u32 $0x68000, s11  }
0xb: {  	s5 =	sadd.s32 s5, s0;
	s23 =	sshrl.u32 s10, $0x1;
	s6 =	smul.u32 $0x3400, s4  }
0xc: {  	s9 =	smul.u32 $0x1900, s4;
	s4 =	sadd.s32 $0x84E00, s0;
	s10 =	ssub.s32 s10, s23  }
0xd: {  	s1 =	sadd.s32 s7, s1;
	s23 =	simm.s32 $0x600;
	s25 =	sshrl.u32 s11, $0x2  }
0xe: {  	s1 =	sshll.u32 s1, $0x4;
	s31 =	smax.u32 s10, $0x1;
	s0 =	sadd.s32 s6, s0  }
0xf: {  	s24 =	sadd.s32 s8, s9;
	s6 =	sadd.s32 $0x3E00, s5;
	s7 =	sadd.s32 s25, s2  }
.Ltmp0:
0x10: {  	s26 =	sadd.s32 s1, s8;
	[dreg:$0x5] =	wrdreg s31;
	(pc) =	sbr.rel .LBB2_1-.Ltmp0, $4  }
0x11: {  	s25 =	simm.s32 $0x2;
	s1 =	simm.s32 $0x6;
	s8 =	simm.s32 $0x7  }
0x12: {  	s9 =	simm.s32 $0x0;
	[dreg:$0x3] =	wrdreg s24;
	s0 =	sadd.s32 $0x17EE00, s0  }
0x13: {  	s10 =	sadd.s32 $0x40, s26;
	s11 =	sadd.s32 $0x80, s26;
	s24 =	simm.s32 $0x1  }
0x14: {  	v0 =	vimm.f32 $0.0e+00;
	s26 =	simm.s32 $0x700;
	[dreg:$0x4] =	wrdreg s0;
	s0 =	simm.s32 $0x5  }
.LBB2_8:
0x15: {  	_ =	swait.ge [sflag:s1], $0x1000  }
0x16: {  	[sflag:s1] =	ssyncset.done $0x0  }
0x17: {  	[sflag:s1] =	ssyncadd.s32 $0xFFFFF000  }
0x18: {  	_ =	swait.ge [sflag:s8], $0x1000  }
0x19: {  	[sflag:s8] =	ssyncset.done $0x0  }
0x1a: {  	[sflag:s8] =	ssyncadd.s32 $0xFFFFF000  }
0x1b: {  	_ =	swait.ge [sflag:s17], $0x1000  }
0x1c: {  	[sflag:s17] =	ssyncset.done $0x0  }
0x1d: {  	s5 =	stileid.u32;
	[sflag:s17] =	ssyncadd.s32 $0xFFFFF000  }
0x1e: {  	s5 =	sshll.u32 s5, $0x6;
	[bflag:$0x0] =	sbarrier.arrive $0xFFFF  }
0x1f: {  	s9 =	sshrl.u32 s7, $0x3;
	s5 =	sor.u32 $0x1C09, s5;
	s13 =	rddreg [dreg:$0x4]  }
0x20: {  	[hbm:s13], [sflag:s5] =	dma.local [spmem:s9], $0x3400  }
0x21: {  	_ =	swait.ge [sflag:s12], $0x3400  }
0x22: {  	s19 =	rddreg [dreg:$0x6]  }
0x23: {  	s31 =	rddreg [dreg:$0x5];
	s9 =	sadd.s32 $0x1, s19  }
0x24: {  	p0 =	sne.s32 s9, s31  }
.Ltmp1:
0x25: {  	_ = 	snop;
	(pc) =	sbr.rel @!p0 .LBB2_9-.Ltmp1, $3  }
0x26: {  	_ =	sdelay $0x1  }
0x27: {  	[sflag:s12] =	ssyncset.done $0x0  }
0x28: {  	[sflag:s12] =	ssyncadd.s32 $0xFFFFCC00  }
.LBB2_1:
0x29: {  	s5 =	rddreg [dreg:$0x3]  }
0x2a: {  	[tilespmem:s3], [sflag:$0x9] =	stream.linear.gather [hbm4b:s5+s3], $0x200, $0x38;
	[tilespmem:$0x1F000] =	vst v63  }
0x2b: {  	_ =	swait.ge [sflag:s12], $0x200  }
0x2c: {  	[sflag:s12] =	ssyncset.done $0x0  }
0x2d: {  	s19 =	simm.s32 $0x200;
	[sflag:s12] =	ssyncadd.s32 $0xFFFFFE00  }
0x2e: {  	[tilespmem:s19], [sflag:$0x9] =	stream.linear.gather [hbm4b:s6+s3], $0x200, $0x38;
	[tilespmem:$0x1F000] =	vst v63  }
0x2f: {  	_ =	swait.ge [sflag:s12], $0x200  }
0x30: {  	[sflag:s12] =	ssyncset.done $0x0  }
0x31: {  	[sflag:s12] =	ssyncadd.s32 $0xFFFFFE00  }
0x32: {  	[tilespmem:s15], [sflag:$0x1] =	stream.indirect.gather [hbm4b:s4+s14], $0x20, s3, s14, $0xb8;
	[tilespmem:$0x1F000] =	vst v63  }
0x33: {  	_ = 	snop  }
0x34: {  	[tilespmem:s16], [sflag:$0x2] =	stream.indirect.gather [hbm4b:s4+s14], $0x20, s14, s14, $0xb8;
	[tilespmem:$0x1F000] =	vst v63  }
0x35: {  	s13 =	simm.s32 $0x100  }
0x36: {  	[tilespmem:s18], [sflag:$0x3] =	stream.indirect.gather [hbm4b:s4+s14], $0x20, s13, s14, $0xb8;
	[tilespmem:$0x1F000] =	vst v63  }
0x37: {  	s31 =	simm.s32 $0x0;
	s19 =	simm.s32 $0x180  }
0x38: {  	[tilespmem:s20], [sflag:$0x4] =	stream.indirect.gather [hbm4b:s4+s14], $0x20, s19, s14, $0xb8;
	[tilespmem:$0x1F000] =	vst v63  }
.LBB2_2:
0x39: {  	p0 =	sne.s32 s31, $0x1F80  }
.Ltmp2:
0x3a: {  	_ = 	snop;
	(pc) =	sbr.rel @p0 .LBB2_2-.Ltmp2, $4  }
0x3b: {  	_ = 	snop  }
0x3c: {  	s5 =	sshra.s32 s31, $0x2  }
0x3d: {  	[tilespmem:s5+$0x4800] =	vst v0  }
0x3e: {  	s31 =	sadd.s32 $0x80, s31;
	[tilespmem:s5+$0x4810] =	vst v0  }
0x3f: {  	[dreg:$0x6] =	wrdreg s9;
	s5 =	sadd.s32 $0x0, s7  }
0x40: {  	[spmem:s5] =	stream.linear.scatter [tilespmem:s21], [sflag:$0x9], $0x800, $0x38;
	[tilespmem:$0x1F000] =	vst v63  }
0x41: {  	s31 =	simm.s32 $0x2000;
	_ =	swait.ge [sflag:s12], $0x800  }
.LBB2_4:
0x42: {  	s5 =	sshra.s32 s31, $0x2;
	[sflag:s12] =	ssyncset.done $0x0;
	p0 =	sne.s32 s31, $0x66000  }
.Ltmp3:
0x43: {  	s5 =	sadd.s32 s5, s7;
	[sflag:s12] =	ssyncadd.s32 $0xFFFFF800;
	(pc) =	sbr.rel @p0 .LBB2_4-.Ltmp3, $3  }
0x44: {  	[spmem:s5] =	stream.linear.scatter [tilespmem:s21], [sflag:$0x9], $0x800, $0x38;
	[tilespmem:$0x1F000] =	vst v63  }
0x45: {  	s31 =	sadd.s32 $0x2000, s31;
	_ =	sdelay $0x1  }
0x46: {  	_ =	swait.ge [sflag:s12], $0x800  }
0x47: {  	[sflag:s12] =	ssyncset.done $0x0  }
0x48: {  	[sflag:s12] =	ssyncadd.s32 $0xFFFFF800  }
0x49: {  	s31 =	simm.s32 $0x0;
	[bflag:$0x0] =	sbarrier.arrive $0xFFFF  }
.LBB2_6:
0x4a: {  	s5 =	sadd.s32 s31, s10  }
0x4b: {  	[tilespmem:s22], [sflag:$0x9] =	stream.linear.gather [hbm4b:s5+s3], $0x200, $0x38;
	[tilespmem:$0x1F000] =	vst v63  }
0x4c: {  	_ =	swait.ge [sflag:s12], $0x200  }
0x4d: {  	s9 =	sadd.s32 s31, s6;
	[sflag:s12] =	ssyncset.done $0x0  }
0x4e: {  	s5 =	sadd.s32 $0x40, s9;
	[sflag:s12] =	ssyncadd.s32 $0xFFFFFE00  }
0x4f: {  	[tilespmem:s23], [sflag:$0x9] =	stream.linear.gather [hbm4b:s5+s3], $0x200, $0x38;
	[tilespmem:$0x1F000] =	vst v63  }
0x50: {  	_ =	swait.ge [sflag:s12], $0x200  }
0x51: {  	[sflag:s12] =	ssyncset.done $0x0  }
0x52: {  	[sflag:s12] =	ssyncadd.s32 $0xFFFFFE00  }
0x53: {  	_ =	swait.ge [sflag:s24], $0x1000  }
0x54: {  	[sflag:s24] =	ssyncset.done $0x0  }
0x55: {  	s13 =	simm.s32 $0x200;
	[sflag:s24] =	ssyncadd.s32 $0xFFFFF000  }
0x56: {  	[spmem:s2] =	stream.indirect.scatter.add.f32 [tilespmem:s15], [sflag:$0x5], $0x20, s13, s14, $0xb8;
	[tilespmem:$0x1F000] =	vst v63  }
0x57: {  	_ =	swait.ge [sflag:s25], $0x1000  }
0x58: {  	[sflag:s25] =	ssyncset.done $0x0  }
0x59: {  	s19 =	simm.s32 $0x280;
	[sflag:s25] =	ssyncadd.s32 $0xFFFFF000  }
0x5a: {  	[spmem:s2] =	stream.indirect.scatter.add.f32 [tilespmem:s16], [sflag:$0x6], $0x20, s19, s14, $0xb8;
	[tilespmem:$0x1F000] =	vst v63  }
0x5b: {  	_ =	swait.ge [sflag:s28], $0x1000  }
0x5c: {  	[sflag:s28] =	ssyncset.done $0x0  }
0x5d: {  	s9 =	simm.s32 $0x300;
	[sflag:s28] =	ssyncadd.s32 $0xFFFFF000  }
0x5e: {  	[spmem:s2] =	stream.indirect.scatter.add.f32 [tilespmem:s18], [sflag:$0x7], $0x20, s9, s14, $0xb8;
	[tilespmem:$0x1F000] =	vst v63  }
0x5f: {  	_ =	swait.ge [sflag:s30], $0x1000  }
0x60: {  	[sflag:s30] =	ssyncset.done $0x0  }
0x61: {  	s13 =	simm.s32 $0x380;
	[sflag:s30] =	ssyncadd.s32 $0xFFFFF000  }
0x62: {  	[spmem:s2] =	stream.indirect.scatter.add.f32 [tilespmem:s20], [sflag:$0x8], $0x20, s13, s14, $0xb8;
	[tilespmem:$0x1F000] =	vst v63  }
0x63: {  	_ =	swait.ge [sflag:s0], $0x1000  }
0x64: {  	[sflag:s0] =	ssyncset.done $0x0  }
0x65: {  	[sflag:s0] =	ssyncadd.s32 $0xFFFFF000  }
0x66: {  	[tilespmem:s15], [sflag:$0x1] =	stream.indirect.gather [hbm4b:s4+s14], $0x20, s22, s14, $0xb8;
	[tilespmem:$0x1F000] =	vst v63  }
0x67: {  	_ =	swait.ge [sflag:s1], $0x1000  }
0x68: {  	[sflag:s1] =	ssyncset.done $0x0  }
0x69: {  	s19 =	simm.s32 $0x480;
	[sflag:s1] =	ssyncadd.s32 $0xFFFFF000  }
0x6a: {  	[tilespmem:s16], [sflag:$0x2] =	stream.indirect.gather [hbm4b:s4+s14], $0x20, s19, s14, $0xb8;
	[tilespmem:$0x1F000] =	vst v63  }
0x6b: {  	_ =	swait.ge [sflag:s8], $0x1000  }
0x6c: {  	[sflag:s8] =	ssyncset.done $0x0  }
0x6d: {  	s9 =	simm.s32 $0x500;
	[sflag:s8] =	ssyncadd.s32 $0xFFFFF000  }
0x6e: {  	[tilespmem:s18], [sflag:$0x3] =	stream.indirect.gather [hbm4b:s4+s14], $0x20, s9, s14, $0xb8;
	[tilespmem:$0x1F000] =	vst v63  }
0x6f: {  	_ =	swait.ge [sflag:s17], $0x1000  }
0x70: {  	[sflag:s17] =	ssyncset.done $0x0  }
0x71: {  	p0 =	seq.s32 s31, $0x1880;
	s13 =	simm.s32 $0x580;
	[sflag:s17] =	ssyncadd.s32 $0xFFFFF000  }
0x72: {  	[tilespmem:s20], [sflag:$0x4] =	stream.indirect.gather [hbm4b:s4+s14], $0x20, s13, s14, $0xb8;
	[tilespmem:$0x1F000] =	vst v63  }
0x73: {  	s5 =	sadd.s32 @!p0 s31, s11;
	s9 =	simm.s32 @!p0 $0x0  }
0x74: {  	[tilespmem:s9], [sflag:$0x9] =	stream.linear.gather @!p0 [hbm4b:s5+s9], $0x200, $0x38;
	[tilespmem:$0x1F000] =	vst v63  }
0x75: {  	s5 =	simm.s32 @!p0 $0x9  }
0x76: {  	_ =	swait.ge @!p0 [sflag:s5], $0x200  }
0x77: {  	s19 =	sadd.s32 @!p0 s31, s6;
	[sflag:s5] =	ssyncset.done @!p0 $0x0  }
0x78: {  	s19 =	sadd.s32 @!p0 $0x80, s19;
	s13 =	simm.s32 @!p0 $0x200;
	[sflag:s5] =	ssyncadd.s32 @!p0 $0xFFFFFE00  }
0x79: {  	[tilespmem:s13], [sflag:$0x9] =	stream.linear.gather @!p0 [hbm4b:s19+s9], $0x200, $0x38;
	[tilespmem:$0x1F000] =	vst v63  }
0x7a: {  	_ =	swait.ge @!p0 [sflag:s5], $0x200  }
0x7b: {  	[sflag:s5] =	ssyncset.done @!p0 $0x0  }
0x7c: {  	[sflag:s5] =	ssyncadd.s32 @!p0 $0xFFFFFE00  }
0x7d: {  	_ =	swait.ge [sflag:s24], $0x1000  }
0x7e: {  	[sflag:s24] =	ssyncset.done $0x0  }
0x7f: {  	[sflag:s24] =	ssyncadd.s32 $0xFFFFF000  }
0x80: {  	[spmem:s2] =	stream.indirect.scatter.add.f32 [tilespmem:s15], [sflag:$0x5], $0x20, s23, s14, $0xb8;
	[tilespmem:$0x1F000] =	vst v63  }
0x81: {  	_ =	swait.ge [sflag:s25], $0x1000  }
0x82: {  	[sflag:s25] =	ssyncset.done $0x0  }
0x83: {  	s19 =	simm.s32 $0x680;
	[sflag:s25] =	ssyncadd.s32 $0xFFFFF000  }
0x84: {  	[spmem:s2] =	stream.indirect.scatter.add.f32 [tilespmem:s16], [sflag:$0x6], $0x20, s19, s14, $0xb8;
	[tilespmem:$0x1F000] =	vst v63  }
0x85: {  	_ =	swait.ge [sflag:s28], $0x1000  }
0x86: {  	[sflag:s28] =	ssyncset.done $0x0  }
0x87: {  	[sflag:s28] =	ssyncadd.s32 $0xFFFFF000  }
0x88: {  	[spmem:s2] =	stream.indirect.scatter.add.f32 [tilespmem:s18], [sflag:$0x7], $0x20, s26, s14, $0xb8;
	[tilespmem:$0x1F000] =	vst v63  }
0x89: {  	_ =	swait.ge [sflag:s30], $0x1000  }
0x8a: {  	[sflag:s30] =	ssyncset.done $0x0  }
.Ltmp4:
0x8b: {  	[sflag:s30] =	ssyncadd.s32 $0xFFFFF000;
	(pc) =	sbr.rel @p0 .LBB2_8-.Ltmp4, $4  }
0x8c: {  	[spmem:s2] =	stream.indirect.scatter.add.f32 [tilespmem:s20], [sflag:$0x8], $0x20, s29, s14, $0xb8;
	[tilespmem:$0x1F000] =	vst v63  }
0x8d: {  	_ =	swait.ge [sflag:s0], $0x1000  }
0x8e: {  	[sflag:s0] =	ssyncset.done $0x0  }
0x8f: {  	[sflag:s0] =	ssyncadd.s32 $0xFFFFF000  }
0x90: {  	[tilespmem:s15], [sflag:$0x1] =	stream.indirect.gather [hbm4b:s4+s14], $0x20, s3, s14, $0xb8;
	[tilespmem:$0x1F000] =	vst v63  }
0x91: {  	_ =	swait.ge [sflag:s1], $0x1000  }
0x92: {  	[sflag:s1] =	ssyncset.done $0x0  }
0x93: {  	[sflag:s1] =	ssyncadd.s32 $0xFFFFF000  }
0x94: {  	[tilespmem:s16], [sflag:$0x2] =	stream.indirect.gather [hbm4b:s4+s14], $0x20, s14, s14, $0xb8;
	[tilespmem:$0x1F000] =	vst v63  }
0x95: {  	_ =	swait.ge [sflag:s8], $0x1000  }
0x96: {  	[sflag:s8] =	ssyncset.done $0x0  }
0x97: {  	s5 =	simm.s32 $0x100;
	[sflag:s8] =	ssyncadd.s32 $0xFFFFF000  }
0x98: {  	[tilespmem:s18], [sflag:$0x3] =	stream.indirect.gather [hbm4b:s4+s14], $0x20, s5, s14, $0xb8;
	[tilespmem:$0x1F000] =	vst v63  }
.Ltmp5:
0x99: {  	_ = 	snop;
	(pc) =	sbr.rel .LBB2_6-.Ltmp5, $4  }
0x9a: {  	_ =	swait.ge [sflag:s17], $0x1000  }
0x9b: {  	[sflag:s17] =	ssyncset.done $0x0  }
0x9c: {  	s19 =	simm.s32 $0x180;
	s31 =	sadd.s32 $0x80, s31;
	[sflag:s17] =	ssyncadd.s32 $0xFFFFF000  }
0x9d: {  	[tilespmem:s20], [sflag:$0x4] =	stream.indirect.gather [hbm4b:s4+s14], $0x20, s19, s14, $0xb8;
	[tilespmem:$0x1F000] =	vst v63  }
.LBB2_9:
0x9e: {  	_ =	sfence.sel $0x180000  }
0x9f: {  	[bflag:$0x0] =	sbarrier.arrive $0xFFFF  }
0xa0: {  	_ =	strace $0x9000004A  }
0xa1: {  	s0 =	stileid.u32;
	[bflag:$0x2] =	sbarrier.arrive $0xFFFF  }
0xa2: {  	p0 =	sne.s32 s0, $0x0;
	s0 =	rddreg [dreg:$0x2]  }
0xa3: {  	s0 =	sadd.s32 @!p0 $0x100000, s0  }
0xa4: {  	[sflag:s0] =	ssyncadd.tile.s32 @!p0 $0x1;
	_ =	shalt  }
.Lfunc_end2:
_tile_overlayer_lowered:
.L_overlay_start_2:
0xa5: {  	(tag) =	ssettag $0x2  }
0xa6: {  	s0 =	rddreg [dreg:$0x0];
	s2 =	stileid.u32  }
0xa7: {  	s1 =	rddreg [dreg:$0x1];
	p0 =	sne.s32 s2, $0x0  }
0xa8: {  	s3 =	rddreg [dreg:$0x2];
	[bflag:$0x3] =	sbarrier.arrive $0xFFFF;
	s2 =	simm.s32 @!p0 $0x1C09  }
0xa9: {  	[timem:s3], [sflag:s2] =	dma.local @!p0 [hbm:s0], s1  }
0xaa: {  	s0 =	simm.s32 @!p0 $0x9  }
0xab: {  	_ =	swait.ge @!p0 [sflag:s0], s1  }
0xac: {  	s1 =	ssub.s32 @!p0 $0x0, s1;
	[sflag:s0] =	ssyncset.done @!p0 $0x0  }
0xad: {  	[sflag:s0] =	ssyncadd.s32 @!p0 s1  }
0xae: {  	[bflag:$0x3] =	sbarrier.arrive $0xFFFF  }
0xaf: {  	_ =	shalt  }

// kernel: kernel.16.cloned.1.call-start
scs
__scs_entry_jumppad:
0x0: {  	(pc) =	sbr.rel $0x88, $3  }
0x1: {  	(tag) =	ssettag $0x0;
	lr =	simm.s32 $0x1  }
0x2: {  	[smem:$0x3F8F] =	sst lr;
	_ =	strace $0xD0000000  }
0x3: {  	_ = 	snop  }
0x4: {  	_ = 	snop  }
0x5: {  	_ = 	snop  }
0x6: {  	_ = 	snop  }
0x7: {  	_ = 	snop  }
__scs_overlays_trampoline_lowered:
0x8: {  	[smem:$0x3F9E] =	sst s0  }
0x9: {  	[smem:$0x3F9F] =	sst s1  }
0xa: {  	[smem:$0x3FA0] =	sst s2  }
0xb: {  	[smem:$0x3FA1] =	sst s3  }
0xc: {  	[smem:$0x3FA2] =	sst s4  }
0xd: {  	[smem:$0x3FA3] =	sst s5  }
0xe: {  	[smem:$0x3FA4] =	sst s6  }
0xf: {  	[smem:$0x3FA5] =	sst s7  }
0x10: {  	[smem:$0x3FA6] =	sst s8  }
0x11: {  	[smem:$0x3FA7] =	sst s9;
	s0 =	simm.s32 @!p0 $0x0  }
0x12: {  	s1 =	sld [smem:$0x3F8D];
	s0 =	simm.s32 @p0 $0x1  }
0x13: {  	[smem:$0x3FA8] =	sst s0;
	s0 =	simm.s32 @!p1 $0x0  }
0x14: {  	s2 =	sld [smem:$0x3F8C];
	s0 =	simm.s32 @p1 $0x1  }
0x15: {  	[smem:$0x3FA9] =	sst s0;
	s0 =	simm.s32 @!p2 $0x0  }
0x16: {  	s3 =	sld [smem:$0x3FDB];
	s0 =	simm.s32 @p2 $0x1  }
0x17: {  	s4 =	simm.s32 $0x1BF5;
	[smem:$0x3FAB] =	sst s0  }
0x18: {  	s0 =	sld [smem:$0x3F8E];
	_ =	swait.ge [sflag:s4], $0x0  }
0x19: {  	s7 =	sld [smem:$0x3F8F]  }
0x1a: {  	s8 =	sadd.s32 $0xFFFFE003, lr  }
0x1b: {  	s9 =	sadd.s32 $0xFFFFFEF7, lr;
	s5 =	simm.s32 $0xFFFFFFFF;
	p2 =	slt.u32 s8, $0xFFFFF086  }
0x1c: {  	p1 =	slt.u32 s9, $0xF7A;
	s5 =	simm.s32 @!p2 $0x0  }
0x1d: {  	s5 =	simm.s32 @p1 $0x1;
	p0 =	seq.s32 s7, s2  }
0x1e: {  	s7 =	smul.u32 @!p0 $0xF7A, s2;
	p2 =	seq.s32 @!p0 s5, $0x0  }
0x1f: {  	s9 =	smul.u32 $0xF7A, s1;
	s8 =	simm.s32 @!p0 $0x1BF5;
	p2 =	por !p2, p0  }
0x20: {  	[sflag:s8] =	ssyncset.s32 @!p0 $0xFFFFF086;
	s6 =	sadd.s32 @!p0 s3, s7;
	s7 =	simm.s32 @!p0 $0x108  }
0x21: {  	s3 =	sadd.s32 s3, s9;
	s6 =	sadd.s32 @!p0 $0x88, s6;
	s7 =	simm.s32 @p2 $0x1082  }
0x22: {  	[simem:s7], [sflag:s8] =	dma.local @!p0 [hbm:s6], $0xF7A  }
0x23: {  	s9 =	sor.u32 $0xD0000000, s2;
	s6 =	simm.s32 $0x108;
	_ =	swait.ge @!p0 [sflag:s8], $0x0  }
0x24: {  	s3 =	sadd.s32 $0x88, s3;
	s6 =	simm.s32 @!p1 $0x1082;
	[sflag:s4] =	ssyncset.s32 $0xFFFFF086  }
0x25: {  	[simem:s6], [sflag:s4] =	dma.local [hbm:s3], $0xF7A  }
0x26: {  	[smem:$0x3F8F] =	sst s1;
	(tag) =	ssettag s2;
	_ =	strace s9  }
0x27: {  	s1 =	sld [smem:$0x3F9F]  }
0x28: {  	s2 =	sld [smem:$0x3FA0]  }
0x29: {  	s4 =	sld [smem:$0x3FA2]  }
0x2a: {  	p0 =	seq.s32 s5, $0x0;
	s5 =	sld [smem:$0x3FA3]  }
0x2b: {  	s6 =	sld [smem:$0x3FA4]  }
0x2c: {  	s7 =	sld [smem:$0x3FA5]  }
0x2d: {  	s3 =	simm.s32 $0x108;
	s8 =	sld [smem:$0x3FA6]  }
0x2e: {  	s3 =	simm.s32 @!p0 $0x1082;
	s9 =	sld [smem:$0x3FA7]  }
0x2f: {  	lr =	sadd.s32 s0, s3;
	s0 =	sld [smem:$0x3F9E]  }
0x30: {  	s3 =	sld [smem:$0x3FA1]  }
0x31: {  	[smem:$0x3FAA] =	sst s10  }
0x32: {  	s10 =	sld [smem:$0x3FA8];
	_ =	sdelay $0x3  }
0x33: {  	p0 =	seq.s32 s10, $0x1;
	s10 =	sld [smem:$0x3FAA];
	_ =	sdelay $0x3  }
0x34: {  	[smem:$0x3FAA] =	sst s10  }
0x35: {  	s10 =	sld [smem:$0x3FA9];
	_ =	sdelay $0x3  }
0x36: {  	p1 =	seq.s32 s10, $0x1;
	s10 =	sld [smem:$0x3FAA];
	_ =	sdelay $0x3  }
0x37: {  	[smem:$0x3FAA] =	sst s10  }
0x38: {  	s10 =	sld [smem:$0x3FAB]  }
0x39: {  	_ = 	snop;
	(pc) =	sbr.ind lr, $3  }
0x3a: {  	_ = 	snop  }
0x3b: {  	_ = 	snop  }
0x3c: {  	p2 =	seq.s32 s10, $0x1;
	s10 =	sld [smem:$0x3FAA]  }
0x3d: {  	_ =	shalt  }
0x3e: {  	_ =	shalt  }
0x3f: {  	_ =	shalt  }
0x40: {  	_ =	shalt  }
0x41: {  	_ =	shalt  }
0x42: {  	_ =	shalt  }
0x43: {  	_ =	shalt  }
0x44: {  	_ =	shalt  }
0x45: {  	_ =	shalt  }
0x46: {  	_ =	shalt  }
0x47: {  	_ =	shalt  }
0x48: {  	_ =	shalt  }
0x49: {  	_ =	shalt  }
0x4a: {  	_ =	shalt  }
0x4b: {  	_ =	shalt  }
0x4c: {  	_ =	shalt  }
0x4d: {  	_ =	shalt  }
0x4e: {  	_ =	shalt  }
0x4f: {  	_ =	shalt  }
0x50: {  	_ =	shalt  }
0x51: {  	_ =	shalt  }
0x52: {  	_ =	shalt  }
0x53: {  	_ =	shalt  }
0x54: {  	_ =	shalt  }
0x55: {  	_ =	shalt  }
0x56: {  	_ =	shalt  }
0x57: {  	_ =	shalt  }
0x58: {  	_ =	shalt  }
0x59: {  	_ =	shalt  }
0x5a: {  	_ =	shalt  }
0x5b: {  	_ =	shalt  }
0x5c: {  	_ =	shalt  }
0x5d: {  	_ =	shalt  }
0x5e: {  	_ =	shalt  }
0x5f: {  	_ =	shalt  }
0x60: {  	_ =	shalt  }
0x61: {  	_ =	shalt  }
0x62: {  	_ =	shalt  }
0x63: {  	_ =	shalt  }
0x64: {  	_ =	shalt  }
0x65: {  	_ =	shalt  }
0x66: {  	_ =	shalt  }
0x67: {  	_ =	shalt  }
0x68: {  	_ =	shalt  }
0x69: {  	_ =	shalt  }
0x6a: {  	_ =	shalt  }
0x6b: {  	_ =	shalt  }
0x6c: {  	_ =	shalt  }
0x6d: {  	_ =	shalt  }
0x6e: {  	_ =	shalt  }
0x6f: {  	_ =	shalt  }
0x70: {  	_ =	shalt  }
0x71: {  	_ =	shalt  }
0x72: {  	_ =	shalt  }
0x73: {  	_ =	shalt  }
0x74: {  	_ =	shalt  }
0x75: {  	_ =	shalt  }
0x76: {  	_ =	shalt  }
0x77: {  	_ =	shalt  }
0x78: {  	_ =	shalt  }
0x79: {  	_ =	shalt  }
0x7a: {  	_ =	shalt  }
0x7b: {  	_ =	shalt  }
0x7c: {  	_ =	shalt  }
0x7d: {  	_ =	shalt  }
0x7e: {  	_ =	shalt  }
0x7f: {  	_ =	shalt  }
0x80: {  	_ =	shalt  }
0x81: {  	_ =	shalt  }
0x82: {  	_ =	shalt  }
0x83: {  	_ =	shalt  }
0x84: {  	_ =	shalt  }
0x85: {  	_ =	shalt  }
0x86: {  	_ =	shalt  }
0x87: {  	_ =	shalt  }
.Lfunc_end0:
.L_simem_size_0:
called_computation.2_lowered:
.L_overlay_start_0:
0x88: {  	s2 =	sld [smem:$0x3FD9]  }
0x89: {  	s3 =	sld [smem:$0x3FFE];
	_ =	sdelay $0x1  }
0x8a: {  	s1 =	srdreg.scid  }
0x8b: {  	s0 =	sand.u32 $0x1, s1  }
0x8c: {  	s16 =	sshll.u32 s0, $0xA;
	s2 =	sadd.s32 s3, s2  }
0x8d: {  	s2 =	sadd.s32 s2, s16  }
0x8e: {  	[smem:$0x3FB6] =	sst s2  }
0x8f: {  	_ = 	snop  }
0x90: {  	(tm) =	ssettm $0x1  }
0x91: {  	s17 =	sld [smem:$0x3FFB];
	_ =	sdelay $0x3  }
0x92: {  	_ =	strace s17  }
0x93: {  	s2 =	sld [smem:$0x3FFC];
	_ =	sdelay $0x3  }
0x94: {  	_ =	strace s2  }
0x95: {  	s2 =	sld [smem:$0x3FFD];
	_ =	sdelay $0x3  }
0x96: {  	_ =	strace s2  }
0x97: {  	_ =	strace $0x8FFFFFFF  }
0x98: {  	s18 =	sld [smem:$0x3FDB];
	_ =	sdelay $0x1  }
0x99: {  	s19 =	simm.s32 $_scs_section_size  }
0x9a: {  	s4 =	simm.s32 $_size__tile_overlayer_lowered;
	s5 =	simm.s32 $_tile_overlayer_lowered  }
0x9b: {  	s22 =	simm.s32 $0x1BFF;
	s21 =	sshll.u32 s5, $0x1;
	s2 =	sadd.s32 s19, s18  }
0x9c: {  	s6 =	simm.s32 $0x0;
	s20 =	sshll.u32 s4, $0x1;
	s4 =	sadd.s32 s21, s2  }
0x9d: {  	[timem:s6], [sflag:s22] =	dma.local [hbm:s4], s20  }
0x9e: {  	_ =	swait.ge [sflag:s22], s20  }
0x9f: {  	s3 =	ssub.s32 $0x0, s20;
	[sflag:s22] =	ssyncset.done $0x0  }
0xa0: {  	[sflag:s22] =	ssyncadd.s32 s3;
	_ =	sdelay $0x1  }
0xa1: {  	s23 =	simm.s32 $0x1B8B  }
0xa2: {  	_ =	swait.ge [sflag:s23], $0x1  }
0xa3: {  	[sflag:s23] =	ssyncset.done $0x0  }
0xa4: {  	s25 =	simm.s32 $0x1B8E;
	s24 =	sld [smem:$0x3FFE];
	[sflag:s23] =	ssyncadd.s32 $0xFFFFFFFF  }
0xa5: {  	s26 =	simm.s32 $execute0_lowered;
	[smem:$0x3FD2] =	sst s25  }
0xa6: {  	s4 =	sshll.u32 s26, $0x1;
	_ =	strace $0x8000004C;
	[dreg:$0x1] =	wrdreg $0xFFFFFFFF  }
0xa7: {  	s28 =	simm.s32 $_size_execute0_lowered;
	s2 =	sadd.s32 s2, s4;
	[dreg:$0x0] =	wrdreg $0x0  }
0xa8: {  	s4 =	sshll.u32 s28, $0x1;
	[dreg:$0x2] =	wrdreg s2  }
0xa9: {  	[dreg:$0x3] =	wrdreg s4  }
0xaa: {  	[dreg:$0x4] =	wrdreg $0xC0  }
0xab: {  	_ =	task [dreg:s6], $0x5FFFF  }
0xac: {  	[dreg:$0x1] =	wrdreg $0xFFFFFFFF  }
0xad: {  	[dreg:$0x0] =	wrdreg $0x60  }
0xae: {  	[dreg:$0x2] =	wrdreg s24  }
0xaf: {  	[dreg:$0x3] =	wrdreg $0x50000  }
0xb0: {  	[dreg:$0x4] =	wrdreg $0x9  }
0xb1: {  	_ =	task.clear_ibuf [dreg:s6], $0x5FFFF;
	_ =	strace $0x9000004C  }
0xb2: {  	s29 =	simm.s32 $0x9;
	_ =	strace $0x8000004E  }
0xb3: {  	_ =	swait.ge [sflag:s29], $0x1  }
0xb4: {  	[sflag:s29] =	ssyncadd.s32 $0xFFFFFFFF  }
0xb5: {  	_ =	strace $0x9000004E  }
0xb6: {  	_ =	sfence  }
0xb7: {  	s30 =	sld [smem:$0x0];
	_ =	sdelay $0x2  }
0xb8: {  	s31 =	sshll.u32 s1, $0xD;
	s1 =	sshrl.u32 s1, $0x2  }
0xb9: {  	s3 =	sand.u32 $0x4000, s31;
	s1 =	sadd.s32 s1, s30  }
0xba: {  	s0 =	sor.u32 s3, s0;
	s1 =	sshll.u32 s1, $0x11  }
0xbb: {  	s0 =	sor.u32 s1, s0  }
0xbc: {  	s0 =	sadd.s32 $0x8F2B, s0  }
0xbd: {  	[sflag:s0] =	ssyncadd.remote.s32 $0x1  }
0xbe: {  	_ =	sfence.sel $0xFFFF  }
0xbf: {  	[dreg:$0x0] =	wrdreg $0xFFFFFFFF;
	(pc) =	sbr.abs _section_cstart, $3  }
0xc0: {  	[dreg:$0x1] =	wrdreg $0xFFFFFFFF  }
0xc1: {  	_ =	task.clear_ibuf [dreg:s6], $0x2FFFF;
	_ =	strace $0x9FFFFFFF  }
0xc2: {  	(tm) =	ssettm $0x7FFFFFFF  }
0xc3: {  	_ =	shalt  }
tec
execute0_lowered:
.L_overlay_start_1:
0x0: {  	(tag) =	ssettag $0x1  }
0x1: {  	s0 =	rddreg [dreg:$0x0];
	s1 =	srdreg.scid  }
0x2: {  	s2 =	rddreg [dreg:$0x1];
	s11 =	stileid.u32  }
0x3: {  	s3 =	simm.s32 $0x0;
	s12 =	simm.s32 $0x9;
	s14 =	simm.s32 $0x80  }
0x4: {  	s15 =	simm.s32 $0x800;
	s16 =	simm.s32 $0x1800;
	s18 =	simm.s32 $0x2800  }
0x5: {  	s20 =	simm.s32 $0x3800;
	s21 =	simm.s32 $0x4800;
	s22 =	simm.s32 $0x400  }
0x6: {  	s28 =	simm.s32 $0x3;
	s30 =	simm.s32 $0x4;
	s17 =	simm.s32 $0x8  }
0x7: {  	s29 =	simm.s32 $0x780;
	s1 =	sand.u32 $0x1, s1;
	s5 =	smul.u32 $0x1900, s11  }
0x8: {  	[smem:$0x7FF] =	sst s3;
	s7 =	smul.u32 $0x190, s11;
	s8 =	sadd.s32 $0x14CE00, s0  }
0x9: {  	s4 =	sshll.u32 s1, $0x4;
	s10 =	ssub.s32 $0x2, s1;
	s1 =	smul.u32 $0x1900, s1  }
0xa: {  	_ =	strace $0x8000004D;
	s4 =	sor.u32 s11, s4;
	s11 =	smul.u32 $0x68000, s11  }
0xb: {  	s5 =	sadd.s32 s5, s0;
	s23 =	sshrl.u32 s10, $0x1;
	s6 =	smul.u32 $0x3400, s4  }
0xc: {  	s9 =	smul.u32 $0x1900, s4;
	s4 =	sadd.s32 $0x84E00, s0;
	s10 =	ssub.s32 s10, s23  }
0xd: {  	s1 =	sadd.s32 s7, s1;
	s23 =	simm.s32 $0x600;
	s25 =	sshrl.u32 s11, $0x2  }
0xe: {  	s1 =	sshll.u32 s1, $0x4;
	s31 =	smax.u32 s10, $0x1;
	s0 =	sadd.s32 s6, s0  }
0xf: {  	s24 =	sadd.s32 s8, s9;
	s6 =	sadd.s32 $0x3E00, s5;
	s7 =	sadd.s32 s25, s2  }
.Ltmp0:
0x10: {  	s26 =	sadd.s32 s1, s8;
	[dreg:$0x5] =	wrdreg s31;
	(pc) =	sbr.rel .LBB2_1-.Ltmp0, $4  }
0x11: {  	s25 =	simm.s32 $0x2;
	s1 =	simm.s32 $0x6;
	s8 =	simm.s32 $0x7  }
0x12: {  	s9 =	simm.s32 $0x0;
	[dreg:$0x3] =	wrdreg s24;
	s0 =	sadd.s32 $0x17EE00, s0  }
0x13: {  	s10 =	sadd.s32 $0x40, s26;
	s11 =	sadd.s32 $0x80, s26;
	s24 =	simm.s32 $0x1  }
0x14: {  	v0 =	vimm.f32 $0.0e+00;
	s26 =	simm.s32 $0x700;
	[dreg:$0x4] =	wrdreg s0;
	s0 =	simm.s32 $0x5  }
.LBB2_8:
0x15: {  	_ =	swait.ge [sflag:s1], $0x1000  }
0x16: {  	[sflag:s1] =	ssyncset.done $0x0  }
0x17: {  	[sflag:s1] =	ssyncadd.s32 $0xFFFFF000  }
0x18: {  	_ =	swait.ge [sflag:s8], $0x1000  }
0x19: {  	[sflag:s8] =	ssyncset.done $0x0  }
0x1a: {  	[sflag:s8] =	ssyncadd.s32 $0xFFFFF000  }
0x1b: {  	_ =	swait.ge [sflag:s17], $0x1000  }
0x1c: {  	[sflag:s17] =	ssyncset.done $0x0  }
0x1d: {  	s5 =	stileid.u32;
	[sflag:s17] =	ssyncadd.s32 $0xFFFFF000  }
0x1e: {  	s5 =	sshll.u32 s5, $0x6;
	[bflag:$0x0] =	sbarrier.arrive $0xFFFF  }
0x1f: {  	s9 =	sshrl.u32 s7, $0x3;
	s5 =	sor.u32 $0x1C09, s5;
	s13 =	rddreg [dreg:$0x4]  }
0x20: {  	[hbm:s13], [sflag:s5] =	dma.local [spmem:s9], $0x3400  }
0x21: {  	_ =	swait.ge [sflag:s12], $0x3400  }
0x22: {  	s19 =	rddreg [dreg:$0x6]  }
0x23: {  	s31 =	rddreg [dreg:$0x5];
	s9 =	sadd.s32 $0x1, s19  }
0x24: {  	p0 =	sne.s32 s9, s31  }
.Ltmp1:
0x25: {  	_ = 	snop;
	(pc) =	sbr.rel @!p0 .LBB2_9-.Ltmp1, $3  }
0x26: {  	_ =	sdelay $0x1  }
0x27: {  	[sflag:s12] =	ssyncset.done $0x0  }
0x28: {  	[sflag:s12] =	ssyncadd.s32 $0xFFFFCC00  }
.LBB2_1:
0x29: {  	s5 =	rddreg [dreg:$0x3]  }
0x2a: {  	[tilespmem:s3], [sflag:$0x9] =	stream.linear.gather [hbm4b:s5+s3], $0x200, $0x38;
	[tilespmem:$0x1F000] =	vst v63  }
0x2b: {  	_ =	swait.ge [sflag:s12], $0x200  }
0x2c: {  	[sflag:s12] =	ssyncset.done $0x0  }
0x2d: {  	s19 =	simm.s32 $0x200;
	[sflag:s12] =	ssyncadd.s32 $0xFFFFFE00  }
0x2e: {  	[tilespmem:s19], [sflag:$0x9] =	stream.linear.gather [hbm4b:s6+s3], $0x200, $0x38;
	[tilespmem:$0x1F000] =	vst v63  }
0x2f: {  	_ =	swait.ge [sflag:s12], $0x200  }
0x30: {  	[sflag:s12] =	ssyncset.done $0x0  }
0x31: {  	[sflag:s12] =	ssyncadd.s32 $0xFFFFFE00  }
0x32: {  	[tilespmem:s15], [sflag:$0x1] =	stream.indirect.gather [hbm4b:s4+s14], $0x20, s3, s14, $0xb8;
	[tilespmem:$0x1F000] =	vst v63  }
0x33: {  	_ = 	snop  }
0x34: {  	[tilespmem:s16], [sflag:$0x2] =	stream.indirect.gather [hbm4b:s4+s14], $0x20, s14, s14, $0xb8;
	[tilespmem:$0x1F000] =	vst v63  }
0x35: {  	s13 =	simm.s32 $0x100  }
0x36: {  	[tilespmem:s18], [sflag:$0x3] =	stream.indirect.gather [hbm4b:s4+s14], $0x20, s13, s14, $0xb8;
	[tilespmem:$0x1F000] =	vst v63  }
0x37: {  	s31 =	simm.s32 $0x0;
	s19 =	simm.s32 $0x180  }
0x38: {  	[tilespmem:s20], [sflag:$0x4] =	stream.indirect.gather [hbm4b:s4+s14], $0x20, s19, s14, $0xb8;
	[tilespmem:$0x1F000] =	vst v63  }
.LBB2_2:
0x39: {  	p0 =	sne.s32 s31, $0x1F80  }
.Ltmp2:
0x3a: {  	_ = 	snop;
	(pc) =	sbr.rel @p0 .LBB2_2-.Ltmp2, $4  }
0x3b: {  	_ = 	snop  }
0x3c: {  	s5 =	sshra.s32 s31, $0x2  }
0x3d: {  	[tilespmem:s5+$0x4800] =	vst v0  }
0x3e: {  	s31 =	sadd.s32 $0x80, s31;
	[tilespmem:s5+$0x4810] =	vst v0  }
0x3f: {  	[dreg:$0x6] =	wrdreg s9;
	s5 =	sadd.s32 $0x0, s7  }
0x40: {  	[spmem:s5] =	stream.linear.scatter [tilespmem:s21], [sflag:$0x9], $0x800, $0x38;
	[tilespmem:$0x1F000] =	vst v63  }
0x41: {  	s31 =	simm.s32 $0x2000;
	_ =	swait.ge [sflag:s12], $0x800  }
.LBB2_4:
0x42: {  	s5 =	sshra.s32 s31, $0x2;
	[sflag:s12] =	ssyncset.done $0x0;
	p0 =	sne.s32 s31, $0x66000  }
.Ltmp3:
0x43: {  	s5 =	sadd.s32 s5, s7;
	[sflag:s12] =	ssyncadd.s32 $0xFFFFF800;
	(pc) =	sbr.rel @p0 .LBB2_4-.Ltmp3, $3  }
0x44: {  	[spmem:s5] =	stream.linear.scatter [tilespmem:s21], [sflag:$0x9], $0x800, $0x38;
	[tilespmem:$0x1F000] =	vst v63  }
0x45: {  	s31 =	sadd.s32 $0x2000, s31;
	_ =	sdelay $0x1  }
0x46: {  	_ =	swait.ge [sflag:s12], $0x800  }
0x47: {  	[sflag:s12] =	ssyncset.done $0x0  }
0x48: {  	[sflag:s12] =	ssyncadd.s32 $0xFFFFF800  }
0x49: {  	s31 =	simm.s32 $0x0;
	[bflag:$0x0] =	sbarrier.arrive $0xFFFF  }
.LBB2_6:
0x4a: {  	s5 =	sadd.s32 s31, s10  }
0x4b: {  	[tilespmem:s22], [sflag:$0x9] =	stream.linear.gather [hbm4b:s5+s3], $0x200, $0x38;
	[tilespmem:$0x1F000] =	vst v63  }
0x4c: {  	_ =	swait.ge [sflag:s12], $0x200  }
0x4d: {  	s9 =	sadd.s32 s31, s6;
	[sflag:s12] =	ssyncset.done $0x0  }
0x4e: {  	s5 =	sadd.s32 $0x40, s9;
	[sflag:s12] =	ssyncadd.s32 $0xFFFFFE00  }
0x4f: {  	[tilespmem:s23], [sflag:$0x9] =	stream.linear.gather [hbm4b:s5+s3], $0x200, $0x38;
	[tilespmem:$0x1F000] =	vst v63  }
0x50: {  	_ =	swait.ge [sflag:s12], $0x200  }
0x51: {  	[sflag:s12] =	ssyncset.done $0x0  }
0x52: {  	[sflag:s12] =	ssyncadd.s32 $0xFFFFFE00  }
0x53: {  	_ =	swait.ge [sflag:s24], $0x1000  }
0x54: {  	[sflag:s24] =	ssyncset.done $0x0  }
0x55: {  	s13 =	simm.s32 $0x200;
	[sflag:s24] =	ssyncadd.s32 $0xFFFFF000  }
0x56: {  	[spmem:s2] =	stream.indirect.scatter.add.f32 [tilespmem:s15], [sflag:$0x5], $0x20, s13, s14, $0xb8;
	[tilespmem:$0x1F000] =	vst v63  }
0x57: {  	_ =	swait.ge [sflag:s25], $0x1000  }
0x58: {  	[sflag:s25] =	ssyncset.done $0x0  }
0x59: {  	s19 =	simm.s32 $0x280;
	[sflag:s25] =	ssyncadd.s32 $0xFFFFF000  }
0x5a: {  	[spmem:s2] =	stream.indirect.scatter.add.f32 [tilespmem:s16], [sflag:$0x6], $0x20, s19, s14, $0xb8;
	[tilespmem:$0x1F000] =	vst v63  }
0x5b: {  	_ =	swait.ge [sflag:s28], $0x1000  }
0x5c: {  	[sflag:s28] =	ssyncset.done $0x0  }
0x5d: {  	s9 =	simm.s32 $0x300;
	[sflag:s28] =	ssyncadd.s32 $0xFFFFF000  }
0x5e: {  	[spmem:s2] =	stream.indirect.scatter.add.f32 [tilespmem:s18], [sflag:$0x7], $0x20, s9, s14, $0xb8;
	[tilespmem:$0x1F000] =	vst v63  }
0x5f: {  	_ =	swait.ge [sflag:s30], $0x1000  }
0x60: {  	[sflag:s30] =	ssyncset.done $0x0  }
0x61: {  	s13 =	simm.s32 $0x380;
	[sflag:s30] =	ssyncadd.s32 $0xFFFFF000  }
0x62: {  	[spmem:s2] =	stream.indirect.scatter.add.f32 [tilespmem:s20], [sflag:$0x8], $0x20, s13, s14, $0xb8;
	[tilespmem:$0x1F000] =	vst v63  }
0x63: {  	_ =	swait.ge [sflag:s0], $0x1000  }
0x64: {  	[sflag:s0] =	ssyncset.done $0x0  }
0x65: {  	[sflag:s0] =	ssyncadd.s32 $0xFFFFF000  }
0x66: {  	[tilespmem:s15], [sflag:$0x1] =	stream.indirect.gather [hbm4b:s4+s14], $0x20, s22, s14, $0xb8;
	[tilespmem:$0x1F000] =	vst v63  }
0x67: {  	_ =	swait.ge [sflag:s1], $0x1000  }
0x68: {  	[sflag:s1] =	ssyncset.done $0x0  }
0x69: {  	s19 =	simm.s32 $0x480;
	[sflag:s1] =	ssyncadd.s32 $0xFFFFF000  }
0x6a: {  	[tilespmem:s16], [sflag:$0x2] =	stream.indirect.gather [hbm4b:s4+s14], $0x20, s19, s14, $0xb8;
	[tilespmem:$0x1F000] =	vst v63  }
0x6b: {  	_ =	swait.ge [sflag:s8], $0x1000  }
0x6c: {  	[sflag:s8] =	ssyncset.done $0x0  }
0x6d: {  	s9 =	simm.s32 $0x500;
	[sflag:s8] =	ssyncadd.s32 $0xFFFFF000  }
0x6e: {  	[tilespmem:s18], [sflag:$0x3] =	stream.indirect.gather [hbm4b:s4+s14], $0x20, s9, s14, $0xb8;
	[tilespmem:$0x1F000] =	vst v63  }
0x6f: {  	_ =	swait.ge [sflag:s17], $0x1000  }
0x70: {  	[sflag:s17] =	ssyncset.done $0x0  }
0x71: {  	p0 =	seq.s32 s31, $0x1880;
	s13 =	simm.s32 $0x580;
	[sflag:s17] =	ssyncadd.s32 $0xFFFFF000  }
0x72: {  	[tilespmem:s20], [sflag:$0x4] =	stream.indirect.gather [hbm4b:s4+s14], $0x20, s13, s14, $0xb8;
	[tilespmem:$0x1F000] =	vst v63  }
0x73: {  	s5 =	sadd.s32 @!p0 s31, s11;
	s9 =	simm.s32 @!p0 $0x0  }
0x74: {  	[tilespmem:s9], [sflag:$0x9] =	stream.linear.gather @!p0 [hbm4b:s5+s9], $0x200, $0x38;
	[tilespmem:$0x1F000] =	vst v63  }
0x75: {  	s5 =	simm.s32 @!p0 $0x9  }
0x76: {  	_ =	swait.ge @!p0 [sflag:s5], $0x200  }
0x77: {  	s19 =	sadd.s32 @!p0 s31, s6;
	[sflag:s5] =	ssyncset.done @!p0 $0x0  }
0x78: {  	s19 =	sadd.s32 @!p0 $0x80, s19;
	s13 =	simm.s32 @!p0 $0x200;
	[sflag:s5] =	ssyncadd.s32 @!p0 $0xFFFFFE00  }
0x79: {  	[tilespmem:s13], [sflag:$0x9] =	stream.linear.gather @!p0 [hbm4b:s19+s9], $0x200, $0x38;
	[tilespmem:$0x1F000] =	vst v63  }
0x7a: {  	_ =	swait.ge @!p0 [sflag:s5], $0x200  }
0x7b: {  	[sflag:s5] =	ssyncset.done @!p0 $0x0  }
0x7c: {  	[sflag:s5] =	ssyncadd.s32 @!p0 $0xFFFFFE00  }
0x7d: {  	_ =	swait.ge [sflag:s24], $0x1000  }
0x7e: {  	[sflag:s24] =	ssyncset.done $0x0  }
0x7f: {  	[sflag:s24] =	ssyncadd.s32 $0xFFFFF000  }
0x80: {  	[spmem:s2] =	stream.indirect.scatter.add.f32 [tilespmem:s15], [sflag:$0x5], $0x20, s23, s14, $0xb8;
	[tilespmem:$0x1F000] =	vst v63  }
0x81: {  	_ =	swait.ge [sflag:s25], $0x1000  }
0x82: {  	[sflag:s25] =	ssyncset.done $0x0  }
0x83: {  	s19 =	simm.s32 $0x680;
	[sflag:s25] =	ssyncadd.s32 $0xFFFFF000  }
0x84: {  	[spmem:s2] =	stream.indirect.scatter.add.f32 [tilespmem:s16], [sflag:$0x6], $0x20, s19, s14, $0xb8;
	[tilespmem:$0x1F000] =	vst v63  }
0x85: {  	_ =	swait.ge [sflag:s28], $0x1000  }
0x86: {  	[sflag:s28] =	ssyncset.done $0x0  }
0x87: {  	[sflag:s28] =	ssyncadd.s32 $0xFFFFF000  }
0x88: {  	[spmem:s2] =	stream.indirect.scatter.add.f32 [tilespmem:s18], [sflag:$0x7], $0x20, s26, s14, $0xb8;
	[tilespmem:$0x1F000] =	vst v63  }
0x89: {  	_ =	swait.ge [sflag:s30], $0x1000  }
0x8a: {  	[sflag:s30] =	ssyncset.done $0x0  }
.Ltmp4:
0x8b: {  	[sflag:s30] =	ssyncadd.s32 $0xFFFFF000;
	(pc) =	sbr.rel @p0 .LBB2_8-.Ltmp4, $4  }
0x8c: {  	[spmem:s2] =	stream.indirect.scatter.add.f32 [tilespmem:s20], [sflag:$0x8], $0x20, s29, s14, $0xb8;
	[tilespmem:$0x1F000] =	vst v63  }
0x8d: {  	_ =	swait.ge [sflag:s0], $0x1000  }
0x8e: {  	[sflag:s0] =	ssyncset.done $0x0  }
0x8f: {  	[sflag:s0] =	ssyncadd.s32 $0xFFFFF000  }
0x90: {  	[tilespmem:s15], [sflag:$0x1] =	stream.indirect.gather [hbm4b:s4+s14], $0x20, s3, s14, $0xb8;
	[tilespmem:$0x1F000] =	vst v63  }
0x91: {  	_ =	swait.ge [sflag:s1], $0x1000  }
0x92: {  	[sflag:s1] =	ssyncset.done $0x0  }
0x93: {  	[sflag:s1] =	ssyncadd.s32 $0xFFFFF000  }
0x94: {  	[tilespmem:s16], [sflag:$0x2] =	stream.indirect.gather [hbm4b:s4+s14], $0x20, s14, s14, $0xb8;
	[tilespmem:$0x1F000] =	vst v63  }
0x95: {  	_ =	swait.ge [sflag:s8], $0x1000  }
0x96: {  	[sflag:s8] =	ssyncset.done $0x0  }
0x97: {  	s5 =	simm.s32 $0x100;
	[sflag:s8] =	ssyncadd.s32 $0xFFFFF000  }
0x98: {  	[tilespmem:s18], [sflag:$0x3] =	stream.indirect.gather [hbm4b:s4+s14], $0x20, s5, s14, $0xb8;
	[tilespmem:$0x1F000] =	vst v63  }
.Ltmp5:
0x99: {  	_ = 	snop;
	(pc) =	sbr.rel .LBB2_6-.Ltmp5, $4  }
0x9a: {  	_ =	swait.ge [sflag:s17], $0x1000  }
0x9b: {  	[sflag:s17] =	ssyncset.done $0x0  }
0x9c: {  	s19 =	simm.s32 $0x180;
	s31 =	sadd.s32 $0x80, s31;
	[sflag:s17] =	ssyncadd.s32 $0xFFFFF000  }
0x9d: {  	[tilespmem:s20], [sflag:$0x4] =	stream.indirect.gather [hbm4b:s4+s14], $0x20, s19, s14, $0xb8;
	[tilespmem:$0x1F000] =	vst v63  }
.LBB2_9:
0x9e: {  	_ =	sfence.sel $0x180000  }
0x9f: {  	[bflag:$0x0] =	sbarrier.arrive $0xFFFF  }
0xa0: {  	_ =	strace $0x9000004D  }
0xa1: {  	s0 =	stileid.u32;
	[bflag:$0x2] =	sbarrier.arrive $0xFFFF  }
0xa2: {  	p0 =	sne.s32 s0, $0x0;
	s0 =	rddreg [dreg:$0x2]  }
0xa3: {  	s0 =	sadd.s32 @!p0 $0x100000, s0  }
0xa4: {  	[sflag:s0] =	ssyncadd.tile.s32 @!p0 $0x1;
	_ =	shalt  }
.Lfunc_end2:
_tile_overlayer_lowered:
.L_overlay_start_2:
0xa5: {  	(tag) =	ssettag $0x2  }
0xa6: {  	s0 =	rddreg [dreg:$0x0];
	s2 =	stileid.u32  }
0xa7: {  	s1 =	rddreg [dreg:$0x1];
	p0 =	sne.s32 s2, $0x0  }
0xa8: {  	s3 =	rddreg [dreg:$0x2];
	[bflag:$0x3] =	sbarrier.arrive $0xFFFF;
	s2 =	simm.s32 @!p0 $0x1C09  }
0xa9: {  	[timem:s3], [sflag:s2] =	dma.local @!p0 [hbm:s0], s1  }
0xaa: {  	s0 =	simm.s32 @!p0 $0x9  }
0xab: {  	_ =	swait.ge @!p0 [sflag:s0], s1  }
0xac: {  	s1 =	ssub.s32 @!p0 $0x0, s1;
	[sflag:s0] =	ssyncset.done @!p0 $0x0  }
0xad: {  	[sflag:s0] =	ssyncadd.s32 @!p0 s1  }
0xae: {  	[bflag:$0x3] =	sbarrier.arrive $0xFFFF  }
0xaf: {  	_ =	shalt  }

// kernel: kernel.19.cloned.1.call-start
scs
__scs_entry_jumppad:
0x0: {  	(pc) =	sbr.rel $0x88, $3  }
0x1: {  	(tag) =	ssettag $0x0;
	lr =	simm.s32 $0x1  }
0x2: {  	[smem:$0x3F8F] =	sst lr;
	_ =	strace $0xD0000000  }
0x3: {  	_ = 	snop  }
0x4: {  	_ = 	snop  }
0x5: {  	_ = 	snop  }
0x6: {  	_ = 	snop  }
0x7: {  	_ = 	snop  }
__scs_overlays_trampoline_lowered:
0x8: {  	[smem:$0x3F9E] =	sst s0  }
0x9: {  	[smem:$0x3F9F] =	sst s1  }
0xa: {  	[smem:$0x3FA0] =	sst s2  }
0xb: {  	[smem:$0x3FA1] =	sst s3  }
0xc: {  	[smem:$0x3FA2] =	sst s4  }
0xd: {  	[smem:$0x3FA3] =	sst s5  }
0xe: {  	[smem:$0x3FA4] =	sst s6  }
0xf: {  	[smem:$0x3FA5] =	sst s7  }
0x10: {  	[smem:$0x3FA6] =	sst s8  }
0x11: {  	[smem:$0x3FA7] =	sst s9;
	s0 =	simm.s32 @!p0 $0x0  }
0x12: {  	s1 =	sld [smem:$0x3F8D];
	s0 =	simm.s32 @p0 $0x1  }
0x13: {  	[smem:$0x3FA8] =	sst s0;
	s0 =	simm.s32 @!p1 $0x0  }
0x14: {  	s2 =	sld [smem:$0x3F8C];
	s0 =	simm.s32 @p1 $0x1  }
0x15: {  	[smem:$0x3FA9] =	sst s0;
	s0 =	simm.s32 @!p2 $0x0  }
0x16: {  	s3 =	sld [smem:$0x3FDB];
	s0 =	simm.s32 @p2 $0x1  }
0x17: {  	s4 =	simm.s32 $0x1BF5;
	[smem:$0x3FAB] =	sst s0  }
0x18: {  	s0 =	sld [smem:$0x3F8E];
	_ =	swait.ge [sflag:s4], $0x0  }
0x19: {  	s7 =	sld [smem:$0x3F8F]  }
0x1a: {  	s8 =	sadd.s32 $0xFFFFE003, lr  }
0x1b: {  	s9 =	sadd.s32 $0xFFFFFEF7, lr;
	s5 =	simm.s32 $0xFFFFFFFF;
	p2 =	slt.u32 s8, $0xFFFFF086  }
0x1c: {  	p1 =	slt.u32 s9, $0xF7A;
	s5 =	simm.s32 @!p2 $0x0  }
0x1d: {  	s5 =	simm.s32 @p1 $0x1;
	p0 =	seq.s32 s7, s2  }
0x1e: {  	s7 =	smul.u32 @!p0 $0xF7A, s2;
	p2 =	seq.s32 @!p0 s5, $0x0  }
0x1f: {  	s9 =	smul.u32 $0xF7A, s1;
	s8 =	simm.s32 @!p0 $0x1BF5;
	p2 =	por !p2, p0  }
0x20: {  	[sflag:s8] =	ssyncset.s32 @!p0 $0xFFFFF086;
	s6 =	sadd.s32 @!p0 s3, s7;
	s7 =	simm.s32 @!p0 $0x108  }
0x21: {  	s3 =	sadd.s32 s3, s9;
	s6 =	sadd.s32 @!p0 $0x88, s6;
	s7 =	simm.s32 @p2 $0x1082  }
0x22: {  	[simem:s7], [sflag:s8] =	dma.local @!p0 [hbm:s6], $0xF7A  }
0x23: {  	s9 =	sor.u32 $0xD0000000, s2;
	s6 =	simm.s32 $0x108;
	_ =	swait.ge @!p0 [sflag:s8], $0x0  }
0x24: {  	s3 =	sadd.s32 $0x88, s3;
	s6 =	simm.s32 @!p1 $0x1082;
	[sflag:s4] =	ssyncset.s32 $0xFFFFF086  }
0x25: {  	[simem:s6], [sflag:s4] =	dma.local [hbm:s3], $0xF7A  }
0x26: {  	[smem:$0x3F8F] =	sst s1;
	(tag) =	ssettag s2;
	_ =	strace s9  }
0x27: {  	s1 =	sld [smem:$0x3F9F]  }
0x28: {  	s2 =	sld [smem:$0x3FA0]  }
0x29: {  	s4 =	sld [smem:$0x3FA2]  }
0x2a: {  	p0 =	seq.s32 s5, $0x0;
	s5 =	sld [smem:$0x3FA3]  }
0x2b: {  	s6 =	sld [smem:$0x3FA4]  }
0x2c: {  	s7 =	sld [smem:$0x3FA5]  }
0x2d: {  	s3 =	simm.s32 $0x108;
	s8 =	sld [smem:$0x3FA6]  }
0x2e: {  	s3 =	simm.s32 @!p0 $0x1082;
	s9 =	sld [smem:$0x3FA7]  }
0x2f: {  	lr =	sadd.s32 s0, s3;
	s0 =	sld [smem:$0x3F9E]  }
0x30: {  	s3 =	sld [smem:$0x3FA1]  }
0x31: {  	[smem:$0x3FAA] =	sst s10  }
0x32: {  	s10 =	sld [smem:$0x3FA8];
	_ =	sdelay $0x3  }
0x33: {  	p0 =	seq.s32 s10, $0x1;
	s10 =	sld [smem:$0x3FAA];
	_ =	sdelay $0x3  }
0x34: {  	[smem:$0x3FAA] =	sst s10  }
0x35: {  	s10 =	sld [smem:$0x3FA9];
	_ =	sdelay $0x3  }
0x36: {  	p1 =	seq.s32 s10, $0x1;
	s10 =	sld [smem:$0x3FAA];
	_ =	sdelay $0x3  }
0x37: {  	[smem:$0x3FAA] =	sst s10  }
0x38: {  	s10 =	sld [smem:$0x3FAB]  }
0x39: {  	_ = 	snop;
	(pc) =	sbr.ind lr, $3  }
0x3a: {  	_ = 	snop  }
0x3b: {  	_ = 	snop  }
0x3c: {  	p2 =	seq.s32 s10, $0x1;
	s10 =	sld [smem:$0x3FAA]  }
0x3d: {  	_ =	shalt  }
0x3e: {  	_ =	shalt  }
0x3f: {  	_ =	shalt  }
0x40: {  	_ =	shalt  }
0x41: {  	_ =	shalt  }
0x42: {  	_ =	shalt  }
0x43: {  	_ =	shalt  }
0x44: {  	_ =	shalt  }
0x45: {  	_ =	shalt  }
0x46: {  	_ =	shalt  }
0x47: {  	_ =	shalt  }
0x48: {  	_ =	shalt  }
0x49: {  	_ =	shalt  }
0x4a: {  	_ =	shalt  }
0x4b: {  	_ =	shalt  }
0x4c: {  	_ =	shalt  }
0x4d: {  	_ =	shalt  }
0x4e: {  	_ =	shalt  }
0x4f: {  	_ =	shalt  }
0x50: {  	_ =	shalt  }
0x51: {  	_ =	shalt  }
0x52: {  	_ =	shalt  }
0x53: {  	_ =	shalt  }
0x54: {  	_ =	shalt  }
0x55: {  	_ =	shalt  }
0x56: {  	_ =	shalt  }
0x57: {  	_ =	shalt  }
0x58: {  	_ =	shalt  }
0x59: {  	_ =	shalt  }
0x5a: {  	_ =	shalt  }
0x5b: {  	_ =	shalt  }
0x5c: {  	_ =	shalt  }
0x5d: {  	_ =	shalt  }
0x5e: {  	_ =	shalt  }
0x5f: {  	_ =	shalt  }
0x60: {  	_ =	shalt  }
0x61: {  	_ =	shalt  }
0x62: {  	_ =	shalt  }
0x63: {  	_ =	shalt  }
0x64: {  	_ =	shalt  }
0x65: {  	_ =	shalt  }
0x66: {  	_ =	shalt  }
0x67: {  	_ =	shalt  }
0x68: {  	_ =	shalt  }
0x69: {  	_ =	shalt  }
0x6a: {  	_ =	shalt  }
0x6b: {  	_ =	shalt  }
0x6c: {  	_ =	shalt  }
0x6d: {  	_ =	shalt  }
0x6e: {  	_ =	shalt  }
0x6f: {  	_ =	shalt  }
0x70: {  	_ =	shalt  }
0x71: {  	_ =	shalt  }
0x72: {  	_ =	shalt  }
0x73: {  	_ =	shalt  }
0x74: {  	_ =	shalt  }
0x75: {  	_ =	shalt  }
0x76: {  	_ =	shalt  }
0x77: {  	_ =	shalt  }
0x78: {  	_ =	shalt  }
0x79: {  	_ =	shalt  }
0x7a: {  	_ =	shalt  }
0x7b: {  	_ =	shalt  }
0x7c: {  	_ =	shalt  }
0x7d: {  	_ =	shalt  }
0x7e: {  	_ =	shalt  }
0x7f: {  	_ =	shalt  }
0x80: {  	_ =	shalt  }
0x81: {  	_ =	shalt  }
0x82: {  	_ =	shalt  }
0x83: {  	_ =	shalt  }
0x84: {  	_ =	shalt  }
0x85: {  	_ =	shalt  }
0x86: {  	_ =	shalt  }
0x87: {  	_ =	shalt  }
.Lfunc_end0:
.L_simem_size_0:
called_computation.3_lowered:
.L_overlay_start_0:
0x88: {  	s2 =	sld [smem:$0x3FD9]  }
0x89: {  	s3 =	sld [smem:$0x3FFE];
	_ =	sdelay $0x1  }
0x8a: {  	s1 =	srdreg.scid  }
0x8b: {  	s0 =	sand.u32 $0x1, s1  }
0x8c: {  	s16 =	sshll.u32 s0, $0xA;
	s2 =	sadd.s32 s3, s2  }
0x8d: {  	s2 =	sadd.s32 s2, s16  }
0x8e: {  	[smem:$0x3FB6] =	sst s2  }
0x8f: {  	_ = 	snop  }
0x90: {  	(tm) =	ssettm $0x1  }
0x91: {  	s17 =	sld [smem:$0x3FFB];
	_ =	sdelay $0x3  }
0x92: {  	_ =	strace s17  }
0x93: {  	s2 =	sld [smem:$0x3FFC];
	_ =	sdelay $0x3  }
0x94: {  	_ =	strace s2  }
0x95: {  	s2 =	sld [smem:$0x3FFD];
	_ =	sdelay $0x3  }
0x96: {  	_ =	strace s2  }
0x97: {  	_ =	strace $0x8FFFFFFF  }
0x98: {  	s18 =	sld [smem:$0x3FDB];
	_ =	sdelay $0x1  }
0x99: {  	s19 =	simm.s32 $_scs_section_size  }
0x9a: {  	s4 =	simm.s32 $_size__tile_overlayer_lowered;
	s5 =	simm.s32 $_tile_overlayer_lowered  }
0x9b: {  	s22 =	simm.s32 $0x1BFF;
	s21 =	sshll.u32 s5, $0x1;
	s2 =	sadd.s32 s19, s18  }
0x9c: {  	s6 =	simm.s32 $0x0;
	s20 =	sshll.u32 s4, $0x1;
	s4 =	sadd.s32 s21, s2  }
0x9d: {  	[timem:s6], [sflag:s22] =	dma.local [hbm:s4], s20  }
0x9e: {  	_ =	swait.ge [sflag:s22], s20  }
0x9f: {  	s3 =	ssub.s32 $0x0, s20;
	[sflag:s22] =	ssyncset.done $0x0  }
0xa0: {  	[sflag:s22] =	ssyncadd.s32 s3;
	_ =	sdelay $0x1  }
0xa1: {  	s23 =	simm.s32 $0x1B8B  }
0xa2: {  	_ =	swait.ge [sflag:s23], $0x1  }
0xa3: {  	[sflag:s23] =	ssyncset.done $0x0  }
0xa4: {  	s25 =	simm.s32 $0x1B8E;
	s24 =	sld [smem:$0x3FFE];
	[sflag:s23] =	ssyncadd.s32 $0xFFFFFFFF  }
0xa5: {  	s26 =	simm.s32 $execute0_lowered;
	[smem:$0x3FD2] =	sst s25  }
0xa6: {  	s4 =	sshll.u32 s26, $0x1;
	_ =	strace $0x8000004F;
	[dreg:$0x1] =	wrdreg $0xFFFFFFFF  }
0xa7: {  	s28 =	simm.s32 $_size_execute0_lowered;
	s2 =	sadd.s32 s2, s4;
	[dreg:$0x0] =	wrdreg $0x0  }
0xa8: {  	s4 =	sshll.u32 s28, $0x1;
	[dreg:$0x2] =	wrdreg s2  }
0xa9: {  	[dreg:$0x3] =	wrdreg s4  }
0xaa: {  	[dreg:$0x4] =	wrdreg $0xC0  }
0xab: {  	_ =	task [dreg:s6], $0x5FFFF  }
0xac: {  	[dreg:$0x1] =	wrdreg $0xFFFFFFFF  }
0xad: {  	[dreg:$0x0] =	wrdreg $0x60  }
0xae: {  	[dreg:$0x2] =	wrdreg s24  }
0xaf: {  	[dreg:$0x3] =	wrdreg $0x50000  }
0xb0: {  	[dreg:$0x4] =	wrdreg $0x9  }
0xb1: {  	_ =	task.clear_ibuf [dreg:s6], $0x5FFFF;
	_ =	strace $0x9000004F  }
0xb2: {  	s29 =	simm.s32 $0x9;
	_ =	strace $0x80000051  }
0xb3: {  	_ =	swait.ge [sflag:s29], $0x1  }
0xb4: {  	[sflag:s29] =	ssyncadd.s32 $0xFFFFFFFF  }
0xb5: {  	_ =	strace $0x90000051  }
0xb6: {  	_ =	sfence  }
0xb7: {  	s30 =	sld [smem:$0x0];
	_ =	sdelay $0x2  }
0xb8: {  	s31 =	sshll.u32 s1, $0xD;
	s1 =	sshrl.u32 s1, $0x2  }
0xb9: {  	s3 =	sand.u32 $0x4000, s31;
	s1 =	sadd.s32 s1, s30  }
0xba: {  	s0 =	sor.u32 s3, s0;
	s1 =	sshll.u32 s1, $0x11  }
0xbb: {  	s0 =	sor.u32 s1, s0  }
0xbc: {  	s0 =	sadd.s32 $0x8F2B, s0  }
0xbd: {  	[sflag:s0] =	ssyncadd.remote.s32 $0x1  }
0xbe: {  	_ =	sfence.sel $0xFFFF  }
0xbf: {  	[dreg:$0x0] =	wrdreg $0xFFFFFFFF;
	(pc) =	sbr.abs _section_cstart, $3  }
0xc0: {  	[dreg:$0x1] =	wrdreg $0xFFFFFFFF  }
0xc1: {  	_ =	task.clear_ibuf [dreg:s6], $0x2FFFF;
	_ =	strace $0x9FFFFFFF  }
0xc2: {  	(tm) =	ssettm $0x7FFFFFFF  }
0xc3: {  	_ =	shalt  }
tec
execute0_lowered:
.L_overlay_start_1:
0x0: {  	(tag) =	ssettag $0x1  }
0x1: {  	s0 =	rddreg [dreg:$0x0];
	s1 =	srdreg.scid  }
0x2: {  	s2 =	rddreg [dreg:$0x1];
	s11 =	stileid.u32  }
0x3: {  	s3 =	simm.s32 $0x0;
	s12 =	simm.s32 $0x9;
	s14 =	simm.s32 $0x80  }
0x4: {  	s15 =	simm.s32 $0x800;
	s16 =	simm.s32 $0x1800;
	s18 =	simm.s32 $0x2800  }
0x5: {  	s20 =	simm.s32 $0x3800;
	s21 =	simm.s32 $0x4800;
	s22 =	simm.s32 $0x400  }
0x6: {  	s28 =	simm.s32 $0x3;
	s30 =	simm.s32 $0x4;
	s17 =	simm.s32 $0x8  }
0x7: {  	s29 =	simm.s32 $0x780;
	s1 =	sand.u32 $0x1, s1;
	s5 =	smul.u32 $0x1900, s11  }
0x8: {  	[smem:$0x7FF] =	sst s3;
	s7 =	smul.u32 $0x190, s11;
	s8 =	sadd.s32 $0x14CE00, s0  }
0x9: {  	s4 =	sshll.u32 s1, $0x4;
	s10 =	ssub.s32 $0x2, s1;
	s1 =	smul.u32 $0x1900, s1  }
0xa: {  	_ =	strace $0x80000050;
	s4 =	sor.u32 s11, s4;
	s11 =	smul.u32 $0x68000, s11  }
0xb: {  	s5 =	sadd.s32 s5, s0;
	s23 =	sshrl.u32 s10, $0x1;
	s6 =	smul.u32 $0x3400, s4  }
0xc: {  	s9 =	smul.u32 $0x1900, s4;
	s4 =	sadd.s32 $0x84E00, s0;
	s10 =	ssub.s32 s10, s23  }
0xd: {  	s1 =	sadd.s32 s7, s1;
	s23 =	simm.s32 $0x600;
	s25 =	sshrl.u32 s11, $0x2  }
0xe: {  	s1 =	sshll.u32 s1, $0x4;
	s31 =	smax.u32 s10, $0x1;
	s0 =	sadd.s32 s6, s0  }
0xf: {  	s24 =	sadd.s32 s8, s9;
	s6 =	sadd.s32 $0x3E00, s5;
	s7 =	sadd.s32 s25, s2  }
.Ltmp0:
0x10: {  	s26 =	sadd.s32 s1, s8;
	[dreg:$0x5] =	wrdreg s31;
	(pc) =	sbr.rel .LBB2_1-.Ltmp0, $4  }
0x11: {  	s25 =	simm.s32 $0x2;
	s1 =	simm.s32 $0x6;
	s8 =	simm.s32 $0x7  }
0x12: {  	s9 =	simm.s32 $0x0;
	[dreg:$0x3] =	wrdreg s24;
	s0 =	sadd.s32 $0x17EE00, s0  }
0x13: {  	s10 =	sadd.s32 $0x40, s26;
	s11 =	sadd.s32 $0x80, s26;
	s24 =	simm.s32 $0x1  }
0x14: {  	v0 =	vimm.f32 $0.0e+00;
	s26 =	simm.s32 $0x700;
	[dreg:$0x4] =	wrdreg s0;
	s0 =	simm.s32 $0x5  }
.LBB2_8:
0x15: {  	_ =	swait.ge [sflag:s1], $0x1000  }
0x16: {  	[sflag:s1] =	ssyncset.done $0x0  }
0x17: {  	[sflag:s1] =	ssyncadd.s32 $0xFFFFF000  }
0x18: {  	_ =	swait.ge [sflag:s8], $0x1000  }
0x19: {  	[sflag:s8] =	ssyncset.done $0x0  }
0x1a: {  	[sflag:s8] =	ssyncadd.s32 $0xFFFFF000  }
0x1b: {  	_ =	swait.ge [sflag:s17], $0x1000  }
0x1c: {  	[sflag:s17] =	ssyncset.done $0x0  }
0x1d: {  	s5 =	stileid.u32;
	[sflag:s17] =	ssyncadd.s32 $0xFFFFF000  }
0x1e: {  	s5 =	sshll.u32 s5, $0x6;
	[bflag:$0x0] =	sbarrier.arrive $0xFFFF  }
0x1f: {  	s9 =	sshrl.u32 s7, $0x3;
	s5 =	sor.u32 $0x1C09, s5;
	s13 =	rddreg [dreg:$0x4]  }
0x20: {  	[hbm:s13], [sflag:s5] =	dma.local [spmem:s9], $0x3400  }
0x21: {  	_ =	swait.ge [sflag:s12], $0x3400  }
0x22: {  	s19 =	rddreg [dreg:$0x6]  }
0x23: {  	s31 =	rddreg [dreg:$0x5];
	s9 =	sadd.s32 $0x1, s19  }
0x24: {  	p0 =	sne.s32 s9, s31  }
.Ltmp1:
0x25: {  	_ = 	snop;
	(pc) =	sbr.rel @!p0 .LBB2_9-.Ltmp1, $3  }
0x26: {  	_ =	sdelay $0x1  }
0x27: {  	[sflag:s12] =	ssyncset.done $0x0  }
0x28: {  	[sflag:s12] =	ssyncadd.s32 $0xFFFFCC00  }
.LBB2_1:
0x29: {  	s5 =	rddreg [dreg:$0x3]  }
0x2a: {  	[tilespmem:s3], [sflag:$0x9] =	stream.linear.gather [hbm4b:s5+s3], $0x200, $0x38;
	[tilespmem:$0x1F000] =	vst v63  }
0x2b: {  	_ =	swait.ge [sflag:s12], $0x200  }
0x2c: {  	[sflag:s12] =	ssyncset.done $0x0  }
0x2d: {  	s19 =	simm.s32 $0x200;
	[sflag:s12] =	ssyncadd.s32 $0xFFFFFE00  }
0x2e: {  	[tilespmem:s19], [sflag:$0x9] =	stream.linear.gather [hbm4b:s6+s3], $0x200, $0x38;
	[tilespmem:$0x1F000] =	vst v63  }
0x2f: {  	_ =	swait.ge [sflag:s12], $0x200  }
0x30: {  	[sflag:s12] =	ssyncset.done $0x0  }
0x31: {  	[sflag:s12] =	ssyncadd.s32 $0xFFFFFE00  }
0x32: {  	[tilespmem:s15], [sflag:$0x1] =	stream.indirect.gather [hbm4b:s4+s14], $0x20, s3, s14, $0xb8;
	[tilespmem:$0x1F000] =	vst v63  }
0x33: {  	_ = 	snop  }
0x34: {  	[tilespmem:s16], [sflag:$0x2] =	stream.indirect.gather [hbm4b:s4+s14], $0x20, s14, s14, $0xb8;
	[tilespmem:$0x1F000] =	vst v63  }
0x35: {  	s13 =	simm.s32 $0x100  }
0x36: {  	[tilespmem:s18], [sflag:$0x3] =	stream.indirect.gather [hbm4b:s4+s14], $0x20, s13, s14, $0xb8;
	[tilespmem:$0x1F000] =	vst v63  }
0x37: {  	s31 =	simm.s32 $0x0;
	s19 =	simm.s32 $0x180  }
0x38: {  	[tilespmem:s20], [sflag:$0x4] =	stream.indirect.gather [hbm4b:s4+s14], $0x20, s19, s14, $0xb8;
	[tilespmem:$0x1F000] =	vst v63  }
.LBB2_2:
0x39: {  	p0 =	sne.s32 s31, $0x1F80  }
.Ltmp2:
0x3a: {  	_ = 	snop;
	(pc) =	sbr.rel @p0 .LBB2_2-.Ltmp2, $4  }
0x3b: {  	_ = 	snop  }
0x3c: {  	s5 =	sshra.s32 s31, $0x2  }
0x3d: {  	[tilespmem:s5+$0x4800] =	vst v0  }
0x3e: {  	s31 =	sadd.s32 $0x80, s31;
	[tilespmem:s5+$0x4810] =	vst v0  }
0x3f: {  	[dreg:$0x6] =	wrdreg s9;
	s5 =	sadd.s32 $0x0, s7  }
0x40: {  	[spmem:s5] =	stream.linear.scatter [tilespmem:s21], [sflag:$0x9], $0x800, $0x38;
	[tilespmem:$0x1F000] =	vst v63  }
0x41: {  	s31 =	simm.s32 $0x2000;
	_ =	swait.ge [sflag:s12], $0x800  }
.LBB2_4:
0x42: {  	s5 =	sshra.s32 s31, $0x2;
	[sflag:s12] =	ssyncset.done $0x0;
	p0 =	sne.s32 s31, $0x66000  }
.Ltmp3:
0x43: {  	s5 =	sadd.s32 s5, s7;
	[sflag:s12] =	ssyncadd.s32 $0xFFFFF800;
	(pc) =	sbr.rel @p0 .LBB2_4-.Ltmp3, $3  }
0x44: {  	[spmem:s5] =	stream.linear.scatter [tilespmem:s21], [sflag:$0x9], $0x800, $0x38;
	[tilespmem:$0x1F000] =	vst v63  }
0x45: {  	s31 =	sadd.s32 $0x2000, s31;
	_ =	sdelay $0x1  }
0x46: {  	_ =	swait.ge [sflag:s12], $0x800  }
0x47: {  	[sflag:s12] =	ssyncset.done $0x0  }
0x48: {  	[sflag:s12] =	ssyncadd.s32 $0xFFFFF800  }
0x49: {  	s31 =	simm.s32 $0x0;
	[bflag:$0x0] =	sbarrier.arrive $0xFFFF  }
.LBB2_6:
0x4a: {  	s5 =	sadd.s32 s31, s10  }
0x4b: {  	[tilespmem:s22], [sflag:$0x9] =	stream.linear.gather [hbm4b:s5+s3], $0x200, $0x38;
	[tilespmem:$0x1F000] =	vst v63  }
0x4c: {  	_ =	swait.ge [sflag:s12], $0x200  }
0x4d: {  	s9 =	sadd.s32 s31, s6;
	[sflag:s12] =	ssyncset.done $0x0  }
0x4e: {  	s5 =	sadd.s32 $0x40, s9;
	[sflag:s12] =	ssyncadd.s32 $0xFFFFFE00  }
0x4f: {  	[tilespmem:s23], [sflag:$0x9] =	stream.linear.gather [hbm4b:s5+s3], $0x200, $0x38;
	[tilespmem:$0x1F000] =	vst v63  }
0x50: {  	_ =	swait.ge [sflag:s12], $0x200  }
0x51: {  	[sflag:s12] =	ssyncset.done $0x0  }
0x52: {  	[sflag:s12] =	ssyncadd.s32 $0xFFFFFE00  }
0x53: {  	_ =	swait.ge [sflag:s24], $0x1000  }
0x54: {  	[sflag:s24] =	ssyncset.done $0x0  }
0x55: {  	s13 =	simm.s32 $0x200;
	[sflag:s24] =	ssyncadd.s32 $0xFFFFF000  }
0x56: {  	[spmem:s2] =	stream.indirect.scatter.add.f32 [tilespmem:s15], [sflag:$0x5], $0x20, s13, s14, $0xb8;
	[tilespmem:$0x1F000] =	vst v63  }
0x57: {  	_ =	swait.ge [sflag:s25], $0x1000  }
0x58: {  	[sflag:s25] =	ssyncset.done $0x0  }
0x59: {  	s19 =	simm.s32 $0x280;
	[sflag:s25] =	ssyncadd.s32 $0xFFFFF000  }
0x5a: {  	[spmem:s2] =	stream.indirect.scatter.add.f32 [tilespmem:s16], [sflag:$0x6], $0x20, s19, s14, $0xb8;
	[tilespmem:$0x1F000] =	vst v63  }
0x5b: {  	_ =	swait.ge [sflag:s28], $0x1000  }
0x5c: {  	[sflag:s28] =	ssyncset.done $0x0  }
0x5d: {  	s9 =	simm.s32 $0x300;
	[sflag:s28] =	ssyncadd.s32 $0xFFFFF000  }
0x5e: {  	[spmem:s2] =	stream.indirect.scatter.add.f32 [tilespmem:s18], [sflag:$0x7], $0x20, s9, s14, $0xb8;
	[tilespmem:$0x1F000] =	vst v63  }
0x5f: {  	_ =	swait.ge [sflag:s30], $0x1000  }
0x60: {  	[sflag:s30] =	ssyncset.done $0x0  }
0x61: {  	s13 =	simm.s32 $0x380;
	[sflag:s30] =	ssyncadd.s32 $0xFFFFF000  }
0x62: {  	[spmem:s2] =	stream.indirect.scatter.add.f32 [tilespmem:s20], [sflag:$0x8], $0x20, s13, s14, $0xb8;
	[tilespmem:$0x1F000] =	vst v63  }
0x63: {  	_ =	swait.ge [sflag:s0], $0x1000  }
0x64: {  	[sflag:s0] =	ssyncset.done $0x0  }
0x65: {  	[sflag:s0] =	ssyncadd.s32 $0xFFFFF000  }
0x66: {  	[tilespmem:s15], [sflag:$0x1] =	stream.indirect.gather [hbm4b:s4+s14], $0x20, s22, s14, $0xb8;
	[tilespmem:$0x1F000] =	vst v63  }
0x67: {  	_ =	swait.ge [sflag:s1], $0x1000  }
0x68: {  	[sflag:s1] =	ssyncset.done $0x0  }
0x69: {  	s19 =	simm.s32 $0x480;
	[sflag:s1] =	ssyncadd.s32 $0xFFFFF000  }
0x6a: {  	[tilespmem:s16], [sflag:$0x2] =	stream.indirect.gather [hbm4b:s4+s14], $0x20, s19, s14, $0xb8;
	[tilespmem:$0x1F000] =	vst v63  }
0x6b: {  	_ =	swait.ge [sflag:s8], $0x1000  }
0x6c: {  	[sflag:s8] =	ssyncset.done $0x0  }
0x6d: {  	s9 =	simm.s32 $0x500;
	[sflag:s8] =	ssyncadd.s32 $0xFFFFF000  }
0x6e: {  	[tilespmem:s18], [sflag:$0x3] =	stream.indirect.gather [hbm4b:s4+s14], $0x20, s9, s14, $0xb8;
	[tilespmem:$0x1F000] =	vst v63  }
0x6f: {  	_ =	swait.ge [sflag:s17], $0x1000  }
0x70: {  	[sflag:s17] =	ssyncset.done $0x0  }
0x71: {  	p0 =	seq.s32 s31, $0x1880;
	s13 =	simm.s32 $0x580;
	[sflag:s17] =	ssyncadd.s32 $0xFFFFF000  }
0x72: {  	[tilespmem:s20], [sflag:$0x4] =	stream.indirect.gather [hbm4b:s4+s14], $0x20, s13, s14, $0xb8;
	[tilespmem:$0x1F000] =	vst v63  }
0x73: {  	s5 =	sadd.s32 @!p0 s31, s11;
	s9 =	simm.s32 @!p0 $0x0  }
0x74: {  	[tilespmem:s9], [sflag:$0x9] =	stream.linear.gather @!p0 [hbm4b:s5+s9], $0x200, $0x38;
	[tilespmem:$0x1F000] =	vst v63  }
0x75: {  	s5 =	simm.s32 @!p0 $0x9  }
0x76: {  	_ =	swait.ge @!p0 [sflag:s5], $0x200  }
0x77: {  	s19 =	sadd.s32 @!p0 s31, s6;
	[sflag:s5] =	ssyncset.done @!p0 $0x0  }
0x78: {  	s19 =	sadd.s32 @!p0 $0x80, s19;
	s13 =	simm.s32 @!p0 $0x200;
	[sflag:s5] =	ssyncadd.s32 @!p0 $0xFFFFFE00  }
0x79: {  	[tilespmem:s13], [sflag:$0x9] =	stream.linear.gather @!p0 [hbm4b:s19+s9], $0x200, $0x38;
	[tilespmem:$0x1F000] =	vst v63  }
0x7a: {  	_ =	swait.ge @!p0 [sflag:s5], $0x200  }
0x7b: {  	[sflag:s5] =	ssyncset.done @!p0 $0x0  }
0x7c: {  	[sflag:s5] =	ssyncadd.s32 @!p0 $0xFFFFFE00  }
0x7d: {  	_ =	swait.ge [sflag:s24], $0x1000  }
0x7e: {  	[sflag:s24] =	ssyncset.done $0x0  }
0x7f: {  	[sflag:s24] =	ssyncadd.s32 $0xFFFFF000  }
0x80: {  	[spmem:s2] =	stream.indirect.scatter.add.f32 [tilespmem:s15], [sflag:$0x5], $0x20, s23, s14, $0xb8;
	[tilespmem:$0x1F000] =	vst v63  }
0x81: {  	_ =	swait.ge [sflag:s25], $0x1000  }
0x82: {  	[sflag:s25] =	ssyncset.done $0x0  }
0x83: {  	s19 =	simm.s32 $0x680;
	[sflag:s25] =	ssyncadd.s32 $0xFFFFF000  }
0x84: {  	[spmem:s2] =	stream.indirect.scatter.add.f32 [tilespmem:s16], [sflag:$0x6], $0x20, s19, s14, $0xb8;
	[tilespmem:$0x1F000] =	vst v63  }
0x85: {  	_ =	swait.ge [sflag:s28], $0x1000  }
0x86: {  	[sflag:s28] =	ssyncset.done $0x0  }
0x87: {  	[sflag:s28] =	ssyncadd.s32 $0xFFFFF000  }
0x88: {  	[spmem:s2] =	stream.indirect.scatter.add.f32 [tilespmem:s18], [sflag:$0x7], $0x20, s26, s14, $0xb8;
	[tilespmem:$0x1F000] =	vst v63  }
0x89: {  	_ =	swait.ge [sflag:s30], $0x1000  }
0x8a: {  	[sflag:s30] =	ssyncset.done $0x0  }
.Ltmp4:
0x8b: {  	[sflag:s30] =	ssyncadd.s32 $0xFFFFF000;
	(pc) =	sbr.rel @p0 .LBB2_8-.Ltmp4, $4  }
0x8c: {  	[spmem:s2] =	stream.indirect.scatter.add.f32 [tilespmem:s20], [sflag:$0x8], $0x20, s29, s14, $0xb8;
	[tilespmem:$0x1F000] =	vst v63  }
0x8d: {  	_ =	swait.ge [sflag:s0], $0x1000  }
0x8e: {  	[sflag:s0] =	ssyncset.done $0x0  }
0x8f: {  	[sflag:s0] =	ssyncadd.s32 $0xFFFFF000  }
0x90: {  	[tilespmem:s15], [sflag:$0x1] =	stream.indirect.gather [hbm4b:s4+s14], $0x20, s3, s14, $0xb8;
	[tilespmem:$0x1F000] =	vst v63  }
0x91: {  	_ =	swait.ge [sflag:s1], $0x1000  }
0x92: {  	[sflag:s1] =	ssyncset.done $0x0  }
0x93: {  	[sflag:s1] =	ssyncadd.s32 $0xFFFFF000  }
0x94: {  	[tilespmem:s16], [sflag:$0x2] =	stream.indirect.gather [hbm4b:s4+s14], $0x20, s14, s14, $0xb8;
	[tilespmem:$0x1F000] =	vst v63  }
0x95: {  	_ =	swait.ge [sflag:s8], $0x1000  }
0x96: {  	[sflag:s8] =	ssyncset.done $0x0  }
0x97: {  	s5 =	simm.s32 $0x100;
	[sflag:s8] =	ssyncadd.s32 $0xFFFFF000  }
0x98: {  	[tilespmem:s18], [sflag:$0x3] =	stream.indirect.gather [hbm4b:s4+s14], $0x20, s5, s14, $0xb8;
	[tilespmem:$0x1F000] =	vst v63  }
.Ltmp5:
0x99: {  	_ = 	snop;
	(pc) =	sbr.rel .LBB2_6-.Ltmp5, $4  }
0x9a: {  	_ =	swait.ge [sflag:s17], $0x1000  }
0x9b: {  	[sflag:s17] =	ssyncset.done $0x0  }
0x9c: {  	s19 =	simm.s32 $0x180;
	s31 =	sadd.s32 $0x80, s31;
	[sflag:s17] =	ssyncadd.s32 $0xFFFFF000  }
0x9d: {  	[tilespmem:s20], [sflag:$0x4] =	stream.indirect.gather [hbm4b:s4+s14], $0x20, s19, s14, $0xb8;
	[tilespmem:$0x1F000] =	vst v63  }
.LBB2_9:
0x9e: {  	_ =	sfence.sel $0x180000  }
0x9f: {  	[bflag:$0x0] =	sbarrier.arrive $0xFFFF  }
0xa0: {  	_ =	strace $0x90000050  }
0xa1: {  	s0 =	stileid.u32;
	[bflag:$0x2] =	sbarrier.arrive $0xFFFF  }
0xa2: {  	p0 =	sne.s32 s0, $0x0;
	s0 =	rddreg [dreg:$0x2]  }
0xa3: {  	s0 =	sadd.s32 @!p0 $0x100000, s0  }
0xa4: {  	[sflag:s0] =	ssyncadd.tile.s32 @!p0 $0x1;
	_ =	shalt  }
.Lfunc_end2:
_tile_overlayer_lowered:
.L_overlay_start_2:
0xa5: {  	(tag) =	ssettag $0x2  }
0xa6: {  	s0 =	rddreg [dreg:$0x0];
	s2 =	stileid.u32  }
0xa7: {  	s1 =	rddreg [dreg:$0x1];
	p0 =	sne.s32 s2, $0x0  }
0xa8: {  	s3 =	rddreg [dreg:$0x2];
	[bflag:$0x3] =	sbarrier.arrive $0xFFFF;
	s2 =	simm.s32 @!p0 $0x1C09  }
0xa9: {  	[timem:s3], [sflag:s2] =	dma.local @!p0 [hbm:s0], s1  }
0xaa: {  	s0 =	simm.s32 @!p0 $0x9  }
0xab: {  	_ =	swait.ge @!p0 [sflag:s0], s1  }
0xac: {  	s1 =	ssub.s32 @!p0 $0x0, s1;
	[sflag:s0] =	ssyncset.done @!p0 $0x0  }
0xad: {  	[sflag:s0] =	ssyncadd.s32 @!p0 s1  }
0xae: {  	[bflag:$0x3] =	sbarrier.arrive $0xFFFF  }
0xaf: {  	_ =	shalt  }

</sc_bundles>
